<compile_context>
chip_gen: v7x
topology: tpu7x:2x2x1
jax: 0.10.2.dev20260603
libtpu: 0.0.44.dev20260713+nightly
codegen_flags: <defaults>
</compile_context>

<pallas_src>
import functools

import jax
import jax.numpy as jnp
from jax import lax
from jax.experimental import pallas as pl
from jax.experimental.pallas import tpu as pltpu
from jax.experimental.pallas import tpu_sc as plsc

_SCALE = 8.0

_info = plsc.get_sparse_core_info()
_NC, _NS, _L = _info.num_cores, _info.num_subcores, _info.num_lanes
_NW = _NC * _NS


@functools.lru_cache(maxsize=None)
def _make_lookup(B, V, D, chunk):
    b_per_w = B // _NW
    n_chunks = b_per_w // chunk
    assert b_per_w % chunk == 0 and chunk % _L == 0 and D % _L == 0
    mesh = plsc.VectorSubcoreMesh(core_axis_name="c", subcore_axis_name="s")

    @functools.partial(
        pl.kernel,
        mesh=mesh,
        compiler_params=pltpu.CompilerParams(needs_layout_passes=False),
        out_type=jax.ShapeDtypeStruct((B, D), jnp.float32),
        scratch_types=[
            pltpu.VMEM((chunk,), jnp.int32),
            pltpu.VMEM((chunk,), jnp.int32),
            pltpu.VMEM((chunk, D), jnp.float32),
            pltpu.VMEM((chunk, D), jnp.float32),
            pltpu.SemaphoreType.DMA,
            pltpu.SemaphoreType.DMA,
        ],
    )
    def k(idx_hbm, table_hbm, out_hbm, idx_va, idx_vb, rows_va, rows_vb, sem_a, sem_b):
        assert n_chunks % 2 == 0
        wid = lax.axis_index("s") * _NC + lax.axis_index("c")
        base = wid * b_per_w
        lane = lax.iota(jnp.int32, _L)

        def fire(c, idx_v, rows_v, sem):
            off = base + c * chunk
            pltpu.sync_copy(idx_hbm.at[pl.ds(off, chunk)], idx_v)

            @plsc.parallel_loop(0, chunk // _L, 1, unroll=2)
            def _(kk):
                v = idx_v[pl.ds(kk * _L, _L)]
                for j in range(_L):
                    row = jnp.sum(jnp.where(lane == j, v, 0))
                    pltpu.async_copy(
                        table_hbm.at[pl.ds(row, 1)],
                        rows_v.at[pl.ds(kk * _L + j, 1)],
                        sem,
                    )

        def finish(c, rows_v, sem):
            pltpu.make_async_copy(
                table_hbm.at[pl.ds(0, chunk)], rows_v, sem
            ).wait()

            @plsc.parallel_loop(0, chunk, 1, unroll=4)
            def _(r):
                for j in range(D // _L):
                    sl = pl.ds(j * _L, _L)
                    rows_v[r, sl] = rows_v[r, sl] * _SCALE

            pltpu.sync_copy(rows_v, out_hbm.at[pl.ds(base + c * chunk, chunk)])

        fire(0, idx_va, rows_va, sem_a)

        def pair_body(p, carry):
            c0 = 2 * p
            fire(c0 + 1, idx_vb, rows_vb, sem_b)
            finish(c0, rows_va, sem_a)

            @pl.when(c0 + 2 < n_chunks)
            def _():
                fire(c0 + 2, idx_va, rows_va, sem_a)

            finish(c0 + 1, rows_vb, sem_b)
            return carry

        lax.fori_loop(0, n_chunks // 2, pair_body, 0)

    return k


def kernel(x, table):
    s0, s1 = x.shape
    B = s0 * s1
    V, D = table.shape
    idx = x.reshape(B).astype(jnp.int32)
    out = _make_lookup(B, V, D, 320)(idx, table)
    return out.reshape(s0, s1, D)

# --- scband reference (transcript-rebuilt; emitter-appended) ---
"""Pipeline reference for scband-input-embedding-18013092839884 (READ-ONLY COPY).

The authoritative reference and input builder live on the scoring server;
editing this copy changes nothing except your own understanding.
"""

import math
import jax, jax.numpy as jnp
import numpy as np

D_MODEL = 64
V_SIZE = 1000000

def setup_inputs(seed: int = 0) -> dict:
    key = jax.random.key(seed)
    k1, k2 = jax.random.split(key)
    x = jax.random.randint(k1, (1024, 200), 0, V_SIZE, dtype=jnp.int64 if jax.config.jax_enable_x64 else jnp.int32)
    table = jax.random.normal(k2, (V_SIZE, D_MODEL), dtype=jnp.float32)
    return {"x": x, "table": table}

def reference(x, table):
    # nn.Embedding lookup followed by scaling by sqrt(d_model)
    emb = jnp.take(table, x, axis=0)
    return emb * math.sqrt(D_MODEL)

if __name__ == "__main__":
    import jax
    _d = setup_inputs()
    print(jax.jit(kernel)(*tuple(_d.values())))

</pallas_src>

<mosaic_0001>
#map = affine_map<(d0, d1) -> (0)>
#map1 = affine_map<(d0, d1) -> (0, 0)>
module attributes {stable_mosaic.version = 14 : i64} {
  func.func @k(%arg0: i32, %arg1: i32, %arg2: memref<204800xi32, #tpu.memory_space<hbm>>, %arg3: memref<1000000x64xf32, #tpu.memory_space<hbm>>, %arg4: memref<204800x64xf32, #tpu.memory_space<hbm>>, %arg5: memref<320xi32, #tpu.memory_space<vmem>>, %arg6: memref<320xi32, #tpu.memory_space<vmem>>, %arg7: memref<320x64xf32, #tpu.memory_space<vmem>>, %arg8: memref<320x64xf32, #tpu.memory_space<vmem>>, %arg9: memref<!tpu.dma_semaphore, #tpu.memory_space<semaphore_mem>>, %arg10: memref<!tpu.dma_semaphore, #tpu.memory_space<semaphore_mem>>) attributes {dimension_semantics = [#tpu.dimension_semantics<core_parallel>, #tpu.dimension_semantics<subcore_parallel>], iteration_bounds = array<i64: 2, 16>, scalar_prefetch = 0 : i64, scratch_operands = 6 : i64, tpu.core_type = #tpu.core_type<sc_vector_subcore>, window_params = [{transform_indices = #map}, {transform_indices = #map1}, {transform_indices = #map1}]} {
    %mul3A = arith.constant 2 : i32
    %mul3A_0 = arith.muli %arg1, %mul3A : i32
    %add3A = arith.addi %mul3A_0, %arg0 : i32
    %mul3A_1 = arith.constant 6400 : i32
    %mul3A_2 = arith.muli %add3A, %mul3A_1 : i32
    %iota3A = tpu.iota {dimensions = array<i32: 0>} : vector<16xi32>
    %add3A_3 = arith.constant 0 : i32
    %add3A_4 = arith.addi %mul3A_2, %add3A_3 : i32
    "tpu.region"() ({
      %run_scoped3A = tpu.sem_alloc : memref<!tpu.dma_semaphore, #tpu.memory_space<semaphore_mem>>
      %dma_start3A = tpu.memref_slice %arg2[%add3A_4] : memref<204800xi32, #tpu.memory_space<hbm>> -> memref<320xi32, #tpu.memory_space<hbm>>
      %dma_start3A_12 = tpu.memref_slice %arg2[%add3A_4] : memref<204800xi32, #tpu.memory_space<hbm>> -> memref<320xi32, #tpu.memory_space<hbm>>
      tpu.enqueue_dma source(%dma_start3A_12 : memref<320xi32, #tpu.memory_space<hbm>>) target(%arg5 : memref<320xi32, #tpu.memory_space<vmem>>) target_semaphore(%run_scoped3A : memref<!tpu.dma_semaphore, #tpu.memory_space<semaphore_mem>>)
      %dma_wait3A = tpu.memref_slice %arg2[%add3A_4] : memref<204800xi32, #tpu.memory_space<hbm>> -> memref<320xi32, #tpu.memory_space<hbm>>
      %dma_wait3A_13 = tpu.memref_slice %arg2[%add3A_4] : memref<204800xi32, #tpu.memory_space<hbm>> -> memref<320xi32, #tpu.memory_space<hbm>>
      tpu.wait_dma2 semaphore(%run_scoped3A : memref<!tpu.dma_semaphore, #tpu.memory_space<semaphore_mem>>) src(%dma_wait3A_13 : memref<320xi32, #tpu.memory_space<hbm>>) dst(%arg5 : memref<320xi32, #tpu.memory_space<vmem>>)
      tpu.yield
    }) : () -> ()
    %parallel_loop3A = arith.constant 0 : i32
    %parallel_loop3A_5 = arith.constant 20 : i32
    %parallel_loop3A_6 = arith.constant 1 : i32
    scf.for %parallel_loop3A_12 = %parallel_loop3A to %parallel_loop3A_5 step %parallel_loop3A_6  : i32 {
      %parallel_loop3A_13 = arith.constant 16 : i32
      %parallel_loop3A_14 = arith.muli %parallel_loop3A_12, %parallel_loop3A_13 : i32
      %parallel_loop3A_15 = arith.index_cast %parallel_loop3A_14 : i32 to index
      %parallel_loop3A_16 = tpu.vector_load %arg5[%parallel_loop3A_15] {strides = array<i32>} : memref<320xi32, #tpu.memory_space<vmem>>, vector<16xi32>,
      %parallel_loop3A_17 = arith.constant 0 : i32
      %parallel_loop3A_18 = vector.broadcast %parallel_loop3A_17 : i32 to vector<16xi32>
      %parallel_loop3A_19 = arith.cmpi eq, %iota3A, %parallel_loop3A_18 : vector<16xi32>
      %parallel_loop3A_20 = arith.constant 0 : i32
      %parallel_loop3A_21 = vector.broadcast %parallel_loop3A_20 : i32 to vector<16xi32>
      %parallel_loop3A_22 = arith.select %parallel_loop3A_19, %parallel_loop3A_16, %parallel_loop3A_21 : vector<16xi1>, vector<16xi32>
      %parallel_loop3A_23 = arith.constant true
      %parallel_loop3A_24 = vector.broadcast %parallel_loop3A_23 : i1 to vector<16xi1>
      %parallel_loop3A_25 = tpu.scan <sum>, %parallel_loop3A_22 masked %parallel_loop3A_24 : vector<16xi32>, vector<16xi1> -> vector<16xi32>
      %parallel_loop3A_26 = vector.extract %parallel_loop3A_25[15] : i32 from vector<16xi32>
      %parallel_loop3A_27 = arith.constant 16 : i32
      %parallel_loop3A_28 = arith.muli %parallel_loop3A_12, %parallel_loop3A_27 : i32
      %parallel_loop3A_29 = arith.constant 0 : i32
      %parallel_loop3A_30 = arith.addi %parallel_loop3A_28, %parallel_loop3A_29 : i32
      %parallel_loop3A_31 = arith.constant 0 : i32
      %parallel_loop3A_32 = tpu.memref_slice %arg7[%parallel_loop3A_30, %parallel_loop3A_31] : memref<320x64xf32, #tpu.memory_space<vmem>> -> memref<1x64xf32, #tpu.memory_space<vmem>>
      %parallel_loop3A_33 = arith.constant 0 : i32
      %parallel_loop3A_34 = tpu.memref_slice %arg3[%parallel_loop3A_26, %parallel_loop3A_33] : memref<1000000x64xf32, #tpu.memory_space<hbm>> -> memref<1x64xf32, #tpu.memory_space<hbm>>
      %parallel_loop3A_35 = arith.constant 0 : i32
      %parallel_loop3A_36 = tpu.memref_slice %arg7[%parallel_loop3A_30, %parallel_loop3A_35] : memref<320x64xf32, #tpu.memory_space<vmem>> -> memref<1x64xf32, #tpu.memory_space<vmem>>
      %parallel_loop3A_37 = arith.constant 0 : i32
      %parallel_loop3A_38 = tpu.memref_slice %arg3[%parallel_loop3A_26, %parallel_loop3A_37] : memref<1000000x64xf32, #tpu.memory_space<hbm>> -> memref<1x64xf32, #tpu.memory_space<hbm>>
      tpu.enqueue_dma source(%parallel_loop3A_38 : memref<1x64xf32, #tpu.memory_space<hbm>>) target(%parallel_loop3A_36 : memref<1x64xf32, #tpu.memory_space<vmem>>) target_semaphore(%arg9 : memref<!tpu.dma_semaphore, #tpu.memory_space<semaphore_mem>>)
      %parallel_loop3A_39 = arith.constant 1 : i32
      %parallel_loop3A_40 = vector.broadcast %parallel_loop3A_39 : i32 to vector<16xi32>
      %parallel_loop3A_41 = arith.cmpi eq, %iota3A, %parallel_loop3A_40 : vector<16xi32>
      %parallel_loop3A_42 = arith.constant 0 : i32
      %parallel_loop3A_43 = vector.broadcast %parallel_loop3A_42 : i32 to vector<16xi32>
      %parallel_loop3A_44 = arith.select %parallel_loop3A_41, %parallel_loop3A_16, %parallel_loop3A_43 : vector<16xi1>, vector<16xi32>
      %parallel_loop3A_45 = arith.constant true
      %parallel_loop3A_46 = vector.broadcast %parallel_loop3A_45 : i1 to vector<16xi1>
      %parallel_loop3A_47 = tpu.scan <sum>, %parallel_loop3A_44 masked %parallel_loop3A_46 : vector<16xi32>, vector<16xi1> -> vector<16xi32>
      %parallel_loop3A_48 = vector.extract %parallel_loop3A_47[15] : i32 from vector<16xi32>
      %parallel_loop3A_49 = arith.constant 16 : i32
      %parallel_loop3A_50 = arith.muli %parallel_loop3A_12, %parallel_loop3A_49 : i32
      %parallel_loop3A_51 = arith.constant 1 : i32
      %parallel_loop3A_52 = arith.addi %parallel_loop3A_50, %parallel_loop3A_51 : i32
      %parallel_loop3A_53 = arith.constant 0 : i32
      %parallel_loop3A_54 = tpu.memref_slice %arg7[%parallel_loop3A_52, %parallel_loop3A_53] : memref<320x64xf32, #tpu.memory_space<vmem>> -> memref<1x64xf32, #tpu.memory_space<vmem>>
      %parallel_loop3A_55 = arith.constant 0 : i32
      %parallel_loop3A_56 = tpu.memref_slice %arg3[%parallel_loop3A_48, %parallel_loop3A_55] : memref<1000000x64xf32, #tpu.memory_space<hbm>> -> memref<1x64xf32, #tpu.memory_space<hbm>>
      %parallel_loop3A_57 = arith.constant 0 : i32
      %parallel_loop3A_58 = tpu.memref_slice %arg7[%parallel_loop3A_52, %parallel_loop3A_57] : memref<320x64xf32, #tpu.memory_space<vmem>> -> memref<1x64xf32, #tpu.memory_space<vmem>>
      %parallel_loop3A_59 = arith.constant 0 : i32
      %parallel_loop3A_60 = tpu.memref_slice %arg3[%parallel_loop3A_48, %parallel_loop3A_59] : memref<1000000x64xf32, #tpu.memory_space<hbm>> -> memref<1x64xf32, #tpu.memory_space<hbm>>
      tpu.enqueue_dma source(%parallel_loop3A_60 : memref<1x64xf32, #tpu.memory_space<hbm>>) target(%parallel_loop3A_58 : memref<1x64xf32, #tpu.memory_space<vmem>>) target_semaphore(%arg9 : memref<!tpu.dma_semaphore, #tpu.memory_space<semaphore_mem>>)
      %parallel_loop3A_61 = arith.constant 2 : i32
      %parallel_loop3A_62 = vector.broadcast %parallel_loop3A_61 : i32 to vector<16xi32>
      %parallel_loop3A_63 = arith.cmpi eq, %iota3A, %parallel_loop3A_62 : vector<16xi32>
      %parallel_loop3A_64 = arith.constant 0 : i32
      %parallel_loop3A_65 = vector.broadcast %parallel_loop3A_64 : i32 to vector<16xi32>
      %parallel_loop3A_66 = arith.select %parallel_loop3A_63, %parallel_loop3A_16, %parallel_loop3A_65 : vector<16xi1>, vector<16xi32>
      %parallel_loop3A_67 = arith.constant true
      %parallel_loop3A_68 = vector.broadcast %parallel_loop3A_67 : i1 to vector<16xi1>
      %parallel_loop3A_69 = tpu.scan <sum>, %parallel_loop3A_66 masked %parallel_loop3A_68 : vector<16xi32>, vector<16xi1> -> vector<16xi32>
      %parallel_loop3A_70 = vector.extract %parallel_loop3A_69[15] : i32 from vector<16xi32>
      %parallel_loop3A_71 = arith.constant 16 : i32
      %parallel_loop3A_72 = arith.muli %parallel_loop3A_12, %parallel_loop3A_71 : i32
      %parallel_loop3A_73 = arith.constant 2 : i32
      %parallel_loop3A_74 = arith.addi %parallel_loop3A_72, %parallel_loop3A_73 : i32
      %parallel_loop3A_75 = arith.constant 0 : i32
      %parallel_loop3A_76 = tpu.memref_slice %arg7[%parallel_loop3A_74, %parallel_loop3A_75] : memref<320x64xf32, #tpu.memory_space<vmem>> -> memref<1x64xf32, #tpu.memory_space<vmem>>
      %parallel_loop3A_77 = arith.constant 0 : i32
      %parallel_loop3A_78 = tpu.memref_slice %arg3[%parallel_loop3A_70, %parallel_loop3A_77] : memref<1000000x64xf32, #tpu.memory_space<hbm>> -> memref<1x64xf32, #tpu.memory_space<hbm>>
      %parallel_loop3A_79 = arith.constant 0 : i32
      %parallel_loop3A_80 = tpu.memref_slice %arg7[%parallel_loop3A_74, %parallel_loop3A_79] : memref<320x64xf32, #tpu.memory_space<vmem>> -> memref<1x64xf32, #tpu.memory_space<vmem>>
      %parallel_loop3A_81 = arith.constant 0 : i32
      %parallel_loop3A_82 = tpu.memref_slice %arg3[%parallel_loop3A_70, %parallel_loop3A_81] : memref<1000000x64xf32, #tpu.memory_space<hbm>> -> memref<1x64xf32, #tpu.memory_space<hbm>>
      tpu.enqueue_dma source(%parallel_loop3A_82 : memref<1x64xf32, #tpu.memory_space<hbm>>) target(%parallel_loop3A_80 : memref<1x64xf32, #tpu.memory_space<vmem>>) target_semaphore(%arg9 : memref<!tpu.dma_semaphore, #tpu.memory_space<semaphore_mem>>)
      %parallel_loop3A_83 = arith.constant 3 : i32
      %parallel_loop3A_84 = vector.broadcast %parallel_loop3A_83 : i32 to vector<16xi32>
      %parallel_loop3A_85 = arith.cmpi eq, %iota3A, %parallel_loop3A_84 : vector<16xi32>
      %parallel_loop3A_86 = arith.constant 0 : i32
      %parallel_loop3A_87 = vector.broadcast %parallel_loop3A_86 : i32 to vector<16xi32>
      %parallel_loop3A_88 = arith.select %parallel_loop3A_85, %parallel_loop3A_16, %parallel_loop3A_87 : vector<16xi1>, vector<16xi32>
      %parallel_loop3A_89 = arith.constant true
      %parallel_loop3A_90 = vector.broadcast %parallel_loop3A_89 : i1 to vector<16xi1>
      %parallel_loop3A_91 = tpu.scan <sum>, %parallel_loop3A_88 masked %parallel_loop3A_90 : vector<16xi32>, vector<16xi1> -> vector<16xi32>
      %parallel_loop3A_92 = vector.extract %parallel_loop3A_91[15] : i32 from vector<16xi32>
      %parallel_loop3A_93 = arith.constant 16 : i32
      %parallel_loop3A_94 = arith.muli %parallel_loop3A_12, %parallel_loop3A_93 : i32
      %parallel_loop3A_95 = arith.constant 3 : i32
      %parallel_loop3A_96 = arith.addi %parallel_loop3A_94, %parallel_loop3A_95 : i32
      %parallel_loop3A_97 = arith.constant 0 : i32
      %parallel_loop3A_98 = tpu.memref_slice %arg7[%parallel_loop3A_96, %parallel_loop3A_97] : memref<320x64xf32, #tpu.memory_space<vmem>> -> memref<1x64xf32, #tpu.memory_space<vmem>>
      %parallel_loop3A_99 = arith.constant 0 : i32
      %parallel_loop3A_100 = tpu.memref_slice %arg3[%parallel_loop3A_92, %parallel_loop3A_99] : memref<1000000x64xf32, #tpu.memory_space<hbm>> -> memref<1x64xf32, #tpu.memory_space<hbm>>
      %parallel_loop3A_101 = arith.constant 0 : i32
      %parallel_loop3A_102 = tpu.memref_slice %arg7[%parallel_loop3A_96, %parallel_loop3A_101] : memref<320x64xf32, #tpu.memory_space<vmem>> -> memref<1x64xf32, #tpu.memory_space<vmem>>
      %parallel_loop3A_103 = arith.constant 0 : i32
      %parallel_loop3A_104 = tpu.memref_slice %arg3[%parallel_loop3A_92, %parallel_loop3A_103] : memref<1000000x64xf32, #tpu.memory_space<hbm>> -> memref<1x64xf32, #tpu.memory_space<hbm>>
      tpu.enqueue_dma source(%parallel_loop3A_104 : memref<1x64xf32, #tpu.memory_space<hbm>>) target(%parallel_loop3A_102 : memref<1x64xf32, #tpu.memory_space<vmem>>) target_semaphore(%arg9 : memref<!tpu.dma_semaphore, #tpu.memory_space<semaphore_mem>>)
      %parallel_loop3A_105 = arith.constant 4 : i32
      %parallel_loop3A_106 = vector.broadcast %parallel_loop3A_105 : i32 to vector<16xi32>
      %parallel_loop3A_107 = arith.cmpi eq, %iota3A, %parallel_loop3A_106 : vector<16xi32>
      %parallel_loop3A_108 = arith.constant 0 : i32
      %parallel_loop3A_109 = vector.broadcast %parallel_loop3A_108 : i32 to vector<16xi32>
      %parallel_loop3A_110 = arith.select %parallel_loop3A_107, %parallel_loop3A_16, %parallel_loop3A_109 : vector<16xi1>, vector<16xi32>
      %parallel_loop3A_111 = arith.constant true
      %parallel_loop3A_112 = vector.broadcast %parallel_loop3A_111 : i1 to vector<16xi1>
      %parallel_loop3A_113 = tpu.scan <sum>, %parallel_loop3A_110 masked %parallel_loop3A_112 : vector<16xi32>, vector<16xi1> -> vector<16xi32>
      %parallel_loop3A_114 = vector.extract %parallel_loop3A_113[15] : i32 from vector<16xi32>
      %parallel_loop3A_115 = arith.constant 16 : i32
      %parallel_loop3A_116 = arith.muli %parallel_loop3A_12, %parallel_loop3A_115 : i32
      %parallel_loop3A_117 = arith.constant 4 : i32
      %parallel_loop3A_118 = arith.addi %parallel_loop3A_116, %parallel_loop3A_117 : i32
      %parallel_loop3A_119 = arith.constant 0 : i32
      %parallel_loop3A_120 = tpu.memref_slice %arg7[%parallel_loop3A_118, %parallel_loop3A_119] : memref<320x64xf32, #tpu.memory_space<vmem>> -> memref<1x64xf32, #tpu.memory_space<vmem>>
      %parallel_loop3A_121 = arith.constant 0 : i32
      %parallel_loop3A_122 = tpu.memref_slice %arg3[%parallel_loop3A_114, %parallel_loop3A_121] : memref<1000000x64xf32, #tpu.memory_space<hbm>> -> memref<1x64xf32, #tpu.memory_space<hbm>>
      %parallel_loop3A_123 = arith.constant 0 : i32
      %parallel_loop3A_124 = tpu.memref_slice %arg7[%parallel_loop3A_118, %parallel_loop3A_123] : memref<320x64xf32, #tpu.memory_space<vmem>> -> memref<1x64xf32, #tpu.memory_space<vmem>>
      %parallel_loop3A_125 = arith.constant 0 : i32
      %parallel_loop3A_126 = tpu.memref_slice %arg3[%parallel_loop3A_114, %parallel_loop3A_125] : memref<1000000x64xf32, #tpu.memory_space<hbm>> -> memref<1x64xf32, #tpu.memory_space<hbm>>
      tpu.enqueue_dma source(%parallel_loop3A_126 : memref<1x64xf32, #tpu.memory_space<hbm>>) target(%parallel_loop3A_124 : memref<1x64xf32, #tpu.memory_space<vmem>>) target_semaphore(%arg9 : memref<!tpu.dma_semaphore, #tpu.memory_space<semaphore_mem>>)
      %parallel_loop3A_127 = arith.constant 5 : i32
      %parallel_loop3A_128 = vector.broadcast %parallel_loop3A_127 : i32 to vector<16xi32>
      %parallel_loop3A_129 = arith.cmpi eq, %iota3A, %parallel_loop3A_128 : vector<16xi32>
      %parallel_loop3A_130 = arith.constant 0 : i32
      %parallel_loop3A_131 = vector.broadcast %parallel_loop3A_130 : i32 to vector<16xi32>
      %parallel_loop3A_132 = arith.select %parallel_loop3A_129, %parallel_loop3A_16, %parallel_loop3A_131 : vector<16xi1>, vector<16xi32>
      %parallel_loop3A_133 = arith.constant true
      %parallel_loop3A_134 = vector.broadcast %parallel_loop3A_133 : i1 to vector<16xi1>
      %parallel_loop3A_135 = tpu.scan <sum>, %parallel_loop3A_132 masked %parallel_loop3A_134 : vector<16xi32>, vector<16xi1> -> vector<16xi32>
      %parallel_loop3A_136 = vector.extract %parallel_loop3A_135[15] : i32 from vector<16xi32>
      %parallel_loop3A_137 = arith.constant 16 : i32
      %parallel_loop3A_138 = arith.muli %parallel_loop3A_12, %parallel_loop3A_137 : i32
      %parallel_loop3A_139 = arith.constant 5 : i32
      %parallel_loop3A_140 = arith.addi %parallel_loop3A_138, %parallel_loop3A_139 : i32
      %parallel_loop3A_141 = arith.constant 0 : i32
      %parallel_loop3A_142 = tpu.memref_slice %arg7[%parallel_loop3A_140, %parallel_loop3A_141] : memref<320x64xf32, #tpu.memory_space<vmem>> -> memref<1x64xf32, #tpu.memory_space<vmem>>
      %parallel_loop3A_143 = arith.constant 0 : i32
      %parallel_loop3A_144 = tpu.memref_slice %arg3[%parallel_loop3A_136, %parallel_loop3A_143] : memref<1000000x64xf32, #tpu.memory_space<hbm>> -> memref<1x64xf32, #tpu.memory_space<hbm>>
      %parallel_loop3A_145 = arith.constant 0 : i32
      %parallel_loop3A_146 = tpu.memref_slice %arg7[%parallel_loop3A_140, %parallel_loop3A_145] : memref<320x64xf32, #tpu.memory_space<vmem>> -> memref<1x64xf32, #tpu.memory_space<vmem>>
      %parallel_loop3A_147 = arith.constant 0 : i32
      %parallel_loop3A_148 = tpu.memref_slice %arg3[%parallel_loop3A_136, %parallel_loop3A_147] : memref<1000000x64xf32, #tpu.memory_space<hbm>> -> memref<1x64xf32, #tpu.memory_space<hbm>>
      tpu.enqueue_dma source(%parallel_loop3A_148 : memref<1x64xf32, #tpu.memory_space<hbm>>) target(%parallel_loop3A_146 : memref<1x64xf32, #tpu.memory_space<vmem>>) target_semaphore(%arg9 : memref<!tpu.dma_semaphore, #tpu.memory_space<semaphore_mem>>)
      %parallel_loop3A_149 = arith.constant 6 : i32
      %parallel_loop3A_150 = vector.broadcast %parallel_loop3A_149 : i32 to vector<16xi32>
      %parallel_loop3A_151 = arith.cmpi eq, %iota3A, %parallel_loop3A_150 : vector<16xi32>
      %parallel_loop3A_152 = arith.constant 0 : i32
      %parallel_loop3A_153 = vector.broadcast %parallel_loop3A_152 : i32 to vector<16xi32>
      %parallel_loop3A_154 = arith.select %parallel_loop3A_151, %parallel_loop3A_16, %parallel_loop3A_153 : vector<16xi1>, vector<16xi32>
      %parallel_loop3A_155 = arith.constant true
      %parallel_loop3A_156 = vector.broadcast %parallel_loop3A_155 : i1 to vector<16xi1>
      %parallel_loop3A_157 = tpu.scan <sum>, %parallel_loop3A_154 masked %parallel_loop3A_156 : vector<16xi32>, vector<16xi1> -> vector<16xi32>
      %parallel_loop3A_158 = vector.extract %parallel_loop3A_157[15] : i32 from vector<16xi32>
      %parallel_loop3A_159 = arith.constant 16 : i32
      %parallel_loop3A_160 = arith.muli %parallel_loop3A_12, %parallel_loop3A_159 : i32
      %parallel_loop3A_161 = arith.constant 6 : i32
      %parallel_loop3A_162 = arith.addi %parallel_loop3A_160, %parallel_loop3A_161 : i32
      %parallel_loop3A_163 = arith.constant 0 : i32
      %parallel_loop3A_164 = tpu.memref_slice %arg7[%parallel_loop3A_162, %parallel_loop3A_163] : memref<320x64xf32, #tpu.memory_space<vmem>> -> memref<1x64xf32, #tpu.memory_space<vmem>>
      %parallel_loop3A_165 = arith.constant 0 : i32
      %parallel_loop3A_166 = tpu.memref_slice %arg3[%parallel_loop3A_158, %parallel_loop3A_165] : memref<1000000x64xf32, #tpu.memory_space<hbm>> -> memref<1x64xf32, #tpu.memory_space<hbm>>
      %parallel_loop3A_167 = arith.constant 0 : i32
      %parallel_loop3A_168 = tpu.memref_slice %arg7[%parallel_loop3A_162, %parallel_loop3A_167] : memref<320x64xf32, #tpu.memory_space<vmem>> -> memref<1x64xf32, #tpu.memory_space<vmem>>
      %parallel_loop3A_169 = arith.constant 0 : i32
      %parallel_loop3A_170 = tpu.memref_slice %arg3[%parallel_loop3A_158, %parallel_loop3A_169] : memref<1000000x64xf32, #tpu.memory_space<hbm>> -> memref<1x64xf32, #tpu.memory_space<hbm>>
      tpu.enqueue_dma source(%parallel_loop3A_170 : memref<1x64xf32, #tpu.memory_space<hbm>>) target(%parallel_loop3A_168 : memref<1x64xf32, #tpu.memory_space<vmem>>) target_semaphore(%arg9 : memref<!tpu.dma_semaphore, #tpu.memory_space<semaphore_mem>>)
      %parallel_loop3A_171 = arith.constant 7 : i32
      %parallel_loop3A_172 = vector.broadcast %parallel_loop3A_171 : i32 to vector<16xi32>
      %parallel_loop3A_173 = arith.cmpi eq, %iota3A, %parallel_loop3A_172 : vector<16xi32>
      %parallel_loop3A_174 = arith.constant 0 : i32
      %parallel_loop3A_175 = vector.broadcast %parallel_loop3A_174 : i32 to vector<16xi32>
      %parallel_loop3A_176 = arith.select %parallel_loop3A_173, %parallel_loop3A_16, %parallel_loop3A_175 : vector<16xi1>, vector<16xi32>
      %parallel_loop3A_177 = arith.constant true
      %parallel_loop3A_178 = vector.broadcast %parallel_loop3A_177 : i1 to vector<16xi1>
      %parallel_loop3A_179 = tpu.scan <sum>, %parallel_loop3A_176 masked %parallel_loop3A_178 : vector<16xi32>, vector<16xi1> -> vector<16xi32>
      %parallel_loop3A_180 = vector.extract %parallel_loop3A_179[15] : i32 from vector<16xi32>
      %parallel_loop3A_181 = arith.constant 16 : i32
      %parallel_loop3A_182 = arith.muli %parallel_loop3A_12, %parallel_loop3A_181 : i32
      %parallel_loop3A_183 = arith.constant 7 : i32
      %parallel_loop3A_184 = arith.addi %parallel_loop3A_182, %parallel_loop3A_183 : i32
      %parallel_loop3A_185 = arith.constant 0 : i32
      %parallel_loop3A_186 = tpu.memref_slice %arg7[%parallel_loop3A_184, %parallel_loop3A_185] : memref<320x64xf32, #tpu.memory_space<vmem>> -> memref<1x64xf32, #tpu.memory_space<vmem>>
      %parallel_loop3A_187 = arith.constant 0 : i32
      %parallel_loop3A_188 = tpu.memref_slice %arg3[%parallel_loop3A_180, %parallel_loop3A_187] : memref<1000000x64xf32, #tpu.memory_space<hbm>> -> memref<1x64xf32, #tpu.memory_space<hbm>>
      %parallel_loop3A_189 = arith.constant 0 : i32
      %parallel_loop3A_190 = tpu.memref_slice %arg7[%parallel_loop3A_184, %parallel_loop3A_189] : memref<320x64xf32, #tpu.memory_space<vmem>> -> memref<1x64xf32, #tpu.memory_space<vmem>>
      %parallel_loop3A_191 = arith.constant 0 : i32
      %parallel_loop3A_192 = tpu.memref_slice %arg3[%parallel_loop3A_180, %parallel_loop3A_191] : memref<1000000x64xf32, #tpu.memory_space<hbm>> -> memref<1x64xf32, #tpu.memory_space<hbm>>
      tpu.enqueue_dma source(%parallel_loop3A_192 : memref<1x64xf32, #tpu.memory_space<hbm>>) target(%parallel_loop3A_190 : memref<1x64xf32, #tpu.memory_space<vmem>>) target_semaphore(%arg9 : memref<!tpu.dma_semaphore, #tpu.memory_space<semaphore_mem>>)
      %parallel_loop3A_193 = arith.constant 8 : i32
      %parallel_loop3A_194 = vector.broadcast %parallel_loop3A_193 : i32 to vector<16xi32>
      %parallel_loop3A_195 = arith.cmpi eq, %iota3A, %parallel_loop3A_194 : vector<16xi32>
      %parallel_loop3A_196 = arith.constant 0 : i32
      %parallel_loop3A_197 = vector.broadcast %parallel_loop3A_196 : i32 to vector<16xi32>
      %parallel_loop3A_198 = arith.select %parallel_loop3A_195, %parallel_loop3A_16, %parallel_loop3A_197 : vector<16xi1>, vector<16xi32>
      %parallel_loop3A_199 = arith.constant true
      %parallel_loop3A_200 = vector.broadcast %parallel_loop3A_199 : i1 to vector<16xi1>
      %parallel_loop3A_201 = tpu.scan <sum>, %parallel_loop3A_198 masked %parallel_loop3A_200 : vector<16xi32>, vector<16xi1> -> vector<16xi32>
      %parallel_loop3A_202 = vector.extract %parallel_loop3A_201[15] : i32 from vector<16xi32>
      %parallel_loop3A_203 = arith.constant 16 : i32
      %parallel_loop3A_204 = arith.muli %parallel_loop3A_12, %parallel_loop3A_203 : i32
      %parallel_loop3A_205 = arith.constant 8 : i32
      %parallel_loop3A_206 = arith.addi %parallel_loop3A_204, %parallel_loop3A_205 : i32
      %parallel_loop3A_207 = arith.constant 0 : i32
      %parallel_loop3A_208 = tpu.memref_slice %arg7[%parallel_loop3A_206, %parallel_loop3A_207] : memref<320x64xf32, #tpu.memory_space<vmem>> -> memref<1x64xf32, #tpu.memory_space<vmem>>
      %parallel_loop3A_209 = arith.constant 0 : i32
      %parallel_loop3A_210 = tpu.memref_slice %arg3[%parallel_loop3A_202, %parallel_loop3A_209] : memref<1000000x64xf32, #tpu.memory_space<hbm>> -> memref<1x64xf32, #tpu.memory_space<hbm>>
      %parallel_loop3A_211 = arith.constant 0 : i32
      %parallel_loop3A_212 = tpu.memref_slice %arg7[%parallel_loop3A_206, %parallel_loop3A_211] : memref<320x64xf32, #tpu.memory_space<vmem>> -> memref<1x64xf32, #tpu.memory_space<vmem>>
      %parallel_loop3A_213 = arith.constant 0 : i32
      %parallel_loop3A_214 = tpu.memref_slice %arg3[%parallel_loop3A_202, %parallel_loop3A_213] : memref<1000000x64xf32, #tpu.memory_space<hbm>> -> memref<1x64xf32, #tpu.memory_space<hbm>>
      tpu.enqueue_dma source(%parallel_loop3A_214 : memref<1x64xf32, #tpu.memory_space<hbm>>) target(%parallel_loop3A_212 : memref<1x64xf32, #tpu.memory_space<vmem>>) target_semaphore(%arg9 : memref<!tpu.dma_semaphore, #tpu.memory_space<semaphore_mem>>)
      %parallel_loop3A_215 = arith.constant 9 : i32
      %parallel_loop3A_216 = vector.broadcast %parallel_loop3A_215 : i32 to vector<16xi32>
      %parallel_loop3A_217 = arith.cmpi eq, %iota3A, %parallel_loop3A_216 : vector<16xi32>
      %parallel_loop3A_218 = arith.constant 0 : i32
      %parallel_loop3A_219 = vector.broadcast %parallel_loop3A_218 : i32 to vector<16xi32>
      %parallel_loop3A_220 = arith.select %parallel_loop3A_217, %parallel_loop3A_16, %parallel_loop3A_219 : vector<16xi1>, vector<16xi32>
      %parallel_loop3A_221 = arith.constant true
      %parallel_loop3A_222 = vector.broadcast %parallel_loop3A_221 : i1 to vector<16xi1>
      %parallel_loop3A_223 = tpu.scan <sum>, %parallel_loop3A_220 masked %parallel_loop3A_222 : vector<16xi32>, vector<16xi1> -> vector<16xi32>
      %parallel_loop3A_224 = vector.extract %parallel_loop3A_223[15] : i32 from vector<16xi32>
      %parallel_loop3A_225 = arith.constant 16 : i32
      %parallel_loop3A_226 = arith.muli %parallel_loop3A_12, %parallel_loop3A_225 : i32
      %parallel_loop3A_227 = arith.constant 9 : i32
      %parallel_loop3A_228 = arith.addi %parallel_loop3A_226, %parallel_loop3A_227 : i32
      %parallel_loop3A_229 = arith.constant 0 : i32
      %parallel_loop3A_230 = tpu.memref_slice %arg7[%parallel_loop3A_228, %parallel_loop3A_229] : memref<320x64xf32, #tpu.memory_space<vmem>> -> memref<1x64xf32, #tpu.memory_space<vmem>>
      %parallel_loop3A_231 = arith.constant 0 : i32
      %parallel_loop3A_232 = tpu.memref_slice %arg3[%parallel_loop3A_224, %parallel_loop3A_231] : memref<1000000x64xf32, #tpu.memory_space<hbm>> -> memref<1x64xf32, #tpu.memory_space<hbm>>
      %parallel_loop3A_233 = arith.constant 0 : i32
      %parallel_loop3A_234 = tpu.memref_slice %arg7[%parallel_loop3A_228, %parallel_loop3A_233] : memref<320x64xf32, #tpu.memory_space<vmem>> -> memref<1x64xf32, #tpu.memory_space<vmem>>
      %parallel_loop3A_235 = arith.constant 0 : i32
      %parallel_loop3A_236 = tpu.memref_slice %arg3[%parallel_loop3A_224, %parallel_loop3A_235] : memref<1000000x64xf32, #tpu.memory_space<hbm>> -> memref<1x64xf32, #tpu.memory_space<hbm>>
      tpu.enqueue_dma source(%parallel_loop3A_236 : memref<1x64xf32, #tpu.memory_space<hbm>>) target(%parallel_loop3A_234 : memref<1x64xf32, #tpu.memory_space<vmem>>) target_semaphore(%arg9 : memref<!tpu.dma_semaphore, #tpu.memory_space<semaphore_mem>>)
      %parallel_loop3A_237 = arith.constant 10 : i32
      %parallel_loop3A_238 = vector.broadcast %parallel_loop3A_237 : i32 to vector<16xi32>
      %parallel_loop3A_239 = arith.cmpi eq, %iota3A, %parallel_loop3A_238 : vector<16xi32>
      %parallel_loop3A_240 = arith.constant 0 : i32
      %parallel_loop3A_241 = vector.broadcast %parallel_loop3A_240 : i32 to vector<16xi32>
      %parallel_loop3A_242 = arith.select %parallel_loop3A_239, %parallel_loop3A_16, %parallel_loop3A_241 : vector<16xi1>, vector<16xi32>
      %parallel_loop3A_243 = arith.constant true
      %parallel_loop3A_244 = vector.broadcast %parallel_loop3A_243 : i1 to vector<16xi1>
      %parallel_loop3A_245 = tpu.scan <sum>, %parallel_loop3A_242 masked %parallel_loop3A_244 : vector<16xi32>, vector<16xi1> -> vector<16xi32>
      %parallel_loop3A_246 = vector.extract %parallel_loop3A_245[15] : i32 from vector<16xi32>
      %parallel_loop3A_247 = arith.constant 16 : i32
      %parallel_loop3A_248 = arith.muli %parallel_loop3A_12, %parallel_loop3A_247 : i32
      %parallel_loop3A_249 = arith.constant 10 : i32
      %parallel_loop3A_250 = arith.addi %parallel_loop3A_248, %parallel_loop3A_249 : i32
      %parallel_loop3A_251 = arith.constant 0 : i32
      %parallel_loop3A_252 = tpu.memref_slice %arg7[%parallel_loop3A_250, %parallel_loop3A_251] : memref<320x64xf32, #tpu.memory_space<vmem>> -> memref<1x64xf32, #tpu.memory_space<vmem>>
      %parallel_loop3A_253 = arith.constant 0 : i32
      %parallel_loop3A_254 = tpu.memref_slice %arg3[%parallel_loop3A_246, %parallel_loop3A_253] : memref<1000000x64xf32, #tpu.memory_space<hbm>> -> memref<1x64xf32, #tpu.memory_space<hbm>>
      %parallel_loop3A_255 = arith.constant 0 : i32
      %parallel_loop3A_256 = tpu.memref_slice %arg7[%parallel_loop3A_250, %parallel_loop3A_255] : memref<320x64xf32, #tpu.memory_space<vmem>> -> memref<1x64xf32, #tpu.memory_space<vmem>>
      %parallel_loop3A_257 = arith.constant 0 : i32
      %parallel_loop3A_258 = tpu.memref_slice %arg3[%parallel_loop3A_246, %parallel_loop3A_257] : memref<1000000x64xf32, #tpu.memory_space<hbm>> -> memref<1x64xf32, #tpu.memory_space<hbm>>
      tpu.enqueue_dma source(%parallel_loop3A_258 : memref<1x64xf32, #tpu.memory_space<hbm>>) target(%parallel_loop3A_256 : memref<1x64xf32, #tpu.memory_space<vmem>>) target_semaphore(%arg9 : memref<!tpu.dma_semaphore, #tpu.memory_space<semaphore_mem>>)
      %parallel_loop3A_259 = arith.constant 11 : i32
      %parallel_loop3A_260 = vector.broadcast %parallel_loop3A_259 : i32 to vector<16xi32>
      %parallel_loop3A_261 = arith.cmpi eq, %iota3A, %parallel_loop3A_260 : vector<16xi32>
      %parallel_loop3A_262 = arith.constant 0 : i32
      %parallel_loop3A_263 = vector.broadcast %parallel_loop3A_262 : i32 to vector<16xi32>
      %parallel_loop3A_264 = arith.select %parallel_loop3A_261, %parallel_loop3A_16, %parallel_loop3A_263 : vector<16xi1>, vector<16xi32>
      %parallel_loop3A_265 = arith.constant true
      %parallel_loop3A_266 = vector.broadcast %parallel_loop3A_265 : i1 to vector<16xi1>
      %parallel_loop3A_267 = tpu.scan <sum>, %parallel_loop3A_264 masked %parallel_loop3A_266 : vector<16xi32>, vector<16xi1> -> vector<16xi32>
      %parallel_loop3A_268 = vector.extract %parallel_loop3A_267[15] : i32 from vector<16xi32>
      %parallel_loop3A_269 = arith.constant 16 : i32
      %parallel_loop3A_270 = arith.muli %parallel_loop3A_12, %parallel_loop3A_269 : i32
      %parallel_loop3A_271 = arith.constant 11 : i32
      %parallel_loop3A_272 = arith.addi %parallel_loop3A_270, %parallel_loop3A_271 : i32
      %parallel_loop3A_273 = arith.constant 0 : i32
      %parallel_loop3A_274 = tpu.memref_slice %arg7[%parallel_loop3A_272, %parallel_loop3A_273] : memref<320x64xf32, #tpu.memory_space<vmem>> -> memref<1x64xf32, #tpu.memory_space<vmem>>
      %parallel_loop3A_275 = arith.constant 0 : i32
      %parallel_loop3A_276 = tpu.memref_slice %arg3[%parallel_loop3A_268, %parallel_loop3A_275] : memref<1000000x64xf32, #tpu.memory_space<hbm>> -> memref<1x64xf32, #tpu.memory_space<hbm>>
      %parallel_loop3A_277 = arith.constant 0 : i32
      %parallel_loop3A_278 = tpu.memref_slice %arg7[%parallel_loop3A_272, %parallel_loop3A_277] : memref<320x64xf32, #tpu.memory_space<vmem>> -> memref<1x64xf32, #tpu.memory_space<vmem>>
      %parallel_loop3A_279 = arith.constant 0 : i32
      %parallel_loop3A_280 = tpu.memref_slice %arg3[%parallel_loop3A_268, %parallel_loop3A_279] : memref<1000000x64xf32, #tpu.memory_space<hbm>> -> memref<1x64xf32, #tpu.memory_space<hbm>>
      tpu.enqueue_dma source(%parallel_loop3A_280 : memref<1x64xf32, #tpu.memory_space<hbm>>) target(%parallel_loop3A_278 : memref<1x64xf32, #tpu.memory_space<vmem>>) target_semaphore(%arg9 : memref<!tpu.dma_semaphore, #tpu.memory_space<semaphore_mem>>)
      %parallel_loop3A_281 = arith.constant 12 : i32
      %parallel_loop3A_282 = vector.broadcast %parallel_loop3A_281 : i32 to vector<16xi32>
      %parallel_loop3A_283 = arith.cmpi eq, %iota3A, %parallel_loop3A_282 : vector<16xi32>
      %parallel_loop3A_284 = arith.constant 0 : i32
      %parallel_loop3A_285 = vector.broadcast %parallel_loop3A_284 : i32 to vector<16xi32>
      %parallel_loop3A_286 = arith.select %parallel_loop3A_283, %parallel_loop3A_16, %parallel_loop3A_285 : vector<16xi1>, vector<16xi32>
      %parallel_loop3A_287 = arith.constant true
      %parallel_loop3A_288 = vector.broadcast %parallel_loop3A_287 : i1 to vector<16xi1>
      %parallel_loop3A_289 = tpu.scan <sum>, %parallel_loop3A_286 masked %parallel_loop3A_288 : vector<16xi32>, vector<16xi1> -> vector<16xi32>
      %parallel_loop3A_290 = vector.extract %parallel_loop3A_289[15] : i32 from vector<16xi32>
      %parallel_loop3A_291 = arith.constant 16 : i32
      %parallel_loop3A_292 = arith.muli %parallel_loop3A_12, %parallel_loop3A_291 : i32
      %parallel_loop3A_293 = arith.constant 12 : i32
      %parallel_loop3A_294 = arith.addi %parallel_loop3A_292, %parallel_loop3A_293 : i32
      %parallel_loop3A_295 = arith.constant 0 : i32
      %parallel_loop3A_296 = tpu.memref_slice %arg7[%parallel_loop3A_294, %parallel_loop3A_295] : memref<320x64xf32, #tpu.memory_space<vmem>> -> memref<1x64xf32, #tpu.memory_space<vmem>>
      %parallel_loop3A_297 = arith.constant 0 : i32
      %parallel_loop3A_298 = tpu.memref_slice %arg3[%parallel_loop3A_290, %parallel_loop3A_297] : memref<1000000x64xf32, #tpu.memory_space<hbm>> -> memref<1x64xf32, #tpu.memory_space<hbm>>
      %parallel_loop3A_299 = arith.constant 0 : i32
      %parallel_loop3A_300 = tpu.memref_slice %arg7[%parallel_loop3A_294, %parallel_loop3A_299] : memref<320x64xf32, #tpu.memory_space<vmem>> -> memref<1x64xf32, #tpu.memory_space<vmem>>
      %parallel_loop3A_301 = arith.constant 0 : i32
      %parallel_loop3A_302 = tpu.memref_slice %arg3[%parallel_loop3A_290, %parallel_loop3A_301] : memref<1000000x64xf32, #tpu.memory_space<hbm>> -> memref<1x64xf32, #tpu.memory_space<hbm>>
      tpu.enqueue_dma source(%parallel_loop3A_302 : memref<1x64xf32, #tpu.memory_space<hbm>>) target(%parallel_loop3A_300 : memref<1x64xf32, #tpu.memory_space<vmem>>) target_semaphore(%arg9 : memref<!tpu.dma_semaphore, #tpu.memory_space<semaphore_mem>>)
      %parallel_loop3A_303 = arith.constant 13 : i32
      %parallel_loop3A_304 = vector.broadcast %parallel_loop3A_303 : i32 to vector<16xi32>
      %parallel_loop3A_305 = arith.cmpi eq, %iota3A, %parallel_loop3A_304 : vector<16xi32>
      %parallel_loop3A_306 = arith.constant 0 : i32
      %parallel_loop3A_307 = vector.broadcast %parallel_loop3A_306 : i32 to vector<16xi32>
      %parallel_loop3A_308 = arith.select %parallel_loop3A_305, %parallel_loop3A_16, %parallel_loop3A_307 : vector<16xi1>, vector<16xi32>
      %parallel_loop3A_309 = arith.constant true
      %parallel_loop3A_310 = vector.broadcast %parallel_loop3A_309 : i1 to vector<16xi1>
      %parallel_loop3A_311 = tpu.scan <sum>, %parallel_loop3A_308 masked %parallel_loop3A_310 : vector<16xi32>, vector<16xi1> -> vector<16xi32>
      %parallel_loop3A_312 = vector.extract %parallel_loop3A_311[15] : i32 from vector<16xi32>
      %parallel_loop3A_313 = arith.constant 16 : i32
      %parallel_loop3A_314 = arith.muli %parallel_loop3A_12, %parallel_loop3A_313 : i32
      %parallel_loop3A_315 = arith.constant 13 : i32
      %parallel_loop3A_316 = arith.addi %parallel_loop3A_314, %parallel_loop3A_315 : i32
      %parallel_loop3A_317 = arith.constant 0 : i32
      %parallel_loop3A_318 = tpu.memref_slice %arg7[%parallel_loop3A_316, %parallel_loop3A_317] : memref<320x64xf32, #tpu.memory_space<vmem>> -> memref<1x64xf32, #tpu.memory_space<vmem>>
      %parallel_loop3A_319 = arith.constant 0 : i32
      %parallel_loop3A_320 = tpu.memref_slice %arg3[%parallel_loop3A_312, %parallel_loop3A_319] : memref<1000000x64xf32, #tpu.memory_space<hbm>> -> memref<1x64xf32, #tpu.memory_space<hbm>>
      %parallel_loop3A_321 = arith.constant 0 : i32
      %parallel_loop3A_322 = tpu.memref_slice %arg7[%parallel_loop3A_316, %parallel_loop3A_321] : memref<320x64xf32, #tpu.memory_space<vmem>> -> memref<1x64xf32, #tpu.memory_space<vmem>>
      %parallel_loop3A_323 = arith.constant 0 : i32
      %parallel_loop3A_324 = tpu.memref_slice %arg3[%parallel_loop3A_312, %parallel_loop3A_323] : memref<1000000x64xf32, #tpu.memory_space<hbm>> -> memref<1x64xf32, #tpu.memory_space<hbm>>
      tpu.enqueue_dma source(%parallel_loop3A_324 : memref<1x64xf32, #tpu.memory_space<hbm>>) target(%parallel_loop3A_322 : memref<1x64xf32, #tpu.memory_space<vmem>>) target_semaphore(%arg9 : memref<!tpu.dma_semaphore, #tpu.memory_space<semaphore_mem>>)
      %parallel_loop3A_325 = arith.constant 14 : i32
      %parallel_loop3A_326 = vector.broadcast %parallel_loop3A_325 : i32 to vector<16xi32>
      %parallel_loop3A_327 = arith.cmpi eq, %iota3A, %parallel_loop3A_326 : vector<16xi32>
      %parallel_loop3A_328 = arith.constant 0 : i32
      %parallel_loop3A_329 = vector.broadcast %parallel_loop3A_328 : i32 to vector<16xi32>
      %parallel_loop3A_330 = arith.select %parallel_loop3A_327, %parallel_loop3A_16, %parallel_loop3A_329 : vector<16xi1>, vector<16xi32>
      %parallel_loop3A_331 = arith.constant true
      %parallel_loop3A_332 = vector.broadcast %parallel_loop3A_331 : i1 to vector<16xi1>
      %parallel_loop3A_333 = tpu.scan <sum>, %parallel_loop3A_330 masked %parallel_loop3A_332 : vector<16xi32>, vector<16xi1> -> vector<16xi32>
      %parallel_loop3A_334 = vector.extract %parallel_loop3A_333[15] : i32 from vector<16xi32>
      %parallel_loop3A_335 = arith.constant 16 : i32
      %parallel_loop3A_336 = arith.muli %parallel_loop3A_12, %parallel_loop3A_335 : i32
      %parallel_loop3A_337 = arith.constant 14 : i32
      %parallel_loop3A_338 = arith.addi %parallel_loop3A_336, %parallel_loop3A_337 : i32
      %parallel_loop3A_339 = arith.constant 0 : i32
      %parallel_loop3A_340 = tpu.memref_slice %arg7[%parallel_loop3A_338, %parallel_loop3A_339] : memref<320x64xf32, #tpu.memory_space<vmem>> -> memref<1x64xf32, #tpu.memory_space<vmem>>
      %parallel_loop3A_341 = arith.constant 0 : i32
      %parallel_loop3A_342 = tpu.memref_slice %arg3[%parallel_loop3A_334, %parallel_loop3A_341] : memref<1000000x64xf32, #tpu.memory_space<hbm>> -> memref<1x64xf32, #tpu.memory_space<hbm>>
      %parallel_loop3A_343 = arith.constant 0 : i32
      %parallel_loop3A_344 = tpu.memref_slice %arg7[%parallel_loop3A_338, %parallel_loop3A_343] : memref<320x64xf32, #tpu.memory_space<vmem>> -> memref<1x64xf32, #tpu.memory_space<vmem>>
      %parallel_loop3A_345 = arith.constant 0 : i32
      %parallel_loop3A_346 = tpu.memref_slice %arg3[%parallel_loop3A_334, %parallel_loop3A_345] : memref<1000000x64xf32, #tpu.memory_space<hbm>> -> memref<1x64xf32, #tpu.memory_space<hbm>>
      tpu.enqueue_dma source(%parallel_loop3A_346 : memref<1x64xf32, #tpu.memory_space<hbm>>) target(%parallel_loop3A_344 : memref<1x64xf32, #tpu.memory_space<vmem>>) target_semaphore(%arg9 : memref<!tpu.dma_semaphore, #tpu.memory_space<semaphore_mem>>)
      %parallel_loop3A_347 = arith.constant 15 : i32
      %parallel_loop3A_348 = vector.broadcast %parallel_loop3A_347 : i32 to vector<16xi32>
      %parallel_loop3A_349 = arith.cmpi eq, %iota3A, %parallel_loop3A_348 : vector<16xi32>
      %parallel_loop3A_350 = arith.constant 0 : i32
      %parallel_loop3A_351 = vector.broadcast %parallel_loop3A_350 : i32 to vector<16xi32>
      %parallel_loop3A_352 = arith.select %parallel_loop3A_349, %parallel_loop3A_16, %parallel_loop3A_351 : vector<16xi1>, vector<16xi32>
      %parallel_loop3A_353 = arith.constant true
      %parallel_loop3A_354 = vector.broadcast %parallel_loop3A_353 : i1 to vector<16xi1>
      %parallel_loop3A_355 = tpu.scan <sum>, %parallel_loop3A_352 masked %parallel_loop3A_354 : vector<16xi32>, vector<16xi1> -> vector<16xi32>
      %parallel_loop3A_356 = vector.extract %parallel_loop3A_355[15] : i32 from vector<16xi32>
      %parallel_loop3A_357 = arith.constant 16 : i32
      %parallel_loop3A_358 = arith.muli %parallel_loop3A_12, %parallel_loop3A_357 : i32
      %parallel_loop3A_359 = arith.constant 15 : i32
      %parallel_loop3A_360 = arith.addi %parallel_loop3A_358, %parallel_loop3A_359 : i32
      %parallel_loop3A_361 = arith.constant 0 : i32
      %parallel_loop3A_362 = tpu.memref_slice %arg7[%parallel_loop3A_360, %parallel_loop3A_361] : memref<320x64xf32, #tpu.memory_space<vmem>> -> memref<1x64xf32, #tpu.memory_space<vmem>>
      %parallel_loop3A_363 = arith.constant 0 : i32
      %parallel_loop3A_364 = tpu.memref_slice %arg3[%parallel_loop3A_356, %parallel_loop3A_363] : memref<1000000x64xf32, #tpu.memory_space<hbm>> -> memref<1x64xf32, #tpu.memory_space<hbm>>
      %parallel_loop3A_365 = arith.constant 0 : i32
      %parallel_loop3A_366 = tpu.memref_slice %arg7[%parallel_loop3A_360, %parallel_loop3A_365] : memref<320x64xf32, #tpu.memory_space<vmem>> -> memref<1x64xf32, #tpu.memory_space<vmem>>
      %parallel_loop3A_367 = arith.constant 0 : i32
      %parallel_loop3A_368 = tpu.memref_slice %arg3[%parallel_loop3A_356, %parallel_loop3A_367] : memref<1000000x64xf32, #tpu.memory_space<hbm>> -> memref<1x64xf32, #tpu.memory_space<hbm>>
      tpu.enqueue_dma source(%parallel_loop3A_368 : memref<1x64xf32, #tpu.memory_space<hbm>>) target(%parallel_loop3A_366 : memref<1x64xf32, #tpu.memory_space<vmem>>) target_semaphore(%arg9 : memref<!tpu.dma_semaphore, #tpu.memory_space<semaphore_mem>>)
    } {sc.loop_unroll_factor = 2 : i64, sc.parallel_access}
    %scan3A = arith.constant 0 : i32
    %scan3A_7 = arith.constant 0 : i32
    %scan3A_8 = arith.constant 10 : i32
    %scan3A_9 = arith.addi %scan3A_7, %scan3A_8 : i32
    %scan3A_10 = arith.constant 1 : i32
    scf.for %scan3A_12 = %scan3A_7 to %scan3A_9 step %scan3A_10  : i32 {
      %mul3A_13 = arith.constant 2 : i32
      %mul3A_14 = arith.muli %mul3A_13, %scan3A_12 : i32
      %add3A_15 = arith.constant 1 : i32
      %add3A_16 = arith.addi %mul3A_14, %add3A_15 : i32
      %mul3A_17 = arith.constant 320 : i32
      %mul3A_18 = arith.muli %add3A_16, %mul3A_17 : i32
      %add3A_19 = arith.addi %mul3A_2, %mul3A_18 : i32
      "tpu.region"() ({
        %run_scoped3A = tpu.sem_alloc : memref<!tpu.dma_semaphore, #tpu.memory_space<semaphore_mem>>
        %dma_start3A = tpu.memref_slice %arg2[%add3A_19] : memref<204800xi32, #tpu.memory_space<hbm>> -> memref<320xi32, #tpu.memory_space<hbm>>
        %dma_start3A_52 = tpu.memref_slice %arg2[%add3A_19] : memref<204800xi32, #tpu.memory_space<hbm>> -> memref<320xi32, #tpu.memory_space<hbm>>
        tpu.enqueue_dma source(%dma_start3A_52 : memref<320xi32, #tpu.memory_space<hbm>>) target(%arg6 : memref<320xi32, #tpu.memory_space<vmem>>) target_semaphore(%run_scoped3A : memref<!tpu.dma_semaphore, #tpu.memory_space<semaphore_mem>>)
        %dma_wait3A_53 = tpu.memref_slice %arg2[%add3A_19] : memref<204800xi32, #tpu.memory_space<hbm>> -> memref<320xi32, #tpu.memory_space<hbm>>
        %dma_wait3A_54 = tpu.memref_slice %arg2[%add3A_19] : memref<204800xi32, #tpu.memory_space<hbm>> -> memref<320xi32, #tpu.memory_space<hbm>>
        tpu.wait_dma2 semaphore(%run_scoped3A : memref<!tpu.dma_semaphore, #tpu.memory_space<semaphore_mem>>) src(%dma_wait3A_54 : memref<320xi32, #tpu.memory_space<hbm>>) dst(%arg6 : memref<320xi32, #tpu.memory_space<vmem>>)
        tpu.yield
      }) : () -> ()
      %parallel_loop3A_20 = arith.constant 0 : i32
      %parallel_loop3A_21 = arith.constant 20 : i32
      %parallel_loop3A_22 = arith.constant 1 : i32
      scf.for %parallel_loop3A_52 = %parallel_loop3A_20 to %parallel_loop3A_21 step %parallel_loop3A_22  : i32 {
        %parallel_loop3A_53 = arith.constant 16 : i32
        %parallel_loop3A_54 = arith.muli %parallel_loop3A_52, %parallel_loop3A_53 : i32
        %parallel_loop3A_55 = arith.index_cast %parallel_loop3A_54 : i32 to index
        %parallel_loop3A_56 = tpu.vector_load %arg6[%parallel_loop3A_55] {strides = array<i32>} : memref<320xi32, #tpu.memory_space<vmem>>, vector<16xi32>,
        %parallel_loop3A_57 = arith.constant 0 : i32
        %parallel_loop3A_58 = vector.broadcast %parallel_loop3A_57 : i32 to vector<16xi32>
        %parallel_loop3A_59 = arith.cmpi eq, %iota3A, %parallel_loop3A_58 : vector<16xi32>
        %parallel_loop3A_60 = arith.constant 0 : i32
        %parallel_loop3A_61 = vector.broadcast %parallel_loop3A_60 : i32 to vector<16xi32>
        %parallel_loop3A_62 = arith.select %parallel_loop3A_59, %parallel_loop3A_56, %parallel_loop3A_61 : vector<16xi1>, vector<16xi32>
        %parallel_loop3A_63 = arith.constant true
        %parallel_loop3A_64 = vector.broadcast %parallel_loop3A_63 : i1 to vector<16xi1>
        %parallel_loop3A_65 = tpu.scan <sum>, %parallel_loop3A_62 masked %parallel_loop3A_64 : vector<16xi32>, vector<16xi1> -> vector<16xi32>
        %parallel_loop3A_66 = vector.extract %parallel_loop3A_65[15] : i32 from vector<16xi32>
        %parallel_loop3A_67 = arith.constant 16 : i32
        %parallel_loop3A_68 = arith.muli %parallel_loop3A_52, %parallel_loop3A_67 : i32
        %parallel_loop3A_69 = arith.constant 0 : i32
        %parallel_loop3A_70 = arith.addi %parallel_loop3A_68, %parallel_loop3A_69 : i32
        %parallel_loop3A_71 = arith.constant 0 : i32
        %parallel_loop3A_72 = tpu.memref_slice %arg8[%parallel_loop3A_70, %parallel_loop3A_71] : memref<320x64xf32, #tpu.memory_space<vmem>> -> memref<1x64xf32, #tpu.memory_space<vmem>>
        %parallel_loop3A_73 = arith.constant 0 : i32
        %parallel_loop3A_74 = tpu.memref_slice %arg3[%parallel_loop3A_66, %parallel_loop3A_73] : memref<1000000x64xf32, #tpu.memory_space<hbm>> -> memref<1x64xf32, #tpu.memory_space<hbm>>
        %parallel_loop3A_75 = arith.constant 0 : i32
        %parallel_loop3A_76 = tpu.memref_slice %arg8[%parallel_loop3A_70, %parallel_loop3A_75] : memref<320x64xf32, #tpu.memory_space<vmem>> -> memref<1x64xf32, #tpu.memory_space<vmem>>
        %parallel_loop3A_77 = arith.constant 0 : i32
        %parallel_loop3A_78 = tpu.memref_slice %arg3[%parallel_loop3A_66, %parallel_loop3A_77] : memref<1000000x64xf32, #tpu.memory_space<hbm>> -> memref<1x64xf32, #tpu.memory_space<hbm>>
        tpu.enqueue_dma source(%parallel_loop3A_78 : memref<1x64xf32, #tpu.memory_space<hbm>>) target(%parallel_loop3A_76 : memref<1x64xf32, #tpu.memory_space<vmem>>) target_semaphore(%arg10 : memref<!tpu.dma_semaphore, #tpu.memory_space<semaphore_mem>>)
        %parallel_loop3A_79 = arith.constant 1 : i32
        %parallel_loop3A_80 = vector.broadcast %parallel_loop3A_79 : i32 to vector<16xi32>
        %parallel_loop3A_81 = arith.cmpi eq, %iota3A, %parallel_loop3A_80 : vector<16xi32>
        %parallel_loop3A_82 = arith.constant 0 : i32
        %parallel_loop3A_83 = vector.broadcast %parallel_loop3A_82 : i32 to vector<16xi32>
        %parallel_loop3A_84 = arith.select %parallel_loop3A_81, %parallel_loop3A_56, %parallel_loop3A_83 : vector<16xi1>, vector<16xi32>
        %parallel_loop3A_85 = arith.constant true
        %parallel_loop3A_86 = vector.broadcast %parallel_loop3A_85 : i1 to vector<16xi1>
        %parallel_loop3A_87 = tpu.scan <sum>, %parallel_loop3A_84 masked %parallel_loop3A_86 : vector<16xi32>, vector<16xi1> -> vector<16xi32>
        %parallel_loop3A_88 = vector.extract %parallel_loop3A_87[15] : i32 from vector<16xi32>
        %parallel_loop3A_89 = arith.constant 16 : i32
        %parallel_loop3A_90 = arith.muli %parallel_loop3A_52, %parallel_loop3A_89 : i32
        %parallel_loop3A_91 = arith.constant 1 : i32
        %parallel_loop3A_92 = arith.addi %parallel_loop3A_90, %parallel_loop3A_91 : i32
        %parallel_loop3A_93 = arith.constant 0 : i32
        %parallel_loop3A_94 = tpu.memref_slice %arg8[%parallel_loop3A_92, %parallel_loop3A_93] : memref<320x64xf32, #tpu.memory_space<vmem>> -> memref<1x64xf32, #tpu.memory_space<vmem>>
        %parallel_loop3A_95 = arith.constant 0 : i32
        %parallel_loop3A_96 = tpu.memref_slice %arg3[%parallel_loop3A_88, %parallel_loop3A_95] : memref<1000000x64xf32, #tpu.memory_space<hbm>> -> memref<1x64xf32, #tpu.memory_space<hbm>>
        %parallel_loop3A_97 = arith.constant 0 : i32
        %parallel_loop3A_98 = tpu.memref_slice %arg8[%parallel_loop3A_92, %parallel_loop3A_97] : memref<320x64xf32, #tpu.memory_space<vmem>> -> memref<1x64xf32, #tpu.memory_space<vmem>>
        %parallel_loop3A_99 = arith.constant 0 : i32
        %parallel_loop3A_100 = tpu.memref_slice %arg3[%parallel_loop3A_88, %parallel_loop3A_99] : memref<1000000x64xf32, #tpu.memory_space<hbm>> -> memref<1x64xf32, #tpu.memory_space<hbm>>
        tpu.enqueue_dma source(%parallel_loop3A_100 : memref<1x64xf32, #tpu.memory_space<hbm>>) target(%parallel_loop3A_98 : memref<1x64xf32, #tpu.memory_space<vmem>>) target_semaphore(%arg10 : memref<!tpu.dma_semaphore, #tpu.memory_space<semaphore_mem>>)
        %parallel_loop3A_101 = arith.constant 2 : i32
        %parallel_loop3A_102 = vector.broadcast %parallel_loop3A_101 : i32 to vector<16xi32>
        %parallel_loop3A_103 = arith.cmpi eq, %iota3A, %parallel_loop3A_102 : vector<16xi32>
        %parallel_loop3A_104 = arith.constant 0 : i32
        %parallel_loop3A_105 = vector.broadcast %parallel_loop3A_104 : i32 to vector<16xi32>
        %parallel_loop3A_106 = arith.select %parallel_loop3A_103, %parallel_loop3A_56, %parallel_loop3A_105 : vector<16xi1>, vector<16xi32>
        %parallel_loop3A_107 = arith.constant true
        %parallel_loop3A_108 = vector.broadcast %parallel_loop3A_107 : i1 to vector<16xi1>
        %parallel_loop3A_109 = tpu.scan <sum>, %parallel_loop3A_106 masked %parallel_loop3A_108 : vector<16xi32>, vector<16xi1> -> vector<16xi32>
        %parallel_loop3A_110 = vector.extract %parallel_loop3A_109[15] : i32 from vector<16xi32>
        %parallel_loop3A_111 = arith.constant 16 : i32
        %parallel_loop3A_112 = arith.muli %parallel_loop3A_52, %parallel_loop3A_111 : i32
        %parallel_loop3A_113 = arith.constant 2 : i32
        %parallel_loop3A_114 = arith.addi %parallel_loop3A_112, %parallel_loop3A_113 : i32
        %parallel_loop3A_115 = arith.constant 0 : i32
        %parallel_loop3A_116 = tpu.memref_slice %arg8[%parallel_loop3A_114, %parallel_loop3A_115] : memref<320x64xf32, #tpu.memory_space<vmem>> -> memref<1x64xf32, #tpu.memory_space<vmem>>
        %parallel_loop3A_117 = arith.constant 0 : i32
        %parallel_loop3A_118 = tpu.memref_slice %arg3[%parallel_loop3A_110, %parallel_loop3A_117] : memref<1000000x64xf32, #tpu.memory_space<hbm>> -> memref<1x64xf32, #tpu.memory_space<hbm>>
        %parallel_loop3A_119 = arith.constant 0 : i32
        %parallel_loop3A_120 = tpu.memref_slice %arg8[%parallel_loop3A_114, %parallel_loop3A_119] : memref<320x64xf32, #tpu.memory_space<vmem>> -> memref<1x64xf32, #tpu.memory_space<vmem>>
        %parallel_loop3A_121 = arith.constant 0 : i32
        %parallel_loop3A_122 = tpu.memref_slice %arg3[%parallel_loop3A_110, %parallel_loop3A_121] : memref<1000000x64xf32, #tpu.memory_space<hbm>> -> memref<1x64xf32, #tpu.memory_space<hbm>>
        tpu.enqueue_dma source(%parallel_loop3A_122 : memref<1x64xf32, #tpu.memory_space<hbm>>) target(%parallel_loop3A_120 : memref<1x64xf32, #tpu.memory_space<vmem>>) target_semaphore(%arg10 : memref<!tpu.dma_semaphore, #tpu.memory_space<semaphore_mem>>)
        %parallel_loop3A_123 = arith.constant 3 : i32
        %parallel_loop3A_124 = vector.broadcast %parallel_loop3A_123 : i32 to vector<16xi32>
        %parallel_loop3A_125 = arith.cmpi eq, %iota3A, %parallel_loop3A_124 : vector<16xi32>
        %parallel_loop3A_126 = arith.constant 0 : i32
        %parallel_loop3A_127 = vector.broadcast %parallel_loop3A_126 : i32 to vector<16xi32>
        %parallel_loop3A_128 = arith.select %parallel_loop3A_125, %parallel_loop3A_56, %parallel_loop3A_127 : vector<16xi1>, vector<16xi32>
        %parallel_loop3A_129 = arith.constant true
        %parallel_loop3A_130 = vector.broadcast %parallel_loop3A_129 : i1 to vector<16xi1>
        %parallel_loop3A_131 = tpu.scan <sum>, %parallel_loop3A_128 masked %parallel_loop3A_130 : vector<16xi32>, vector<16xi1> -> vector<16xi32>
        %parallel_loop3A_132 = vector.extract %parallel_loop3A_131[15] : i32 from vector<16xi32>
        %parallel_loop3A_133 = arith.constant 16 : i32
        %parallel_loop3A_134 = arith.muli %parallel_loop3A_52, %parallel_loop3A_133 : i32
        %parallel_loop3A_135 = arith.constant 3 : i32
        %parallel_loop3A_136 = arith.addi %parallel_loop3A_134, %parallel_loop3A_135 : i32
        %parallel_loop3A_137 = arith.constant 0 : i32
        %parallel_loop3A_138 = tpu.memref_slice %arg8[%parallel_loop3A_136, %parallel_loop3A_137] : memref<320x64xf32, #tpu.memory_space<vmem>> -> memref<1x64xf32, #tpu.memory_space<vmem>>
        %parallel_loop3A_139 = arith.constant 0 : i32
        %parallel_loop3A_140 = tpu.memref_slice %arg3[%parallel_loop3A_132, %parallel_loop3A_139] : memref<1000000x64xf32, #tpu.memory_space<hbm>> -> memref<1x64xf32, #tpu.memory_space<hbm>>
        %parallel_loop3A_141 = arith.constant 0 : i32
        %parallel_loop3A_142 = tpu.memref_slice %arg8[%parallel_loop3A_136, %parallel_loop3A_141] : memref<320x64xf32, #tpu.memory_space<vmem>> -> memref<1x64xf32, #tpu.memory_space<vmem>>
        %parallel_loop3A_143 = arith.constant 0 : i32
        %parallel_loop3A_144 = tpu.memref_slice %arg3[%parallel_loop3A_132, %parallel_loop3A_143] : memref<1000000x64xf32, #tpu.memory_space<hbm>> -> memref<1x64xf32, #tpu.memory_space<hbm>>
        tpu.enqueue_dma source(%parallel_loop3A_144 : memref<1x64xf32, #tpu.memory_space<hbm>>) target(%parallel_loop3A_142 : memref<1x64xf32, #tpu.memory_space<vmem>>) target_semaphore(%arg10 : memref<!tpu.dma_semaphore, #tpu.memory_space<semaphore_mem>>)
        %parallel_loop3A_145 = arith.constant 4 : i32
        %parallel_loop3A_146 = vector.broadcast %parallel_loop3A_145 : i32 to vector<16xi32>
        %parallel_loop3A_147 = arith.cmpi eq, %iota3A, %parallel_loop3A_146 : vector<16xi32>
        %parallel_loop3A_148 = arith.constant 0 : i32
        %parallel_loop3A_149 = vector.broadcast %parallel_loop3A_148 : i32 to vector<16xi32>
        %parallel_loop3A_150 = arith.select %parallel_loop3A_147, %parallel_loop3A_56, %parallel_loop3A_149 : vector<16xi1>, vector<16xi32>
        %parallel_loop3A_151 = arith.constant true
        %parallel_loop3A_152 = vector.broadcast %parallel_loop3A_151 : i1 to vector<16xi1>
        %parallel_loop3A_153 = tpu.scan <sum>, %parallel_loop3A_150 masked %parallel_loop3A_152 : vector<16xi32>, vector<16xi1> -> vector<16xi32>
        %parallel_loop3A_154 = vector.extract %parallel_loop3A_153[15] : i32 from vector<16xi32>
        %parallel_loop3A_155 = arith.constant 16 : i32
        %parallel_loop3A_156 = arith.muli %parallel_loop3A_52, %parallel_loop3A_155 : i32
        %parallel_loop3A_157 = arith.constant 4 : i32
        %parallel_loop3A_158 = arith.addi %parallel_loop3A_156, %parallel_loop3A_157 : i32
        %parallel_loop3A_159 = arith.constant 0 : i32
        %parallel_loop3A_160 = tpu.memref_slice %arg8[%parallel_loop3A_158, %parallel_loop3A_159] : memref<320x64xf32, #tpu.memory_space<vmem>> -> memref<1x64xf32, #tpu.memory_space<vmem>>
        %parallel_loop3A_161 = arith.constant 0 : i32
        %parallel_loop3A_162 = tpu.memref_slice %arg3[%parallel_loop3A_154, %parallel_loop3A_161] : memref<1000000x64xf32, #tpu.memory_space<hbm>> -> memref<1x64xf32, #tpu.memory_space<hbm>>
        %parallel_loop3A_163 = arith.constant 0 : i32
        %parallel_loop3A_164 = tpu.memref_slice %arg8[%parallel_loop3A_158, %parallel_loop3A_163] : memref<320x64xf32, #tpu.memory_space<vmem>> -> memref<1x64xf32, #tpu.memory_space<vmem>>
        %parallel_loop3A_165 = arith.constant 0 : i32
        %parallel_loop3A_166 = tpu.memref_slice %arg3[%parallel_loop3A_154, %parallel_loop3A_165] : memref<1000000x64xf32, #tpu.memory_space<hbm>> -> memref<1x64xf32, #tpu.memory_space<hbm>>
        tpu.enqueue_dma source(%parallel_loop3A_166 : memref<1x64xf32, #tpu.memory_space<hbm>>) target(%parallel_loop3A_164 : memref<1x64xf32, #tpu.memory_space<vmem>>) target_semaphore(%arg10 : memref<!tpu.dma_semaphore, #tpu.memory_space<semaphore_mem>>)
        %parallel_loop3A_167 = arith.constant 5 : i32
        %parallel_loop3A_168 = vector.broadcast %parallel_loop3A_167 : i32 to vector<16xi32>
        %parallel_loop3A_169 = arith.cmpi eq, %iota3A, %parallel_loop3A_168 : vector<16xi32>
        %parallel_loop3A_170 = arith.constant 0 : i32
        %parallel_loop3A_171 = vector.broadcast %parallel_loop3A_170 : i32 to vector<16xi32>
        %parallel_loop3A_172 = arith.select %parallel_loop3A_169, %parallel_loop3A_56, %parallel_loop3A_171 : vector<16xi1>, vector<16xi32>
        %parallel_loop3A_173 = arith.constant true
        %parallel_loop3A_174 = vector.broadcast %parallel_loop3A_173 : i1 to vector<16xi1>
        %parallel_loop3A_175 = tpu.scan <sum>, %parallel_loop3A_172 masked %parallel_loop3A_174 : vector<16xi32>, vector<16xi1> -> vector<16xi32>
        %parallel_loop3A_176 = vector.extract %parallel_loop3A_175[15] : i32 from vector<16xi32>
        %parallel_loop3A_177 = arith.constant 16 : i32
        %parallel_loop3A_178 = arith.muli %parallel_loop3A_52, %parallel_loop3A_177 : i32
        %parallel_loop3A_179 = arith.constant 5 : i32
        %parallel_loop3A_180 = arith.addi %parallel_loop3A_178, %parallel_loop3A_179 : i32
        %parallel_loop3A_181 = arith.constant 0 : i32
        %parallel_loop3A_182 = tpu.memref_slice %arg8[%parallel_loop3A_180, %parallel_loop3A_181] : memref<320x64xf32, #tpu.memory_space<vmem>> -> memref<1x64xf32, #tpu.memory_space<vmem>>
        %parallel_loop3A_183 = arith.constant 0 : i32
        %parallel_loop3A_184 = tpu.memref_slice %arg3[%parallel_loop3A_176, %parallel_loop3A_183] : memref<1000000x64xf32, #tpu.memory_space<hbm>> -> memref<1x64xf32, #tpu.memory_space<hbm>>
        %parallel_loop3A_185 = arith.constant 0 : i32
        %parallel_loop3A_186 = tpu.memref_slice %arg8[%parallel_loop3A_180, %parallel_loop3A_185] : memref<320x64xf32, #tpu.memory_space<vmem>> -> memref<1x64xf32, #tpu.memory_space<vmem>>
        %parallel_loop3A_187 = arith.constant 0 : i32
        %parallel_loop3A_188 = tpu.memref_slice %arg3[%parallel_loop3A_176, %parallel_loop3A_187] : memref<1000000x64xf32, #tpu.memory_space<hbm>> -> memref<1x64xf32, #tpu.memory_space<hbm>>
        tpu.enqueue_dma source(%parallel_loop3A_188 : memref<1x64xf32, #tpu.memory_space<hbm>>) target(%parallel_loop3A_186 : memref<1x64xf32, #tpu.memory_space<vmem>>) target_semaphore(%arg10 : memref<!tpu.dma_semaphore, #tpu.memory_space<semaphore_mem>>)
        %parallel_loop3A_189 = arith.constant 6 : i32
        %parallel_loop3A_190 = vector.broadcast %parallel_loop3A_189 : i32 to vector<16xi32>
        %parallel_loop3A_191 = arith.cmpi eq, %iota3A, %parallel_loop3A_190 : vector<16xi32>
        %parallel_loop3A_192 = arith.constant 0 : i32
        %parallel_loop3A_193 = vector.broadcast %parallel_loop3A_192 : i32 to vector<16xi32>
        %parallel_loop3A_194 = arith.select %parallel_loop3A_191, %parallel_loop3A_56, %parallel_loop3A_193 : vector<16xi1>, vector<16xi32>
        %parallel_loop3A_195 = arith.constant true
        %parallel_loop3A_196 = vector.broadcast %parallel_loop3A_195 : i1 to vector<16xi1>
        %parallel_loop3A_197 = tpu.scan <sum>, %parallel_loop3A_194 masked %parallel_loop3A_196 : vector<16xi32>, vector<16xi1> -> vector<16xi32>
        %parallel_loop3A_198 = vector.extract %parallel_loop3A_197[15] : i32 from vector<16xi32>
        %parallel_loop3A_199 = arith.constant 16 : i32
        %parallel_loop3A_200 = arith.muli %parallel_loop3A_52, %parallel_loop3A_199 : i32
        %parallel_loop3A_201 = arith.constant 6 : i32
        %parallel_loop3A_202 = arith.addi %parallel_loop3A_200, %parallel_loop3A_201 : i32
        %parallel_loop3A_203 = arith.constant 0 : i32
        %parallel_loop3A_204 = tpu.memref_slice %arg8[%parallel_loop3A_202, %parallel_loop3A_203] : memref<320x64xf32, #tpu.memory_space<vmem>> -> memref<1x64xf32, #tpu.memory_space<vmem>>
        %parallel_loop3A_205 = arith.constant 0 : i32
        %parallel_loop3A_206 = tpu.memref_slice %arg3[%parallel_loop3A_198, %parallel_loop3A_205] : memref<1000000x64xf32, #tpu.memory_space<hbm>> -> memref<1x64xf32, #tpu.memory_space<hbm>>
        %parallel_loop3A_207 = arith.constant 0 : i32
        %parallel_loop3A_208 = tpu.memref_slice %arg8[%parallel_loop3A_202, %parallel_loop3A_207] : memref<320x64xf32, #tpu.memory_space<vmem>> -> memref<1x64xf32, #tpu.memory_space<vmem>>
        %parallel_loop3A_209 = arith.constant 0 : i32
        %parallel_loop3A_210 = tpu.memref_slice %arg3[%parallel_loop3A_198, %parallel_loop3A_209] : memref<1000000x64xf32, #tpu.memory_space<hbm>> -> memref<1x64xf32, #tpu.memory_space<hbm>>
        tpu.enqueue_dma source(%parallel_loop3A_210 : memref<1x64xf32, #tpu.memory_space<hbm>>) target(%parallel_loop3A_208 : memref<1x64xf32, #tpu.memory_space<vmem>>) target_semaphore(%arg10 : memref<!tpu.dma_semaphore, #tpu.memory_space<semaphore_mem>>)
        %parallel_loop3A_211 = arith.constant 7 : i32
        %parallel_loop3A_212 = vector.broadcast %parallel_loop3A_211 : i32 to vector<16xi32>
        %parallel_loop3A_213 = arith.cmpi eq, %iota3A, %parallel_loop3A_212 : vector<16xi32>
        %parallel_loop3A_214 = arith.constant 0 : i32
        %parallel_loop3A_215 = vector.broadcast %parallel_loop3A_214 : i32 to vector<16xi32>
        %parallel_loop3A_216 = arith.select %parallel_loop3A_213, %parallel_loop3A_56, %parallel_loop3A_215 : vector<16xi1>, vector<16xi32>
        %parallel_loop3A_217 = arith.constant true
        %parallel_loop3A_218 = vector.broadcast %parallel_loop3A_217 : i1 to vector<16xi1>
        %parallel_loop3A_219 = tpu.scan <sum>, %parallel_loop3A_216 masked %parallel_loop3A_218 : vector<16xi32>, vector<16xi1> -> vector<16xi32>
        %parallel_loop3A_220 = vector.extract %parallel_loop3A_219[15] : i32 from vector<16xi32>
        %parallel_loop3A_221 = arith.constant 16 : i32
        %parallel_loop3A_222 = arith.muli %parallel_loop3A_52, %parallel_loop3A_221 : i32
        %parallel_loop3A_223 = arith.constant 7 : i32
        %parallel_loop3A_224 = arith.addi %parallel_loop3A_222, %parallel_loop3A_223 : i32
        %parallel_loop3A_225 = arith.constant 0 : i32
        %parallel_loop3A_226 = tpu.memref_slice %arg8[%parallel_loop3A_224, %parallel_loop3A_225] : memref<320x64xf32, #tpu.memory_space<vmem>> -> memref<1x64xf32, #tpu.memory_space<vmem>>
        %parallel_loop3A_227 = arith.constant 0 : i32
        %parallel_loop3A_228 = tpu.memref_slice %arg3[%parallel_loop3A_220, %parallel_loop3A_227] : memref<1000000x64xf32, #tpu.memory_space<hbm>> -> memref<1x64xf32, #tpu.memory_space<hbm>>
        %parallel_loop3A_229 = arith.constant 0 : i32
        %parallel_loop3A_230 = tpu.memref_slice %arg8[%parallel_loop3A_224, %parallel_loop3A_229] : memref<320x64xf32, #tpu.memory_space<vmem>> -> memref<1x64xf32, #tpu.memory_space<vmem>>
        %parallel_loop3A_231 = arith.constant 0 : i32
        %parallel_loop3A_232 = tpu.memref_slice %arg3[%parallel_loop3A_220, %parallel_loop3A_231] : memref<1000000x64xf32, #tpu.memory_space<hbm>> -> memref<1x64xf32, #tpu.memory_space<hbm>>
        tpu.enqueue_dma source(%parallel_loop3A_232 : memref<1x64xf32, #tpu.memory_space<hbm>>) target(%parallel_loop3A_230 : memref<1x64xf32, #tpu.memory_space<vmem>>) target_semaphore(%arg10 : memref<!tpu.dma_semaphore, #tpu.memory_space<semaphore_mem>>)
        %parallel_loop3A_233 = arith.constant 8 : i32
        %parallel_loop3A_234 = vector.broadcast %parallel_loop3A_233 : i32 to vector<16xi32>
        %parallel_loop3A_235 = arith.cmpi eq, %iota3A, %parallel_loop3A_234 : vector<16xi32>
        %parallel_loop3A_236 = arith.constant 0 : i32
        %parallel_loop3A_237 = vector.broadcast %parallel_loop3A_236 : i32 to vector<16xi32>
        %parallel_loop3A_238 = arith.select %parallel_loop3A_235, %parallel_loop3A_56, %parallel_loop3A_237 : vector<16xi1>, vector<16xi32>
        %parallel_loop3A_239 = arith.constant true
        %parallel_loop3A_240 = vector.broadcast %parallel_loop3A_239 : i1 to vector<16xi1>
        %parallel_loop3A_241 = tpu.scan <sum>, %parallel_loop3A_238 masked %parallel_loop3A_240 : vector<16xi32>, vector<16xi1> -> vector<16xi32>
        %parallel_loop3A_242 = vector.extract %parallel_loop3A_241[15] : i32 from vector<16xi32>
        %parallel_loop3A_243 = arith.constant 16 : i32
        %parallel_loop3A_244 = arith.muli %parallel_loop3A_52, %parallel_loop3A_243 : i32
        %parallel_loop3A_245 = arith.constant 8 : i32
        %parallel_loop3A_246 = arith.addi %parallel_loop3A_244, %parallel_loop3A_245 : i32
        %parallel_loop3A_247 = arith.constant 0 : i32
        %parallel_loop3A_248 = tpu.memref_slice %arg8[%parallel_loop3A_246, %parallel_loop3A_247] : memref<320x64xf32, #tpu.memory_space<vmem>> -> memref<1x64xf32, #tpu.memory_space<vmem>>
        %parallel_loop3A_249 = arith.constant 0 : i32
        %parallel_loop3A_250 = tpu.memref_slice %arg3[%parallel_loop3A_242, %parallel_loop3A_249] : memref<1000000x64xf32, #tpu.memory_space<hbm>> -> memref<1x64xf32, #tpu.memory_space<hbm>>
        %parallel_loop3A_251 = arith.constant 0 : i32
        %parallel_loop3A_252 = tpu.memref_slice %arg8[%parallel_loop3A_246, %parallel_loop3A_251] : memref<320x64xf32, #tpu.memory_space<vmem>> -> memref<1x64xf32, #tpu.memory_space<vmem>>
        %parallel_loop3A_253 = arith.constant 0 : i32
        %parallel_loop3A_254 = tpu.memref_slice %arg3[%parallel_loop3A_242, %parallel_loop3A_253] : memref<1000000x64xf32, #tpu.memory_space<hbm>> -> memref<1x64xf32, #tpu.memory_space<hbm>>
        tpu.enqueue_dma source(%parallel_loop3A_254 : memref<1x64xf32, #tpu.memory_space<hbm>>) target(%parallel_loop3A_252 : memref<1x64xf32, #tpu.memory_space<vmem>>) target_semaphore(%arg10 : memref<!tpu.dma_semaphore, #tpu.memory_space<semaphore_mem>>)
        %parallel_loop3A_255 = arith.constant 9 : i32
        %parallel_loop3A_256 = vector.broadcast %parallel_loop3A_255 : i32 to vector<16xi32>
        %parallel_loop3A_257 = arith.cmpi eq, %iota3A, %parallel_loop3A_256 : vector<16xi32>
        %parallel_loop3A_258 = arith.constant 0 : i32
        %parallel_loop3A_259 = vector.broadcast %parallel_loop3A_258 : i32 to vector<16xi32>
        %parallel_loop3A_260 = arith.select %parallel_loop3A_257, %parallel_loop3A_56, %parallel_loop3A_259 : vector<16xi1>, vector<16xi32>
        %parallel_loop3A_261 = arith.constant true
        %parallel_loop3A_262 = vector.broadcast %parallel_loop3A_261 : i1 to vector<16xi1>
        %parallel_loop3A_263 = tpu.scan <sum>, %parallel_loop3A_260 masked %parallel_loop3A_262 : vector<16xi32>, vector<16xi1> -> vector<16xi32>
        %parallel_loop3A_264 = vector.extract %parallel_loop3A_263[15] : i32 from vector<16xi32>
        %parallel_loop3A_265 = arith.constant 16 : i32
        %parallel_loop3A_266 = arith.muli %parallel_loop3A_52, %parallel_loop3A_265 : i32
        %parallel_loop3A_267 = arith.constant 9 : i32
        %parallel_loop3A_268 = arith.addi %parallel_loop3A_266, %parallel_loop3A_267 : i32
        %parallel_loop3A_269 = arith.constant 0 : i32
        %parallel_loop3A_270 = tpu.memref_slice %arg8[%parallel_loop3A_268, %parallel_loop3A_269] : memref<320x64xf32, #tpu.memory_space<vmem>> -> memref<1x64xf32, #tpu.memory_space<vmem>>
        %parallel_loop3A_271 = arith.constant 0 : i32
        %parallel_loop3A_272 = tpu.memref_slice %arg3[%parallel_loop3A_264, %parallel_loop3A_271] : memref<1000000x64xf32, #tpu.memory_space<hbm>> -> memref<1x64xf32, #tpu.memory_space<hbm>>
        %parallel_loop3A_273 = arith.constant 0 : i32
        %parallel_loop3A_274 = tpu.memref_slice %arg8[%parallel_loop3A_268, %parallel_loop3A_273] : memref<320x64xf32, #tpu.memory_space<vmem>> -> memref<1x64xf32, #tpu.memory_space<vmem>>
        %parallel_loop3A_275 = arith.constant 0 : i32
        %parallel_loop3A_276 = tpu.memref_slice %arg3[%parallel_loop3A_264, %parallel_loop3A_275] : memref<1000000x64xf32, #tpu.memory_space<hbm>> -> memref<1x64xf32, #tpu.memory_space<hbm>>
        tpu.enqueue_dma source(%parallel_loop3A_276 : memref<1x64xf32, #tpu.memory_space<hbm>>) target(%parallel_loop3A_274 : memref<1x64xf32, #tpu.memory_space<vmem>>) target_semaphore(%arg10 : memref<!tpu.dma_semaphore, #tpu.memory_space<semaphore_mem>>)
        %parallel_loop3A_277 = arith.constant 10 : i32
        %parallel_loop3A_278 = vector.broadcast %parallel_loop3A_277 : i32 to vector<16xi32>
        %parallel_loop3A_279 = arith.cmpi eq, %iota3A, %parallel_loop3A_278 : vector<16xi32>
        %parallel_loop3A_280 = arith.constant 0 : i32
        %parallel_loop3A_281 = vector.broadcast %parallel_loop3A_280 : i32 to vector<16xi32>
        %parallel_loop3A_282 = arith.select %parallel_loop3A_279, %parallel_loop3A_56, %parallel_loop3A_281 : vector<16xi1>, vector<16xi32>
        %parallel_loop3A_283 = arith.constant true
        %parallel_loop3A_284 = vector.broadcast %parallel_loop3A_283 : i1 to vector<16xi1>
        %parallel_loop3A_285 = tpu.scan <sum>, %parallel_loop3A_282 masked %parallel_loop3A_284 : vector<16xi32>, vector<16xi1> -> vector<16xi32>
        %parallel_loop3A_286 = vector.extract %parallel_loop3A_285[15] : i32 from vector<16xi32>
        %parallel_loop3A_287 = arith.constant 16 : i32
        %parallel_loop3A_288 = arith.muli %parallel_loop3A_52, %parallel_loop3A_287 : i32
        %parallel_loop3A_289 = arith.constant 10 : i32
        %parallel_loop3A_290 = arith.addi %parallel_loop3A_288, %parallel_loop3A_289 : i32
        %parallel_loop3A_291 = arith.constant 0 : i32
        %parallel_loop3A_292 = tpu.memref_slice %arg8[%parallel_loop3A_290, %parallel_loop3A_291] : memref<320x64xf32, #tpu.memory_space<vmem>> -> memref<1x64xf32, #tpu.memory_space<vmem>>
        %parallel_loop3A_293 = arith.constant 0 : i32
        %parallel_loop3A_294 = tpu.memref_slice %arg3[%parallel_loop3A_286, %parallel_loop3A_293] : memref<1000000x64xf32, #tpu.memory_space<hbm>> -> memref<1x64xf32, #tpu.memory_space<hbm>>
        %parallel_loop3A_295 = arith.constant 0 : i32
        %parallel_loop3A_296 = tpu.memref_slice %arg8[%parallel_loop3A_290, %parallel_loop3A_295] : memref<320x64xf32, #tpu.memory_space<vmem>> -> memref<1x64xf32, #tpu.memory_space<vmem>>
        %parallel_loop3A_297 = arith.constant 0 : i32
        %parallel_loop3A_298 = tpu.memref_slice %arg3[%parallel_loop3A_286, %parallel_loop3A_297] : memref<1000000x64xf32, #tpu.memory_space<hbm>> -> memref<1x64xf32, #tpu.memory_space<hbm>>
        tpu.enqueue_dma source(%parallel_loop3A_298 : memref<1x64xf32, #tpu.memory_space<hbm>>) target(%parallel_loop3A_296 : memref<1x64xf32, #tpu.memory_space<vmem>>) target_semaphore(%arg10 : memref<!tpu.dma_semaphore, #tpu.memory_space<semaphore_mem>>)
        %parallel_loop3A_299 = arith.constant 11 : i32
        %parallel_loop3A_300 = vector.broadcast %parallel_loop3A_299 : i32 to vector<16xi32>
        %parallel_loop3A_301 = arith.cmpi eq, %iota3A, %parallel_loop3A_300 : vector<16xi32>
        %parallel_loop3A_302 = arith.constant 0 : i32
        %parallel_loop3A_303 = vector.broadcast %parallel_loop3A_302 : i32 to vector<16xi32>
        %parallel_loop3A_304 = arith.select %parallel_loop3A_301, %parallel_loop3A_56, %parallel_loop3A_303 : vector<16xi1>, vector<16xi32>
        %parallel_loop3A_305 = arith.constant true
        %parallel_loop3A_306 = vector.broadcast %parallel_loop3A_305 : i1 to vector<16xi1>
        %parallel_loop3A_307 = tpu.scan <sum>, %parallel_loop3A_304 masked %parallel_loop3A_306 : vector<16xi32>, vector<16xi1> -> vector<16xi32>
        %parallel_loop3A_308 = vector.extract %parallel_loop3A_307[15] : i32 from vector<16xi32>
        %parallel_loop3A_309 = arith.constant 16 : i32
        %parallel_loop3A_310 = arith.muli %parallel_loop3A_52, %parallel_loop3A_309 : i32
        %parallel_loop3A_311 = arith.constant 11 : i32
        %parallel_loop3A_312 = arith.addi %parallel_loop3A_310, %parallel_loop3A_311 : i32
        %parallel_loop3A_313 = arith.constant 0 : i32
        %parallel_loop3A_314 = tpu.memref_slice %arg8[%parallel_loop3A_312, %parallel_loop3A_313] : memref<320x64xf32, #tpu.memory_space<vmem>> -> memref<1x64xf32, #tpu.memory_space<vmem>>
        %parallel_loop3A_315 = arith.constant 0 : i32
        %parallel_loop3A_316 = tpu.memref_slice %arg3[%parallel_loop3A_308, %parallel_loop3A_315] : memref<1000000x64xf32, #tpu.memory_space<hbm>> -> memref<1x64xf32, #tpu.memory_space<hbm>>
        %parallel_loop3A_317 = arith.constant 0 : i32
        %parallel_loop3A_318 = tpu.memref_slice %arg8[%parallel_loop3A_312, %parallel_loop3A_317] : memref<320x64xf32, #tpu.memory_space<vmem>> -> memref<1x64xf32, #tpu.memory_space<vmem>>
        %parallel_loop3A_319 = arith.constant 0 : i32
        %parallel_loop3A_320 = tpu.memref_slice %arg3[%parallel_loop3A_308, %parallel_loop3A_319] : memref<1000000x64xf32, #tpu.memory_space<hbm>> -> memref<1x64xf32, #tpu.memory_space<hbm>>
        tpu.enqueue_dma source(%parallel_loop3A_320 : memref<1x64xf32, #tpu.memory_space<hbm>>) target(%parallel_loop3A_318 : memref<1x64xf32, #tpu.memory_space<vmem>>) target_semaphore(%arg10 : memref<!tpu.dma_semaphore, #tpu.memory_space<semaphore_mem>>)
        %parallel_loop3A_321 = arith.constant 12 : i32
        %parallel_loop3A_322 = vector.broadcast %parallel_loop3A_321 : i32 to vector<16xi32>
        %parallel_loop3A_323 = arith.cmpi eq, %iota3A, %parallel_loop3A_322 : vector<16xi32>
        %parallel_loop3A_324 = arith.constant 0 : i32
        %parallel_loop3A_325 = vector.broadcast %parallel_loop3A_324 : i32 to vector<16xi32>
        %parallel_loop3A_326 = arith.select %parallel_loop3A_323, %parallel_loop3A_56, %parallel_loop3A_325 : vector<16xi1>, vector<16xi32>
        %parallel_loop3A_327 = arith.constant true
        %parallel_loop3A_328 = vector.broadcast %parallel_loop3A_327 : i1 to vector<16xi1>
        %parallel_loop3A_329 = tpu.scan <sum>, %parallel_loop3A_326 masked %parallel_loop3A_328 : vector<16xi32>, vector<16xi1> -> vector<16xi32>
        %parallel_loop3A_330 = vector.extract %parallel_loop3A_329[15] : i32 from vector<16xi32>
        %parallel_loop3A_331 = arith.constant 16 : i32
        %parallel_loop3A_332 = arith.muli %parallel_loop3A_52, %parallel_loop3A_331 : i32
        %parallel_loop3A_333 = arith.constant 12 : i32
        %parallel_loop3A_334 = arith.addi %parallel_loop3A_332, %parallel_loop3A_333 : i32
        %parallel_loop3A_335 = arith.constant 0 : i32
        %parallel_loop3A_336 = tpu.memref_slice %arg8[%parallel_loop3A_334, %parallel_loop3A_335] : memref<320x64xf32, #tpu.memory_space<vmem>> -> memref<1x64xf32, #tpu.memory_space<vmem>>
        %parallel_loop3A_337 = arith.constant 0 : i32
        %parallel_loop3A_338 = tpu.memref_slice %arg3[%parallel_loop3A_330, %parallel_loop3A_337] : memref<1000000x64xf32, #tpu.memory_space<hbm>> -> memref<1x64xf32, #tpu.memory_space<hbm>>
        %parallel_loop3A_339 = arith.constant 0 : i32
        %parallel_loop3A_340 = tpu.memref_slice %arg8[%parallel_loop3A_334, %parallel_loop3A_339] : memref<320x64xf32, #tpu.memory_space<vmem>> -> memref<1x64xf32, #tpu.memory_space<vmem>>
        %parallel_loop3A_341 = arith.constant 0 : i32
        %parallel_loop3A_342 = tpu.memref_slice %arg3[%parallel_loop3A_330, %parallel_loop3A_341] : memref<1000000x64xf32, #tpu.memory_space<hbm>> -> memref<1x64xf32, #tpu.memory_space<hbm>>
        tpu.enqueue_dma source(%parallel_loop3A_342 : memref<1x64xf32, #tpu.memory_space<hbm>>) target(%parallel_loop3A_340 : memref<1x64xf32, #tpu.memory_space<vmem>>) target_semaphore(%arg10 : memref<!tpu.dma_semaphore, #tpu.memory_space<semaphore_mem>>)
        %parallel_loop3A_343 = arith.constant 13 : i32
        %parallel_loop3A_344 = vector.broadcast %parallel_loop3A_343 : i32 to vector<16xi32>
        %parallel_loop3A_345 = arith.cmpi eq, %iota3A, %parallel_loop3A_344 : vector<16xi32>
        %parallel_loop3A_346 = arith.constant 0 : i32
        %parallel_loop3A_347 = vector.broadcast %parallel_loop3A_346 : i32 to vector<16xi32>
        %parallel_loop3A_348 = arith.select %parallel_loop3A_345, %parallel_loop3A_56, %parallel_loop3A_347 : vector<16xi1>, vector<16xi32>
        %parallel_loop3A_349 = arith.constant true
        %parallel_loop3A_350 = vector.broadcast %parallel_loop3A_349 : i1 to vector<16xi1>
        %parallel_loop3A_351 = tpu.scan <sum>, %parallel_loop3A_348 masked %parallel_loop3A_350 : vector<16xi32>, vector<16xi1> -> vector<16xi32>
        %parallel_loop3A_352 = vector.extract %parallel_loop3A_351[15] : i32 from vector<16xi32>
        %parallel_loop3A_353 = arith.constant 16 : i32
        %parallel_loop3A_354 = arith.muli %parallel_loop3A_52, %parallel_loop3A_353 : i32
        %parallel_loop3A_355 = arith.constant 13 : i32
        %parallel_loop3A_356 = arith.addi %parallel_loop3A_354, %parallel_loop3A_355 : i32
        %parallel_loop3A_357 = arith.constant 0 : i32
        %parallel_loop3A_358 = tpu.memref_slice %arg8[%parallel_loop3A_356, %parallel_loop3A_357] : memref<320x64xf32, #tpu.memory_space<vmem>> -> memref<1x64xf32, #tpu.memory_space<vmem>>
        %parallel_loop3A_359 = arith.constant 0 : i32
        %parallel_loop3A_360 = tpu.memref_slice %arg3[%parallel_loop3A_352, %parallel_loop3A_359] : memref<1000000x64xf32, #tpu.memory_space<hbm>> -> memref<1x64xf32, #tpu.memory_space<hbm>>
        %parallel_loop3A_361 = arith.constant 0 : i32
        %parallel_loop3A_362 = tpu.memref_slice %arg8[%parallel_loop3A_356, %parallel_loop3A_361] : memref<320x64xf32, #tpu.memory_space<vmem>> -> memref<1x64xf32, #tpu.memory_space<vmem>>
        %parallel_loop3A_363 = arith.constant 0 : i32
        %parallel_loop3A_364 = tpu.memref_slice %arg3[%parallel_loop3A_352, %parallel_loop3A_363] : memref<1000000x64xf32, #tpu.memory_space<hbm>> -> memref<1x64xf32, #tpu.memory_space<hbm>>
        tpu.enqueue_dma source(%parallel_loop3A_364 : memref<1x64xf32, #tpu.memory_space<hbm>>) target(%parallel_loop3A_362 : memref<1x64xf32, #tpu.memory_space<vmem>>) target_semaphore(%arg10 : memref<!tpu.dma_semaphore, #tpu.memory_space<semaphore_mem>>)
        %parallel_loop3A_365 = arith.constant 14 : i32
        %parallel_loop3A_366 = vector.broadcast %parallel_loop3A_365 : i32 to vector<16xi32>
        %parallel_loop3A_367 = arith.cmpi eq, %iota3A, %parallel_loop3A_366 : vector<16xi32>
        %parallel_loop3A_368 = arith.constant 0 : i32
        %parallel_loop3A_369 = vector.broadcast %parallel_loop3A_368 : i32 to vector<16xi32>
        %parallel_loop3A_370 = arith.select %parallel_loop3A_367, %parallel_loop3A_56, %parallel_loop3A_369 : vector<16xi1>, vector<16xi32>
        %parallel_loop3A_371 = arith.constant true
        %parallel_loop3A_372 = vector.broadcast %parallel_loop3A_371 : i1 to vector<16xi1>
        %parallel_loop3A_373 = tpu.scan <sum>, %parallel_loop3A_370 masked %parallel_loop3A_372 : vector<16xi32>, vector<16xi1> -> vector<16xi32>
        %parallel_loop3A_374 = vector.extract %parallel_loop3A_373[15] : i32 from vector<16xi32>
        %parallel_loop3A_375 = arith.constant 16 : i32
        %parallel_loop3A_376 = arith.muli %parallel_loop3A_52, %parallel_loop3A_375 : i32
        %parallel_loop3A_377 = arith.constant 14 : i32
        %parallel_loop3A_378 = arith.addi %parallel_loop3A_376, %parallel_loop3A_377 : i32
        %parallel_loop3A_379 = arith.constant 0 : i32
        %parallel_loop3A_380 = tpu.memref_slice %arg8[%parallel_loop3A_378, %parallel_loop3A_379] : memref<320x64xf32, #tpu.memory_space<vmem>> -> memref<1x64xf32, #tpu.memory_space<vmem>>
        %parallel_loop3A_381 = arith.constant 0 : i32
        %parallel_loop3A_382 = tpu.memref_slice %arg3[%parallel_loop3A_374, %parallel_loop3A_381] : memref<1000000x64xf32, #tpu.memory_space<hbm>> -> memref<1x64xf32, #tpu.memory_space<hbm>>
        %parallel_loop3A_383 = arith.constant 0 : i32
        %parallel_loop3A_384 = tpu.memref_slice %arg8[%parallel_loop3A_378, %parallel_loop3A_383] : memref<320x64xf32, #tpu.memory_space<vmem>> -> memref<1x64xf32, #tpu.memory_space<vmem>>
        %parallel_loop3A_385 = arith.constant 0 : i32
        %parallel_loop3A_386 = tpu.memref_slice %arg3[%parallel_loop3A_374, %parallel_loop3A_385] : memref<1000000x64xf32, #tpu.memory_space<hbm>> -> memref<1x64xf32, #tpu.memory_space<hbm>>
        tpu.enqueue_dma source(%parallel_loop3A_386 : memref<1x64xf32, #tpu.memory_space<hbm>>) target(%parallel_loop3A_384 : memref<1x64xf32, #tpu.memory_space<vmem>>) target_semaphore(%arg10 : memref<!tpu.dma_semaphore, #tpu.memory_space<semaphore_mem>>)
        %parallel_loop3A_387 = arith.constant 15 : i32
        %parallel_loop3A_388 = vector.broadcast %parallel_loop3A_387 : i32 to vector<16xi32>
        %parallel_loop3A_389 = arith.cmpi eq, %iota3A, %parallel_loop3A_388 : vector<16xi32>
        %parallel_loop3A_390 = arith.constant 0 : i32
        %parallel_loop3A_391 = vector.broadcast %parallel_loop3A_390 : i32 to vector<16xi32>
        %parallel_loop3A_392 = arith.select %parallel_loop3A_389, %parallel_loop3A_56, %parallel_loop3A_391 : vector<16xi1>, vector<16xi32>
        %parallel_loop3A_393 = arith.constant true
        %parallel_loop3A_394 = vector.broadcast %parallel_loop3A_393 : i1 to vector<16xi1>
        %parallel_loop3A_395 = tpu.scan <sum>, %parallel_loop3A_392 masked %parallel_loop3A_394 : vector<16xi32>, vector<16xi1> -> vector<16xi32>
        %parallel_loop3A_396 = vector.extract %parallel_loop3A_395[15] : i32 from vector<16xi32>
        %parallel_loop3A_397 = arith.constant 16 : i32
        %parallel_loop3A_398 = arith.muli %parallel_loop3A_52, %parallel_loop3A_397 : i32
        %parallel_loop3A_399 = arith.constant 15 : i32
        %parallel_loop3A_400 = arith.addi %parallel_loop3A_398, %parallel_loop3A_399 : i32
        %parallel_loop3A_401 = arith.constant 0 : i32
        %parallel_loop3A_402 = tpu.memref_slice %arg8[%parallel_loop3A_400, %parallel_loop3A_401] : memref<320x64xf32, #tpu.memory_space<vmem>> -> memref<1x64xf32, #tpu.memory_space<vmem>>
        %parallel_loop3A_403 = arith.constant 0 : i32
        %parallel_loop3A_404 = tpu.memref_slice %arg3[%parallel_loop3A_396, %parallel_loop3A_403] : memref<1000000x64xf32, #tpu.memory_space<hbm>> -> memref<1x64xf32, #tpu.memory_space<hbm>>
        %parallel_loop3A_405 = arith.constant 0 : i32
        %parallel_loop3A_406 = tpu.memref_slice %arg8[%parallel_loop3A_400, %parallel_loop3A_405] : memref<320x64xf32, #tpu.memory_space<vmem>> -> memref<1x64xf32, #tpu.memory_space<vmem>>
        %parallel_loop3A_407 = arith.constant 0 : i32
        %parallel_loop3A_408 = tpu.memref_slice %arg3[%parallel_loop3A_396, %parallel_loop3A_407] : memref<1000000x64xf32, #tpu.memory_space<hbm>> -> memref<1x64xf32, #tpu.memory_space<hbm>>
        tpu.enqueue_dma source(%parallel_loop3A_408 : memref<1x64xf32, #tpu.memory_space<hbm>>) target(%parallel_loop3A_406 : memref<1x64xf32, #tpu.memory_space<vmem>>) target_semaphore(%arg10 : memref<!tpu.dma_semaphore, #tpu.memory_space<semaphore_mem>>)
      } {sc.loop_unroll_factor = 2 : i64, sc.parallel_access}
      %dma_wait3A = arith.constant 0 : i32
      %dma_wait3A_23 = arith.constant 0 : i32
      %dma_wait3A_24 = tpu.memref_slice %arg3[%dma_wait3A, %dma_wait3A_23] : memref<1000000x64xf32, #tpu.memory_space<hbm>> -> memref<320x64xf32, #tpu.memory_space<hbm>>
      %dma_wait3A_25 = arith.constant 0 : i32
      %dma_wait3A_26 = arith.constant 0 : i32
      %dma_wait3A_27 = tpu.memref_slice %arg3[%dma_wait3A_25, %dma_wait3A_26] : memref<1000000x64xf32, #tpu.memory_space<hbm>> -> memref<320x64xf32, #tpu.memory_space<hbm>>
      tpu.wait_dma2 semaphore(%arg9 : memref<!tpu.dma_semaphore, #tpu.memory_space<semaphore_mem>>) src(%dma_wait3A_27 : memref<320x64xf32, #tpu.memory_space<hbm>>) dst(%arg7 : memref<320x64xf32, #tpu.memory_space<vmem>>)
      %parallel_loop3A_28 = arith.constant 0 : i32
      %parallel_loop3A_29 = arith.constant 320 : i32
      %parallel_loop3A_30 = arith.constant 1 : i32
      scf.for %parallel_loop3A_52 = %parallel_loop3A_28 to %parallel_loop3A_29 step %parallel_loop3A_30  : i32 {
        %parallel_loop3A_53 = arith.index_cast %parallel_loop3A_52 : i32 to index
        %parallel_loop3A_54 = arith.constant 0 : index
        %parallel_loop3A_55 = tpu.vector_load %arg7[%parallel_loop3A_53, %parallel_loop3A_54] {strides = array<i32>} : memref<320x64xf32, #tpu.memory_space<vmem>>, vector<16xf32>,
        %parallel_loop3A_56 = arith.constant 8.000000e+00 : f32
        %parallel_loop3A_57 = vector.broadcast %parallel_loop3A_56 : f32 to vector<16xf32>
        %parallel_loop3A_58 = arith.mulf %parallel_loop3A_55, %parallel_loop3A_57 : vector<16xf32>
        %parallel_loop3A_59 = arith.index_cast %parallel_loop3A_52 : i32 to index
        %parallel_loop3A_60 = arith.constant 0 : index
        %parallel_loop3A_61 = tpu.vector_load %arg7[%parallel_loop3A_59, %parallel_loop3A_60] {strides = array<i32>} : memref<320x64xf32, #tpu.memory_space<vmem>>, vector<16xf32>,
        tpu.vector_store %arg7[%parallel_loop3A_59, %parallel_loop3A_60], %parallel_loop3A_58 {strides = array<i32>} : memref<320x64xf32, #tpu.memory_space<vmem>>, vector<16xf32>,
        %parallel_loop3A_62 = arith.index_cast %parallel_loop3A_52 : i32 to index
        %parallel_loop3A_63 = arith.constant 16 : index
        %parallel_loop3A_64 = tpu.vector_load %arg7[%parallel_loop3A_62, %parallel_loop3A_63] {strides = array<i32>} : memref<320x64xf32, #tpu.memory_space<vmem>>, vector<16xf32>,
        %parallel_loop3A_65 = arith.constant 8.000000e+00 : f32
        %parallel_loop3A_66 = vector.broadcast %parallel_loop3A_65 : f32 to vector<16xf32>
        %parallel_loop3A_67 = arith.mulf %parallel_loop3A_64, %parallel_loop3A_66 : vector<16xf32>
        %parallel_loop3A_68 = arith.index_cast %parallel_loop3A_52 : i32 to index
        %parallel_loop3A_69 = arith.constant 16 : index
        %parallel_loop3A_70 = tpu.vector_load %arg7[%parallel_loop3A_68, %parallel_loop3A_69] {strides = array<i32>} : memref<320x64xf32, #tpu.memory_space<vmem>>, vector<16xf32>,
        tpu.vector_store %arg7[%parallel_loop3A_68, %parallel_loop3A_69], %parallel_loop3A_67 {strides = array<i32>} : memref<320x64xf32, #tpu.memory_space<vmem>>, vector<16xf32>,
        %parallel_loop3A_71 = arith.index_cast %parallel_loop3A_52 : i32 to index
        %parallel_loop3A_72 = arith.constant 32 : index
        %parallel_loop3A_73 = tpu.vector_load %arg7[%parallel_loop3A_71, %parallel_loop3A_72] {strides = array<i32>} : memref<320x64xf32, #tpu.memory_space<vmem>>, vector<16xf32>,
        %parallel_loop3A_74 = arith.constant 8.000000e+00 : f32
        %parallel_loop3A_75 = vector.broadcast %parallel_loop3A_74 : f32 to vector<16xf32>
        %parallel_loop3A_76 = arith.mulf %parallel_loop3A_73, %parallel_loop3A_75 : vector<16xf32>
        %parallel_loop3A_77 = arith.index_cast %parallel_loop3A_52 : i32 to index
        %parallel_loop3A_78 = arith.constant 32 : index
        %parallel_loop3A_79 = tpu.vector_load %arg7[%parallel_loop3A_77, %parallel_loop3A_78] {strides = array<i32>} : memref<320x64xf32, #tpu.memory_space<vmem>>, vector<16xf32>,
        tpu.vector_store %arg7[%parallel_loop3A_77, %parallel_loop3A_78], %parallel_loop3A_76 {strides = array<i32>} : memref<320x64xf32, #tpu.memory_space<vmem>>, vector<16xf32>,
        %parallel_loop3A_80 = arith.index_cast %parallel_loop3A_52 : i32 to index
        %parallel_loop3A_81 = arith.constant 48 : index
        %parallel_loop3A_82 = tpu.vector_load %arg7[%parallel_loop3A_80, %parallel_loop3A_81] {strides = array<i32>} : memref<320x64xf32, #tpu.memory_space<vmem>>, vector<16xf32>,
        %parallel_loop3A_83 = arith.constant 8.000000e+00 : f32
        %parallel_loop3A_84 = vector.broadcast %parallel_loop3A_83 : f32 to vector<16xf32>
        %parallel_loop3A_85 = arith.mulf %parallel_loop3A_82, %parallel_loop3A_84 : vector<16xf32>
        %parallel_loop3A_86 = arith.index_cast %parallel_loop3A_52 : i32 to index
        %parallel_loop3A_87 = arith.constant 48 : index
        %parallel_loop3A_88 = tpu.vector_load %arg7[%parallel_loop3A_86, %parallel_loop3A_87] {strides = array<i32>} : memref<320x64xf32, #tpu.memory_space<vmem>>, vector<16xf32>,
        tpu.vector_store %arg7[%parallel_loop3A_86, %parallel_loop3A_87], %parallel_loop3A_85 {strides = array<i32>} : memref<320x64xf32, #tpu.memory_space<vmem>>, vector<16xf32>,
      } {sc.loop_unroll_factor = 4 : i64, sc.parallel_access}
      %mul3A_31 = arith.constant 320 : i32
      %mul3A_32 = arith.muli %mul3A_14, %mul3A_31 : i32
      %add3A_33 = arith.addi %mul3A_2, %mul3A_32 : i32
      "tpu.region"() ({
        %run_scoped3A = tpu.sem_alloc : memref<!tpu.dma_semaphore, #tpu.memory_space<semaphore_mem>>
        %dma_start3A = arith.constant 0 : i32
        %dma_start3A_52 = tpu.memref_slice %arg4[%add3A_33, %dma_start3A] : memref<204800x64xf32, #tpu.memory_space<hbm>> -> memref<320x64xf32, #tpu.memory_space<hbm>>
        %dma_start3A_53 = arith.constant 0 : i32
        %dma_start3A_54 = tpu.memref_slice %arg4[%add3A_33, %dma_start3A_53] : memref<204800x64xf32, #tpu.memory_space<hbm>> -> memref<320x64xf32, #tpu.memory_space<hbm>>
        tpu.enqueue_dma source(%arg7 : memref<320x64xf32, #tpu.memory_space<vmem>>) target(%dma_start3A_54 : memref<320x64xf32, #tpu.memory_space<hbm>>) target_semaphore(%run_scoped3A : memref<!tpu.dma_semaphore, #tpu.memory_space<semaphore_mem>>)
        %dma_wait3A_55 = arith.constant 0 : i32
        %dma_wait3A_56 = tpu.memref_slice %arg4[%add3A_33, %dma_wait3A_55] : memref<204800x64xf32, #tpu.memory_space<hbm>> -> memref<320x64xf32, #tpu.memory_space<hbm>>
        %dma_wait3A_57 = arith.constant 0 : i32
        %dma_wait3A_58 = tpu.memref_slice %arg4[%add3A_33, %dma_wait3A_57] : memref<204800x64xf32, #tpu.memory_space<hbm>> -> memref<320x64xf32, #tpu.memory_space<hbm>>
        tpu.wait_dma2 semaphore(%run_scoped3A : memref<!tpu.dma_semaphore, #tpu.memory_space<semaphore_mem>>) src(%arg7 : memref<320x64xf32, #tpu.memory_space<vmem>>) dst(%dma_wait3A_58 : memref<320x64xf32, #tpu.memory_space<hbm>>)
        tpu.yield
      }) : () -> ()
      %add3A_34 = arith.constant 2 : i32
      %add3A_35 = arith.addi %mul3A_14, %add3A_34 : i32
      %lt3A = arith.constant 20 : i32
      %lt3A_36 = arith.cmpi slt, %add3A_35, %lt3A : i32
      %convert_element_type3A = arith.extui %lt3A_36 : i1 to i32
      %cond3A = arith.constant 0 : i32
      %cond3A_37 = arith.cmpi ne, %convert_element_type3A, %cond3A : i32
      scf.if %cond3A_37 {
        %add3A_52 = arith.constant 2 : i32
        %add3A_53 = arith.addi %mul3A_14, %add3A_52 : i32
        %mul3A_54 = arith.constant 320 : i32
        %mul3A_55 = arith.muli %add3A_53, %mul3A_54 : i32
        %add3A_56 = arith.addi %mul3A_2, %mul3A_55 : i32
        "tpu.region"() ({
          %run_scoped3A = tpu.sem_alloc : memref<!tpu.dma_semaphore, #tpu.memory_space<semaphore_mem>>
          %dma_start3A = tpu.memref_slice %arg2[%add3A_56] : memref<204800xi32, #tpu.memory_space<hbm>> -> memref<320xi32, #tpu.memory_space<hbm>>
          %dma_start3A_60 = tpu.memref_slice %arg2[%add3A_56] : memref<204800xi32, #tpu.memory_space<hbm>> -> memref<320xi32, #tpu.memory_space<hbm>>
          tpu.enqueue_dma source(%dma_start3A_60 : memref<320xi32, #tpu.memory_space<hbm>>) target(%arg5 : memref<320xi32, #tpu.memory_space<vmem>>) target_semaphore(%run_scoped3A : memref<!tpu.dma_semaphore, #tpu.memory_space<semaphore_mem>>)
          %dma_wait3A_61 = tpu.memref_slice %arg2[%add3A_56] : memref<204800xi32, #tpu.memory_space<hbm>> -> memref<320xi32, #tpu.memory_space<hbm>>
          %dma_wait3A_62 = tpu.memref_slice %arg2[%add3A_56] : memref<204800xi32, #tpu.memory_space<hbm>> -> memref<320xi32, #tpu.memory_space<hbm>>
          tpu.wait_dma2 semaphore(%run_scoped3A : memref<!tpu.dma_semaphore, #tpu.memory_space<semaphore_mem>>) src(%dma_wait3A_62 : memref<320xi32, #tpu.memory_space<hbm>>) dst(%arg5 : memref<320xi32, #tpu.memory_space<vmem>>)
          tpu.yield
        }) : () -> ()
        %parallel_loop3A_57 = arith.constant 0 : i32
        %parallel_loop3A_58 = arith.constant 20 : i32
        %parallel_loop3A_59 = arith.constant 1 : i32
        scf.for %parallel_loop3A_60 = %parallel_loop3A_57 to %parallel_loop3A_58 step %parallel_loop3A_59  : i32 {
          %parallel_loop3A_61 = arith.constant 16 : i32
          %parallel_loop3A_62 = arith.muli %parallel_loop3A_60, %parallel_loop3A_61 : i32
          %parallel_loop3A_63 = arith.index_cast %parallel_loop3A_62 : i32 to index
          %parallel_loop3A_64 = tpu.vector_load %arg5[%parallel_loop3A_63] {strides = array<i32>} : memref<320xi32, #tpu.memory_space<vmem>>, vector<16xi32>,
          %parallel_loop3A_65 = arith.constant 0 : i32
          %parallel_loop3A_66 = vector.broadcast %parallel_loop3A_65 : i32 to vector<16xi32>
          %parallel_loop3A_67 = arith.cmpi eq, %iota3A, %parallel_loop3A_66 : vector<16xi32>
          %parallel_loop3A_68 = arith.constant 0 : i32
          %parallel_loop3A_69 = vector.broadcast %parallel_loop3A_68 : i32 to vector<16xi32>
          %parallel_loop3A_70 = arith.select %parallel_loop3A_67, %parallel_loop3A_64, %parallel_loop3A_69 : vector<16xi1>, vector<16xi32>
          %parallel_loop3A_71 = arith.constant true
          %parallel_loop3A_72 = vector.broadcast %parallel_loop3A_71 : i1 to vector<16xi1>
          %parallel_loop3A_73 = tpu.scan <sum>, %parallel_loop3A_70 masked %parallel_loop3A_72 : vector<16xi32>, vector<16xi1> -> vector<16xi32>
          %parallel_loop3A_74 = vector.extract %parallel_loop3A_73[15] : i32 from vector<16xi32>
          %parallel_loop3A_75 = arith.constant 16 : i32
          %parallel_loop3A_76 = arith.muli %parallel_loop3A_60, %parallel_loop3A_75 : i32
          %parallel_loop3A_77 = arith.constant 0 : i32
          %parallel_loop3A_78 = arith.addi %parallel_loop3A_76, %parallel_loop3A_77 : i32
          %parallel_loop3A_79 = arith.constant 0 : i32
          %parallel_loop3A_80 = tpu.memref_slice %arg7[%parallel_loop3A_78, %parallel_loop3A_79] : memref<320x64xf32, #tpu.memory_space<vmem>> -> memref<1x64xf32, #tpu.memory_space<vmem>>
          %parallel_loop3A_81 = arith.constant 0 : i32
          %parallel_loop3A_82 = tpu.memref_slice %arg3[%parallel_loop3A_74, %parallel_loop3A_81] : memref<1000000x64xf32, #tpu.memory_space<hbm>> -> memref<1x64xf32, #tpu.memory_space<hbm>>
          %parallel_loop3A_83 = arith.constant 0 : i32
          %parallel_loop3A_84 = tpu.memref_slice %arg7[%parallel_loop3A_78, %parallel_loop3A_83] : memref<320x64xf32, #tpu.memory_space<vmem>> -> memref<1x64xf32, #tpu.memory_space<vmem>>
          %parallel_loop3A_85 = arith.constant 0 : i32
          %parallel_loop3A_86 = tpu.memref_slice %arg3[%parallel_loop3A_74, %parallel_loop3A_85] : memref<1000000x64xf32, #tpu.memory_space<hbm>> -> memref<1x64xf32, #tpu.memory_space<hbm>>
          tpu.enqueue_dma source(%parallel_loop3A_86 : memref<1x64xf32, #tpu.memory_space<hbm>>) target(%parallel_loop3A_84 : memref<1x64xf32, #tpu.memory_space<vmem>>) target_semaphore(%arg9 : memref<!tpu.dma_semaphore, #tpu.memory_space<semaphore_mem>>)
          %parallel_loop3A_87 = arith.constant 1 : i32
          %parallel_loop3A_88 = vector.broadcast %parallel_loop3A_87 : i32 to vector<16xi32>
          %parallel_loop3A_89 = arith.cmpi eq, %iota3A, %parallel_loop3A_88 : vector<16xi32>
          %parallel_loop3A_90 = arith.constant 0 : i32
          %parallel_loop3A_91 = vector.broadcast %parallel_loop3A_90 : i32 to vector<16xi32>
          %parallel_loop3A_92 = arith.select %parallel_loop3A_89, %parallel_loop3A_64, %parallel_loop3A_91 : vector<16xi1>, vector<16xi32>
          %parallel_loop3A_93 = arith.constant true
          %parallel_loop3A_94 = vector.broadcast %parallel_loop3A_93 : i1 to vector<16xi1>
          %parallel_loop3A_95 = tpu.scan <sum>, %parallel_loop3A_92 masked %parallel_loop3A_94 : vector<16xi32>, vector<16xi1> -> vector<16xi32>
          %parallel_loop3A_96 = vector.extract %parallel_loop3A_95[15] : i32 from vector<16xi32>
          %parallel_loop3A_97 = arith.constant 16 : i32
          %parallel_loop3A_98 = arith.muli %parallel_loop3A_60, %parallel_loop3A_97 : i32
          %parallel_loop3A_99 = arith.constant 1 : i32
          %parallel_loop3A_100 = arith.addi %parallel_loop3A_98, %parallel_loop3A_99 : i32
          %parallel_loop3A_101 = arith.constant 0 : i32
          %parallel_loop3A_102 = tpu.memref_slice %arg7[%parallel_loop3A_100, %parallel_loop3A_101] : memref<320x64xf32, #tpu.memory_space<vmem>> -> memref<1x64xf32, #tpu.memory_space<vmem>>
          %parallel_loop3A_103 = arith.constant 0 : i32
          %parallel_loop3A_104 = tpu.memref_slice %arg3[%parallel_loop3A_96, %parallel_loop3A_103] : memref<1000000x64xf32, #tpu.memory_space<hbm>> -> memref<1x64xf32, #tpu.memory_space<hbm>>
          %parallel_loop3A_105 = arith.constant 0 : i32
          %parallel_loop3A_106 = tpu.memref_slice %arg7[%parallel_loop3A_100, %parallel_loop3A_105] : memref<320x64xf32, #tpu.memory_space<vmem>> -> memref<1x64xf32, #tpu.memory_space<vmem>>
          %parallel_loop3A_107 = arith.constant 0 : i32
          %parallel_loop3A_108 = tpu.memref_slice %arg3[%parallel_loop3A_96, %parallel_loop3A_107] : memref<1000000x64xf32, #tpu.memory_space<hbm>> -> memref<1x64xf32, #tpu.memory_space<hbm>>
          tpu.enqueue_dma source(%parallel_loop3A_108 : memref<1x64xf32, #tpu.memory_space<hbm>>) target(%parallel_loop3A_106 : memref<1x64xf32, #tpu.memory_space<vmem>>) target_semaphore(%arg9 : memref<!tpu.dma_semaphore, #tpu.memory_space<semaphore_mem>>)
          %parallel_loop3A_109 = arith.constant 2 : i32
          %parallel_loop3A_110 = vector.broadcast %parallel_loop3A_109 : i32 to vector<16xi32>
          %parallel_loop3A_111 = arith.cmpi eq, %iota3A, %parallel_loop3A_110 : vector<16xi32>
          %parallel_loop3A_112 = arith.constant 0 : i32
          %parallel_loop3A_113 = vector.broadcast %parallel_loop3A_112 : i32 to vector<16xi32>
          %parallel_loop3A_114 = arith.select %parallel_loop3A_111, %parallel_loop3A_64, %parallel_loop3A_113 : vector<16xi1>, vector<16xi32>
          %parallel_loop3A_115 = arith.constant true
          %parallel_loop3A_116 = vector.broadcast %parallel_loop3A_115 : i1 to vector<16xi1>
          %parallel_loop3A_117 = tpu.scan <sum>, %parallel_loop3A_114 masked %parallel_loop3A_116 : vector<16xi32>, vector<16xi1> -> vector<16xi32>
          %parallel_loop3A_118 = vector.extract %parallel_loop3A_117[15] : i32 from vector<16xi32>
          %parallel_loop3A_119 = arith.constant 16 : i32
          %parallel_loop3A_120 = arith.muli %parallel_loop3A_60, %parallel_loop3A_119 : i32
          %parallel_loop3A_121 = arith.constant 2 : i32
          %parallel_loop3A_122 = arith.addi %parallel_loop3A_120, %parallel_loop3A_121 : i32
          %parallel_loop3A_123 = arith.constant 0 : i32
          %parallel_loop3A_124 = tpu.memref_slice %arg7[%parallel_loop3A_122, %parallel_loop3A_123] : memref<320x64xf32, #tpu.memory_space<vmem>> -> memref<1x64xf32, #tpu.memory_space<vmem>>
          %parallel_loop3A_125 = arith.constant 0 : i32
          %parallel_loop3A_126 = tpu.memref_slice %arg3[%parallel_loop3A_118, %parallel_loop3A_125] : memref<1000000x64xf32, #tpu.memory_space<hbm>> -> memref<1x64xf32, #tpu.memory_space<hbm>>
          %parallel_loop3A_127 = arith.constant 0 : i32
          %parallel_loop3A_128 = tpu.memref_slice %arg7[%parallel_loop3A_122, %parallel_loop3A_127] : memref<320x64xf32, #tpu.memory_space<vmem>> -> memref<1x64xf32, #tpu.memory_space<vmem>>
          %parallel_loop3A_129 = arith.constant 0 : i32
          %parallel_loop3A_130 = tpu.memref_slice %arg3[%parallel_loop3A_118, %parallel_loop3A_129] : memref<1000000x64xf32, #tpu.memory_space<hbm>> -> memref<1x64xf32, #tpu.memory_space<hbm>>
          tpu.enqueue_dma source(%parallel_loop3A_130 : memref<1x64xf32, #tpu.memory_space<hbm>>) target(%parallel_loop3A_128 : memref<1x64xf32, #tpu.memory_space<vmem>>) target_semaphore(%arg9 : memref<!tpu.dma_semaphore, #tpu.memory_space<semaphore_mem>>)
          %parallel_loop3A_131 = arith.constant 3 : i32
          %parallel_loop3A_132 = vector.broadcast %parallel_loop3A_131 : i32 to vector<16xi32>
          %parallel_loop3A_133 = arith.cmpi eq, %iota3A, %parallel_loop3A_132 : vector<16xi32>
          %parallel_loop3A_134 = arith.constant 0 : i32
          %parallel_loop3A_135 = vector.broadcast %parallel_loop3A_134 : i32 to vector<16xi32>
          %parallel_loop3A_136 = arith.select %parallel_loop3A_133, %parallel_loop3A_64, %parallel_loop3A_135 : vector<16xi1>, vector<16xi32>
          %parallel_loop3A_137 = arith.constant true
          %parallel_loop3A_138 = vector.broadcast %parallel_loop3A_137 : i1 to vector<16xi1>
          %parallel_loop3A_139 = tpu.scan <sum>, %parallel_loop3A_136 masked %parallel_loop3A_138 : vector<16xi32>, vector<16xi1> -> vector<16xi32>
          %parallel_loop3A_140 = vector.extract %parallel_loop3A_139[15] : i32 from vector<16xi32>
          %parallel_loop3A_141 = arith.constant 16 : i32
          %parallel_loop3A_142 = arith.muli %parallel_loop3A_60, %parallel_loop3A_141 : i32
          %parallel_loop3A_143 = arith.constant 3 : i32
          %parallel_loop3A_144 = arith.addi %parallel_loop3A_142, %parallel_loop3A_143 : i32
          %parallel_loop3A_145 = arith.constant 0 : i32
          %parallel_loop3A_146 = tpu.memref_slice %arg7[%parallel_loop3A_144, %parallel_loop3A_145] : memref<320x64xf32, #tpu.memory_space<vmem>> -> memref<1x64xf32, #tpu.memory_space<vmem>>
          %parallel_loop3A_147 = arith.constant 0 : i32
          %parallel_loop3A_148 = tpu.memref_slice %arg3[%parallel_loop3A_140, %parallel_loop3A_147] : memref<1000000x64xf32, #tpu.memory_space<hbm>> -> memref<1x64xf32, #tpu.memory_space<hbm>>
          %parallel_loop3A_149 = arith.constant 0 : i32
          %parallel_loop3A_150 = tpu.memref_slice %arg7[%parallel_loop3A_144, %parallel_loop3A_149] : memref<320x64xf32, #tpu.memory_space<vmem>> -> memref<1x64xf32, #tpu.memory_space<vmem>>
          %parallel_loop3A_151 = arith.constant 0 : i32
          %parallel_loop3A_152 = tpu.memref_slice %arg3[%parallel_loop3A_140, %parallel_loop3A_151] : memref<1000000x64xf32, #tpu.memory_space<hbm>> -> memref<1x64xf32, #tpu.memory_space<hbm>>
          tpu.enqueue_dma source(%parallel_loop3A_152 : memref<1x64xf32, #tpu.memory_space<hbm>>) target(%parallel_loop3A_150 : memref<1x64xf32, #tpu.memory_space<vmem>>) target_semaphore(%arg9 : memref<!tpu.dma_semaphore, #tpu.memory_space<semaphore_mem>>)
          %parallel_loop3A_153 = arith.constant 4 : i32
          %parallel_loop3A_154 = vector.broadcast %parallel_loop3A_153 : i32 to vector<16xi32>
          %parallel_loop3A_155 = arith.cmpi eq, %iota3A, %parallel_loop3A_154 : vector<16xi32>
          %parallel_loop3A_156 = arith.constant 0 : i32
          %parallel_loop3A_157 = vector.broadcast %parallel_loop3A_156 : i32 to vector<16xi32>
          %parallel_loop3A_158 = arith.select %parallel_loop3A_155, %parallel_loop3A_64, %parallel_loop3A_157 : vector<16xi1>, vector<16xi32>
          %parallel_loop3A_159 = arith.constant true
          %parallel_loop3A_160 = vector.broadcast %parallel_loop3A_159 : i1 to vector<16xi1>
          %parallel_loop3A_161 = tpu.scan <sum>, %parallel_loop3A_158 masked %parallel_loop3A_160 : vector<16xi32>, vector<16xi1> -> vector<16xi32>
          %parallel_loop3A_162 = vector.extract %parallel_loop3A_161[15] : i32 from vector<16xi32>
          %parallel_loop3A_163 = arith.constant 16 : i32
          %parallel_loop3A_164 = arith.muli %parallel_loop3A_60, %parallel_loop3A_163 : i32
          %parallel_loop3A_165 = arith.constant 4 : i32
          %parallel_loop3A_166 = arith.addi %parallel_loop3A_164, %parallel_loop3A_165 : i32
          %parallel_loop3A_167 = arith.constant 0 : i32
          %parallel_loop3A_168 = tpu.memref_slice %arg7[%parallel_loop3A_166, %parallel_loop3A_167] : memref<320x64xf32, #tpu.memory_space<vmem>> -> memref<1x64xf32, #tpu.memory_space<vmem>>
          %parallel_loop3A_169 = arith.constant 0 : i32
          %parallel_loop3A_170 = tpu.memref_slice %arg3[%parallel_loop3A_162, %parallel_loop3A_169] : memref<1000000x64xf32, #tpu.memory_space<hbm>> -> memref<1x64xf32, #tpu.memory_space<hbm>>
          %parallel_loop3A_171 = arith.constant 0 : i32
          %parallel_loop3A_172 = tpu.memref_slice %arg7[%parallel_loop3A_166, %parallel_loop3A_171] : memref<320x64xf32, #tpu.memory_space<vmem>> -> memref<1x64xf32, #tpu.memory_space<vmem>>
          %parallel_loop3A_173 = arith.constant 0 : i32
          %parallel_loop3A_174 = tpu.memref_slice %arg3[%parallel_loop3A_162, %parallel_loop3A_173] : memref<1000000x64xf32, #tpu.memory_space<hbm>> -> memref<1x64xf32, #tpu.memory_space<hbm>>
          tpu.enqueue_dma source(%parallel_loop3A_174 : memref<1x64xf32, #tpu.memory_space<hbm>>) target(%parallel_loop3A_172 : memref<1x64xf32, #tpu.memory_space<vmem>>) target_semaphore(%arg9 : memref<!tpu.dma_semaphore, #tpu.memory_space<semaphore_mem>>)
          %parallel_loop3A_175 = arith.constant 5 : i32
          %parallel_loop3A_176 = vector.broadcast %parallel_loop3A_175 : i32 to vector<16xi32>
          %parallel_loop3A_177 = arith.cmpi eq, %iota3A, %parallel_loop3A_176 : vector<16xi32>
          %parallel_loop3A_178 = arith.constant 0 : i32
          %parallel_loop3A_179 = vector.broadcast %parallel_loop3A_178 : i32 to vector<16xi32>
          %parallel_loop3A_180 = arith.select %parallel_loop3A_177, %parallel_loop3A_64, %parallel_loop3A_179 : vector<16xi1>, vector<16xi32>
          %parallel_loop3A_181 = arith.constant true
          %parallel_loop3A_182 = vector.broadcast %parallel_loop3A_181 : i1 to vector<16xi1>
          %parallel_loop3A_183 = tpu.scan <sum>, %parallel_loop3A_180 masked %parallel_loop3A_182 : vector<16xi32>, vector<16xi1> -> vector<16xi32>
          %parallel_loop3A_184 = vector.extract %parallel_loop3A_183[15] : i32 from vector<16xi32>
          %parallel_loop3A_185 = arith.constant 16 : i32
          %parallel_loop3A_186 = arith.muli %parallel_loop3A_60, %parallel_loop3A_185 : i32
          %parallel_loop3A_187 = arith.constant 5 : i32
          %parallel_loop3A_188 = arith.addi %parallel_loop3A_186, %parallel_loop3A_187 : i32
          %parallel_loop3A_189 = arith.constant 0 : i32
          %parallel_loop3A_190 = tpu.memref_slice %arg7[%parallel_loop3A_188, %parallel_loop3A_189] : memref<320x64xf32, #tpu.memory_space<vmem>> -> memref<1x64xf32, #tpu.memory_space<vmem>>
          %parallel_loop3A_191 = arith.constant 0 : i32
          %parallel_loop3A_192 = tpu.memref_slice %arg3[%parallel_loop3A_184, %parallel_loop3A_191] : memref<1000000x64xf32, #tpu.memory_space<hbm>> -> memref<1x64xf32, #tpu.memory_space<hbm>>
          %parallel_loop3A_193 = arith.constant 0 : i32
          %parallel_loop3A_194 = tpu.memref_slice %arg7[%parallel_loop3A_188, %parallel_loop3A_193] : memref<320x64xf32, #tpu.memory_space<vmem>> -> memref<1x64xf32, #tpu.memory_space<vmem>>
          %parallel_loop3A_195 = arith.constant 0 : i32
          %parallel_loop3A_196 = tpu.memref_slice %arg3[%parallel_loop3A_184, %parallel_loop3A_195] : memref<1000000x64xf32, #tpu.memory_space<hbm>> -> memref<1x64xf32, #tpu.memory_space<hbm>>
          tpu.enqueue_dma source(%parallel_loop3A_196 : memref<1x64xf32, #tpu.memory_space<hbm>>) target(%parallel_loop3A_194 : memref<1x64xf32, #tpu.memory_space<vmem>>) target_semaphore(%arg9 : memref<!tpu.dma_semaphore, #tpu.memory_space<semaphore_mem>>)
          %parallel_loop3A_197 = arith.constant 6 : i32
          %parallel_loop3A_198 = vector.broadcast %parallel_loop3A_197 : i32 to vector<16xi32>
          %parallel_loop3A_199 = arith.cmpi eq, %iota3A, %parallel_loop3A_198 : vector<16xi32>
          %parallel_loop3A_200 = arith.constant 0 : i32
          %parallel_loop3A_201 = vector.broadcast %parallel_loop3A_200 : i32 to vector<16xi32>
          %parallel_loop3A_202 = arith.select %parallel_loop3A_199, %parallel_loop3A_64, %parallel_loop3A_201 : vector<16xi1>, vector<16xi32>
          %parallel_loop3A_203 = arith.constant true
          %parallel_loop3A_204 = vector.broadcast %parallel_loop3A_203 : i1 to vector<16xi1>
          %parallel_loop3A_205 = tpu.scan <sum>, %parallel_loop3A_202 masked %parallel_loop3A_204 : vector<16xi32>, vector<16xi1> -> vector<16xi32>
          %parallel_loop3A_206 = vector.extract %parallel_loop3A_205[15] : i32 from vector<16xi32>
          %parallel_loop3A_207 = arith.constant 16 : i32
          %parallel_loop3A_208 = arith.muli %parallel_loop3A_60, %parallel_loop3A_207 : i32
          %parallel_loop3A_209 = arith.constant 6 : i32
          %parallel_loop3A_210 = arith.addi %parallel_loop3A_208, %parallel_loop3A_209 : i32
          %parallel_loop3A_211 = arith.constant 0 : i32
          %parallel_loop3A_212 = tpu.memref_slice %arg7[%parallel_loop3A_210, %parallel_loop3A_211] : memref<320x64xf32, #tpu.memory_space<vmem>> -> memref<1x64xf32, #tpu.memory_space<vmem>>
          %parallel_loop3A_213 = arith.constant 0 : i32
          %parallel_loop3A_214 = tpu.memref_slice %arg3[%parallel_loop3A_206, %parallel_loop3A_213] : memref<1000000x64xf32, #tpu.memory_space<hbm>> -> memref<1x64xf32, #tpu.memory_space<hbm>>
          %parallel_loop3A_215 = arith.constant 0 : i32
          %parallel_loop3A_216 = tpu.memref_slice %arg7[%parallel_loop3A_210, %parallel_loop3A_215] : memref<320x64xf32, #tpu.memory_space<vmem>> -> memref<1x64xf32, #tpu.memory_space<vmem>>
          %parallel_loop3A_217 = arith.constant 0 : i32
          %parallel_loop3A_218 = tpu.memref_slice %arg3[%parallel_loop3A_206, %parallel_loop3A_217] : memref<1000000x64xf32, #tpu.memory_space<hbm>> -> memref<1x64xf32, #tpu.memory_space<hbm>>
          tpu.enqueue_dma source(%parallel_loop3A_218 : memref<1x64xf32, #tpu.memory_space<hbm>>) target(%parallel_loop3A_216 : memref<1x64xf32, #tpu.memory_space<vmem>>) target_semaphore(%arg9 : memref<!tpu.dma_semaphore, #tpu.memory_space<semaphore_mem>>)
          %parallel_loop3A_219 = arith.constant 7 : i32
          %parallel_loop3A_220 = vector.broadcast %parallel_loop3A_219 : i32 to vector<16xi32>
          %parallel_loop3A_221 = arith.cmpi eq, %iota3A, %parallel_loop3A_220 : vector<16xi32>
          %parallel_loop3A_222 = arith.constant 0 : i32
          %parallel_loop3A_223 = vector.broadcast %parallel_loop3A_222 : i32 to vector<16xi32>
          %parallel_loop3A_224 = arith.select %parallel_loop3A_221, %parallel_loop3A_64, %parallel_loop3A_223 : vector<16xi1>, vector<16xi32>
          %parallel_loop3A_225 = arith.constant true
          %parallel_loop3A_226 = vector.broadcast %parallel_loop3A_225 : i1 to vector<16xi1>
          %parallel_loop3A_227 = tpu.scan <sum>, %parallel_loop3A_224 masked %parallel_loop3A_226 : vector<16xi32>, vector<16xi1> -> vector<16xi32>
          %parallel_loop3A_228 = vector.extract %parallel_loop3A_227[15] : i32 from vector<16xi32>
          %parallel_loop3A_229 = arith.constant 16 : i32
          %parallel_loop3A_230 = arith.muli %parallel_loop3A_60, %parallel_loop3A_229 : i32
          %parallel_loop3A_231 = arith.constant 7 : i32
          %parallel_loop3A_232 = arith.addi %parallel_loop3A_230, %parallel_loop3A_231 : i32
          %parallel_loop3A_233 = arith.constant 0 : i32
          %parallel_loop3A_234 = tpu.memref_slice %arg7[%parallel_loop3A_232, %parallel_loop3A_233] : memref<320x64xf32, #tpu.memory_space<vmem>> -> memref<1x64xf32, #tpu.memory_space<vmem>>
          %parallel_loop3A_235 = arith.constant 0 : i32
          %parallel_loop3A_236 = tpu.memref_slice %arg3[%parallel_loop3A_228, %parallel_loop3A_235] : memref<1000000x64xf32, #tpu.memory_space<hbm>> -> memref<1x64xf32, #tpu.memory_space<hbm>>
          %parallel_loop3A_237 = arith.constant 0 : i32
          %parallel_loop3A_238 = tpu.memref_slice %arg7[%parallel_loop3A_232, %parallel_loop3A_237] : memref<320x64xf32, #tpu.memory_space<vmem>> -> memref<1x64xf32, #tpu.memory_space<vmem>>
          %parallel_loop3A_239 = arith.constant 0 : i32
          %parallel_loop3A_240 = tpu.memref_slice %arg3[%parallel_loop3A_228, %parallel_loop3A_239] : memref<1000000x64xf32, #tpu.memory_space<hbm>> -> memref<1x64xf32, #tpu.memory_space<hbm>>
          tpu.enqueue_dma source(%parallel_loop3A_240 : memref<1x64xf32, #tpu.memory_space<hbm>>) target(%parallel_loop3A_238 : memref<1x64xf32, #tpu.memory_space<vmem>>) target_semaphore(%arg9 : memref<!tpu.dma_semaphore, #tpu.memory_space<semaphore_mem>>)
          %parallel_loop3A_241 = arith.constant 8 : i32
          %parallel_loop3A_242 = vector.broadcast %parallel_loop3A_241 : i32 to vector<16xi32>
          %parallel_loop3A_243 = arith.cmpi eq, %iota3A, %parallel_loop3A_242 : vector<16xi32>
          %parallel_loop3A_244 = arith.constant 0 : i32
          %parallel_loop3A_245 = vector.broadcast %parallel_loop3A_244 : i32 to vector<16xi32>
          %parallel_loop3A_246 = arith.select %parallel_loop3A_243, %parallel_loop3A_64, %parallel_loop3A_245 : vector<16xi1>, vector<16xi32>
          %parallel_loop3A_247 = arith.constant true
          %parallel_loop3A_248 = vector.broadcast %parallel_loop3A_247 : i1 to vector<16xi1>
          %parallel_loop3A_249 = tpu.scan <sum>, %parallel_loop3A_246 masked %parallel_loop3A_248 : vector<16xi32>, vector<16xi1> -> vector<16xi32>
          %parallel_loop3A_250 = vector.extract %parallel_loop3A_249[15] : i32 from vector<16xi32>
          %parallel_loop3A_251 = arith.constant 16 : i32
          %parallel_loop3A_252 = arith.muli %parallel_loop3A_60, %parallel_loop3A_251 : i32
          %parallel_loop3A_253 = arith.constant 8 : i32
          %parallel_loop3A_254 = arith.addi %parallel_loop3A_252, %parallel_loop3A_253 : i32
          %parallel_loop3A_255 = arith.constant 0 : i32
          %parallel_loop3A_256 = tpu.memref_slice %arg7[%parallel_loop3A_254, %parallel_loop3A_255] : memref<320x64xf32, #tpu.memory_space<vmem>> -> memref<1x64xf32, #tpu.memory_space<vmem>>
          %parallel_loop3A_257 = arith.constant 0 : i32
          %parallel_loop3A_258 = tpu.memref_slice %arg3[%parallel_loop3A_250, %parallel_loop3A_257] : memref<1000000x64xf32, #tpu.memory_space<hbm>> -> memref<1x64xf32, #tpu.memory_space<hbm>>
          %parallel_loop3A_259 = arith.constant 0 : i32
          %parallel_loop3A_260 = tpu.memref_slice %arg7[%parallel_loop3A_254, %parallel_loop3A_259] : memref<320x64xf32, #tpu.memory_space<vmem>> -> memref<1x64xf32, #tpu.memory_space<vmem>>
          %parallel_loop3A_261 = arith.constant 0 : i32
          %parallel_loop3A_262 = tpu.memref_slice %arg3[%parallel_loop3A_250, %parallel_loop3A_261] : memref<1000000x64xf32, #tpu.memory_space<hbm>> -> memref<1x64xf32, #tpu.memory_space<hbm>>
          tpu.enqueue_dma source(%parallel_loop3A_262 : memref<1x64xf32, #tpu.memory_space<hbm>>) target(%parallel_loop3A_260 : memref<1x64xf32, #tpu.memory_space<vmem>>) target_semaphore(%arg9 : memref<!tpu.dma_semaphore, #tpu.memory_space<semaphore_mem>>)
          %parallel_loop3A_263 = arith.constant 9 : i32
          %parallel_loop3A_264 = vector.broadcast %parallel_loop3A_263 : i32 to vector<16xi32>
          %parallel_loop3A_265 = arith.cmpi eq, %iota3A, %parallel_loop3A_264 : vector<16xi32>
          %parallel_loop3A_266 = arith.constant 0 : i32
          %parallel_loop3A_267 = vector.broadcast %parallel_loop3A_266 : i32 to vector<16xi32>
          %parallel_loop3A_268 = arith.select %parallel_loop3A_265, %parallel_loop3A_64, %parallel_loop3A_267 : vector<16xi1>, vector<16xi32>
          %parallel_loop3A_269 = arith.constant true
          %parallel_loop3A_270 = vector.broadcast %parallel_loop3A_269 : i1 to vector<16xi1>
          %parallel_loop3A_271 = tpu.scan <sum>, %parallel_loop3A_268 masked %parallel_loop3A_270 : vector<16xi32>, vector<16xi1> -> vector<16xi32>
          %parallel_loop3A_272 = vector.extract %parallel_loop3A_271[15] : i32 from vector<16xi32>
          %parallel_loop3A_273 = arith.constant 16 : i32
          %parallel_loop3A_274 = arith.muli %parallel_loop3A_60, %parallel_loop3A_273 : i32
          %parallel_loop3A_275 = arith.constant 9 : i32
          %parallel_loop3A_276 = arith.addi %parallel_loop3A_274, %parallel_loop3A_275 : i32
          %parallel_loop3A_277 = arith.constant 0 : i32
          %parallel_loop3A_278 = tpu.memref_slice %arg7[%parallel_loop3A_276, %parallel_loop3A_277] : memref<320x64xf32, #tpu.memory_space<vmem>> -> memref<1x64xf32, #tpu.memory_space<vmem>>
          %parallel_loop3A_279 = arith.constant 0 : i32
          %parallel_loop3A_280 = tpu.memref_slice %arg3[%parallel_loop3A_272, %parallel_loop3A_279] : memref<1000000x64xf32, #tpu.memory_space<hbm>> -> memref<1x64xf32, #tpu.memory_space<hbm>>
          %parallel_loop3A_281 = arith.constant 0 : i32
          %parallel_loop3A_282 = tpu.memref_slice %arg7[%parallel_loop3A_276, %parallel_loop3A_281] : memref<320x64xf32, #tpu.memory_space<vmem>> -> memref<1x64xf32, #tpu.memory_space<vmem>>
          %parallel_loop3A_283 = arith.constant 0 : i32
          %parallel_loop3A_284 = tpu.memref_slice %arg3[%parallel_loop3A_272, %parallel_loop3A_283] : memref<1000000x64xf32, #tpu.memory_space<hbm>> -> memref<1x64xf32, #tpu.memory_space<hbm>>
          tpu.enqueue_dma source(%parallel_loop3A_284 : memref<1x64xf32, #tpu.memory_space<hbm>>) target(%parallel_loop3A_282 : memref<1x64xf32, #tpu.memory_space<vmem>>) target_semaphore(%arg9 : memref<!tpu.dma_semaphore, #tpu.memory_space<semaphore_mem>>)
          %parallel_loop3A_285 = arith.constant 10 : i32
          %parallel_loop3A_286 = vector.broadcast %parallel_loop3A_285 : i32 to vector<16xi32>
          %parallel_loop3A_287 = arith.cmpi eq, %iota3A, %parallel_loop3A_286 : vector<16xi32>
          %parallel_loop3A_288 = arith.constant 0 : i32
          %parallel_loop3A_289 = vector.broadcast %parallel_loop3A_288 : i32 to vector<16xi32>
          %parallel_loop3A_290 = arith.select %parallel_loop3A_287, %parallel_loop3A_64, %parallel_loop3A_289 : vector<16xi1>, vector<16xi32>
          %parallel_loop3A_291 = arith.constant true
          %parallel_loop3A_292 = vector.broadcast %parallel_loop3A_291 : i1 to vector<16xi1>
          %parallel_loop3A_293 = tpu.scan <sum>, %parallel_loop3A_290 masked %parallel_loop3A_292 : vector<16xi32>, vector<16xi1> -> vector<16xi32>
          %parallel_loop3A_294 = vector.extract %parallel_loop3A_293[15] : i32 from vector<16xi32>
          %parallel_loop3A_295 = arith.constant 16 : i32
          %parallel_loop3A_296 = arith.muli %parallel_loop3A_60, %parallel_loop3A_295 : i32
          %parallel_loop3A_297 = arith.constant 10 : i32
          %parallel_loop3A_298 = arith.addi %parallel_loop3A_296, %parallel_loop3A_297 : i32
          %parallel_loop3A_299 = arith.constant 0 : i32
          %parallel_loop3A_300 = tpu.memref_slice %arg7[%parallel_loop3A_298, %parallel_loop3A_299] : memref<320x64xf32, #tpu.memory_space<vmem>> -> memref<1x64xf32, #tpu.memory_space<vmem>>
          %parallel_loop3A_301 = arith.constant 0 : i32
          %parallel_loop3A_302 = tpu.memref_slice %arg3[%parallel_loop3A_294, %parallel_loop3A_301] : memref<1000000x64xf32, #tpu.memory_space<hbm>> -> memref<1x64xf32, #tpu.memory_space<hbm>>
          %parallel_loop3A_303 = arith.constant 0 : i32
          %parallel_loop3A_304 = tpu.memref_slice %arg7[%parallel_loop3A_298, %parallel_loop3A_303] : memref<320x64xf32, #tpu.memory_space<vmem>> -> memref<1x64xf32, #tpu.memory_space<vmem>>
          %parallel_loop3A_305 = arith.constant 0 : i32
          %parallel_loop3A_306 = tpu.memref_slice %arg3[%parallel_loop3A_294, %parallel_loop3A_305] : memref<1000000x64xf32, #tpu.memory_space<hbm>> -> memref<1x64xf32, #tpu.memory_space<hbm>>
          tpu.enqueue_dma source(%parallel_loop3A_306 : memref<1x64xf32, #tpu.memory_space<hbm>>) target(%parallel_loop3A_304 : memref<1x64xf32, #tpu.memory_space<vmem>>) target_semaphore(%arg9 : memref<!tpu.dma_semaphore, #tpu.memory_space<semaphore_mem>>)
          %parallel_loop3A_307 = arith.constant 11 : i32
          %parallel_loop3A_308 = vector.broadcast %parallel_loop3A_307 : i32 to vector<16xi32>
          %parallel_loop3A_309 = arith.cmpi eq, %iota3A, %parallel_loop3A_308 : vector<16xi32>
          %parallel_loop3A_310 = arith.constant 0 : i32
          %parallel_loop3A_311 = vector.broadcast %parallel_loop3A_310 : i32 to vector<16xi32>
          %parallel_loop3A_312 = arith.select %parallel_loop3A_309, %parallel_loop3A_64, %parallel_loop3A_311 : vector<16xi1>, vector<16xi32>
          %parallel_loop3A_313 = arith.constant true
          %parallel_loop3A_314 = vector.broadcast %parallel_loop3A_313 : i1 to vector<16xi1>
          %parallel_loop3A_315 = tpu.scan <sum>, %parallel_loop3A_312 masked %parallel_loop3A_314 : vector<16xi32>, vector<16xi1> -> vector<16xi32>
          %parallel_loop3A_316 = vector.extract %parallel_loop3A_315[15] : i32 from vector<16xi32>
          %parallel_loop3A_317 = arith.constant 16 : i32
          %parallel_loop3A_318 = arith.muli %parallel_loop3A_60, %parallel_loop3A_317 : i32
          %parallel_loop3A_319 = arith.constant 11 : i32
          %parallel_loop3A_320 = arith.addi %parallel_loop3A_318, %parallel_loop3A_319 : i32
          %parallel_loop3A_321 = arith.constant 0 : i32
          %parallel_loop3A_322 = tpu.memref_slice %arg7[%parallel_loop3A_320, %parallel_loop3A_321] : memref<320x64xf32, #tpu.memory_space<vmem>> -> memref<1x64xf32, #tpu.memory_space<vmem>>
          %parallel_loop3A_323 = arith.constant 0 : i32
          %parallel_loop3A_324 = tpu.memref_slice %arg3[%parallel_loop3A_316, %parallel_loop3A_323] : memref<1000000x64xf32, #tpu.memory_space<hbm>> -> memref<1x64xf32, #tpu.memory_space<hbm>>
          %parallel_loop3A_325 = arith.constant 0 : i32
          %parallel_loop3A_326 = tpu.memref_slice %arg7[%parallel_loop3A_320, %parallel_loop3A_325] : memref<320x64xf32, #tpu.memory_space<vmem>> -> memref<1x64xf32, #tpu.memory_space<vmem>>
          %parallel_loop3A_327 = arith.constant 0 : i32
          %parallel_loop3A_328 = tpu.memref_slice %arg3[%parallel_loop3A_316, %parallel_loop3A_327] : memref<1000000x64xf32, #tpu.memory_space<hbm>> -> memref<1x64xf32, #tpu.memory_space<hbm>>
          tpu.enqueue_dma source(%parallel_loop3A_328 : memref<1x64xf32, #tpu.memory_space<hbm>>) target(%parallel_loop3A_326 : memref<1x64xf32, #tpu.memory_space<vmem>>) target_semaphore(%arg9 : memref<!tpu.dma_semaphore, #tpu.memory_space<semaphore_mem>>)
          %parallel_loop3A_329 = arith.constant 12 : i32
          %parallel_loop3A_330 = vector.broadcast %parallel_loop3A_329 : i32 to vector<16xi32>
          %parallel_loop3A_331 = arith.cmpi eq, %iota3A, %parallel_loop3A_330 : vector<16xi32>
          %parallel_loop3A_332 = arith.constant 0 : i32
          %parallel_loop3A_333 = vector.broadcast %parallel_loop3A_332 : i32 to vector<16xi32>
          %parallel_loop3A_334 = arith.select %parallel_loop3A_331, %parallel_loop3A_64, %parallel_loop3A_333 : vector<16xi1>, vector<16xi32>
          %parallel_loop3A_335 = arith.constant true
          %parallel_loop3A_336 = vector.broadcast %parallel_loop3A_335 : i1 to vector<16xi1>
          %parallel_loop3A_337 = tpu.scan <sum>, %parallel_loop3A_334 masked %parallel_loop3A_336 : vector<16xi32>, vector<16xi1> -> vector<16xi32>
          %parallel_loop3A_338 = vector.extract %parallel_loop3A_337[15] : i32 from vector<16xi32>
          %parallel_loop3A_339 = arith.constant 16 : i32
          %parallel_loop3A_340 = arith.muli %parallel_loop3A_60, %parallel_loop3A_339 : i32
          %parallel_loop3A_341 = arith.constant 12 : i32
          %parallel_loop3A_342 = arith.addi %parallel_loop3A_340, %parallel_loop3A_341 : i32
          %parallel_loop3A_343 = arith.constant 0 : i32
          %parallel_loop3A_344 = tpu.memref_slice %arg7[%parallel_loop3A_342, %parallel_loop3A_343] : memref<320x64xf32, #tpu.memory_space<vmem>> -> memref<1x64xf32, #tpu.memory_space<vmem>>
          %parallel_loop3A_345 = arith.constant 0 : i32
          %parallel_loop3A_346 = tpu.memref_slice %arg3[%parallel_loop3A_338, %parallel_loop3A_345] : memref<1000000x64xf32, #tpu.memory_space<hbm>> -> memref<1x64xf32, #tpu.memory_space<hbm>>
          %parallel_loop3A_347 = arith.constant 0 : i32
          %parallel_loop3A_348 = tpu.memref_slice %arg7[%parallel_loop3A_342, %parallel_loop3A_347] : memref<320x64xf32, #tpu.memory_space<vmem>> -> memref<1x64xf32, #tpu.memory_space<vmem>>
          %parallel_loop3A_349 = arith.constant 0 : i32
          %parallel_loop3A_350 = tpu.memref_slice %arg3[%parallel_loop3A_338, %parallel_loop3A_349] : memref<1000000x64xf32, #tpu.memory_space<hbm>> -> memref<1x64xf32, #tpu.memory_space<hbm>>
          tpu.enqueue_dma source(%parallel_loop3A_350 : memref<1x64xf32, #tpu.memory_space<hbm>>) target(%parallel_loop3A_348 : memref<1x64xf32, #tpu.memory_space<vmem>>) target_semaphore(%arg9 : memref<!tpu.dma_semaphore, #tpu.memory_space<semaphore_mem>>)
          %parallel_loop3A_351 = arith.constant 13 : i32
          %parallel_loop3A_352 = vector.broadcast %parallel_loop3A_351 : i32 to vector<16xi32>
          %parallel_loop3A_353 = arith.cmpi eq, %iota3A, %parallel_loop3A_352 : vector<16xi32>
          %parallel_loop3A_354 = arith.constant 0 : i32
          %parallel_loop3A_355 = vector.broadcast %parallel_loop3A_354 : i32 to vector<16xi32>
          %parallel_loop3A_356 = arith.select %parallel_loop3A_353, %parallel_loop3A_64, %parallel_loop3A_355 : vector<16xi1>, vector<16xi32>
          %parallel_loop3A_357 = arith.constant true
          %parallel_loop3A_358 = vector.broadcast %parallel_loop3A_357 : i1 to vector<16xi1>
          %parallel_loop3A_359 = tpu.scan <sum>, %parallel_loop3A_356 masked %parallel_loop3A_358 : vector<16xi32>, vector<16xi1> -> vector<16xi32>
          %parallel_loop3A_360 = vector.extract %parallel_loop3A_359[15] : i32 from vector<16xi32>
          %parallel_loop3A_361 = arith.constant 16 : i32
          %parallel_loop3A_362 = arith.muli %parallel_loop3A_60, %parallel_loop3A_361 : i32
          %parallel_loop3A_363 = arith.constant 13 : i32
          %parallel_loop3A_364 = arith.addi %parallel_loop3A_362, %parallel_loop3A_363 : i32
          %parallel_loop3A_365 = arith.constant 0 : i32
          %parallel_loop3A_366 = tpu.memref_slice %arg7[%parallel_loop3A_364, %parallel_loop3A_365] : memref<320x64xf32, #tpu.memory_space<vmem>> -> memref<1x64xf32, #tpu.memory_space<vmem>>
          %parallel_loop3A_367 = arith.constant 0 : i32
          %parallel_loop3A_368 = tpu.memref_slice %arg3[%parallel_loop3A_360, %parallel_loop3A_367] : memref<1000000x64xf32, #tpu.memory_space<hbm>> -> memref<1x64xf32, #tpu.memory_space<hbm>>
          %parallel_loop3A_369 = arith.constant 0 : i32
          %parallel_loop3A_370 = tpu.memref_slice %arg7[%parallel_loop3A_364, %parallel_loop3A_369] : memref<320x64xf32, #tpu.memory_space<vmem>> -> memref<1x64xf32, #tpu.memory_space<vmem>>
          %parallel_loop3A_371 = arith.constant 0 : i32
          %parallel_loop3A_372 = tpu.memref_slice %arg3[%parallel_loop3A_360, %parallel_loop3A_371] : memref<1000000x64xf32, #tpu.memory_space<hbm>> -> memref<1x64xf32, #tpu.memory_space<hbm>>
          tpu.enqueue_dma source(%parallel_loop3A_372 : memref<1x64xf32, #tpu.memory_space<hbm>>) target(%parallel_loop3A_370 : memref<1x64xf32, #tpu.memory_space<vmem>>) target_semaphore(%arg9 : memref<!tpu.dma_semaphore, #tpu.memory_space<semaphore_mem>>)
          %parallel_loop3A_373 = arith.constant 14 : i32
          %parallel_loop3A_374 = vector.broadcast %parallel_loop3A_373 : i32 to vector<16xi32>
          %parallel_loop3A_375 = arith.cmpi eq, %iota3A, %parallel_loop3A_374 : vector<16xi32>
          %parallel_loop3A_376 = arith.constant 0 : i32
          %parallel_loop3A_377 = vector.broadcast %parallel_loop3A_376 : i32 to vector<16xi32>
          %parallel_loop3A_378 = arith.select %parallel_loop3A_375, %parallel_loop3A_64, %parallel_loop3A_377 : vector<16xi1>, vector<16xi32>
          %parallel_loop3A_379 = arith.constant true
          %parallel_loop3A_380 = vector.broadcast %parallel_loop3A_379 : i1 to vector<16xi1>
          %parallel_loop3A_381 = tpu.scan <sum>, %parallel_loop3A_378 masked %parallel_loop3A_380 : vector<16xi32>, vector<16xi1> -> vector<16xi32>
          %parallel_loop3A_382 = vector.extract %parallel_loop3A_381[15] : i32 from vector<16xi32>
          %parallel_loop3A_383 = arith.constant 16 : i32
          %parallel_loop3A_384 = arith.muli %parallel_loop3A_60, %parallel_loop3A_383 : i32
          %parallel_loop3A_385 = arith.constant 14 : i32
          %parallel_loop3A_386 = arith.addi %parallel_loop3A_384, %parallel_loop3A_385 : i32
          %parallel_loop3A_387 = arith.constant 0 : i32
          %parallel_loop3A_388 = tpu.memref_slice %arg7[%parallel_loop3A_386, %parallel_loop3A_387] : memref<320x64xf32, #tpu.memory_space<vmem>> -> memref<1x64xf32, #tpu.memory_space<vmem>>
          %parallel_loop3A_389 = arith.constant 0 : i32
          %parallel_loop3A_390 = tpu.memref_slice %arg3[%parallel_loop3A_382, %parallel_loop3A_389] : memref<1000000x64xf32, #tpu.memory_space<hbm>> -> memref<1x64xf32, #tpu.memory_space<hbm>>
          %parallel_loop3A_391 = arith.constant 0 : i32
          %parallel_loop3A_392 = tpu.memref_slice %arg7[%parallel_loop3A_386, %parallel_loop3A_391] : memref<320x64xf32, #tpu.memory_space<vmem>> -> memref<1x64xf32, #tpu.memory_space<vmem>>
          %parallel_loop3A_393 = arith.constant 0 : i32
          %parallel_loop3A_394 = tpu.memref_slice %arg3[%parallel_loop3A_382, %parallel_loop3A_393] : memref<1000000x64xf32, #tpu.memory_space<hbm>> -> memref<1x64xf32, #tpu.memory_space<hbm>>
          tpu.enqueue_dma source(%parallel_loop3A_394 : memref<1x64xf32, #tpu.memory_space<hbm>>) target(%parallel_loop3A_392 : memref<1x64xf32, #tpu.memory_space<vmem>>) target_semaphore(%arg9 : memref<!tpu.dma_semaphore, #tpu.memory_space<semaphore_mem>>)
          %parallel_loop3A_395 = arith.constant 15 : i32
          %parallel_loop3A_396 = vector.broadcast %parallel_loop3A_395 : i32 to vector<16xi32>
          %parallel_loop3A_397 = arith.cmpi eq, %iota3A, %parallel_loop3A_396 : vector<16xi32>
          %parallel_loop3A_398 = arith.constant 0 : i32
          %parallel_loop3A_399 = vector.broadcast %parallel_loop3A_398 : i32 to vector<16xi32>
          %parallel_loop3A_400 = arith.select %parallel_loop3A_397, %parallel_loop3A_64, %parallel_loop3A_399 : vector<16xi1>, vector<16xi32>
          %parallel_loop3A_401 = arith.constant true
          %parallel_loop3A_402 = vector.broadcast %parallel_loop3A_401 : i1 to vector<16xi1>
          %parallel_loop3A_403 = tpu.scan <sum>, %parallel_loop3A_400 masked %parallel_loop3A_402 : vector<16xi32>, vector<16xi1> -> vector<16xi32>
          %parallel_loop3A_404 = vector.extract %parallel_loop3A_403[15] : i32 from vector<16xi32>
          %parallel_loop3A_405 = arith.constant 16 : i32
          %parallel_loop3A_406 = arith.muli %parallel_loop3A_60, %parallel_loop3A_405 : i32
          %parallel_loop3A_407 = arith.constant 15 : i32
          %parallel_loop3A_408 = arith.addi %parallel_loop3A_406, %parallel_loop3A_407 : i32
          %parallel_loop3A_409 = arith.constant 0 : i32
          %parallel_loop3A_410 = tpu.memref_slice %arg7[%parallel_loop3A_408, %parallel_loop3A_409] : memref<320x64xf32, #tpu.memory_space<vmem>> -> memref<1x64xf32, #tpu.memory_space<vmem>>
          %parallel_loop3A_411 = arith.constant 0 : i32
          %parallel_loop3A_412 = tpu.memref_slice %arg3[%parallel_loop3A_404, %parallel_loop3A_411] : memref<1000000x64xf32, #tpu.memory_space<hbm>> -> memref<1x64xf32, #tpu.memory_space<hbm>>
          %parallel_loop3A_413 = arith.constant 0 : i32
          %parallel_loop3A_414 = tpu.memref_slice %arg7[%parallel_loop3A_408, %parallel_loop3A_413] : memref<320x64xf32, #tpu.memory_space<vmem>> -> memref<1x64xf32, #tpu.memory_space<vmem>>
          %parallel_loop3A_415 = arith.constant 0 : i32
          %parallel_loop3A_416 = tpu.memref_slice %arg3[%parallel_loop3A_404, %parallel_loop3A_415] : memref<1000000x64xf32, #tpu.memory_space<hbm>> -> memref<1x64xf32, #tpu.memory_space<hbm>>
          tpu.enqueue_dma source(%parallel_loop3A_416 : memref<1x64xf32, #tpu.memory_space<hbm>>) target(%parallel_loop3A_414 : memref<1x64xf32, #tpu.memory_space<vmem>>) target_semaphore(%arg9 : memref<!tpu.dma_semaphore, #tpu.memory_space<semaphore_mem>>)
        } {sc.loop_unroll_factor = 2 : i64, sc.parallel_access}
      } else {
      }
      %add3A_38 = arith.constant 1 : i32
      %add3A_39 = arith.addi %mul3A_14, %add3A_38 : i32
      %dma_wait3A_40 = arith.constant 0 : i32
      %dma_wait3A_41 = arith.constant 0 : i32
      %dma_wait3A_42 = tpu.memref_slice %arg3[%dma_wait3A_40, %dma_wait3A_41] : memref<1000000x64xf32, #tpu.memory_space<hbm>> -> memref<320x64xf32, #tpu.memory_space<hbm>>
      %dma_wait3A_43 = arith.constant 0 : i32
      %dma_wait3A_44 = arith.constant 0 : i32
      %dma_wait3A_45 = tpu.memref_slice %arg3[%dma_wait3A_43, %dma_wait3A_44] : memref<1000000x64xf32, #tpu.memory_space<hbm>> -> memref<320x64xf32, #tpu.memory_space<hbm>>
      tpu.wait_dma2 semaphore(%arg10 : memref<!tpu.dma_semaphore, #tpu.memory_space<semaphore_mem>>) src(%dma_wait3A_45 : memref<320x64xf32, #tpu.memory_space<hbm>>) dst(%arg8 : memref<320x64xf32, #tpu.memory_space<vmem>>)
      %parallel_loop3A_46 = arith.constant 0 : i32
      %parallel_loop3A_47 = arith.constant 320 : i32
      %parallel_loop3A_48 = arith.constant 1 : i32
      scf.for %parallel_loop3A_52 = %parallel_loop3A_46 to %parallel_loop3A_47 step %parallel_loop3A_48  : i32 {
        %parallel_loop3A_53 = arith.index_cast %parallel_loop3A_52 : i32 to index
        %parallel_loop3A_54 = arith.constant 0 : index
        %parallel_loop3A_55 = tpu.vector_load %arg8[%parallel_loop3A_53, %parallel_loop3A_54] {strides = array<i32>} : memref<320x64xf32, #tpu.memory_space<vmem>>, vector<16xf32>,
        %parallel_loop3A_56 = arith.constant 8.000000e+00 : f32
        %parallel_loop3A_57 = vector.broadcast %parallel_loop3A_56 : f32 to vector<16xf32>
        %parallel_loop3A_58 = arith.mulf %parallel_loop3A_55, %parallel_loop3A_57 : vector<16xf32>
        %parallel_loop3A_59 = arith.index_cast %parallel_loop3A_52 : i32 to index
        %parallel_loop3A_60 = arith.constant 0 : index
        %parallel_loop3A_61 = tpu.vector_load %arg8[%parallel_loop3A_59, %parallel_loop3A_60] {strides = array<i32>} : memref<320x64xf32, #tpu.memory_space<vmem>>, vector<16xf32>,
        tpu.vector_store %arg8[%parallel_loop3A_59, %parallel_loop3A_60], %parallel_loop3A_58 {strides = array<i32>} : memref<320x64xf32, #tpu.memory_space<vmem>>, vector<16xf32>,
        %parallel_loop3A_62 = arith.index_cast %parallel_loop3A_52 : i32 to index
        %parallel_loop3A_63 = arith.constant 16 : index
        %parallel_loop3A_64 = tpu.vector_load %arg8[%parallel_loop3A_62, %parallel_loop3A_63] {strides = array<i32>} : memref<320x64xf32, #tpu.memory_space<vmem>>, vector<16xf32>,
        %parallel_loop3A_65 = arith.constant 8.000000e+00 : f32
        %parallel_loop3A_66 = vector.broadcast %parallel_loop3A_65 : f32 to vector<16xf32>
        %parallel_loop3A_67 = arith.mulf %parallel_loop3A_64, %parallel_loop3A_66 : vector<16xf32>
        %parallel_loop3A_68 = arith.index_cast %parallel_loop3A_52 : i32 to index
        %parallel_loop3A_69 = arith.constant 16 : index
        %parallel_loop3A_70 = tpu.vector_load %arg8[%parallel_loop3A_68, %parallel_loop3A_69] {strides = array<i32>} : memref<320x64xf32, #tpu.memory_space<vmem>>, vector<16xf32>,
        tpu.vector_store %arg8[%parallel_loop3A_68, %parallel_loop3A_69], %parallel_loop3A_67 {strides = array<i32>} : memref<320x64xf32, #tpu.memory_space<vmem>>, vector<16xf32>,
        %parallel_loop3A_71 = arith.index_cast %parallel_loop3A_52 : i32 to index
        %parallel_loop3A_72 = arith.constant 32 : index
        %parallel_loop3A_73 = tpu.vector_load %arg8[%parallel_loop3A_71, %parallel_loop3A_72] {strides = array<i32>} : memref<320x64xf32, #tpu.memory_space<vmem>>, vector<16xf32>,
        %parallel_loop3A_74 = arith.constant 8.000000e+00 : f32
        %parallel_loop3A_75 = vector.broadcast %parallel_loop3A_74 : f32 to vector<16xf32>
        %parallel_loop3A_76 = arith.mulf %parallel_loop3A_73, %parallel_loop3A_75 : vector<16xf32>
        %parallel_loop3A_77 = arith.index_cast %parallel_loop3A_52 : i32 to index
        %parallel_loop3A_78 = arith.constant 32 : index
        %parallel_loop3A_79 = tpu.vector_load %arg8[%parallel_loop3A_77, %parallel_loop3A_78] {strides = array<i32>} : memref<320x64xf32, #tpu.memory_space<vmem>>, vector<16xf32>,
        tpu.vector_store %arg8[%parallel_loop3A_77, %parallel_loop3A_78], %parallel_loop3A_76 {strides = array<i32>} : memref<320x64xf32, #tpu.memory_space<vmem>>, vector<16xf32>,
        %parallel_loop3A_80 = arith.index_cast %parallel_loop3A_52 : i32 to index
        %parallel_loop3A_81 = arith.constant 48 : index
        %parallel_loop3A_82 = tpu.vector_load %arg8[%parallel_loop3A_80, %parallel_loop3A_81] {strides = array<i32>} : memref<320x64xf32, #tpu.memory_space<vmem>>, vector<16xf32>,
        %parallel_loop3A_83 = arith.constant 8.000000e+00 : f32
        %parallel_loop3A_84 = vector.broadcast %parallel_loop3A_83 : f32 to vector<16xf32>
        %parallel_loop3A_85 = arith.mulf %parallel_loop3A_82, %parallel_loop3A_84 : vector<16xf32>
        %parallel_loop3A_86 = arith.index_cast %parallel_loop3A_52 : i32 to index
        %parallel_loop3A_87 = arith.constant 48 : index
        %parallel_loop3A_88 = tpu.vector_load %arg8[%parallel_loop3A_86, %parallel_loop3A_87] {strides = array<i32>} : memref<320x64xf32, #tpu.memory_space<vmem>>, vector<16xf32>,
        tpu.vector_store %arg8[%parallel_loop3A_86, %parallel_loop3A_87], %parallel_loop3A_85 {strides = array<i32>} : memref<320x64xf32, #tpu.memory_space<vmem>>, vector<16xf32>,
      } {sc.loop_unroll_factor = 4 : i64, sc.parallel_access}
      %mul3A_49 = arith.constant 320 : i32
      %mul3A_50 = arith.muli %add3A_39, %mul3A_49 : i32
      %add3A_51 = arith.addi %mul3A_2, %mul3A_50 : i32
      "tpu.region"() ({
        %run_scoped3A = tpu.sem_alloc : memref<!tpu.dma_semaphore, #tpu.memory_space<semaphore_mem>>
        %dma_start3A = arith.constant 0 : i32
        %dma_start3A_52 = tpu.memref_slice %arg4[%add3A_51, %dma_start3A] : memref<204800x64xf32, #tpu.memory_space<hbm>> -> memref<320x64xf32, #tpu.memory_space<hbm>>
        %dma_start3A_53 = arith.constant 0 : i32
        %dma_start3A_54 = tpu.memref_slice %arg4[%add3A_51, %dma_start3A_53] : memref<204800x64xf32, #tpu.memory_space<hbm>> -> memref<320x64xf32, #tpu.memory_space<hbm>>
        tpu.enqueue_dma source(%arg8 : memref<320x64xf32, #tpu.memory_space<vmem>>) target(%dma_start3A_54 : memref<320x64xf32, #tpu.memory_space<hbm>>) target_semaphore(%run_scoped3A : memref<!tpu.dma_semaphore, #tpu.memory_space<semaphore_mem>>)
        %dma_wait3A_55 = arith.constant 0 : i32
        %dma_wait3A_56 = tpu.memref_slice %arg4[%add3A_51, %dma_wait3A_55] : memref<204800x64xf32, #tpu.memory_space<hbm>> -> memref<320x64xf32, #tpu.memory_space<hbm>>
        %dma_wait3A_57 = arith.constant 0 : i32
        %dma_wait3A_58 = tpu.memref_slice %arg4[%add3A_51, %dma_wait3A_57] : memref<204800x64xf32, #tpu.memory_space<hbm>> -> memref<320x64xf32, #tpu.memory_space<hbm>>
        tpu.wait_dma2 semaphore(%run_scoped3A : memref<!tpu.dma_semaphore, #tpu.memory_space<semaphore_mem>>) src(%arg8 : memref<320x64xf32, #tpu.memory_space<vmem>>) dst(%dma_wait3A_58 : memref<320x64xf32, #tpu.memory_space<hbm>>)
        tpu.yield
      }) : () -> ()
    }
    %scan3A_11 = arith.constant 10 : i32
    return
  }
}

</mosaic_0001>

<sc_bundles>
// kernel: kernel.3.cloned.1.call-start
scs
__scs_entry_jumppad:
0x0: {  	(pc) =	sbr.rel $0x88, $3  }
0x1: {  	(tag) =	ssettag $0x0;
	lr =	simm.s32 $0x1  }
0x2: {  	[smem:$0x3F9F] =	sst lr;
	_ =	strace $0xD0000000  }
0x3: {  	_ = 	snop  }
0x4: {  	_ = 	snop  }
0x5: {  	_ = 	snop  }
0x6: {  	_ = 	snop  }
0x7: {  	_ = 	snop  }
__scs_overlays_trampoline_lowered:
0x8: {  	[smem:$0x3FAE] =	sst s0  }
0x9: {  	[smem:$0x3FAF] =	sst s1  }
0xa: {  	[smem:$0x3FB0] =	sst s2  }
0xb: {  	[smem:$0x3FB1] =	sst s3  }
0xc: {  	[smem:$0x3FB2] =	sst s4  }
0xd: {  	[smem:$0x3FB3] =	sst s5  }
0xe: {  	[smem:$0x3FB4] =	sst s6  }
0xf: {  	[smem:$0x3FB5] =	sst s7  }
0x10: {  	[smem:$0x3FB6] =	sst s8  }
0x11: {  	[smem:$0x3FB7] =	sst s9;
	s0 =	simm.s32 @!p0 $0x0  }
0x12: {  	s1 =	sld [smem:$0x3F9D];
	s0 =	simm.s32 @p0 $0x1  }
0x13: {  	[smem:$0x3FB8] =	sst s0;
	s0 =	simm.s32 @!p1 $0x0  }
0x14: {  	s2 =	sld [smem:$0x3F9C];
	s0 =	simm.s32 @p1 $0x1  }
0x15: {  	[smem:$0x3FB9] =	sst s0;
	s0 =	simm.s32 @!p2 $0x0  }
0x16: {  	s3 =	sld [smem:$0x3FDB];
	s0 =	simm.s32 @p2 $0x1  }
0x17: {  	s4 =	simm.s32 $0x1BF5;
	[smem:$0x3FBB] =	sst s0  }
0x18: {  	s0 =	sld [smem:$0x3F9E];
	_ =	swait.ge [sflag:s4], $0x0  }
0x19: {  	s7 =	sld [smem:$0x3F9F]  }
0x1a: {  	s8 =	sadd.s32 $0xFFFFE003, lr  }
0x1b: {  	s9 =	sadd.s32 $0xFFFFFEF7, lr;
	s5 =	simm.s32 $0xFFFFFFFF;
	p2 =	slt.u32 s8, $0xFFFFF086  }
0x1c: {  	p1 =	slt.u32 s9, $0xF7A;
	s5 =	simm.s32 @!p2 $0x0  }
0x1d: {  	s5 =	simm.s32 @p1 $0x1;
	p0 =	seq.s32 s7, s2  }
0x1e: {  	s7 =	smul.u32 @!p0 $0xF7A, s2;
	p2 =	seq.s32 @!p0 s5, $0x0  }
0x1f: {  	s9 =	smul.u32 $0xF7A, s1;
	s8 =	simm.s32 @!p0 $0x1BF5;
	p2 =	por !p2, p0  }
0x20: {  	[sflag:s8] =	ssyncset.s32 @!p0 $0xFFFFF086;
	s6 =	sadd.s32 @!p0 s3, s7;
	s7 =	simm.s32 @!p0 $0x108  }
0x21: {  	s3 =	sadd.s32 s3, s9;
	s6 =	sadd.s32 @!p0 $0x88, s6;
	s7 =	simm.s32 @p2 $0x1082  }
0x22: {  	[simem:s7], [sflag:s8] =	dma.local @!p0 [hbm:s6], $0xF7A  }
0x23: {  	s9 =	sor.u32 $0xD0000000, s2;
	s6 =	simm.s32 $0x108;
	_ =	swait.ge @!p0 [sflag:s8], $0x0  }
0x24: {  	s3 =	sadd.s32 $0x88, s3;
	s6 =	simm.s32 @!p1 $0x1082;
	[sflag:s4] =	ssyncset.s32 $0xFFFFF086  }
0x25: {  	[simem:s6], [sflag:s4] =	dma.local [hbm:s3], $0xF7A  }
0x26: {  	[smem:$0x3F9F] =	sst s1;
	(tag) =	ssettag s2;
	_ =	strace s9  }
0x27: {  	s1 =	sld [smem:$0x3FAF]  }
0x28: {  	s2 =	sld [smem:$0x3FB0]  }
0x29: {  	s4 =	sld [smem:$0x3FB2]  }
0x2a: {  	p0 =	seq.s32 s5, $0x0;
	s5 =	sld [smem:$0x3FB3]  }
0x2b: {  	s6 =	sld [smem:$0x3FB4]  }
0x2c: {  	s7 =	sld [smem:$0x3FB5]  }
0x2d: {  	s3 =	simm.s32 $0x108;
	s8 =	sld [smem:$0x3FB6]  }
0x2e: {  	s3 =	simm.s32 @!p0 $0x1082;
	s9 =	sld [smem:$0x3FB7]  }
0x2f: {  	lr =	sadd.s32 s0, s3;
	s0 =	sld [smem:$0x3FAE]  }
0x30: {  	s3 =	sld [smem:$0x3FB1]  }
0x31: {  	[smem:$0x3FBA] =	sst s10  }
0x32: {  	s10 =	sld [smem:$0x3FB8];
	_ =	sdelay $0x3  }
0x33: {  	p0 =	seq.s32 s10, $0x1;
	s10 =	sld [smem:$0x3FBA];
	_ =	sdelay $0x3  }
0x34: {  	[smem:$0x3FBA] =	sst s10  }
0x35: {  	s10 =	sld [smem:$0x3FB9];
	_ =	sdelay $0x3  }
0x36: {  	p1 =	seq.s32 s10, $0x1;
	s10 =	sld [smem:$0x3FBA];
	_ =	sdelay $0x3  }
0x37: {  	[smem:$0x3FBA] =	sst s10  }
0x38: {  	s10 =	sld [smem:$0x3FBB]  }
0x39: {  	_ = 	snop;
	(pc) =	sbr.ind lr, $3  }
0x3a: {  	_ = 	snop  }
0x3b: {  	_ = 	snop  }
0x3c: {  	p2 =	seq.s32 s10, $0x1;
	s10 =	sld [smem:$0x3FBA]  }
0x3d: {  	_ =	shalt  }
0x3e: {  	_ =	shalt  }
0x3f: {  	_ =	shalt  }
0x40: {  	_ =	shalt  }
0x41: {  	_ =	shalt  }
0x42: {  	_ =	shalt  }
0x43: {  	_ =	shalt  }
0x44: {  	_ =	shalt  }
0x45: {  	_ =	shalt  }
0x46: {  	_ =	shalt  }
0x47: {  	_ =	shalt  }
0x48: {  	_ =	shalt  }
0x49: {  	_ =	shalt  }
0x4a: {  	_ =	shalt  }
0x4b: {  	_ =	shalt  }
0x4c: {  	_ =	shalt  }
0x4d: {  	_ =	shalt  }
0x4e: {  	_ =	shalt  }
0x4f: {  	_ =	shalt  }
0x50: {  	_ =	shalt  }
0x51: {  	_ =	shalt  }
0x52: {  	_ =	shalt  }
0x53: {  	_ =	shalt  }
0x54: {  	_ =	shalt  }
0x55: {  	_ =	shalt  }
0x56: {  	_ =	shalt  }
0x57: {  	_ =	shalt  }
0x58: {  	_ =	shalt  }
0x59: {  	_ =	shalt  }
0x5a: {  	_ =	shalt  }
0x5b: {  	_ =	shalt  }
0x5c: {  	_ =	shalt  }
0x5d: {  	_ =	shalt  }
0x5e: {  	_ =	shalt  }
0x5f: {  	_ =	shalt  }
0x60: {  	_ =	shalt  }
0x61: {  	_ =	shalt  }
0x62: {  	_ =	shalt  }
0x63: {  	_ =	shalt  }
0x64: {  	_ =	shalt  }
0x65: {  	_ =	shalt  }
0x66: {  	_ =	shalt  }
0x67: {  	_ =	shalt  }
0x68: {  	_ =	shalt  }
0x69: {  	_ =	shalt  }
0x6a: {  	_ =	shalt  }
0x6b: {  	_ =	shalt  }
0x6c: {  	_ =	shalt  }
0x6d: {  	_ =	shalt  }
0x6e: {  	_ =	shalt  }
0x6f: {  	_ =	shalt  }
0x70: {  	_ =	shalt  }
0x71: {  	_ =	shalt  }
0x72: {  	_ =	shalt  }
0x73: {  	_ =	shalt  }
0x74: {  	_ =	shalt  }
0x75: {  	_ =	shalt  }
0x76: {  	_ =	shalt  }
0x77: {  	_ =	shalt  }
0x78: {  	_ =	shalt  }
0x79: {  	_ =	shalt  }
0x7a: {  	_ =	shalt  }
0x7b: {  	_ =	shalt  }
0x7c: {  	_ =	shalt  }
0x7d: {  	_ =	shalt  }
0x7e: {  	_ =	shalt  }
0x7f: {  	_ =	shalt  }
0x80: {  	_ =	shalt  }
0x81: {  	_ =	shalt  }
0x82: {  	_ =	shalt  }
0x83: {  	_ =	shalt  }
0x84: {  	_ =	shalt  }
0x85: {  	_ =	shalt  }
0x86: {  	_ =	shalt  }
0x87: {  	_ =	shalt  }
.Lfunc_end0:
.L_simem_size_0:
called_computation.1_lowered:
.L_overlay_start_0:
0x88: {  	s2 =	sld [smem:$0x3FD9]  }
0x89: {  	s3 =	sld [smem:$0x3FFE];
	_ =	sdelay $0x1  }
0x8a: {  	s1 =	srdreg.scid  }
0x8b: {  	s0 =	sand.u32 $0x1, s1  }
0x8c: {  	s17 =	sshll.u32 s0, $0xA;
	s2 =	sadd.s32 s3, s2  }
0x8d: {  	s2 =	sadd.s32 s2, s17  }
0x8e: {  	[smem:$0x3FC6] =	sst s2  }
0x8f: {  	_ = 	snop  }
0x90: {  	s2 =	sld [smem:$0x3FD0];
	(tm) =	ssettm $0x1  }
0x91: {  	s18 =	sld [smem:$0x3FFB];
	_ =	sdelay $0x3  }
0x92: {  	_ =	strace s18  }
0x93: {  	s3 =	sld [smem:$0x3FFC];
	_ =	sdelay $0x3  }
0x94: {  	_ =	strace s3  }
0x95: {  	s3 =	sld [smem:$0x3FFD];
	_ =	sdelay $0x3  }
0x96: {  	_ =	strace s3  }
0x97: {  	_ =	strace $0x8FFFFFFF  }
0x98: {  	s19 =	sld [smem:$0x3FDB];
	_ =	sdelay $0x1  }
0x99: {  	s4 =	simm.s32 $_scs_section_size  }
0x9a: {  	s5 =	simm.s32 $_size__tile_overlayer_lowered;
	s6 =	simm.s32 $_tile_overlayer_lowered  }
0x9b: {  	s22 =	simm.s32 $0x1BFF;
	s21 =	sshll.u32 s6, $0x1;
	s3 =	sadd.s32 s4, s19  }
0x9c: {  	s7 =	simm.s32 $0x0;
	s20 =	sshll.u32 s5, $0x1;
	s5 =	sadd.s32 s21, s3  }
0x9d: {  	[timem:s7], [sflag:s22] =	dma.local [hbm:s5], s20  }
0x9e: {  	_ =	swait.ge [sflag:s22], s20  }
0x9f: {  	s4 =	ssub.s32 $0x0, s20;
	[sflag:s22] =	ssyncset.done $0x0  }
0xa0: {  	[sflag:s22] =	ssyncadd.s32 s4;
	_ =	sdelay $0x1  }
0xa1: {  	s23 =	simm.s32 $0x1B8B  }
0xa2: {  	_ =	swait.ge [sflag:s23], $0x1  }
0xa3: {  	[sflag:s23] =	ssyncset.done $0x0  }
0xa4: {  	s25 =	simm.s32 $0x1B8E;
	s24 =	sld [smem:$0x3FFE];
	[sflag:s23] =	ssyncadd.s32 $0xFFFFFFFF  }
0xa5: {  	s26 =	simm.s32 $execute0_lowered;
	[smem:$0x3FD2] =	sst s25  }
0xa6: {  	s5 =	sshll.u32 s26, $0x1;
	_ =	strace $0x80000046;
	[dreg:$0x1] =	wrdreg $0xFFFFFFFF  }
0xa7: {  	s28 =	simm.s32 $_size_execute0_lowered;
	s3 =	sadd.s32 s3, s5;
	[dreg:$0x0] =	wrdreg $0x0  }
0xa8: {  	s5 =	sshll.u32 s28, $0x1;
	[dreg:$0x2] =	wrdreg s3  }
0xa9: {  	[dreg:$0x3] =	wrdreg s5  }
0xaa: {  	[dreg:$0x4] =	wrdreg $0xC0  }
0xab: {  	_ =	task [dreg:s7], $0x5FFFF  }
0xac: {  	[dreg:$0x1] =	wrdreg $0xFFFFFFFF  }
0xad: {  	[dreg:$0x0] =	wrdreg $0x60  }
0xae: {  	[dreg:$0x2] =	wrdreg s2  }
0xaf: {  	[dreg:$0x3] =	wrdreg s24  }
0xb0: {  	[dreg:$0x4] =	wrdreg $0x9  }
0xb1: {  	_ =	task.clear_ibuf [dreg:s7], $0x5FFFF;
	_ =	strace $0x90000046  }
0xb2: {  	s29 =	simm.s32 $0x9;
	_ =	strace $0x80000048  }
0xb3: {  	_ =	swait.ge [sflag:s29], $0x1  }
0xb4: {  	[sflag:s29] =	ssyncadd.s32 $0xFFFFFFFF  }
0xb5: {  	_ =	strace $0x90000048  }
0xb6: {  	_ =	sfence  }
0xb7: {  	s30 =	sld [smem:$0x0];
	_ =	sdelay $0x2  }
0xb8: {  	s31 =	sshll.u32 s1, $0xD;
	s1 =	sshrl.u32 s1, $0x2  }
0xb9: {  	s3 =	sand.u32 $0x4000, s31;
	s1 =	sadd.s32 s1, s30  }
0xba: {  	s0 =	sor.u32 s3, s0;
	s1 =	sshll.u32 s1, $0x11  }
0xbb: {  	s0 =	sor.u32 s1, s0  }
0xbc: {  	s0 =	sadd.s32 $0x8F2B, s0  }
0xbd: {  	[sflag:s0] =	ssyncadd.remote.s32 $0x1  }
0xbe: {  	_ =	sfence.sel $0xFFFF  }
0xbf: {  	[dreg:$0x0] =	wrdreg $0xFFFFFFFF;
	(pc) =	sbr.abs _section_cstart, $3  }
0xc0: {  	[dreg:$0x1] =	wrdreg $0xFFFFFFFF  }
0xc1: {  	_ =	task.clear_ibuf [dreg:s7], $0x2FFFF;
	_ =	strace $0x9FFFFFFF  }
0xc2: {  	(tm) =	ssettm $0x7FFFFFFF  }
0xc3: {  	_ =	shalt  }
tec
execute0_lowered:
.L_overlay_start_1:
0x0: {  	(tag) =	ssettag $0x1  }
0x1: {  	s3 =	rddreg [dreg:$0x0];
	s0 =	srdreg.scid  }
0x2: {  	s2 =	stileid.u32;
	s1 =	rddreg [dreg:$0x1]  }
0x3: {  	s21 =	simm.s32 $0x0;
	s0 =	sand.u32 $0x1, s0;
	s2 =	sshll.u32 s2, $0x1  }
0x4: {  	[smem:$0x7FF] =	sst s21;
	s2 =	sor.u32 s0, s2  }
0x5: {  	s30 =	sadd.s32 $0x800, s1;
	s1 =	sadd.s32 $0xF42C00, s1;
	s4 =	smul.u32 $0x1900, s2  }
0x6: {  	vm0 =	vmmov $0x1;
	_ =	strace $0x80000047;
	s0 =	ssub.s32 $0x2, s0;
	[dreg:$0x12] =	wrdreg s1  }
0x7: {  	vm1 =	vcmask $0x308;
	vm2 =	vcmask $0x70C;
	vm3 =	vcmask $0xB10;
	s26 =	sshrl.u32 s0, $0x1;
	s29 =	sadd.s32 $0x140, s4;
	[dreg:$0x11] =	wrdreg s4  }
0x8: {  	vm4 =	vcmask $0xF14;
	vm5 =	vcmask $0x1318;
	vm6 =	vcmask $0x171C;
	s0 =	ssub.s32 s0, s26;
	s31 =	sadd.s32 $0x280, s4;
	[dreg:$0x14] =	wrdreg s29  }
0x9: {  	vm7 =	vcmask $0x1B20;
	vm8 =	vcmask $0x1F24;
	vm9 =	vcmask $0x2328;
	s2 =	sshrl.u32 s4, $0x3;
	s0 =	smax.u32 s0, $0x1;
	[dreg:$0x15] =	wrdreg s31  }
0xa: {  	vm10 =	vcmask $0x272C;
	vm11 =	vcmask $0x2B30;
	vm12 =	vcmask $0x2F34;
	s28 =	sadd.s32 s3, s2;
	[dreg:$0x16] =	wrdreg s0  }
0xb: {  	vm13 =	vcmask $0x3338;
	vm14 =	vcmask $0x373C;
	vm15 =	vmmov $0x7fff;
	s1 =	simm.s32 $0x0;
	s3 =	simm.s32 $0x3;
	[dreg:$0x13] =	wrdreg s28  }
.LBB2_1:
0xc: {  	[dreg:$0x17] =	wrdreg s1  }
0xd: {  	s0 =	rddreg [dreg:$0x13]  }
0xe: {  	[tilespmem:s21], [sflag:$0x3] =	stream.linear.gather [hbm4b:s0+s21], $0x140, $0x38;
	[tilespmem:$0x14300] =	vst v63  }
0xf: {  	_ =	swait.ge [sflag:s3], $0x140  }
0x10: {  	[sflag:s3] =	ssyncset.done $0x0  }
0x11: {  	s0 =	simm.s32 $0x10;
	[sflag:s3] =	ssyncadd.s32 $0xFFFFFEC0  }
0x12: {  	v0 =	vld [tilespmem:s0+$0xFFFFFFF0];
	_ =	sdelay $0x4  }
0x13: {  	v1 =	vsel vm1, $0x0, v0  }
0x14: {  	v2 =	vnsel vm0, $0x0, v0;
	(xrf0) =	vadd.scan.msk.s32 $0xffff, v1  }
0x15: {  	v1 =	vsel vm2, $0x0, v0;
	(xrf0) =	vadd.scan.msk.s32 $0xffff, v2  }
0x16: {  	v2 =	vsel vm3, $0x0, v0;
	(xrf0) =	vadd.scan.msk.s32 $0xffff, v1  }
0x17: {  	v1 =	vsel vm4, $0x0, v0;
	(xrf0) =	vadd.scan.msk.s32 $0xffff, v2  }
0x18: {  	v2 =	vsel vm6, $0x0, v0;
	(xrf0) =	vadd.scan.msk.s32 $0xffff, v1;
	v1 =	vsel vm10, $0x0, v0  }
0x19: {  	(xrf0) =	vadd.scan.msk.s32 $0xffff, v2  }
0x1a: {  	v2 =	vsel vm5, $0x0, v0;
	v3, _, _ =	vpop (xrf0);
	(xrf0) =	vadd.scan.msk.s32 $0xffff, v1  }
0x1b: {  	v1, _, _ =	vpop (xrf0);
	(xrf0) =	vadd.scan.msk.s32 $0xffff, v2;
	v2 =	vsel vm7, $0x0, v0;
	(v2sf) =	vpush v3, $0xF  }
0x1c: {  	(v2sf) =	vpush v1, $0xF  }
0x1d: {  	v4, _, _ =	vpop (xrf0)  }
0x1e: {  	v5 =	vsel vm9, $0x0, v0;
	(xrf0) =	vadd.scan.msk.s32 $0xffff, v2;
	v2, _, _ =	vpop (xrf0)  }
0x1f: {  	v6 =	vsel vm11, $0x0, v0;
	(v2sf) =	vpush v4, $0xF;
	v3, _, _ =	vpop (xrf0);
	(xrf0) =	vadd.scan.msk.s32 $0xffff, v5  }
0x20: {  	v5 =	vsel vm8, $0x0, v0;
	v1, _, _ =	vpop (xrf0);
	(xrf0) =	vadd.scan.msk.s32 $0xffff, v6  }
0x21: {  	(v2sf) =	vpush v3, $0xF;
	v4, _, _ =	vpop (xrf0);
	(xrf0) =	vadd.scan.msk.s32 $0xffff, v5  }
0x22: {  	v3, _, _ =	vpop (xrf0)  }
0x23: {  	(v2sf) =	vpush v3, $0xF  }
0x24: {  	v3, _, _ =	vpop (xrf0);
	(v2sf) =	vpush v2, $0xF  }
0x25: {  	v2, _, _ =	vpop (xrf0)  }
0x26: {  	(v2sf) =	vpush v3, $0xF;
	v3, _, _ =	vpop (xrf0)  }
0x27: {  	(v2sf) =	vpush v2, $0xF;
	v5, _, _ =	vpop (xrf0)  }
0x28: {  	(v2sf) =	vpush v5, $0xF;
	_ =	sdelay $0x1  }
0x29: {  	(v2sf) =	vpush v4, $0xF;
	s7 =	spop (v2sf)  }
0x2a: {  	(v2sf) =	vpush v1, $0xF;
	s6 =	spop (v2sf)  }
0x2b: {  	s14 =	simm.s32 $0x300;
	s17 =	simm.s32 $0x380;
	s9 =	sshll.u32 s6, $0x4  }
0x2c: {  	s5 =	simm.s32 $0x400;
	s7 =	sshll.u32 s7, $0x4;
	s9 =	sand.u32 $0x1FFFFFF0, s9  }
0x2d: {  	s8 =	spop (v2sf);
	s7 =	sand.u32 $0x1FFFFFF0, s7;
	s9 =	sadd.s32 s30, s9  }
0x2e: {  	[tilespmem:s14], [sflag:$0x1] =	stream.linear.gather [hbm4b:s9+s21], $0x80, $0x38;
	[tilespmem:$0x14300] =	vst v63  }
0x2f: {  	s8 =	sshll.u32 s8, $0x4;
	s7 =	sadd.s32 s30, s7;
	s24 =	spop (v2sf)  }
0x30: {  	[tilespmem:s17], [sflag:$0x1] =	stream.linear.gather [hbm4b:s7+s21], $0x80, $0x38;
	[tilespmem:$0x14300] =	vst v63  }
0x31: {  	s19 =	simm.s32 $0x500;
	v1 =	vsel vm12, $0x0, v0;
	s8 =	sand.u32 $0x1FFFFFF0, s8;
	s11 =	spop (v2sf)  }
0x32: {  	s20 =	simm.s32 $0x480;
	(xrf0) =	vadd.scan.msk.s32 $0xffff, v1;
	s8 =	sadd.s32 s30, s8;
	s12 =	spop (v2sf)  }
0x33: {  	[tilespmem:s5], [sflag:$0x1] =	stream.linear.gather [hbm4b:s8+s21], $0x80, $0x38;
	[tilespmem:$0x14300] =	vst v63  }
0x34: {  	v1 =	vsel vm13, $0x0, v0;
	s10 =	sshll.u32 s24, $0x4;
	s13 =	spop (v2sf);
	s12 =	sshll.u32 s12, $0x4  }
0x35: {  	(xrf0) =	vadd.scan.msk.s32 $0xffff, v1;
	v1 =	vsel vm14, $0x0, v0;
	s10 =	sand.u32 $0x1FFFFFF0, s10;
	(v2sf) =	vpush v3, $0xF;
	s12 =	sand.u32 $0x1FFFFFF0, s12;
	s25 =	spop (v2sf)  }
0x36: {  	(xrf0) =	vadd.scan.msk.s32 $0xffff, v1;
	s10 =	sadd.s32 s30, s10;
	s26 =	sadd.s32 s30, s12;
	s15 =	spop (v2sf)  }
0x37: {  	[tilespmem:s20], [sflag:$0x1] =	stream.linear.gather [hbm4b:s26+s21], $0x80, $0x38;
	[tilespmem:$0x14300] =	vst v63  }
0x38: {  	v0 =	vsel vm15, $0x0, v0;
	s11 =	sshll.u32 s11, $0x4;
	s5 =	simm.s32 $0x600;
	s16 =	spop (v2sf)  }
0x39: {  	(xrf0) =	vadd.scan.msk.s32 $0xffff, v0;
	v1, _, _ =	vpop (xrf0);
	s11 =	sand.u32 $0x1FFFFFF0, s11;
	s13 =	sshll.u32 s13, $0x4;
	s3 =	spop (v2sf)  }
0x3a: {  	(v2sf) =	vpush v1, $0xF;
	[tilespmem:s19], [sflag:$0x1] =	stream.linear.gather [hbm4b:s10+s21], $0x80, $0x38;
	[tilespmem:$0x14300] =	vst v63  }
0x3b: {  	s13 =	sand.u32 $0x1FFFFFF0, s13;
	s9 =	sshll.u32 s25, $0x4;
	v1, _, _ =	vpop (xrf0);
	s12 =	sshll.u32 s3, $0x4  }
0x3c: {  	s25 =	sadd.s32 s30, s11;
	s26 =	simm.s32 $0x580;
	(v2sf) =	vpush v1, $0xF;
	s22 =	sand.u32 $0x1FFFFFF0, s12  }
0x3d: {  	v0, _, _ =	vpop (xrf0);
	[tilespmem:s26], [sflag:$0x1] =	stream.linear.gather [hbm4b:s25+s21], $0x80, $0x38;
	[tilespmem:$0x14300] =	vst v63  }
0x3e: {  	s7 =	sand.u32 $0x1FFFFFF0, s9;
	s23 =	sshll.u32 s15, $0x4;
	(v2sf) =	vpush v0, $0xF;
	s9 =	sadd.s32 s30, s22  }
0x3f: {  	v0, _, _ =	vpop (xrf0);
	[tilespmem:s5], [sflag:$0x1] =	stream.linear.gather [hbm4b:s9+s21], $0x80, $0x38;
	[tilespmem:$0x14300] =	vst v63  }
0x40: {  	s17 =	sadd.s32 s30, s13;
	s15 =	simm.s32 $0x680;
	s24 =	sand.u32 $0x1FFFFFF0, s23;
	(v2sf) =	vpush v0, $0xF  }
0x41: {  	[tilespmem:s15], [sflag:$0x1] =	stream.linear.gather [hbm4b:s17+s21], $0x80, $0x38;
	[tilespmem:$0x14300] =	vst v63  }
0x42: {  	s6 =	simm.s32 $0x780;
	s14 =	simm.s32 $0x700;
	s8 =	sadd.s32 s30, s24  }
0x43: {  	[tilespmem:s14], [sflag:$0x1] =	stream.linear.gather [hbm4b:s8+s21], $0x80, $0x38;
	[tilespmem:$0x14300] =	vst v63  }
0x44: {  	s7 =	sadd.s32 s30, s7;
	s19 =	sshll.u32 s16, $0x4;
	s3 =	spop (v2sf)  }
0x45: {  	[tilespmem:s6], [sflag:$0x1] =	stream.linear.gather [hbm4b:s7+s21], $0x80, $0x38;
	[tilespmem:$0x14300] =	vst v63  }
0x46: {  	s18 =	simm.s32 $0x30;
	s10 =	sand.u32 $0x1FFFFFF0, s19;
	s12 =	sshll.u32 s3, $0x4  }
0x47: {  	s4 =	simm.s32 $0x800;
	v1 =	vld [tilespmem:s18+$0xFFFFFFF0];
	s24 =	sadd.s32 s30, s10;
	s9 =	sand.u32 $0x1FFFFFF0, s12  }
0x48: {  	[tilespmem:s4], [sflag:$0x1] =	stream.linear.gather [hbm4b:s24+s21], $0x80, $0x38;
	[tilespmem:$0x14300] =	vst v63  }
0x49: {  	s2 =	simm.s32 $0x880;
	s3 =	sadd.s32 s30, s9;
	s20 =	spop (v2sf)  }
0x4a: {  	[tilespmem:s2], [sflag:$0x1] =	stream.linear.gather [hbm4b:s3+s21], $0x80, $0x38;
	[tilespmem:$0x14300] =	vst v63  }
0x4b: {  	s1 =	simm.s32 $0x900;
	s22 =	sshll.u32 s20, $0x4;
	s23 =	spop (v2sf)  }
0x4c: {  	v0 =	vsel vm1, $0x0, v1;
	s9 =	simm.s32 $0x980;
	s25 =	sand.u32 $0x1FFFFFF0, s22;
	s26 =	sshll.u32 s23, $0x4  }
0x4d: {  	(xrf0) =	vadd.scan.msk.s32 $0xffff, v0;
	s7 =	spop (v2sf);
	s5 =	sand.u32 $0x1FFFFFF0, s26;
	s4 =	sadd.s32 s30, s25  }
0x4e: {  	v0 =	vnsel vm0, $0x0, v1;
	[tilespmem:s1], [sflag:$0x1] =	stream.linear.gather [hbm4b:s4+s21], $0x80, $0x38;
	[tilespmem:$0x14300] =	vst v63  }
0x4f: {  	(xrf0) =	vadd.scan.msk.s32 $0xffff, v0;
	s8 =	sshll.u32 s7, $0x4;
	s10 =	spop (v2sf);
	s2 =	sadd.s32 s30, s5  }
0x50: {  	v2 =	vsel vm2, $0x0, v1;
	[tilespmem:s9], [sflag:$0x1] =	stream.linear.gather [hbm4b:s2+s21], $0x80, $0x38;
	[tilespmem:$0x14300] =	vst v63  }
0x51: {  	v0 =	vsel vm3, $0x0, v1;
	(xrf0) =	vadd.scan.msk.s32 $0xffff, v2;
	s1 =	sand.u32 $0x1FFFFFF0, s8;
	s2 =	sshll.u32 s10, $0x4  }
0x52: {  	s11 =	simm.s32 $0xA00;
	(xrf0) =	vadd.scan.msk.s32 $0xffff, v0;
	s1 =	sadd.s32 s30, s1;
	s12 =	sand.u32 $0x1FFFFFF0, s2  }
0x53: {  	v2 =	vsel vm4, $0x0, v1;
	[tilespmem:s11], [sflag:$0x1] =	stream.linear.gather [hbm4b:s1+s21], $0x80, $0x38;
	[tilespmem:$0x14300] =	vst v63  }
0x54: {  	s13 =	simm.s32 $0xA80;
	(xrf0) =	vadd.scan.msk.s32 $0xffff, v2;
	s1 =	sadd.s32 s30, s12  }
0x55: {  	v0 =	vsel vm6, $0x0, v1;
	[tilespmem:s13], [sflag:$0x1] =	stream.linear.gather [hbm4b:s1+s21], $0x80, $0x38;
	[tilespmem:$0x14300] =	vst v63  }
0x56: {  	v2 =	vsel vm10, $0x0, v1;
	(xrf0) =	vadd.scan.msk.s32 $0xffff, v0;
	v0 =	vld [tilespmem:s0+$0x0]  }
0x57: {  	v3 =	vsel vm5, $0x0, v1;
	v4, _, _ =	vpop (xrf0);
	(xrf0) =	vadd.scan.msk.s32 $0xffff, v2  }
0x58: {  	v2 =	vsel vm7, $0x0, v1;
	v5, _, _ =	vpop (xrf0);
	(xrf0) =	vadd.scan.msk.s32 $0xffff, v3;
	v3 =	vsel vm9, $0x0, v1  }
0x59: {  	v6, _, _ =	vpop (xrf0);
	(xrf0) =	vadd.scan.msk.s32 $0xffff, v2  }
0x5a: {  	(v2sf) =	vpush v4, $0xF;
	v2 =	vsel vm11, $0x0, v1;
	v7, _, _ =	vpop (xrf0);
	(xrf0) =	vadd.scan.msk.s32 $0xffff, v3  }
0x5b: {  	(v2sf) =	vpush v5, $0xF;
	v3, _, _ =	vpop (xrf0);
	(xrf0) =	vadd.scan.msk.s32 $0xffff, v2;
	v2 =	vnsel vm0, $0x0, v0  }
0x5c: {  	v4, _, _ =	vpop (xrf0);
	(xrf0) =	vadd.scan.msk.s32 $0xffff, v2;
	v2 =	vsel vm4, $0x0, v0  }
0x5d: {  	(v2sf) =	vpush v6, $0xF  }
0x5e: {  	(v2sf) =	vpush v3, $0xF;
	v3 =	vsel vm8, $0x0, v1;
	v5, _, _ =	vpop (xrf0);
	v6 =	vsel vm5, $0x0, v0;
	(xrf0) =	vadd.scan.msk.s32 $0xffff, v2  }
0x5f: {  	v2, _, _ =	vpop (xrf0);
	(xrf0) =	vadd.scan.msk.s32 $0xffff, v6;
	v6 =	vsel vm1, $0x0, v0  }
0x60: {  	(v2sf) =	vpush v2, $0xF;
	v2, _, _ =	vpop (xrf0)  }
0x61: {  	(xrf0) =	vadd.scan.msk.s32 $0xffff, v3;
	v3, _, _ =	vpop (xrf0);
	(v2sf) =	vpush v7, $0xF  }
0x62: {  	v7 =	vsel vm2, $0x0, v0;
	(xrf0) =	vadd.scan.msk.s32 $0xffff, v6;
	v6, _, _ =	vpop (xrf0);
	(v2sf) =	vpush v2, $0xF  }
0x63: {  	(xrf0) =	vadd.scan.msk.s32 $0xffff, v7;
	v2, _, _ =	vpop (xrf0);
	(v2sf) =	vpush v3, $0xF  }
0x64: {  	(v2sf) =	vpush v2, $0xF  }
0x65: {  	v2, _, _ =	vpop (xrf0)  }
0x66: {  	v3, _, _ =	vpop (xrf0);
	(v2sf) =	vpush v2, $0xF  }
0x67: {  	v2, _, _ =	vpop (xrf0);
	(v2sf) =	vpush v3, $0xF  }
0x68: {  	v3, _, _ =	vpop (xrf0);
	(v2sf) =	vpush v2, $0xF  }
0x69: {  	s12 =	spop (v2sf);
	v7, _, _ =	vpop (xrf0)  }
0x6a: {  	s14 =	spop (v2sf);
	(v2sf) =	vpush v7, $0xF  }
0x6b: {  	s4 =	sshll.u32 s14, $0x4;
	(v2sf) =	vpush v5, $0xF  }
0x6c: {  	s3 =	simm.s32 $0x0;
	s16 =	spop (v2sf);
	s4 =	sand.u32 $0x1FFFFFF0, s4;
	(v2sf) =	vpush v4, $0xF  }
0x6d: {  	s22 =	simm.s32 $0x1300;
	s25 =	spop (v2sf);
	s4 =	sadd.s32 s30, s4;
	(v2sf) =	vpush v3, $0xF  }
0x6e: {  	[tilespmem:s22], [sflag:$0x1] =	stream.linear.gather [hbm4b:s4+s3], $0x80, $0x38;
	[tilespmem:$0x14300] =	vst v63  }
0x6f: {  	s26 =	spop (v2sf)  }
0x70: {  	s12 =	sshll.u32 s12, $0x4;
	s15 =	spop (v2sf)  }
0x71: {  	s12 =	sand.u32 $0x1FFFFFF0, s12;
	s5 =	spop (v2sf)  }
0x72: {  	s12 =	sadd.s32 s30, s12;
	s22 =	sshll.u32 s16, $0x4;
	s11 =	spop (v2sf)  }
0x73: {  	s16 =	sshll.u32 s5, $0x4;
	s5 =	simm.s32 $0x1380;
	s17 =	spop (v2sf)  }
0x74: {  	[tilespmem:s5], [sflag:$0x1] =	stream.linear.gather [hbm4b:s12+s3], $0x80, $0x38;
	[tilespmem:$0x14300] =	vst v63  }
0x75: {  	s0 =	sshll.u32 s17, $0x4;
	s1 =	spop (v2sf)  }
0x76: {  	s19 =	sand.u32 $0x1FFFFFF0, s0;
	s0 =	spop (v2sf)  }
0x77: {  	s20 =	simm.s32 $0xB00;
	s2 =	sadd.s32 s30, s19;
	s8 =	spop (v2sf)  }
0x78: {  	v2 =	vsel vm3, $0x0, v0;
	[tilespmem:s20], [sflag:$0x1] =	stream.linear.gather [hbm4b:s2+s21], $0x80, $0x38;
	[tilespmem:$0x14300] =	vst v63  }
0x79: {  	(xrf0) =	vadd.scan.msk.s32 $0xffff, v2;
	s17 =	spop (v2sf)  }
0x7a: {  	s6 =	simm.s32 $0x1800;
	s24 =	simm.s32 $0x50;
	s7 =	spop (v2sf)  }
0x7b: {  	s10 =	simm.s32 $0xC00;
	s13 =	sshll.u32 s25, $0x4;
	s20 =	spop (v2sf)  }
0x7c: {  	s9 =	simm.s32 $0x1780;
	s13 =	sand.u32 $0x1FFFFFF0, s13;
	s23 =	spop (v2sf)  }
0x7d: {  	s13 =	sadd.s32 s30, s13;
	v3 =	vsel vm12, $0x0, v1;
	s14 =	sshll.u32 s26, $0x4;
	s21 =	sshll.u32 s23, $0x4  }
0x7e: {  	(xrf0) =	vadd.scan.msk.s32 $0xffff, v3;
	s26 =	sand.u32 $0x1FFFFFF0, s22;
	s22 =	simm.s32 $0x1400;
	s21 =	sand.u32 $0x1FFFFFF0, s21  }
0x7f: {  	v2, _, _ =	vpop (xrf0);
	s15 =	sshll.u32 s15, $0x4;
	s19 =	simm.s32 $0xB80;
	s25 =	sadd.s32 s30, s21  }
0x80: {  	(v2sf) =	vpush v2, $0xF;
	v2 =	vsel vm13, $0x0, v1;
	[tilespmem:s19], [sflag:$0x1] =	stream.linear.gather [hbm4b:s25+s3], $0x80, $0x38;
	[tilespmem:$0x14300] =	vst v63  }
0x81: {  	s15 =	sand.u32 $0x1FFFFFF0, s15;
	s17 =	sshll.u32 s17, $0x4;
	(v2sf) =	vpush v6, $0xF;
	(xrf0) =	vadd.scan.msk.s32 $0xffff, v2;
	v2 =	vsel vm6, $0x0, v0;
	s21 =	sadd.s32 s30, s26  }
0x82: {  	[tilespmem:s22], [sflag:$0x1] =	stream.linear.gather [hbm4b:s21+s3], $0x80, $0x38;
	[tilespmem:$0x14300] =	vst v63  }
0x83: {  	s15 =	sadd.s32 s30, s15;
	s17 =	sand.u32 $0x1FFFFFF0, s17;
	(xrf0) =	vadd.scan.msk.s32 $0xffff, v2;
	s25 =	simm.s32 $0x1480  }
0x84: {  	v3 =	vsel vm14, $0x0, v1;
	v2, _, _ =	vpop (xrf0);
	[tilespmem:s25], [sflag:$0x1] =	stream.linear.gather [hbm4b:s15+s3], $0x80, $0x38;
	[tilespmem:$0x14300] =	vst v63  }
0x85: {  	s14 =	sand.u32 $0x1FFFFFF0, s14;
	s16 =	sand.u32 $0x1FFFFFF0, s16;
	s17 =	sadd.s32 s30, s17;
	(xrf0) =	vadd.scan.msk.s32 $0xffff, v3;
	(v2sf) =	vpush v2, $0xF  }
0x86: {  	v3 =	vsel vm7, $0x0, v0;
	[tilespmem:s10], [sflag:$0x1] =	stream.linear.gather [hbm4b:s17+s3], $0x80, $0x38;
	[tilespmem:$0x14300] =	vst v63  }
0x87: {  	s11 =	sshll.u32 s11, $0x4;
	s20 =	sshll.u32 s20, $0x4;
	s23 =	simm.s32 $0x1500;
	(xrf0) =	vadd.scan.msk.s32 $0xffff, v3  }
0x88: {  	v1 =	vsel vm15, $0x0, v1;
	v2, _, _ =	vpop (xrf0);
	[tilespmem:s23], [sflag:$0x1] =	stream.linear.gather [hbm4b:s13+s3], $0x80, $0x38;
	[tilespmem:$0x14300] =	vst v63  }
0x89: {  	s26 =	sand.u32 $0x1FFFFFF0, s20;
	s22 =	sadd.s32 s30, s14;
	(xrf0) =	vadd.scan.msk.s32 $0xffff, v1;
	(v2sf) =	vpush v2, $0xF;
	v2, _, _ =	vpop (xrf0);
	s23 =	simm.s32 $0x1580  }
0x8a: {  	(v2sf) =	vpush v2, $0xF;
	[tilespmem:s23], [sflag:$0x1] =	stream.linear.gather [hbm4b:s22+s3], $0x80, $0x38;
	[tilespmem:$0x14300] =	vst v63  }
0x8b: {  	s5 =	sshll.u32 s8, $0x4;
	s26 =	sadd.s32 s30, s26;
	s25 =	simm.s32 $0x1600;
	v1, _, _ =	vpop (xrf0)  }
0x8c: {  	(v2sf) =	vpush v1, $0xF;
	v1 =	vsel vm8, $0x0, v0;
	[tilespmem:s25], [sflag:$0x1] =	stream.linear.gather [hbm4b:s26+s3], $0x80, $0x38;
	[tilespmem:$0x14300] =	vst v63  }
0x8d: {  	s16 =	sadd.s32 s30, s16;
	s12 =	sand.u32 $0x1FFFFFF0, s5;
	s15 =	simm.s32 $0x1680;
	(xrf0) =	vadd.scan.msk.s32 $0xffff, v1  }
0x8e: {  	v2 =	vsel vm9, $0x0, v0;
	[tilespmem:s15], [sflag:$0x1] =	stream.linear.gather [hbm4b:s16+s3], $0x80, $0x38;
	[tilespmem:$0x14300] =	vst v63  }
0x8f: {  	s11 =	sand.u32 $0x1FFFFFF0, s11;
	s12 =	sadd.s32 s30, s12;
	(xrf0) =	vadd.scan.msk.s32 $0xffff, v2;
	v2 =	vsel vm10, $0x0, v0;
	v1, _, _ =	vpop (xrf0);
	s8 =	spop (v2sf)  }
0x90: {  	s7 =	sshll.u32 s7, $0x4;
	s19 =	simm.s32 $0x1700;
	(xrf0) =	vadd.scan.msk.s32 $0xffff, v2;
	(v2sf) =	vpush v1, $0xF;
	v1, _, _ =	vpop (xrf0);
	s20 =	spop (v2sf)  }
0x91: {  	(v2sf) =	vpush v1, $0xF;
	v1 =	vsel vm11, $0x0, v0;
	[tilespmem:s19], [sflag:$0x1] =	stream.linear.gather [hbm4b:s12+s3], $0x80, $0x38;
	[tilespmem:$0x14300] =	vst v63  }
0x92: {  	(xrf0) =	vadd.scan.msk.s32 $0xffff, v1;
	s19 =	sand.u32 $0x1FFFFFF0, s7;
	s21 =	sshll.u32 s20, $0x4;
	s20 =	sadd.s32 s30, s11  }
0x93: {  	v1 =	vsel vm12, $0x0, v0;
	[tilespmem:s9], [sflag:$0x1] =	stream.linear.gather [hbm4b:s20+s3], $0x80, $0x38;
	[tilespmem:$0x14300] =	vst v63  }
0x94: {  	(xrf0) =	vadd.scan.msk.s32 $0xffff, v1;
	v1 =	vsel vm13, $0x0, v0;
	s22 =	sadd.s32 s30, s19;
	s10 =	sand.u32 $0x1FFFFFF0, s21;
	s5 =	spop (v2sf)  }
0x95: {  	(xrf0) =	vadd.scan.msk.s32 $0xffff, v1;
	v2 =	vld [tilespmem:s24+$0xFFFFFFF0];
	v1 =	vsel vm14, $0x0, v0;
	[tilespmem:s6], [sflag:$0x1] =	stream.linear.gather [hbm4b:s22+s3], $0x80, $0x38  }
0x96: {  	s4 =	simm.s32 $0x1880;
	v0 =	vsel vm15, $0x0, v0;
	s10 =	sadd.s32 s30, s10;
	s13 =	sshll.u32 s5, $0x4  }
0x97: {  	v3, _, _ =	vpop (xrf0);
	[tilespmem:s4], [sflag:$0x1] =	stream.linear.gather [hbm4b:s10+s3], $0x80, $0x38;
	[tilespmem:$0x14300] =	vst v63  }
0x98: {  	s2 =	simm.s32 $0x1900;
	(xrf0) =	vadd.scan.msk.s32 $0xffff, v1;
	v1, _, _ =	vpop (xrf0);
	s21 =	sand.u32 $0x1FFFFFF0, s13;
	s17 =	spop (v2sf)  }
0x99: {  	(v2sf) =	vpush v3, $0xF;
	(xrf0) =	vadd.scan.msk.s32 $0xffff, v0;
	v0, _, _ =	vpop (xrf0);
	s9 =	sadd.s32 s30, s21;
	s7 =	spop (v2sf);
	s23 =	sshll.u32 s17, $0x4  }
0x9a: {  	(v2sf) =	vpush v0, $0xF;
	v0 =	vsel vm1, $0x0, v2;
	[tilespmem:s2], [sflag:$0x1] =	stream.linear.gather [hbm4b:s9+s3], $0x80, $0x38;
	[tilespmem:$0x14300] =	vst v63  }
0x9b: {  	v3, _, _ =	vpop (xrf0);
	s25 =	spop (v2sf);
	s26 =	sand.u32 $0x1FFFFFF0, s23  }
0x9c: {  	s11 =	simm.s32 $0x1980;
	(xrf0) =	vadd.scan.msk.s32 $0xffff, v0;
	(v2sf) =	vpush v3, $0xF;
	v3 =	vnsel vm0, $0x0, v2;
	s5 =	sshll.u32 s25, $0x4;
	s4 =	sadd.s32 s30, s26  }
0x9d: {  	v0, _, _ =	vpop (xrf0);
	[tilespmem:s11], [sflag:$0x1] =	stream.linear.gather [hbm4b:s4+s3], $0x80, $0x38;
	[tilespmem:$0x14300] =	vst v63  }
0x9e: {  	(v2sf) =	vpush v0, $0xF;
	s12 =	sand.u32 $0x1FFFFFF0, s5;
	v0 =	vsel vm2, $0x0, v2  }
0x9f: {  	s14 =	simm.s32 $0x1A00;
	(xrf0) =	vadd.scan.msk.s32 $0xffff, v3;
	v3, _, _ =	vpop (xrf0);
	s4 =	sadd.s32 s30, s12;
	s10 =	spop (v2sf)  }
0xa0: {  	(v2sf) =	vpush v3, $0xF;
	v3 =	vsel vm3, $0x0, v2;
	[tilespmem:s14], [sflag:$0x1] =	stream.linear.gather [hbm4b:s4+s3], $0x80, $0x38;
	[tilespmem:$0x14300] =	vst v63  }
0xa1: {  	s1 =	sshll.u32 s1, $0x4;
	(xrf0) =	vadd.scan.msk.s32 $0xffff, v0;
	s13 =	spop (v2sf);
	v0, _, _ =	vpop (xrf0)  }
0xa2: {  	s29 =	simm.s32 $0x1C00;
	s1 =	sand.u32 $0x1FFFFFF0, s1;
	(xrf0) =	vadd.scan.msk.s32 $0xffff, v3;
	s6 =	sshll.u32 s13, $0x4;
	(v2sf) =	vpush v0, $0xF;
	v0 =	vsel vm4, $0x0, v2  }
0xa3: {  	s0 =	sshll.u32 s0, $0x4;
	s16 =	sshll.u32 s8, $0x4;
	v3, _, _ =	vpop (xrf0);
	s15 =	sand.u32 $0x1FFFFFF0, s6;
	(xrf0) =	vadd.scan.msk.s32 $0xffff, v0;
	v0 =	vsel vm6, $0x0, v2  }
0xa4: {  	s20 =	sand.u32 $0x1FFFFFF0, s16;
	s17 =	simm.s32 $0x1A80;
	(v2sf) =	vpush v3, $0xF;
	s4 =	sadd.s32 s30, s15;
	(xrf0) =	vadd.scan.msk.s32 $0xffff, v0  }
0xa5: {  	(v2sf) =	vpush v1, $0xF;
	v1 =	vsel vm10, $0x0, v2;
	[tilespmem:s17], [sflag:$0x1] =	stream.linear.gather [hbm4b:s4+s3], $0x80, $0x38;
	[tilespmem:$0x14300] =	vst v63  }
0xa6: {  	s0 =	sand.u32 $0x1FFFFFF0, s0;
	s21 =	simm.s32 $0xC80;
	v3 =	vsel vm5, $0x0, v2;
	s4 =	sadd.s32 s30, s20;
	(xrf0) =	vadd.scan.msk.s32 $0xffff, v1;
	v1 =	vsel vm7, $0x0, v2  }
0xa7: {  	[tilespmem:s21], [sflag:$0x1] =	stream.linear.gather [hbm4b:s4+s3], $0x80, $0x38;
	v0 =	vld [tilespmem:s18+$0x0];
	(xrf0) =	vadd.scan.msk.s32 $0xffff, v3  }
0xa8: {  	s1 =	sadd.s32 s30, s1;
	s22 =	sshll.u32 s7, $0x4;
	s23 =	simm.s32 $0xD00;
	v4, _, _ =	vpop (xrf0);
	(xrf0) =	vadd.scan.msk.s32 $0xffff, v1  }
0xa9: {  	v3 =	vsel vm9, $0x0, v2;
	v1, _, _ =	vpop (xrf0);
	[tilespmem:s23], [sflag:$0x1] =	stream.linear.gather [hbm4b:s1+s3], $0x80, $0x38;
	[tilespmem:$0x14300] =	vst v63  }
0xaa: {  	s0 =	sadd.s32 s30, s0;
	v5 =	vsel vm11, $0x0, v2;
	s9 =	simm.s32 $0xD80;
	s25 =	sand.u32 $0x1FFFFFF0, s22;
	v7, _, _ =	vpop (xrf0);
	(xrf0) =	vadd.scan.msk.s32 $0xffff, v3  }
0xab: {  	s14 =	simm.s32 $0xE00;
	s2 =	sshll.u32 s10, $0x4;
	s26 =	spop (v2sf);
	(xrf0) =	vadd.scan.msk.s32 $0xffff, v5  }
0xac: {  	[tilespmem:s9], [sflag:$0x1] =	stream.linear.gather [hbm4b:s0+s3], $0x80, $0x38;
	v5 =	vnsel vm0, $0x0, v0;
	[tilespmem:$0x14300] =	vst v63  }
0xad: {  	s10 =	sand.u32 $0x1FFFFFF0, s2;
	s1 =	sadd.s32 s30, s25;
	s5 =	spop (v2sf);
	v3, _, _ =	vpop (xrf0);
	v6 =	vsel vm4, $0x0, v0;
	(xrf0) =	vadd.scan.msk.s32 $0xffff, v5  }
0xae: {  	[tilespmem:s14], [sflag:$0x1] =	stream.linear.gather [hbm4b:s1+s3], $0x80, $0x38;
	[tilespmem:$0x14300] =	vst v63  }
0xaf: {  	s11 =	sshll.u32 s26, $0x4;
	s20 =	simm.s32 $0xE80;
	s12 =	spop (v2sf);
	v8, _, _ =	vpop (xrf0);
	v5 =	vsel vm5, $0x0, v0;
	(xrf0) =	vadd.scan.msk.s32 $0xffff, v6  }
0xb0: {  	s15 =	sand.u32 $0x1FFFFFF0, s11;
	s0 =	sadd.s32 s30, s10;
	s13 =	spop (v2sf);
	v6, _, _ =	vpop (xrf0);
	(xrf0) =	vadd.scan.msk.s32 $0xffff, v5  }
0xb1: {  	v9 =	vsel vm8, $0x0, v2;
	[tilespmem:s20], [sflag:$0x1] =	stream.linear.gather [hbm4b:s0+s3], $0x80, $0x38;
	[tilespmem:$0x14300] =	vst v63  }
0xb2: {  	s26 =	simm.s32 $0xF00;
	s1 =	sadd.s32 s30, s15;
	(v2sf) =	vpush v4, $0xF;
	s17 =	spop (v2sf);
	v10, _, _ =	vpop (xrf0);
	(xrf0) =	vadd.scan.msk.s32 $0xffff, v9  }
0xb3: {  	v4 =	vsel vm1, $0x0, v0;
	(v2sf) =	vpush v1, $0xF;
	v1 =	vsel vm2, $0x0, v0;
	v5, _, _ =	vpop (xrf0);
	[tilespmem:s26], [sflag:$0x1] =	stream.linear.gather [hbm4b:s1+s3], $0x80, $0x38;
	[tilespmem:$0x14300] =	vst v63  }
0xb4: {  	s28 =	simm.s32 $0x2800;
	s31 =	simm.s32 $0x2780;
	(xrf0) =	vadd.scan.msk.s32 $0xffff, v4;
	s18 =	spop (v2sf);
	v11, _, _ =	vpop (xrf0)  }
0xb5: {  	s19 =	simm.s32 $0x1B00;
	s16 =	sshll.u32 s5, $0x4;
	(v2sf) =	vpush v7, $0xF;
	v4 =	vsel vm3, $0x0, v0;
	(xrf0) =	vadd.scan.msk.s32 $0xffff, v1;
	s23 =	spop (v2sf);
	v7, _, _ =	vpop (xrf0)  }
0xb6: {  	s10 =	simm.s32 $0xF80;
	s21 =	sand.u32 $0x1FFFFFF0, s16;
	v9 =	vsel vm12, $0x0, v2;
	(xrf0) =	vadd.scan.msk.s32 $0xffff, v4;
	s25 =	spop (v2sf);
	v1, _, _ =	vpop (xrf0)  }
0xb7: {  	s22 =	sshll.u32 s12, $0x4;
	s7 =	sshll.u32 s13, $0x4;
	(v2sf) =	vpush v8, $0xF;
	v4 =	vsel vm13, $0x0, v2;
	s9 =	sshll.u32 s25, $0x4;
	v8, _, _ =	vpop (xrf0);
	(xrf0) =	vadd.scan.msk.s32 $0xffff, v9  }
0xb8: {  	s16 =	simm.s32 $0x1100;
	s2 =	sand.u32 $0x1FFFFFF0, s7;
	s7 =	sand.u32 $0x1FFFFFF0, s9;
	(xrf0) =	vadd.scan.msk.s32 $0xffff, v4;
	v4 =	vsel vm6, $0x0, v0  }
0xb9: {  	s5 =	sand.u32 $0x1FFFFFF0, s22;
	s14 =	simm.s32 $0x1000;
	(v2sf) =	vpush v5, $0xF;
	v5, _, _ =	vpop (xrf0);
	s7 =	sadd.s32 s30, s7;
	(xrf0) =	vadd.scan.msk.s32 $0xffff, v4  }
0xba: {  	v9 =	vsel vm14, $0x0, v2;
	[tilespmem:s10], [sflag:$0x1] =	stream.linear.gather [hbm4b:s7+s3], $0x80, $0x38;
	[tilespmem:$0x14300] =	vst v63  }
0xbb: {  	s22 =	simm.s32 $0x4;
	s15 =	simm.s32 $0x1200;
	s0 =	sadd.s32 s30, s21;
	(v2sf) =	vpush v3, $0xF;
	v3 =	vsel vm7, $0x0, v0;
	v12, _, _ =	vpop (xrf0);
	(xrf0) =	vadd.scan.msk.s32 $0xffff, v9  }
0xbc: {  	s21 =	simm.s32 $0x2B00;
	s6 =	sshll.u32 s17, $0x4;
	s17 =	simm.s32 $0x1180;
	v13, _, _ =	vpop (xrf0);
	(xrf0) =	vadd.scan.msk.s32 $0xffff, v3  }
0xbd: {  	v2 =	vsel vm15, $0x0, v2;
	[tilespmem:s14], [sflag:$0x1] =	stream.linear.gather [hbm4b:s0+s3], $0x80, $0x38;
	[tilespmem:$0x14300] =	vst v63  }
0xbe: {  	s11 =	sand.u32 $0x1FFFFFF0, s6;
	s1 =	sadd.s32 s30, s5;
	s5 =	simm.s32 $0x2900;
	v14, _, _ =	vpop (xrf0);
	v3 =	vsel vm8, $0x0, v0;
	(xrf0) =	vadd.scan.msk.s32 $0xffff, v2  }
0xbf: {  	s2 =	sadd.s32 s30, s2;
	s8 =	sshll.u32 s18, $0x4;
	s18 =	simm.s32 $0x1080;
	v15, _, _ =	vpop (xrf0);
	(xrf0) =	vadd.scan.msk.s32 $0xffff, v3  }
0xc0: {  	v2 =	vsel vm9, $0x0, v0;
	v9, _, _ =	vpop (xrf0);
	[tilespmem:s18], [sflag:$0x1] =	stream.linear.gather [hbm4b:s1+s3], $0x80, $0x38;
	[tilespmem:$0x14300] =	vst v63  }
0xc1: {  	s8 =	sand.u32 $0x1FFFFFF0, s8;
	s4 =	sshll.u32 s23, $0x4;
	s23 =	simm.s32 $0x70;
	(v2sf) =	vpush v11, $0xF;
	v4 =	vsel vm10, $0x0, v0;
	v3, _, _ =	vpop (xrf0);
	(xrf0) =	vadd.scan.msk.s32 $0xffff, v2  }
0xc2: {  	s13 =	sand.u32 $0x1FFFFFF0, s4;
	s8 =	sadd.s32 s30, s8;
	(v2sf) =	vpush v7, $0xF;
	s7 =	spop (v2sf);
	(xrf0) =	vadd.scan.msk.s32 $0xffff, v4  }
0xc3: {  	(v2sf) =	vpush v8, $0xF;
	v2 =	vsel vm11, $0x0, v0;
	v7, _, _ =	vpop (xrf0);
	[tilespmem:s16], [sflag:$0x1] =	stream.linear.gather [hbm4b:s2+s3], $0x80, $0x38;
	[tilespmem:$0x14300] =	vst v63  }
0xc4: {  	s9 =	sadd.s32 s30, s11;
	s6 =	sadd.s32 s30, s13;
	v8 =	vsel vm12, $0x0, v0;
	(v2sf) =	vpush v5, $0xF;
	s20 =	spop (v2sf);
	v4, _, _ =	vpop (xrf0);
	(xrf0) =	vadd.scan.msk.s32 $0xffff, v2  }
0xc5: {  	s0 =	simm.s32 $0x1280;
	s1 =	simm.s32 $0x1B80;
	(v2sf) =	vpush v12, $0xF;
	s25 =	spop (v2sf);
	(xrf0) =	vadd.scan.msk.s32 $0xffff, v8;
	v8 =	vsel vm13, $0x0, v0  }
0xc6: {  	(v2sf) =	vpush v13, $0xF;
	v5, _, _ =	vpop (xrf0);
	[tilespmem:s17], [sflag:$0x1] =	stream.linear.gather [hbm4b:s9+s3], $0x80, $0x38;
	[tilespmem:$0x14300] =	vst v63  }
0xc7: {  	s18 =	simm.s32 $0x2880;
	s2 =	sshll.u32 s20, $0x4;
	(v2sf) =	vpush v15, $0xF;
	v2, _, _ =	vpop (xrf0);
	(xrf0) =	vadd.scan.msk.s32 $0xffff, v8;
	s26 =	spop (v2sf)  }
0xc8: {  	v11 =	vsel vm14, $0x0, v0;
	(v2sf) =	vpush v10, $0xF;
	v8, _, _ =	vpop (xrf0);
	[tilespmem:s15], [sflag:$0x1] =	stream.linear.gather [hbm4b:s8+s3], $0x80, $0x38;
	[tilespmem:$0x14300] =	vst v63  }
0xc9: {  	s9 =	sshll.u32 s25, $0x4;
	s25 =	simm.s32 $0x0;
	v10 =	vsel vm15, $0x0, v0;
	s4 =	spop (v2sf);
	(v2sf) =	vpush v6, $0xF;
	v6, _, _ =	vpop (xrf0);
	(xrf0) =	vadd.scan.msk.s32 $0xffff, v11  }
0xca: {  	s11 =	sshll.u32 s26, $0x4;
	s3 =	simm.s32 $0x0;
	s12 =	spop (v2sf);
	(v2sf) =	vpush v14, $0xF;
	v0, _, _ =	vpop (xrf0);
	(xrf0) =	vadd.scan.msk.s32 $0xffff, v10  }
.LBB2_2:
0xcb: {  	[dreg:$0x10] =	wrdreg s18  }
0xcc: {  	[dreg:$0xd] =	wrdreg s24  }
0xcd: {  	[tilespmem:s0], [sflag:$0x1] =	stream.linear.gather [hbm4b:s6+s25], $0x80, $0x38;
	[tilespmem:$0x14300] =	vst v63  }
0xce: {  	[dreg:$0x6] =	wrdreg s5;
	s25 =	smov.u32 s3;
	s5 =	smov.u32 s19  }
0xcf: {  	s8 =	smov.u32 s21;
	s10 =	sand.u32 $0x1FFFFFF0, s11;
	s4 =	sshll.u32 s4, $0x4  }
0xd0: {  	s14 =	sand.u32 $0x1FFFFFF0, s9;
	s26 =	sadd.s32 $0xFFFFF800, s21;
	s3 =	simm.s32 $0x0  }
0xd1: {  	s2 =	sand.u32 $0x1FFFFFF0, s2;
	[dreg:$0x5] =	wrdreg s8;
	s10 =	sadd.s32 s30, s10  }
0xd2: {  	s4 =	sand.u32 $0x1FFFFFF0, s4;
	s8 =	sshll.u32 s12, $0x4;
	s11 =	spop (v2sf)  }
0xd3: {  	s2 =	sadd.s32 s30, s2;
	(v2sf) =	vpush v9, $0xF;
	s13 =	sshll.u32 s11, $0x4;
	s16 =	spop (v2sf)  }
0xd4: {  	s15 =	sand.u32 $0x1FFFFFF0, s8;
	s9 =	sand.u32 $0x1FFFFFF0, s13;
	s17 =	spop (v2sf)  }
0xd5: {  	(v2sf) =	vpush v1, $0xF;
	s13 =	sadd.s32 s30, s14;
	s18 =	sshll.u32 s17, $0x4;
	s19 =	spop (v2sf)  }
0xd6: {  	s8 =	sshll.u32 s16, $0x4;
	s6 =	sand.u32 $0x1FFFFFF0, s18;
	s20 =	spop (v2sf)  }
0xd7: {  	s16 =	sadd.s32 s30, s15;
	s6 =	sadd.s32 s30, s6;
	s18 =	spop (v2sf)  }
0xd8: {  	(v2sf) =	vpush v3, $0xF;
	[tilespmem:s5], [sflag:$0x1] =	stream.linear.gather [hbm4b:s6+s25], $0x80, $0x38;
	[tilespmem:$0x14300] =	vst v63  }
0xd9: {  	s9 =	sadd.s32 s30, s9;
	s11 =	sshll.u32 s19, $0x4;
	s17 =	spop (v2sf)  }
0xda: {  	s19 =	sadd.s32 $0xFFFFFA00, s21;
	s14 =	sand.u32 $0x1FFFFFF0, s11;
	s6 =	spop (v2sf)  }
0xdb: {  	s24 =	sshll.u32 s20, $0x4;
	(v2sf) =	vpush v7, $0xF;
	s12 =	sshll.u32 s17, $0x4;
	s20 =	spop (v2sf)  }
0xdc: {  	[tilespmem:s26], [sflag:$0x1] =	stream.linear.gather [hbm4b:s2+s3], $0x80, $0x38;
	[tilespmem:$0x14300] =	vst v63  }
0xdd: {  	s15 =	sand.u32 $0x1FFFFFF0, s24;
	(v2sf) =	vpush v4, $0xF;
	s17 =	sand.u32 $0x1FFFFFF0, s12;
	s24 =	spop (v2sf)  }
0xde: {  	s26 =	sshll.u32 s18, $0x4;
	s18 =	sadd.s32 $0xFFFFF880, s21;
	s24 =	sshll.u32 s24, $0x4  }
0xdf: {  	s20 =	sshll.u32 s20, $0x4;
	s11 =	sand.u32 $0x1FFFFFF0, s24;
	s24 =	sshll.u32 s7, $0x4  }
0xe0: {  	s7 =	sand.u32 $0x1FFFFFF0, s26;
	s26 =	sadd.s32 s30, s11;
	s2 =	sand.u32 $0x1FFFFFF0, s24  }
0xe1: {  	(v2sf) =	vpush v5, $0xF;
	[tilespmem:s1], [sflag:$0x1] =	stream.linear.gather [hbm4b:s26+s25], $0x80, $0x38;
	[tilespmem:$0x14300] =	vst v63  }
0xe2: {  	s12 =	sand.u32 $0x1FFFFFF0, s20;
	s1 =	sadd.s32 s30, s2;
	s20 =	spop (v2sf)  }
0xe3: {  	(v2sf) =	vpush v2, $0xF;
	[tilespmem:s18], [sflag:$0x1] =	stream.linear.gather [hbm4b:s1+s3], $0x80, $0x38;
	[tilespmem:$0x14300] =	vst v63  }
0xe4: {  	s17 =	sadd.s32 s30, s17;
	s11 =	spop (v2sf);
	s24 =	sshll.u32 s20, $0x4  }
0xe5: {  	(v2sf) =	vpush v8, $0xF;
	s26 =	sshll.u32 s11, $0x4;
	s2 =	sand.u32 $0x1FFFFFF0, s24;
	s24 =	sadd.s32 $0xFFFFF900, s21  }
0xe6: {  	(v2sf) =	vpush v6, $0xF;
	[tilespmem:s24], [sflag:$0x1] =	stream.linear.gather [hbm4b:s13+s3], $0x80, $0x38;
	[tilespmem:$0x14300] =	vst v63  }
0xe7: {  	s12 =	sadd.s32 s30, s12;
	s11 =	sand.u32 $0x1FFFFFF0, s26;
	s26 =	spop (v2sf)  }
0xe8: {  	v10, _, _ =	vpop (xrf0);
	s20 =	sadd.s32 $0xFFFFF980, s21;
	s13 =	sadd.s32 s30, s14;
	s24 =	sshll.u32 s26, $0x4  }
0xe9: {  	(v2sf) =	vpush v10, $0xF;
	[tilespmem:s20], [sflag:$0x1] =	stream.linear.gather [hbm4b:s16+s3], $0x80, $0x38;
	[tilespmem:$0x14300] =	vst v63  }
0xea: {  	v11, _, _ =	vpop (xrf0);
	s26 =	spop (v2sf);
	s20 =	sadd.s32 s30, s4;
	s4 =	sadd.s32 s30, s15  }
0xeb: {  	(v2sf) =	vpush v11, $0xF;
	[tilespmem:s19], [sflag:$0x1] =	stream.linear.gather [hbm4b:s10+s3], $0x80, $0x38;
	[tilespmem:$0x14300] =	vst v63  }
0xec: {  	v9, _, _ =	vpop (xrf0);
	s18 =	sand.u32 $0x1FFFFFF0, s24;
	s24 =	sshll.u32 s26, $0x4;
	s26 =	spop (v2sf)  }
0xed: {  	v12, _, _ =	vpop (xrf0);
	(v2sf) =	vpush v9, $0xF;
	[tilespmem:s29], [sflag:$0x1] =	stream.linear.gather [hbm4b:s17+s25], $0x80, $0x38;
	[tilespmem:$0x14300] =	vst v63  }
0xee: {  	s10 =	sand.u32 $0x1FFFFFF0, s24;
	(v2sf) =	vpush v12, $0xF;
	s26 =	sshll.u32 s26, $0x4;
	s17 =	sadd.s32 $0xFFFFFA80, s21  }
0xef: {  	[tilespmem:s17], [sflag:$0x1] =	stream.linear.gather [hbm4b:s20+s3], $0x80, $0x38;
	[tilespmem:$0x14300] =	vst v63  }
0xf0: {  	s19 =	spop (v2sf);
	s16 =	sand.u32 $0x1FFFFFF0, s26;
	s26 =	sadd.s32 $0xFFFFFB00, s21  }
0xf1: {  	[tilespmem:s26], [sflag:$0x1] =	stream.linear.gather [hbm4b:s12+s3], $0x80, $0x38;
	[tilespmem:$0x14300] =	vst v63  }
0xf2: {  	s24 =	sadd.s32 $0xFFFFFB80, s21;
	s1 =	sshll.u32 s19, $0x4;
	s14 =	spop (v2sf)  }
0xf3: {  	v13, _, _ =	vpop (xrf0);
	[tilespmem:s24], [sflag:$0x1] =	stream.linear.gather [hbm4b:s9+s3], $0x80, $0x38;
	[tilespmem:$0x14300] =	vst v63  }
0xf4: {  	v1, _, _ =	vpop (xrf0);
	s15 =	sand.u32 $0x1FFFFFF0, s1;
	s19 =	spop (v2sf);
	s1 =	sshll.u32 s14, $0x4;
	(v2sf) =	vpush v13, $0xF  }
0xf5: {  	s0 =	sadd.s32 $0xFFFFFC00, s21;
	s14 =	sand.u32 $0x1FFFFFF0, s1;
	s1 =	spop (v2sf);
	(v2sf) =	vpush v1, $0xF  }
0xf6: {  	s8 =	sand.u32 $0x1FFFFFF0, s8;
	s6 =	sshll.u32 s6, $0x4;
	s7 =	sadd.s32 s30, s7  }
0xf7: {  	[tilespmem:s0], [sflag:$0x1] =	stream.linear.gather [hbm4b:s7+s3], $0x80, $0x38;
	[tilespmem:$0x14300] =	vst v63  }
0xf8: {  	s29 =	sand.u32 $0x1FFFFFF0, s6;
	s24 =	sadd.s32 s30, s8;
	s6 =	spop (v2sf)  }
0xf9: {  	[tilespmem:s31], [sflag:$0x1] =	stream.linear.gather [hbm4b:s24+s3], $0x80, $0x38;
	[tilespmem:$0x14300] =	vst v63  }
0xfa: {  	s8 =	sadd.s32 s30, s29;
	s20 =	spop (v2sf)  }
0xfb: {  	v1 =	vld [tilespmem:s23+$0xFFFFFFF0];
	[tilespmem:s28], [sflag:$0x1] =	stream.linear.gather [hbm4b:s8+s3], $0x80, $0x38  }
0xfc: {  	s20 =	sshll.u32 s20, $0x4;
	s26 =	spop (v2sf)  }
0xfd: {  	s12 =	sand.u32 $0x1FFFFFF0, s20;
	s20 =	spop (v2sf)  }
0xfe: {  	s17 =	sshll.u32 s26, $0x4;
	s26 =	sshll.u32 s20, $0x4  }
0xff: {  	s20 =	sadd.s32 s30, s11;
	s31 =	sand.u32 $0x1FFFFFF0, s26;
	s26 =	rddreg [dreg:$0x10]  }
0x100: {  	[tilespmem:s26], [sflag:$0x1] =	stream.linear.gather [hbm4b:s20+s3], $0x80, $0x38;
	[tilespmem:$0x14300] =	vst v63  }
0x101: {  	s11 =	sadd.s32 s30, s18;
	s20 =	rddreg [dreg:$0x6]  }
0x102: {  	[tilespmem:s20], [sflag:$0x1] =	stream.linear.gather [hbm4b:s11+s3], $0x80, $0x38;
	[tilespmem:$0x14300] =	vst v63  }
0x103: {  	s9 =	sand.u32 $0x1FFFFFF0, s17;
	v2 =	vsel vm1, $0x0, v1;
	s17 =	spop (v2sf)  }
0x104: {  	(xrf0) =	vadd.scan.msk.s32 $0xffff, v2;
	s24 =	spop (v2sf);
	(v2sf) =	vpush v0, $0xF;
	v0 =	vnsel vm0, $0x0, v1  }
0x105: {  	s26 =	sadd.s32 s30, s10;
	s18 =	sshll.u32 s24, $0x4;
	s24 =	sadd.s32 $0xFFFFFE80, s21;
	(xrf0) =	vadd.scan.msk.s32 $0xffff, v0  }
0x106: {  	v2 =	vsel vm2, $0x0, v1;
	[tilespmem:s24], [sflag:$0x1] =	stream.linear.gather [hbm4b:s26+s3], $0x80, $0x38;
	[tilespmem:$0x14300] =	vst v63  }
0x107: {  	s19 =	sshll.u32 s19, $0x4;
	v4 =	vsel vm3, $0x0, v1;
	s7 =	sshll.u32 s17, $0x4;
	(xrf0) =	vadd.scan.msk.s32 $0xffff, v2  }
0x108: {  	s8 =	sadd.s32 s30, s15;
	s17 =	sand.u32 $0x1FFFFFF0, s7;
	s7 =	sadd.s32 $0xFFFFFF00, s21;
	(xrf0) =	vadd.scan.msk.s32 $0xffff, v4  }
0x109: {  	v5 =	vsel vm4, $0x0, v1;
	[tilespmem:s7], [sflag:$0x1] =	stream.linear.gather [hbm4b:s8+s3], $0x80, $0x38;
	[tilespmem:$0x14300] =	vst v63  }
0x10a: {  	s19 =	sand.u32 $0x1FFFFFF0, s19;
	v4 =	vsel vm6, $0x0, v1;
	(xrf0) =	vadd.scan.msk.s32 $0xffff, v5  }
0x10b: {  	s2 =	sadd.s32 s30, s2;
	s15 =	sadd.s32 s30, s19;
	v6 =	vsel vm10, $0x0, v1;
	s11 =	sadd.s32 $0xFFFFFF80, s21;
	(xrf0) =	vadd.scan.msk.s32 $0xffff, v4  }
0x10c: {  	[tilespmem:s11], [sflag:$0x1] =	stream.linear.gather [hbm4b:s15+s3], $0x80, $0x38;
	[tilespmem:$0x14300] =	vst v63  }
0x10d: {  	v7 =	vsel vm5, $0x0, v1;
	s20 =	sadd.s32 $0x180, s5;
	s10 =	sand.u32 $0x1FFFFFF0, s18;
	s18 =	rddreg [dreg:$0xd];
	v5, _, _ =	vpop (xrf0);
	(xrf0) =	vadd.scan.msk.s32 $0xffff, v6  }
0x10e: {  	v8 =	vsel vm7, $0x0, v1;
	v6, _, _ =	vpop (xrf0);
	(xrf0) =	vadd.scan.msk.s32 $0xffff, v7;
	v4 =	vld [tilespmem:s18+$0x0];
	[tilespmem:s20], [sflag:$0x1] =	stream.linear.gather [hbm4b:s2+s25], $0x80, $0x38  }
0x10f: {  	(v2sf) =	vpush v5, $0xF;
	v7 =	vsel vm9, $0x0, v1;
	v5, _, _ =	vpop (xrf0);
	(xrf0) =	vadd.scan.msk.s32 $0xffff, v8  }
0x110: {  	s26 =	sadd.s32 $0x200, s5;
	(v2sf) =	vpush v6, $0xF;
	v6, _, _ =	vpop (xrf0);
	(xrf0) =	vadd.scan.msk.s32 $0xffff, v7  }
0x111: {  	v3 =	vsel vm8, $0x0, v1;
	v9 =	vsel vm11, $0x0, v1;
	v10 =	vsel vm12, $0x0, v1;
	[tilespmem:s26], [sflag:$0x1] =	stream.linear.gather [hbm4b:s13+s25], $0x80, $0x38;
	[tilespmem:$0x14300] =	vst v63  }
0x112: {  	v11 =	vsel vm13, $0x0, v1;
	v0 =	vsel vm15, $0x0, v1;
	v2 =	vsel vm14, $0x0, v1;
	s7 =	sadd.s32 $0x280, s5;
	v1, _, _ =	vpop (xrf0);
	(xrf0) =	vadd.scan.msk.s32 $0xffff, v9  }
0x113: {  	(v2sf) =	vpush v5, $0xF;
	v5 =	vnsel vm0, $0x0, v4;
	[tilespmem:s7], [sflag:$0x1] =	stream.linear.gather [hbm4b:s4+s25], $0x80, $0x38;
	[tilespmem:$0x14300] =	vst v63  }
0x114: {  	v61, _, _ =	vpop (xrf0);
	v62 =	vsel vm4, $0x0, v4;
	(xrf0) =	vadd.scan.msk.s32 $0xffff, v5  }
0x115: {  	s16 =	sadd.s32 s30, s16;
	s11 =	sadd.s32 $0x300, s5;
	v7 =	vsel vm5, $0x0, v4;
	v14, _, _ =	vpop (xrf0);
	(xrf0) =	vadd.scan.msk.s32 $0xffff, v62  }
0x116: {  	[tilespmem:s11], [sflag:$0x1] =	stream.linear.gather [hbm4b:s16+s25], $0x80, $0x38;
	[tilespmem:$0x14300] =	vst v63  }
0x117: {  	(v2sf) =	vpush v1, $0xF;
	v1, _, _ =	vpop (xrf0);
	(xrf0) =	vadd.scan.msk.s32 $0xffff, v7  }
0x118: {  	s1 =	sshll.u32 s1, $0x4;
	s18 =	sadd.s32 $0x380, s5;
	s20 =	sadd.s32 s30, s14;
	v7, _, _ =	vpop (xrf0);
	(xrf0) =	vadd.scan.msk.s32 $0xffff, v3  }
0x119: {  	v8 =	vsel vm1, $0x0, v4;
	v9 =	vsel vm2, $0x0, v4;
	[tilespmem:s18], [sflag:$0x1] =	stream.linear.gather [hbm4b:s20+s25], $0x80, $0x38;
	[tilespmem:$0x14300] =	vst v63  }
0x11a: {  	s1 =	sand.u32 $0x1FFFFFF0, s1;
	v15 =	vsel vm6, $0x0, v4;
	v63 =	vsel vm7, $0x0, v4;
	v16 =	vsel vm8, $0x0, v4;
	s26 =	spop (v2sf);
	v3, _, _ =	vpop (xrf0);
	(xrf0) =	vadd.scan.msk.s32 $0xffff, v8  }
0x11b: {  	s1 =	sadd.s32 s30, s1;
	v17 =	vsel vm10, $0x0, v4;
	v18 =	vsel vm9, $0x0, v4;
	s7 =	sadd.s32 $0x400, s5;
	(v2sf) =	vpush v1, $0xF;
	s11 =	sshll.u32 s26, $0x4;
	v1, _, _ =	vpop (xrf0);
	(xrf0) =	vadd.scan.msk.s32 $0xffff, v9  }
0x11c: {  	v19 =	vsel vm11, $0x0, v4;
	v20 =	vsel vm12, $0x0, v4;
	v5 =	vsel vm3, $0x0, v4;
	[tilespmem:s7], [sflag:$0x1] =	stream.linear.gather [hbm4b:s1+s25], $0x80, $0x38;
	[tilespmem:$0x14300] =	vst v63  }
0x11d: {  	v21 =	vsel vm13, $0x0, v4;
	v22 =	vsel vm14, $0x0, v4;
	v23 =	vsel vm15, $0x0, v4;
	s16 =	sand.u32 $0x1FFFFFF0, s11;
	v4, _, _ =	vpop (xrf0);
	(xrf0) =	vadd.scan.msk.s32 $0xffff, v5  }
0x11e: {  	s6 =	sshll.u32 s6, $0x4;
	s14 =	sadd.s32 $0x480, s5;
	s4 =	sadd.s32 s30, s16;
	(xrf0) =	vadd.scan.msk.s32 $0xffff, v10  }
0x11f: {  	v5, _, _ =	vpop (xrf0);
	[tilespmem:s14], [sflag:$0x1] =	stream.linear.gather [hbm4b:s4+s25], $0x80, $0x38;
	[tilespmem:$0x14300] =	vst v63  }
0x120: {  	s6 =	sand.u32 $0x1FFFFFF0, s6;
	(v2sf) =	vpush v6, $0xF;
	(xrf0) =	vadd.scan.msk.s32 $0xffff, v11;
	v6, _, _ =	vpop (xrf0)  }
0x121: {  	s22 =	sadd.s32 $0x2, s22;
	s18 =	sadd.s32 $0x500, s5;
	s20 =	sadd.s32 s30, s6;
	v8, _, _ =	vpop (xrf0);
	(xrf0) =	vadd.scan.msk.s32 $0xffff, v15  }
0x122: {  	[tilespmem:s18], [sflag:$0x1] =	stream.linear.gather [hbm4b:s20+s25], $0x80, $0x38;
	[tilespmem:$0x14300] =	vst v63  }
0x123: {  	p0 =	slt.u32 s22, $0x12;
	(xrf0) =	vadd.scan.msk.s32 $0xffff, v2;
	v10, _, _ =	vpop (xrf0)  }
0x124: {  	s19 =	rddreg [dreg:$0x5];
	s2 =	sadd.s32 $0x580, s5;
	s11 =	sadd.s32 s30, s12;
	v2, _, _ =	vpop (xrf0);
	(xrf0) =	vadd.scan.msk.s32 $0xffff, v63  }
0x125: {  	[tilespmem:s2], [sflag:$0x1] =	stream.linear.gather [hbm4b:s11+s25], $0x80, $0x38;
	[tilespmem:$0x14300] =	vst v63  }
0x126: {  	s0 =	sadd.s32 $0x780, s5;
	s29 =	sadd.s32 $0x100, s19;
	s21 =	sadd.s32 $0x1000, s21;
	(v2sf) =	vpush v7, $0xF;
	(xrf0) =	vadd.scan.msk.s32 $0xffff, v0;
	v9, _, _ =	vpop (xrf0)  }
0x127: {  	s15 =	sadd.s32 $0x600, s5;
	(v2sf) =	vpush v3, $0xF;
	s7 =	spop (v2sf);
	s14 =	sadd.s32 s30, s9;
	v3, _, _ =	vpop (xrf0);
	(xrf0) =	vadd.scan.msk.s32 $0xffff, v16  }
0x128: {  	[tilespmem:s15], [sflag:$0x1] =	stream.linear.gather [hbm4b:s14+s25], $0x80, $0x38;
	[tilespmem:$0x14300] =	vst v63  }
0x129: {  	s24 =	smov.u32 s23;
	s23 =	sadd.s32 $0x20, s23;
	(v2sf) =	vpush v4, $0xF;
	s26 =	spop (v2sf);
	v7, _, _ =	vpop (xrf0);
	(xrf0) =	vadd.scan.msk.s32 $0xffff, v18  }
0x12a: {  	s13 =	sadd.s32 $0x680, s5;
	s20 =	sadd.s32 s30, s31;
	(v2sf) =	vpush v5, $0xF;
	s12 =	spop (v2sf);
	v4, _, _ =	vpop (xrf0);
	(xrf0) =	vadd.scan.msk.s32 $0xffff, v17  }
0x12b: {  	(v2sf) =	vpush v6, $0xF;
	[tilespmem:s13], [sflag:$0x1] =	stream.linear.gather [hbm4b:s20+s25], $0x80, $0x38;
	[tilespmem:$0x14300] =	vst v63  }
0x12c: {  	s28 =	sadd.s32 $0xFFFFFD00, s21;
	s8 =	sadd.s32 $0x700, s5;
	s16 =	spop (v2sf);
	(v2sf) =	vpush v8, $0xF;
	v5, _, _ =	vpop (xrf0);
	(xrf0) =	vadd.scan.msk.s32 $0xffff, v19  }
.Ltmp0:
0x12d: {  	s2 =	sshll.u32 s26, $0x4;
	s26 =	sadd.s32 s30, s17;
	(v2sf) =	vpush v2, $0xF;
	v2, _, _ =	vpop (xrf0);
	(xrf0) =	vadd.scan.msk.s32 $0xffff, v20;
	(pc) =	sbr.rel @p0 .LBB2_2-.Ltmp0, $4  }
0x12e: {  	[tilespmem:s8], [sflag:$0x1] =	stream.linear.gather [hbm4b:s26+s25], $0x80, $0x38;
	[tilespmem:$0x14300] =	vst v63  }
0x12f: {  	s5 =	sadd.s32 $0xFFFFFE00, s21;
	s6 =	sadd.s32 s30, s10;
	s4 =	spop (v2sf);
	(v2sf) =	vpush v14, $0xF;
	v8, _, _ =	vpop (xrf0);
	(xrf0) =	vadd.scan.msk.s32 $0xffff, v21  }
0x130: {  	s1 =	sadd.s32 $0x80, s19;
	s18 =	sadd.s32 $0xFFFFFD80, s21;
	s31 =	sadd.s32 $0xFFFFFC80, s21;
	(v2sf) =	vpush v61, $0xF;
	v6, _, _ =	vpop (xrf0);
	(xrf0) =	vadd.scan.msk.s32 $0xffff, v22  }
0x131: {  	s9 =	sshll.u32 s12, $0x4;
	s11 =	sshll.u32 s16, $0x4;
	s12 =	spop (v2sf);
	(v2sf) =	vpush v10, $0xF;
	v0, _, _ =	vpop (xrf0);
	(xrf0) =	vadd.scan.msk.s32 $0xffff, v23  }
0x132: {  	[tilespmem:s0], [sflag:$0x1] =	stream.linear.gather [hbm4b:s6+s25], $0x80, $0x38;
	[tilespmem:$0x14300] =	vst v63  }
0x133: {  	s2 =	sand.u32 $0x1FFFFFF0, s2  }
0x134: {  	s15 =	sadd.s32 $0xFFFFF800, s21;
	s2 =	sadd.s32 s30, s2  }
0x135: {  	[tilespmem:s15], [sflag:$0x1] =	stream.linear.gather [hbm4b:s2+s3], $0x80, $0x38;
	[tilespmem:$0x14300] =	vst v63  }
0x136: {  	s10 =	spop (v2sf)  }
0x137: {  	s8 =	spop (v2sf)  }
0x138: {  	s22 =	spop (v2sf)  }
0x139: {  	s0 =	sshll.u32 s22, $0x4  }
0x13a: {  	s6 =	spop (v2sf);
	s13 =	sand.u32 $0x1FFFFFF0, s0  }
0x13b: {  	s0 =	spop (v2sf);
	s13 =	sadd.s32 s30, s13  }
0x13c: {  	[tilespmem:s19], [sflag:$0x1] =	stream.linear.gather [hbm4b:s13+s3], $0x80, $0x38;
	[tilespmem:$0x14300] =	vst v63  }
0x13d: {  	s13 =	spop (v2sf)  }
0x13e: {  	s14 =	spop (v2sf)  }
0x13f: {  	s16 =	spop (v2sf)  }
0x140: {  	s2 =	spop (v2sf)  }
0x141: {  	s23 =	spop (v2sf)  }
0x142: {  	s15 =	sshll.u32 s23, $0x4  }
0x143: {  	s15 =	sand.u32 $0x1FFFFFF0, s15  }
0x144: {  	s25 =	sshll.u32 s7, $0x4;
	s15 =	sadd.s32 s30, s15  }
0x145: {  	[tilespmem:s1], [sflag:$0x1] =	stream.linear.gather [hbm4b:s15+s3], $0x80, $0x38;
	[tilespmem:$0x14300] =	vst v63  }
0x146: {  	s1 =	sand.u32 $0x1FFFFFF0, s25  }
0x147: {  	s26 =	sadd.s32 $0xFFFFF880, s21;
	s7 =	sand.u32 $0x1FFFFFF0, s9;
	s1 =	sadd.s32 s30, s1  }
0x148: {  	(v2sf) =	vpush v9, $0xF;
	[tilespmem:s26], [sflag:$0x1] =	stream.linear.gather [hbm4b:s1+s3], $0x80, $0x38;
	[tilespmem:$0x14300] =	vst v63  }
0x149: {  	s9 =	sadd.s32 $0xFFFFF900, s21;
	s12 =	sshll.u32 s12, $0x4;
	s1 =	sadd.s32 s30, s7  }
0x14a: {  	[tilespmem:s9], [sflag:$0x1] =	stream.linear.gather [hbm4b:s1+s3], $0x80, $0x38;
	[tilespmem:$0x14300] =	vst v63  }
0x14b: {  	s1 =	sand.u32 $0x1FFFFFF0, s12  }
0x14c: {  	s17 =	sand.u32 $0x1FFFFFF0, s11;
	s15 =	sadd.s32 $0xFFFFF980, s21;
	s1 =	sadd.s32 s30, s1  }
0x14d: {  	[tilespmem:s15], [sflag:$0x1] =	stream.linear.gather [hbm4b:s1+s3], $0x80, $0x38;
	[tilespmem:$0x14300] =	vst v63  }
0x14e: {  	s20 =	sadd.s32 $0xFFFFFA00, s21;
	s22 =	sshll.u32 s14, $0x4;
	s1 =	sadd.s32 s30, s17  }
0x14f: {  	[tilespmem:s20], [sflag:$0x1] =	stream.linear.gather [hbm4b:s1+s3], $0x80, $0x38;
	[tilespmem:$0x14300] =	vst v63  }
0x150: {  	s1 =	sand.u32 $0x1FFFFFF0, s22  }
0x151: {  	s23 =	sshll.u32 s4, $0x4;
	s1 =	sadd.s32 s30, s1  }
0x152: {  	[tilespmem:s29], [sflag:$0x1] =	stream.linear.gather [hbm4b:s1+s3], $0x80, $0x38;
	[tilespmem:$0x14300] =	vst v63  }
0x153: {  	s1 =	sand.u32 $0x1FFFFFF0, s23  }
0x154: {  	s25 =	sadd.s32 $0xFFFFFA80, s21;
	s26 =	sshll.u32 s2, $0x4;
	s1 =	sadd.s32 s30, s1  }
0x155: {  	(v2sf) =	vpush v1, $0xF;
	[tilespmem:s25], [sflag:$0x1] =	stream.linear.gather [hbm4b:s1+s3], $0x80, $0x38;
	[tilespmem:$0x14300] =	vst v63  }
0x156: {  	s2 =	sshll.u32 s10, $0x4;
	s1 =	sand.u32 $0x1FFFFFF0, s26  }
0x157: {  	(v2sf) =	vpush v3, $0xF;
	s12 =	spop (v2sf);
	s29 =	sadd.s32 $0xFFFFFB00, s21;
	s1 =	sadd.s32 s30, s1  }
0x158: {  	(v2sf) =	vpush v7, $0xF;
	[tilespmem:s29], [sflag:$0x1] =	stream.linear.gather [hbm4b:s1+s3], $0x80, $0x38;
	[tilespmem:$0x14300] =	vst v63  }
0x159: {  	s4 =	sadd.s32 $0xFFFFFB80, s21;
	(v2sf) =	vpush v4, $0xF;
	s1 =	sand.u32 $0x1FFFFFF0, s2;
	s2 =	sshll.u32 s12, $0x4  }
0x15a: {  	s7 =	sshll.u32 s13, $0x4;
	s1 =	sadd.s32 s30, s1;
	s2 =	sand.u32 $0x1FFFFFF0, s2  }
0x15b: {  	(v2sf) =	vpush v5, $0xF;
	[tilespmem:s4], [sflag:$0x1] =	stream.linear.gather [hbm4b:s1+s3], $0x80, $0x38;
	[tilespmem:$0x14300] =	vst v63  }
0x15c: {  	s29 =	sadd.s32 $0x180, s19;
	s1 =	sand.u32 $0x1FFFFFF0, s7;
	s2 =	sadd.s32 s30, s2  }
0x15d: {  	[tilespmem:s29], [sflag:$0x1] =	stream.linear.gather [hbm4b:s2+s3], $0x80, $0x38;
	[tilespmem:$0x14300] =	vst v63  }
0x15e: {  	s10 =	sshll.u32 s8, $0x4;
	s9 =	sadd.s32 $0xFFFFFC00, s21;
	s1 =	sadd.s32 s30, s1  }
0x15f: {  	[tilespmem:s9], [sflag:$0x1] =	stream.linear.gather [hbm4b:s1+s3], $0x80, $0x38;
	[tilespmem:$0x14300] =	vst v63  }
0x160: {  	s0 =	sshll.u32 s0, $0x4;
	s1 =	sand.u32 $0x1FFFFFF0, s10  }
0x161: {  	s0 =	sand.u32 $0x1FFFFFF0, s0;
	s11 =	sshll.u32 s16, $0x4;
	(v2sf) =	vpush v2, $0xF;
	s1 =	sadd.s32 s30, s1  }
0x162: {  	[tilespmem:s31], [sflag:$0x1] =	stream.linear.gather [hbm4b:s1+s3], $0x80, $0x38;
	[tilespmem:$0x14300] =	vst v63  }
0x163: {  	s6 =	sshll.u32 s6, $0x4;
	s0 =	sadd.s32 s30, s0;
	(v2sf) =	vpush v8, $0xF;
	s1 =	sand.u32 $0x1FFFFFF0, s11  }
0x164: {  	s17 =	sand.u32 $0x1FFFFFF0, s6;
	s13 =	spop (v2sf);
	s1 =	sadd.s32 s30, s1  }
0x165: {  	[tilespmem:s28], [sflag:$0x1] =	stream.linear.gather [hbm4b:s1+s3], $0x80, $0x38;
	[tilespmem:$0x14300] =	vst v63  }
0x166: {  	s20 =	sadd.s32 $0xFFFFFE80, s21;
	s14 =	spop (v2sf);
	s1 =	sshll.u32 s13, $0x4  }
0x167: {  	s15 =	spop (v2sf);
	s4 =	sshll.u32 s14, $0x4;
	s1 =	sand.u32 $0x1FFFFFF0, s1  }
0x168: {  	s16 =	spop (v2sf);
	s4 =	sand.u32 $0x1FFFFFF0, s4;
	s1 =	sadd.s32 s30, s1  }
0x169: {  	(v2sf) =	vpush v6, $0xF;
	[tilespmem:s18], [sflag:$0x1] =	stream.linear.gather [hbm4b:s1+s3], $0x80, $0x38;
	[tilespmem:$0x14300] =	vst v63  }
0x16a: {  	v26, _, _ =	vpop (xrf0);
	s4 =	sadd.s32 s30, s4;
	s1 =	sshll.u32 s15, $0x4;
	s18 =	spop (v2sf)  }
0x16b: {  	(v2sf) =	vpush v26, $0xF;
	[tilespmem:s5], [sflag:$0x1] =	stream.linear.gather [hbm4b:s4+s3], $0x80, $0x38;
	[tilespmem:$0x14300] =	vst v63  }
0x16c: {  	v27, _, _ =	vpop (xrf0);
	s1 =	sand.u32 $0x1FFFFFF0, s1;
	s4 =	sadd.s32 s30, s17;
	s5 =	sadd.s32 $0x200, s19  }
0x16d: {  	v28, _, _ =	vpop (xrf0);
	(v2sf) =	vpush v27, $0xF;
	[tilespmem:s5], [sflag:$0x1] =	stream.linear.gather [hbm4b:s4+s3], $0x80, $0x38;
	[tilespmem:$0x14300] =	vst v63  }
0x16e: {  	s23 =	sadd.s32 $0xFFFFFF00, s21;
	(v2sf) =	vpush v28, $0xF;
	s6 =	sshll.u32 s18, $0x4;
	s1 =	sadd.s32 s30, s1  }
0x16f: {  	v29, _, _ =	vpop (xrf0);
	[tilespmem:s20], [sflag:$0x1] =	stream.linear.gather [hbm4b:s1+s3], $0x80, $0x38;
	[tilespmem:$0x14300] =	vst v63  }
0x170: {  	v30, _, _ =	vpop (xrf0);
	s11 =	sadd.s32 $0x280, s19;
	(v2sf) =	vpush v29, $0xF;
	s22 =	spop (v2sf);
	s6 =	sand.u32 $0x1FFFFFF0, s6  }
0x171: {  	v31, _, _ =	vpop (xrf0);
	(v2sf) =	vpush v30, $0xF;
	[tilespmem:s11], [sflag:$0x1] =	stream.linear.gather [hbm4b:s0+s3], $0x80, $0x38;
	[tilespmem:$0x14300] =	vst v63  }
0x172: {  	s7 =	sshll.u32 s16, $0x4;
	s25 =	spop (v2sf);
	(v2sf) =	vpush v31, $0xF;
	s6 =	sadd.s32 s30, s6  }
0x173: {  	(v2sf) =	vpush v0, $0xF;
	[tilespmem:s23], [sflag:$0x1] =	stream.linear.gather [hbm4b:s6+s3], $0x80, $0x38;
	[tilespmem:$0x14300] =	vst v63  }
0x174: {  	s7 =	sand.u32 $0x1FFFFFF0, s7;
	s6 =	sshll.u32 s25, $0x4  }
0x175: {  	s26 =	sadd.s32 $0xFFFFFF80, s21;
	s7 =	sadd.s32 s30, s7;
	s6 =	sand.u32 $0x1FFFFFF0, s6  }
0x176: {  	s13 =	sadd.s32 $0x300, s19;
	s1 =	sshll.u32 s22, $0x4;
	s6 =	sadd.s32 s30, s6  }
0x177: {  	[tilespmem:s26], [sflag:$0x1] =	stream.linear.gather [hbm4b:s6+s3], $0x80, $0x38;
	[tilespmem:$0x14300] =	vst v63  }
0x178: {  	s15 =	sadd.s32 $0x380, s19;
	s28 =	spop (v2sf);
	s1 =	sand.u32 $0x1FFFFFF0, s1  }
0x179: {  	[tilespmem:s13], [sflag:$0x1] =	stream.linear.gather [hbm4b:s7+s3], $0x80, $0x38;
	v32 =	vld [tilespmem:s24+$0x0]  }
0x17a: {  	s31 =	spop (v2sf);
	s1 =	sadd.s32 s30, s1;
	s6 =	sshll.u32 s28, $0x4  }
0x17b: {  	[tilespmem:s15], [sflag:$0x1] =	stream.linear.gather [hbm4b:s1+s3], $0x80, $0x38;
	[tilespmem:$0x14300] =	vst v63  }
0x17c: {  	s8 =	spop (v2sf);
	s4 =	sand.u32 $0x1FFFFFF0, s6  }
0x17d: {  	s17 =	sadd.s32 $0x400, s19;
	s10 =	spop (v2sf);
	s4 =	sadd.s32 s30, s4  }
0x17e: {  	[tilespmem:s17], [sflag:$0x1] =	stream.linear.gather [hbm4b:s4+s3], $0x80, $0x38;
	v33 =	vnsel vm0, $0x0, v32;
	[tilespmem:$0x14300] =	vst v63  }
0x17f: {  	s12 =	spop (v2sf);
	(xrf0) =	vadd.scan.msk.s32 $0xffff, v33  }
0x180: {  	v34 =	vsel vm4, $0x0, v32;
	s14 =	spop (v2sf)  }
0x181: {  	v35 =	vsel vm5, $0x0, v32;
	s16 =	spop (v2sf);
	(xrf0) =	vadd.scan.msk.s32 $0xffff, v34  }
0x182: {  	v36 =	vsel vm1, $0x0, v32;
	s18 =	spop (v2sf);
	(xrf0) =	vadd.scan.msk.s32 $0xffff, v35  }
0x183: {  	v37 =	vsel vm2, $0x0, v32;
	s4 =	sshll.u32 s18, $0x4;
	(xrf0) =	vadd.scan.msk.s32 $0xffff, v36  }
0x184: {  	s4 =	sand.u32 $0x1FFFFFF0, s4;
	(xrf0) =	vadd.scan.msk.s32 $0xffff, v37  }
0x185: {  	s20 =	sadd.s32 $0x480, s19;
	s2 =	sshll.u32 s31, $0x4;
	s4 =	sadd.s32 s30, s4;
	v38, _, _ =	vpop (xrf0)  }
0x186: {  	v39 =	vsel vm3, $0x0, v32;
	[tilespmem:s20], [sflag:$0x1] =	stream.linear.gather [hbm4b:s4+s3], $0x80, $0x38;
	(v2sf) =	vpush v38, $0xF;
	[tilespmem:$0x14300] =	vst v63  }
0x187: {  	s29 =	sadd.s32 $0x580, s19;
	s2 =	sand.u32 $0x1FFFFFF0, s2;
	s22 =	sshll.u32 s8, $0x4;
	v40 =	vsel vm6, $0x0, v32;
	(xrf0) =	vadd.scan.msk.s32 $0xffff, v39;
	v41, _, _ =	vpop (xrf0)  }
0x188: {  	s23 =	sshll.u32 s10, $0x4;
	s2 =	sadd.s32 s30, s2;
	s24 =	sadd.s32 $0x500, s19;
	(xrf0) =	vadd.scan.msk.s32 $0xffff, v40;
	v42, _, _ =	vpop (xrf0);
	(v2sf) =	vpush v41, $0xF  }
0x189: {  	v43 =	vsel vm7, $0x0, v32;
	[tilespmem:s24], [sflag:$0x1] =	stream.linear.gather [hbm4b:s2+s3], $0x80, $0x38;
	v44, _, _ =	vpop (xrf0);
	(v2sf) =	vpush v42, $0xF;
	[tilespmem:$0x14300] =	vst v63  }
0x18a: {  	s5 =	sadd.s32 $0x600, s19;
	s25 =	sand.u32 $0x1FFFFFF0, s22;
	s26 =	sand.u32 $0x1FFFFFF0, s23;
	v45 =	vsel vm8, $0x0, v32;
	(xrf0) =	vadd.scan.msk.s32 $0xffff, v43;
	v46, _, _ =	vpop (xrf0)  }
0x18b: {  	s6 =	sadd.s32 $0x680, s19;
	s0 =	sshll.u32 s12, $0x4;
	s2 =	sadd.s32 s30, s25;
	(xrf0) =	vadd.scan.msk.s32 $0xffff, v45;
	(v2sf) =	vpush v46, $0xF  }
0x18c: {  	v47 =	vsel vm9, $0x0, v32;
	[tilespmem:s29], [sflag:$0x1] =	stream.linear.gather [hbm4b:s2+s3], $0x80, $0x38;
	(v2sf) =	vpush v44, $0xF;
	[tilespmem:$0x14300] =	vst v63  }
0x18d: {  	s0 =	sand.u32 $0x1FFFFFF0, s0;
	s28 =	sshll.u32 s14, $0x4;
	s4 =	sadd.s32 s30, s26;
	(xrf0) =	vadd.scan.msk.s32 $0xffff, v47;
	v49, _, _ =	vpop (xrf0)  }
0x18e: {  	v48 =	vsel vm10, $0x0, v32;
	[tilespmem:s5], [sflag:$0x1] =	stream.linear.gather [hbm4b:s4+s3], $0x80, $0x38;
	(v2sf) =	vpush v49, $0xF;
	v51, _, _ =	vpop (xrf0);
	[tilespmem:$0x14300] =	vst v63  }
0x18f: {  	s31 =	sand.u32 $0x1FFFFFF0, s28;
	s1 =	sshll.u32 s16, $0x4;
	s0 =	sadd.s32 s30, s0;
	(xrf0) =	vadd.scan.msk.s32 $0xffff, v48;
	(v2sf) =	vpush v51, $0xF  }
0x190: {  	v50 =	vsel vm11, $0x0, v32;
	[tilespmem:s6], [sflag:$0x1] =	stream.linear.gather [hbm4b:s0+s3], $0x80, $0x38;
	v53, _, _ =	vpop (xrf0);
	[tilespmem:$0x14300] =	vst v63  }
0x191: {  	s8 =	sadd.s32 $0x700, s19;
	s7 =	sand.u32 $0x1FFFFFF0, s1;
	s2 =	sadd.s32 s30, s31;
	(xrf0) =	vadd.scan.msk.s32 $0xffff, v50;
	(v2sf) =	vpush v53, $0xF  }
0x192: {  	v52 =	vsel vm12, $0x0, v32;
	[tilespmem:s8], [sflag:$0x1] =	stream.linear.gather [hbm4b:s2+s3], $0x80, $0x38;
	[tilespmem:$0x14300] =	vst v63  }
0x193: {  	s9 =	sadd.s32 $0x780, s19;
	(xrf0) =	vadd.scan.msk.s32 $0xffff, v52;
	s0 =	sadd.s32 s30, s7  }
0x194: {  	v55 =	vsel vm13, $0x0, v32;
	v54, _, _ =	vpop (xrf0);
	[tilespmem:s9], [sflag:$0x1] =	stream.linear.gather [hbm4b:s0+s3], $0x80, $0x38;
	[tilespmem:$0x14300] =	vst v63  }
0x195: {  	v58 =	vsel vm14, $0x0, v32;
	(xrf0) =	vadd.scan.msk.s32 $0xffff, v55;
	v56, _, _ =	vpop (xrf0);
	s10 =	spop (v2sf);
	(v2sf) =	vpush v54, $0xF  }
0x196: {  	(xrf0) =	vadd.scan.msk.s32 $0xffff, v58;
	v57, _, _ =	vpop (xrf0);
	s0 =	sshll.u32 s10, $0x4  }
0x197: {  	s15 =	sadd.s32 $0x100, s21;
	v0 =	vsel vm15, $0x0, v32;
	v59, _, _ =	vpop (xrf0);
	s11 =	spop (v2sf);
	(v2sf) =	vpush v57, $0xF;
	s0 =	sand.u32 $0x1FFFFFF0, s0  }
0x198: {  	s16 =	sadd.s32 $0x80, s21;
	(xrf0) =	vadd.scan.msk.s32 $0xffff, v0;
	s12 =	spop (v2sf);
	(v2sf) =	vpush v59, $0xF;
	s0 =	sadd.s32 s30, s0  }
0x199: {  	v60, _, _ =	vpop (xrf0);
	[tilespmem:s21], [sflag:$0x1] =	stream.linear.gather [hbm4b:s0+s3], $0x80, $0x38;
	[tilespmem:$0x14300] =	vst v63  }
0x19a: {  	s28 =	sadd.s32 $0x200, s21;
	s24 =	sadd.s32 $0x180, s21;
	s13 =	spop (v2sf);
	(v2sf) =	vpush v60, $0xF  }
0x19b: {  	s5 =	sadd.s32 $0x280, s21;
	v61, _, _ =	vpop (xrf0);
	s1 =	sshll.u32 s11, $0x4;
	s14 =	spop (v2sf)  }
0x19c: {  	v62, _, _ =	vpop (xrf0);
	s11 =	sadd.s32 $0x300, s21;
	(v2sf) =	vpush v61, $0xF;
	s0 =	sshll.u32 s13, $0x4;
	s4 =	sshll.u32 s14, $0x4  }
0x19d: {  	s17 =	spop (v2sf);
	(v2sf) =	vpush v62, $0xF;
	s0 =	sand.u32 $0x1FFFFFF0, s0;
	s4 =	sand.u32 $0x1FFFFFF0, s4  }
0x19e: {  	v63, _, _ =	vpop (xrf0);
	s18 =	sshll.u32 s17, $0x4;
	s19 =	spop (v2sf);
	s4 =	sadd.s32 s30, s4  }
0x19f: {  	(v2sf) =	vpush v63, $0xF;
	[tilespmem:s16], [sflag:$0x1] =	stream.linear.gather [hbm4b:s4+s3], $0x80, $0x38;
	[tilespmem:$0x14300] =	vst v63  }
0x1a0: {  	s0 =	sadd.s32 s30, s0;
	s20 =	spop (v2sf);
	s4 =	sand.u32 $0x1FFFFFF0, s18  }
0x1a1: {  	(v2sf) =	vpush v56, $0xF;
	[tilespmem:s15], [sflag:$0x1] =	stream.linear.gather [hbm4b:s0+s3], $0x80, $0x38;
	[tilespmem:$0x14300] =	vst v63  }
0x1a2: {  	s1 =	sand.u32 $0x1FFFFFF0, s1;
	s2 =	sshll.u32 s12, $0x4;
	s4 =	sadd.s32 s30, s4  }
0x1a3: {  	[tilespmem:s24], [sflag:$0x1] =	stream.linear.gather [hbm4b:s4+s3], $0x80, $0x38;
	[tilespmem:$0x14300] =	vst v63  }
0x1a4: {  	s2 =	sand.u32 $0x1FFFFFF0, s2;
	s1 =	sadd.s32 s30, s1;
	s22 =	spop (v2sf)  }
0x1a5: {  	[tilespmem:s28], [sflag:$0x1] =	stream.linear.gather [hbm4b:s1+s3], $0x80, $0x38;
	[tilespmem:$0x14300] =	vst v63  }
0x1a6: {  	s2 =	sadd.s32 s30, s2;
	s7 =	sshll.u32 s19, $0x4;
	s23 =	spop (v2sf)  }
0x1a7: {  	s13 =	sadd.s32 $0x380, s21;
	s7 =	sand.u32 $0x1FFFFFF0, s7;
	s26 =	spop (v2sf)  }
0x1a8: {  	[tilespmem:s5], [sflag:$0x1] =	stream.linear.gather [hbm4b:s2+s3], $0x80, $0x38;
	[tilespmem:$0x14300] =	vst v63  }
0x1a9: {  	s8 =	sshll.u32 s20, $0x4;
	s7 =	sadd.s32 s30, s7;
	s31 =	spop (v2sf)  }
0x1aa: {  	[tilespmem:s11], [sflag:$0x1] =	stream.linear.gather [hbm4b:s7+s3], $0x80, $0x38;
	[tilespmem:$0x14300] =	vst v63  }
0x1ab: {  	s8 =	sand.u32 $0x1FFFFFF0, s8;
	s25 =	sshll.u32 s22, $0x4;
	s10 =	spop (v2sf)  }
0x1ac: {  	s8 =	sadd.s32 s30, s8;
	s29 =	sand.u32 $0x1FFFFFF0, s25;
	s12 =	spop (v2sf)  }
0x1ad: {  	[tilespmem:s13], [sflag:$0x1] =	stream.linear.gather [hbm4b:s8+s3], $0x80, $0x38;
	[tilespmem:$0x14300] =	vst v63  }
0x1ae: {  	s15 =	sadd.s32 $0x400, s21;
	s1 =	sadd.s32 s30, s29;
	s14 =	spop (v2sf)  }
0x1af: {  	[tilespmem:s15], [sflag:$0x1] =	stream.linear.gather [hbm4b:s1+s3], $0x80, $0x38;
	[tilespmem:$0x14300] =	vst v63  }
0x1b0: {  	s16 =	spop (v2sf)  }
0x1b1: {  	s1 =	sshll.u32 s16, $0x4  }
0x1b2: {  	s0 =	sshll.u32 s23, $0x4;
	s1 =	sand.u32 $0x1FFFFFF0, s1  }
0x1b3: {  	s17 =	sadd.s32 $0x480, s21;
	s0 =	sand.u32 $0x1FFFFFF0, s0;
	s1 =	sadd.s32 s30, s1  }
0x1b4: {  	[tilespmem:s17], [sflag:$0x1] =	stream.linear.gather [hbm4b:s1+s3], $0x80, $0x38;
	[tilespmem:$0x14300] =	vst v63  }
0x1b5: {  	s18 =	sadd.s32 $0x500, s21;
	s19 =	sshll.u32 s26, $0x4;
	s0 =	sadd.s32 s30, s0  }
0x1b6: {  	[tilespmem:s18], [sflag:$0x1] =	stream.linear.gather [hbm4b:s0+s3], $0x80, $0x38;
	[tilespmem:$0x14300] =	vst v63  }
0x1b7: {  	s0 =	sand.u32 $0x1FFFFFF0, s19  }
0x1b8: {  	s20 =	sadd.s32 $0x580, s21;
	s22 =	sshll.u32 s31, $0x4;
	s0 =	sadd.s32 s30, s0  }
0x1b9: {  	[tilespmem:s20], [sflag:$0x1] =	stream.linear.gather [hbm4b:s0+s3], $0x80, $0x38;
	[tilespmem:$0x14300] =	vst v63  }
0x1ba: {  	s0 =	sand.u32 $0x1FFFFFF0, s22  }
0x1bb: {  	s23 =	sadd.s32 $0x600, s21;
	s24 =	sshll.u32 s10, $0x4;
	s0 =	sadd.s32 s30, s0  }
0x1bc: {  	[tilespmem:s23], [sflag:$0x1] =	stream.linear.gather [hbm4b:s0+s3], $0x80, $0x38;
	[tilespmem:$0x14300] =	vst v63  }
0x1bd: {  	s0 =	sand.u32 $0x1FFFFFF0, s24  }
0x1be: {  	s25 =	sadd.s32 $0x680, s21;
	s26 =	sshll.u32 s12, $0x4;
	s0 =	sadd.s32 s30, s0  }
0x1bf: {  	[tilespmem:s25], [sflag:$0x1] =	stream.linear.gather [hbm4b:s0+s3], $0x80, $0x38;
	[tilespmem:$0x14300] =	vst v63  }
0x1c0: {  	s0 =	sand.u32 $0x1FFFFFF0, s26  }
0x1c1: {  	s28 =	sadd.s32 $0x700, s21;
	s29 =	sshll.u32 s14, $0x4;
	s0 =	sadd.s32 s30, s0  }
0x1c2: {  	[tilespmem:s28], [sflag:$0x1] =	stream.linear.gather [hbm4b:s0+s3], $0x80, $0x38;
	[tilespmem:$0x14300] =	vst v63  }
0x1c3: {  	s0 =	sand.u32 $0x1FFFFFF0, s29  }
0x1c4: {  	s31 =	sadd.s32 $0x780, s21;
	s0 =	sadd.s32 s30, s0  }
0x1c5: {  	[tilespmem:s31], [sflag:$0x1] =	stream.linear.gather [hbm4b:s0+s3], $0x80, $0x38;
	[tilespmem:$0x14300] =	vst v63  }
0x1c6: {  	s21 =	simm.s32 $0x0;
	s0 =	simm.s32 $0x0;
	s3 =	simm.s32 $0x3  }
.LBB2_4:
0x1c7: {  	[dreg:$0x18] =	wrdreg s0;
	s1 =	smul.u32 $0x280, s0  }
0x1c8: {  	s16 =	rddreg [dreg:$0x14]  }
0x1c9: {  	s17 =	rddreg [dreg:$0x0];
	s0 =	sadd.s32 s1, s16  }
0x1ca: {  	[dreg:$0x19] =	wrdreg s0;
	s0 =	sshrl.u32 s0, $0x3  }
0x1cb: {  	s18 =	simm.s32 $0x180;
	[dreg:$0x1a] =	wrdreg s1;
	s0 =	sadd.s32 s17, s0  }
0x1cc: {  	[tilespmem:s18], [sflag:$0x3] =	stream.linear.gather [hbm4b:s0+s21], $0x140, $0x38;
	[tilespmem:$0x14300] =	vst v63  }
0x1cd: {  	_ =	swait.ge [sflag:s3], $0x140  }
0x1ce: {  	[sflag:s3] =	ssyncset.done $0x0  }
0x1cf: {  	s0 =	simm.s32 $0x190;
	[sflag:s3] =	ssyncadd.s32 $0xFFFFFEC0  }
0x1d0: {  	v0 =	vld [tilespmem:s0+$0xFFFFFFF0];
	_ =	sdelay $0x4  }
0x1d1: {  	v1 =	vnsel vm0, $0x0, v0  }
0x1d2: {  	v2 =	vsel vm1, $0x0, v0;
	(xrf0) =	vadd.scan.msk.s32 $0xffff, v1  }
0x1d3: {  	v1 =	vsel vm2, $0x0, v0;
	(xrf0) =	vadd.scan.msk.s32 $0xffff, v2  }
0x1d4: {  	v2 =	vsel vm3, $0x0, v0;
	(xrf0) =	vadd.scan.msk.s32 $0xffff, v1  }
0x1d5: {  	v1 =	vsel vm4, $0x0, v0;
	(xrf0) =	vadd.scan.msk.s32 $0xffff, v2  }
0x1d6: {  	v2 =	vsel vm5, $0x0, v0;
	(xrf0) =	vadd.scan.msk.s32 $0xffff, v1  }
0x1d7: {  	v1 =	vsel vm6, $0x0, v0;
	(xrf0) =	vadd.scan.msk.s32 $0xffff, v2  }
0x1d8: {  	(xrf0) =	vadd.scan.msk.s32 $0xffff, v1;
	v1 =	vsel vm7, $0x0, v0  }
0x1d9: {  	v2, _, _ =	vpop (xrf0)  }
0x1da: {  	v3, _, _ =	vpop (xrf0);
	(v2sf) =	vpush v2, $0xF  }
0x1db: {  	(xrf0) =	vadd.scan.msk.s32 $0xffff, v1;
	v1, _, _ =	vpop (xrf0)  }
0x1dc: {  	v4 =	vsel vm8, $0x0, v0;
	(v2sf) =	vpush v1, $0xF;
	v1, _, _ =	vpop (xrf0)  }
0x1dd: {  	v2 =	vsel vm9, $0x0, v0;
	(xrf0) =	vadd.scan.msk.s32 $0xffff, v4;
	(v2sf) =	vpush v1, $0xF;
	v1, _, _ =	vpop (xrf0)  }
0x1de: {  	v4 =	vsel vm10, $0x0, v0;
	(xrf0) =	vadd.scan.msk.s32 $0xffff, v2;
	(v2sf) =	vpush v1, $0xF;
	v1, _, _ =	vpop (xrf0)  }
0x1df: {  	v2 =	vsel vm11, $0x0, v0;
	(xrf0) =	vadd.scan.msk.s32 $0xffff, v4;
	(v2sf) =	vpush v1, $0xF;
	v1, _, _ =	vpop (xrf0)  }
0x1e0: {  	v4 =	vsel vm12, $0x0, v0;
	(xrf0) =	vadd.scan.msk.s32 $0xffff, v2;
	(v2sf) =	vpush v1, $0xF;
	v1 =	vsel vm13, $0x0, v0  }
0x1e1: {  	(xrf0) =	vadd.scan.msk.s32 $0xffff, v4  }
0x1e2: {  	v2, _, _ =	vpop (xrf0);
	(v2sf) =	vpush v3, $0xF;
	(xrf0) =	vadd.scan.msk.s32 $0xffff, v1  }
0x1e3: {  	v1, _, _ =	vpop (xrf0)  }
0x1e4: {  	(v2sf) =	vpush v1, $0xF;
	v1, _, _ =	vpop (xrf0)  }
0x1e5: {  	v3, _, _ =	vpop (xrf0)  }
0x1e6: {  	v4, _, _ =	vpop (xrf0)  }
0x1e7: {  	(v2sf) =	vpush v1, $0xF;
	v5, _, _ =	vpop (xrf0)  }
0x1e8: {  	v1, _, _ =	vpop (xrf0)  }
0x1e9: {  	s19 =	spop (v2sf);
	(v2sf) =	vpush v1, $0xF  }
0x1ea: {  	s12 =	simm.s32 $0xA780;
	s13 =	simm.s32 $0xA480;
	s1 =	sshll.u32 s19, $0x4  }
0x1eb: {  	s15 =	simm.s32 $0xA300;
	(v2sf) =	vpush v3, $0xF;
	s1 =	sand.u32 $0x1FFFFFF0, s1;
	s2 =	spop (v2sf)  }
0x1ec: {  	s24 =	simm.s32 $0xA380;
	(v2sf) =	vpush v4, $0xF;
	s6 =	sadd.s32 s30, s1;
	s4 =	spop (v2sf)  }
0x1ed: {  	[tilespmem:s15], [sflag:$0x2] =	stream.linear.gather [hbm4b:s6+s21], $0x80, $0x38;
	[tilespmem:$0x14300] =	vst v63  }
0x1ee: {  	s26 =	simm.s32 $0xA400;
	s31 =	simm.s32 $0xA580;
	(v2sf) =	vpush v5, $0xF;
	s20 =	spop (v2sf)  }
0x1ef: {  	s16 =	simm.s32 $0x1B0;
	s17 =	simm.s32 $0xA500;
	(v2sf) =	vpush v2, $0xF;
	s22 =	spop (v2sf)  }
0x1f0: {  	s3 =	simm.s32 $0xA700;
	s1 =	simm.s32 $0xA800;
	s9 =	spop (v2sf)  }
0x1f1: {  	s2 =	sshll.u32 s2, $0x4;
	s4 =	sshll.u32 s4, $0x4;
	s11 =	spop (v2sf)  }
0x1f2: {  	v1 =	vsel vm14, $0x0, v0;
	s2 =	sand.u32 $0x1FFFFFF0, s2;
	s7 =	sshll.u32 s20, $0x4;
	s11 =	sshll.u32 s11, $0x4  }
0x1f3: {  	v0 =	vsel vm15, $0x0, v0;
	(xrf0) =	vadd.scan.msk.s32 $0xffff, v1;
	s2 =	sadd.s32 s30, s2;
	s4 =	sand.u32 $0x1FFFFFF0, s4;
	s11 =	sand.u32 $0x1FFFFFF0, s11  }
0x1f4: {  	(xrf0) =	vadd.scan.msk.s32 $0xffff, v0;
	s8 =	sshll.u32 s22, $0x4;
	s14 =	spop (v2sf);
	s23 =	sadd.s32 s30, s11  }
0x1f5: {  	[tilespmem:s24], [sflag:$0x2] =	stream.linear.gather [hbm4b:s23+s21], $0x80, $0x38;
	[tilespmem:$0x14300] =	vst v63  }
0x1f6: {  	s4 =	sadd.s32 s30, s4;
	s7 =	sand.u32 $0x1FFFFFF0, s7;
	s25 =	spop (v2sf)  }
0x1f7: {  	[tilespmem:s26], [sflag:$0x2] =	stream.linear.gather [hbm4b:s2+s21], $0x80, $0x38;
	[tilespmem:$0x14300] =	vst v63  }
0x1f8: {  	s7 =	sadd.s32 s30, s7;
	s9 =	sshll.u32 s9, $0x4;
	s11 =	spop (v2sf)  }
0x1f9: {  	v0, _, _ =	vpop (xrf0);
	[tilespmem:s13], [sflag:$0x2] =	stream.linear.gather [hbm4b:s4+s21], $0x80, $0x38;
	[tilespmem:$0x14300] =	vst v63  }
0x1fa: {  	s8 =	sand.u32 $0x1FFFFFF0, s8;
	s9 =	sand.u32 $0x1FFFFFF0, s9;
	(v2sf) =	vpush v0, $0xF;
	s5 =	spop (v2sf)  }
0x1fb: {  	s8 =	sadd.s32 s30, s8;
	v0, _, _ =	vpop (xrf0);
	s18 =	sshll.u32 s14, $0x4;
	s10 =	spop (v2sf)  }
0x1fc: {  	(v2sf) =	vpush v0, $0xF;
	[tilespmem:s17], [sflag:$0x2] =	stream.linear.gather [hbm4b:s7+s21], $0x80, $0x38;
	[tilespmem:$0x14300] =	vst v63  }
0x1fd: {  	s23 =	sadd.s32 s30, s9;
	s24 =	simm.s32 $0xA600;
	s19 =	spop (v2sf)  }
0x1fe: {  	s9 =	simm.s32 $0xA880;
	s6 =	sshll.u32 s25, $0x4;
	s20 =	spop (v2sf)  }
0x1ff: {  	v0 =	vld [tilespmem:s16+$0xFFFFFFF0];
	[tilespmem:s31], [sflag:$0x2] =	stream.linear.gather [hbm4b:s8+s21], $0x80, $0x38  }
0x200: {  	s25 =	simm.s32 $0xA680;
	s7 =	sand.u32 $0x1FFFFFF0, s18;
	s14 =	sshll.u32 s20, $0x4  }
0x201: {  	s26 =	sand.u32 $0x1FFFFFF0, s6;
	s7 =	sadd.s32 s30, s7;
	s22 =	sand.u32 $0x1FFFFFF0, s14  }
0x202: {  	[tilespmem:s24], [sflag:$0x2] =	stream.linear.gather [hbm4b:s23+s21], $0x80, $0x38;
	[tilespmem:$0x14300] =	vst v63  }
0x203: {  	s4 =	sshll.u32 s10, $0x4;
	s31 =	sshll.u32 s5, $0x4;
	s2 =	sadd.s32 s30, s22  }
0x204: {  	v1 =	vnsel vm0, $0x0, v0;
	[tilespmem:s25], [sflag:$0x2] =	stream.linear.gather [hbm4b:s2+s21], $0x80, $0x38;
	[tilespmem:$0x14300] =	vst v63  }
0x205: {  	(xrf0) =	vadd.scan.msk.s32 $0xffff, v1;
	s10 =	sshll.u32 s11, $0x4;
	s11 =	simm.s32 $0xA900;
	s6 =	sand.u32 $0x1FFFFFF0, s31  }
0x206: {  	v1 =	vsel vm1, $0x0, v0;
	[tilespmem:s3], [sflag:$0x2] =	stream.linear.gather [hbm4b:s7+s21], $0x80, $0x38;
	[tilespmem:$0x14300] =	vst v63  }
0x207: {  	(xrf0) =	vadd.scan.msk.s32 $0xffff, v1;
	s5 =	sand.u32 $0x1FFFFFF0, s4;
	s6 =	sadd.s32 s30, s6;
	s2 =	sadd.s32 s30, s26  }
0x208: {  	v2 =	vsel vm2, $0x0, v0;
	[tilespmem:s12], [sflag:$0x2] =	stream.linear.gather [hbm4b:s2+s21], $0x80, $0x38;
	[tilespmem:$0x14300] =	vst v63  }
0x209: {  	(xrf0) =	vadd.scan.msk.s32 $0xffff, v2;
	s14 =	simm.s32 $0xA980;
	s13 =	spop (v2sf);
	s7 =	sshll.u32 s19, $0x4  }
0x20a: {  	v1 =	vsel vm3, $0x0, v0;
	[tilespmem:s1], [sflag:$0x2] =	stream.linear.gather [hbm4b:s6+s21], $0x80, $0x38;
	[tilespmem:$0x14300] =	vst v63  }
0x20b: {  	(xrf0) =	vadd.scan.msk.s32 $0xffff, v1;
	s17 =	spop (v2sf);
	s8 =	sand.u32 $0x1FFFFFF0, s7;
	s2 =	sadd.s32 s30, s5  }
0x20c: {  	v2 =	vsel vm4, $0x0, v0;
	[tilespmem:s9], [sflag:$0x2] =	stream.linear.gather [hbm4b:s2+s21], $0x80, $0x38;
	[tilespmem:$0x14300] =	vst v63  }
0x20d: {  	(xrf0) =	vadd.scan.msk.s32 $0xffff, v2;
	s12 =	sand.u32 $0x1FFFFFF0, s10;
	s1 =	sadd.s32 s30, s8;
	s2 =	sshll.u32 s13, $0x4  }
0x20e: {  	v1 =	vsel vm5, $0x0, v0;
	[tilespmem:s11], [sflag:$0x2] =	stream.linear.gather [hbm4b:s1+s21], $0x80, $0x38;
	[tilespmem:$0x14300] =	vst v63  }
0x20f: {  	(xrf0) =	vadd.scan.msk.s32 $0xffff, v1;
	s15 =	sand.u32 $0x1FFFFFF0, s2;
	s2 =	sshll.u32 s17, $0x4;
	s1 =	sadd.s32 s30, s12  }
0x210: {  	v2 =	vsel vm6, $0x0, v0;
	[tilespmem:s14], [sflag:$0x2] =	stream.linear.gather [hbm4b:s1+s21], $0x80, $0x38;
	[tilespmem:$0x14300] =	vst v63  }
0x211: {  	s18 =	simm.s32 $0xAA00;
	(xrf0) =	vadd.scan.msk.s32 $0xffff, v2;
	s19 =	sand.u32 $0x1FFFFFF0, s2;
	s1 =	sadd.s32 s30, s15  }
0x212: {  	v1 =	vsel vm7, $0x0, v0;
	[tilespmem:s18], [sflag:$0x2] =	stream.linear.gather [hbm4b:s1+s21], $0x80, $0x38;
	[tilespmem:$0x14300] =	vst v63  }
0x213: {  	s20 =	simm.s32 $0xAA80;
	v2, _, _ =	vpop (xrf0);
	(xrf0) =	vadd.scan.msk.s32 $0xffff, v1;
	s1 =	sadd.s32 s30, s19  }
0x214: {  	v3 =	vsel vm8, $0x0, v0;
	v4, _, _ =	vpop (xrf0);
	[tilespmem:s20], [sflag:$0x2] =	stream.linear.gather [hbm4b:s1+s21], $0x80, $0x38;
	[tilespmem:$0x14300] =	vst v63  }
0x215: {  	v1 =	vsel vm9, $0x0, v0;
	(xrf0) =	vadd.scan.msk.s32 $0xffff, v3;
	v5, _, _ =	vpop (xrf0);
	v10 =	vld [tilespmem:s0+$0x0]  }
0x216: {  	v3 =	vsel vm10, $0x0, v0;
	(xrf0) =	vadd.scan.msk.s32 $0xffff, v1;
	v6, _, _ =	vpop (xrf0)  }
0x217: {  	(v2sf) =	vpush v2, $0xF;
	v1 =	vsel vm11, $0x0, v0;
	(xrf0) =	vadd.scan.msk.s32 $0xffff, v3;
	v2, _, _ =	vpop (xrf0)  }
0x218: {  	v3 =	vsel vm12, $0x0, v0;
	(v2sf) =	vpush v5, $0xF;
	(xrf0) =	vadd.scan.msk.s32 $0xffff, v1;
	v5, _, _ =	vpop (xrf0)  }
0x219: {  	v7 =	vsel vm13, $0x0, v0;
	(v2sf) =	vpush v6, $0xF;
	v6, _, _ =	vpop (xrf0);
	(xrf0) =	vadd.scan.msk.s32 $0xffff, v3  }
0x21a: {  	(v2sf) =	vpush v2, $0xF;
	v1, _, _ =	vpop (xrf0);
	(xrf0) =	vadd.scan.msk.s32 $0xffff, v7;
	v2 =	vnsel vm0, $0x0, v10  }
0x21b: {  	(v2sf) =	vpush v5, $0xF;
	v5, _, _ =	vpop (xrf0);
	v3 =	vsel vm1, $0x0, v10;
	(xrf0) =	vadd.scan.msk.s32 $0xffff, v2  }
0x21c: {  	(v2sf) =	vpush v6, $0xF;
	v6, _, _ =	vpop (xrf0);
	v2 =	vsel vm2, $0x0, v10;
	(xrf0) =	vadd.scan.msk.s32 $0xffff, v3  }
0x21d: {  	v7, _, _ =	vpop (xrf0);
	v3 =	vsel vm3, $0x0, v10;
	(xrf0) =	vadd.scan.msk.s32 $0xffff, v2  }
0x21e: {  	v11, _, _ =	vpop (xrf0);
	v2 =	vsel vm4, $0x0, v10;
	(xrf0) =	vadd.scan.msk.s32 $0xffff, v3  }
0x21f: {  	v12, _, _ =	vpop (xrf0);
	v3 =	vsel vm5, $0x0, v10;
	(xrf0) =	vadd.scan.msk.s32 $0xffff, v2  }
0x220: {  	v8, _, _ =	vpop (xrf0);
	v2 =	vsel vm7, $0x0, v10;
	(xrf0) =	vadd.scan.msk.s32 $0xffff, v3  }
0x221: {  	(v2sf) =	vpush v4, $0xF;
	v3 =	vsel vm6, $0x0, v10;
	v13, _, _ =	vpop (xrf0);
	(xrf0) =	vadd.scan.msk.s32 $0xffff, v2  }
0x222: {  	(v2sf) =	vpush v5, $0xF;
	v2 =	vsel vm8, $0x0, v10;
	v4, _, _ =	vpop (xrf0);
	(xrf0) =	vadd.scan.msk.s32 $0xffff, v3  }
0x223: {  	(v2sf) =	vpush v6, $0xF;
	v3 =	vsel vm9, $0x0, v10;
	v14, _, _ =	vpop (xrf0);
	(xrf0) =	vadd.scan.msk.s32 $0xffff, v2  }
0x224: {  	s28 =	simm.s32 $0xAC80;
	(v2sf) =	vpush v8, $0xF;
	v2 =	vsel vm10, $0x0, v10;
	v9, _, _ =	vpop (xrf0);
	(xrf0) =	vadd.scan.msk.s32 $0xffff, v3  }
0x225: {  	s29 =	simm.s32 $0xAD00;
	s25 =	simm.s32 $0x2;
	s26 =	simm.s32 $0xAD80;
	v3 =	vsel vm14, $0x0, v0;
	v8, _, _ =	vpop (xrf0);
	(xrf0) =	vadd.scan.msk.s32 $0xffff, v2  }
0x226: {  	s5 =	simm.s32 $0xAB00;
	s10 =	simm.s32 $0x0;
	(v2sf) =	vpush v7, $0xF;
	s21 =	spop (v2sf);
	v2 =	vsel vm11, $0x0, v10;
	(xrf0) =	vadd.scan.msk.s32 $0xffff, v3;
	v7, _, _ =	vpop (xrf0)  }
0x227: {  	s18 =	simm.s32 $0x1B0;
	s0 =	simm.s32 $0xAC00;
	s22 =	spop (v2sf);
	(v2sf) =	vpush v13, $0xF;
	v0 =	vsel vm15, $0x0, v0;
	v5, _, _ =	vpop (xrf0);
	(xrf0) =	vadd.scan.msk.s32 $0xffff, v2  }
0x228: {  	s1 =	sshll.u32 s21, $0x4;
	s21 =	simm.s32 $0xBB00;
	s23 =	spop (v2sf);
	(v2sf) =	vpush v11, $0xF;
	v2 =	vsel vm12, $0x0, v10;
	(xrf0) =	vadd.scan.msk.s32 $0xffff, v0;
	v6, _, _ =	vpop (xrf0);
	v0 =	vsel vm13, $0x0, v10  }
0x229: {  	s1 =	sand.u32 $0x1FFFFFF0, s1;
	s13 =	sshll.u32 s22, $0x4;
	s24 =	spop (v2sf);
	(v2sf) =	vpush v4, $0xF;
	v4, _, _ =	vpop (xrf0);
	(xrf0) =	vadd.scan.msk.s32 $0xffff, v2  }
0x22a: {  	s17 =	sadd.s32 s30, s1;
	s8 =	sshll.u32 s23, $0x4;
	s31 =	spop (v2sf);
	v11 =	vsel vm14, $0x0, v10;
	(v2sf) =	vpush v12, $0xF;
	v3, _, _ =	vpop (xrf0);
	(xrf0) =	vadd.scan.msk.s32 $0xffff, v0  }
0x22b: {  	s4 =	sshll.u32 s24, $0x4;
	s12 =	sshll.u32 s31, $0x4;
	s1 =	spop (v2sf);
	(v2sf) =	vpush v14, $0xF;
	v2 =	vsel vm15, $0x0, v10;
	v0, _, _ =	vpop (xrf0);
	(xrf0) =	vadd.scan.msk.s32 $0xffff, v11  }
.LBB2_5:
0x22c: {  	[dreg:$0x3] =	wrdreg s18;
	s2 =	sadd.s32 $0xFFFFFD00, s21  }
0x22d: {  	s14 =	sadd.s32 $0x20, s16;
	s18 =	sadd.s32 $0x80, s5;
	s20 =	sadd.s32 $0xFFFFFC00, s21  }
0x22e: {  	(v2sf) =	vpush v1, $0xF;
	s22 =	sadd.s32 $0xFFFFFC80, s21;
	s9 =	sadd.s32 $0xFFFFFA80, s21;
	s15 =	sadd.s32 $0xFFFFF900, s21  }
0x22f: {  	s8 =	sand.u32 $0x1FFFFFF0, s8;
	s4 =	sand.u32 $0x1FFFFFF0, s4;
	[dreg:$0x7] =	wrdreg s2  }
0x230: {  	s12 =	sand.u32 $0x1FFFFFF0, s12;
	[dreg:$0xb] =	wrdreg s20;
	s6 =	spop (v2sf);
	(v2sf) =	vpush v9, $0xF  }
0x231: {  	s1 =	sshll.u32 s1, $0x4;
	[dreg:$0x9] =	wrdreg s22;
	s11 =	spop (v2sf)  }
0x232: {  	s6 =	sshll.u32 s6, $0x4;
	s31 =	sshll.u32 s11, $0x4;
	s23 =	spop (v2sf);
	(v2sf) =	vpush v8, $0xF  }
0x233: {  	s6 =	sand.u32 $0x1FFFFFF0, s6;
	s11 =	sshll.u32 s23, $0x4;
	s16 =	spop (v2sf)  }
0x234: {  	s20 =	sadd.s32 s30, s6;
	s3 =	sand.u32 $0x1FFFFFF0, s11;
	s11 =	sadd.s32 s30, s8  }
0x235: {  	[dreg:$0xe] =	wrdreg s3;
	s3 =	sand.u32 $0x1FFFFFF0, s13;
	s24 =	spop (v2sf)  }
0x236: {  	s19 =	sadd.s32 s30, s3;
	s7 =	spop (v2sf);
	s6 =	sshll.u32 s24, $0x4  }
0x237: {  	s22 =	spop (v2sf);
	s24 =	sshll.u32 s7, $0x4;
	s13 =	sand.u32 $0x1FFFFFF0, s6  }
0x238: {  	(v2sf) =	vpush v7, $0xF;
	s6 =	sadd.s32 s30, s4;
	s23 =	spop (v2sf);
	s3 =	sshll.u32 s22, $0x4  }
0x239: {  	s24 =	sand.u32 $0x1FFFFFF0, s24;
	s23 =	sshll.u32 s23, $0x4;
	s8 =	sand.u32 $0x1FFFFFF0, s3  }
0x23a: {  	s7 =	sadd.s32 s30, s24;
	s24 =	sadd.s32 $0xFFFFF800, s21;
	s4 =	spop (v2sf)  }
0x23b: {  	[tilespmem:s5], [sflag:$0x2] =	stream.linear.gather [hbm4b:s7+s10], $0x80, $0x38;
	[tilespmem:$0x14300] =	vst v63  }
0x23c: {  	(v2sf) =	vpush v5, $0xF;
	s23 =	sand.u32 $0x1FFFFFF0, s23;
	s3 =	sshll.u32 s4, $0x4;
	s22 =	spop (v2sf)  }
0x23d: {  	s4 =	sand.u32 $0x1FFFFFF0, s3;
	s7 =	spop (v2sf);
	s3 =	sshll.u32 s22, $0x4  }
0x23e: {  	(v2sf) =	vpush v6, $0xF;
	[tilespmem:s24], [sflag:$0x2] =	stream.linear.gather [hbm4b:s17+s10], $0x80, $0x38;
	[tilespmem:$0x14300] =	vst v63  }
0x23f: {  	s17 =	sadd.s32 s30, s23;
	s3 =	sand.u32 $0x1FFFFFF0, s3;
	s22 =	spop (v2sf)  }
0x240: {  	[tilespmem:s18], [sflag:$0x2] =	stream.linear.gather [hbm4b:s17+s10], $0x80, $0x38;
	[tilespmem:$0x14300] =	vst v63  }
0x241: {  	s22 =	sshll.u32 s22, $0x4;
	s18 =	sadd.s32 $0xFFFFF880, s21;
	s24 =	spop (v2sf)  }
0x242: {  	(v2sf) =	vpush v4, $0xF;
	[tilespmem:s18], [sflag:$0x2] =	stream.linear.gather [hbm4b:s20+s10], $0x80, $0x38;
	[tilespmem:$0x14300] =	vst v63  }
0x243: {  	s3 =	sadd.s32 s30, s3;
	s22 =	sand.u32 $0x1FFFFFF0, s22;
	s23 =	sshll.u32 s24, $0x4  }
0x244: {  	(v2sf) =	vpush v3, $0xF;
	[tilespmem:s0], [sflag:$0x2] =	stream.linear.gather [hbm4b:s3+s10], $0x80, $0x38;
	[tilespmem:$0x14300] =	vst v63  }
0x245: {  	s1 =	sand.u32 $0x1FFFFFF0, s1;
	s17 =	sand.u32 $0x1FFFFFF0, s23;
	s23 =	sadd.s32 s30, s22  }
0x246: {  	[tilespmem:s28], [sflag:$0x2] =	stream.linear.gather [hbm4b:s23+s10], $0x80, $0x38;
	[tilespmem:$0x14300] =	vst v63  }
0x247: {  	v1, _, _ =	vpop (xrf0);
	s2 =	sadd.s32 $0xFFFFF980, s21;
	s1 =	sadd.s32 s30, s1;
	s24 =	spop (v2sf)  }
0x248: {  	(xrf0) =	vadd.scan.msk.s32 $0xffff, v2;
	v2, _, _ =	vpop (xrf0);
	s31 =	sand.u32 $0x1FFFFFF0, s31;
	s17 =	sadd.s32 s30, s17;
	(v2sf) =	vpush v1, $0xF;
	s20 =	sshll.u32 s24, $0x4  }
0x249: {  	(v2sf) =	vpush v2, $0xF;
	[tilespmem:s29], [sflag:$0x2] =	stream.linear.gather [hbm4b:s17+s10], $0x80, $0x38;
	[tilespmem:$0x14300] =	vst v63  }
0x24a: {  	s16 =	sshll.u32 s16, $0x4;
	s7 =	sshll.u32 s7, $0x4;
	s3 =	sand.u32 $0x1FFFFFF0, s20  }
0x24b: {  	v9, _, _ =	vpop (xrf0);
	s23 =	sand.u32 $0x1FFFFFF0, s7;
	s24 =	spop (v2sf);
	s3 =	sadd.s32 s30, s3  }
0x24c: {  	(v2sf) =	vpush v9, $0xF;
	[tilespmem:s26], [sflag:$0x2] =	stream.linear.gather [hbm4b:s3+s10], $0x80, $0x38;
	[tilespmem:$0x14300] =	vst v63  }
0x24d: {  	v8, _, _ =	vpop (xrf0);
	s7 =	sadd.s32 s30, s31;
	s20 =	sshll.u32 s24, $0x4;
	s22 =	spop (v2sf)  }
0x24e: {  	(v2sf) =	vpush v8, $0xF;
	[tilespmem:s15], [sflag:$0x2] =	stream.linear.gather [hbm4b:s19+s10], $0x80, $0x38;
	[tilespmem:$0x14300] =	vst v63  }
0x24f: {  	v10, _, _ =	vpop (xrf0);
	s0 =	sadd.s32 s30, s23;
	s23 =	sadd.s32 s30, s12;
	s17 =	sand.u32 $0x1FFFFFF0, s20  }
0x250: {  	(v2sf) =	vpush v10, $0xF;
	[tilespmem:s2], [sflag:$0x2] =	stream.linear.gather [hbm4b:s11+s10], $0x80, $0x38;
	[tilespmem:$0x14300] =	vst v63  }
0x251: {  	s24 =	sshll.u32 s22, $0x4;
	s19 =	sadd.s32 $0xFFFFFA00, s21;
	s26 =	spop (v2sf)  }
0x252: {  	[tilespmem:s19], [sflag:$0x2] =	stream.linear.gather [hbm4b:s6+s10], $0x80, $0x38;
	[tilespmem:$0x14300] =	vst v63  }
0x253: {  	s29 =	sand.u32 $0x1FFFFFF0, s24;
	s3 =	sshll.u32 s26, $0x4;
	s18 =	spop (v2sf)  }
0x254: {  	[tilespmem:s9], [sflag:$0x2] =	stream.linear.gather [hbm4b:s23+s10], $0x80, $0x38;
	[tilespmem:$0x14300] =	vst v63  }
0x255: {  	s24 =	sadd.s32 $0xFFFFFB00, s21;
	s28 =	sand.u32 $0x1FFFFFF0, s3;
	s3 =	sshll.u32 s18, $0x4  }
0x256: {  	[tilespmem:s24], [sflag:$0x2] =	stream.linear.gather [hbm4b:s1+s10], $0x80, $0x38;
	[tilespmem:$0x14300] =	vst v63  }
0x257: {  	s26 =	sand.u32 $0x1FFFFFF0, s3;
	s9 =	sadd.s32 $0xFFFFFB80, s21;
	s20 =	spop (v2sf)  }
0x258: {  	s23 =	rddreg [dreg:$0xe];
	s15 =	sshll.u32 s20, $0x4;
	s22 =	spop (v2sf)  }
0x259: {  	v11, _, _ =	vpop (xrf0);
	[tilespmem:s9], [sflag:$0x2] =	stream.linear.gather [hbm4b:s0+s10], $0x80, $0x38;
	[tilespmem:$0x14300] =	vst v63  }
0x25a: {  	(v2sf) =	vpush v11, $0xF;
	s2 =	sadd.s32 s30, s23;
	s6 =	sand.u32 $0x1FFFFFF0, s15;
	s3 =	sshll.u32 s22, $0x4  }
0x25b: {  	v7, _, _ =	vpop (xrf0);
	s31 =	spop (v2sf);
	s22 =	rddreg [dreg:$0xb];
	s12 =	sand.u32 $0x1FFFFFF0, s3  }
0x25c: {  	(v2sf) =	vpush v7, $0xF;
	[tilespmem:s22], [sflag:$0x2] =	stream.linear.gather [hbm4b:s7+s10], $0x80, $0x38;
	[tilespmem:$0x14300] =	vst v63  }
0x25d: {  	s15 =	sshll.u32 s31, $0x4;
	s31 =	rddreg [dreg:$0x9];
	s18 =	spop (v2sf)  }
0x25e: {  	[tilespmem:s31], [sflag:$0x2] =	stream.linear.gather [hbm4b:s2+s10], $0x80, $0x38;
	[tilespmem:$0x14300] =	vst v63  }
0x25f: {  	s3 =	sadd.s32 s30, s13;
	s13 =	rddreg [dreg:$0x7];
	s20 =	spop (v2sf);
	v1 =	vld [tilespmem:s14+$0xFFFFFFF0]  }
0x260: {  	(v2sf) =	vpush v0, $0xF;
	[tilespmem:s13], [sflag:$0x2] =	stream.linear.gather [hbm4b:s3+s10], $0x80, $0x38;
	[tilespmem:$0x14300] =	vst v63  }
0x261: {  	s8 =	sadd.s32 s30, s8;
	s11 =	sand.u32 $0x1FFFFFF0, s15;
	s15 =	sadd.s32 $0xFFFFFD80, s21  }
0x262: {  	[tilespmem:s15], [sflag:$0x2] =	stream.linear.gather [hbm4b:s8+s10], $0x80, $0x38;
	[tilespmem:$0x14300] =	vst v63  }
0x263: {  	s4 =	sadd.s32 s30, s4;
	s24 =	sshll.u32 s20, $0x4;
	s20 =	sadd.s32 $0xFFFFFE00, s21  }
0x264: {  	v0 =	vnsel vm0, $0x0, v1;
	[tilespmem:s20], [sflag:$0x2] =	stream.linear.gather [hbm4b:s4+s10], $0x80, $0x38;
	[tilespmem:$0x14300] =	vst v63  }
0x265: {  	s16 =	sand.u32 $0x1FFFFFF0, s16;
	v2 =	vsel vm1, $0x0, v1;
	(xrf0) =	vadd.scan.msk.s32 $0xffff, v0  }
0x266: {  	s23 =	sadd.s32 $0xFFFFFE80, s21;
	s22 =	sadd.s32 s30, s16;
	(xrf0) =	vadd.scan.msk.s32 $0xffff, v2  }
0x267: {  	v3 =	vsel vm2, $0x0, v1;
	[tilespmem:s23], [sflag:$0x2] =	stream.linear.gather [hbm4b:s22+s10], $0x80, $0x38;
	[tilespmem:$0x14300] =	vst v63  }
0x268: {  	s16 =	smov.u32 s14;
	s6 =	sadd.s32 s30, s6;
	v4 =	vsel vm3, $0x0, v1;
	(xrf0) =	vadd.scan.msk.s32 $0xffff, v3  }
0x269: {  	s19 =	sshll.u32 s18, $0x4;
	s31 =	sadd.s32 $0xFFFFFF00, s21;
	s9 =	spop (v2sf);
	(xrf0) =	vadd.scan.msk.s32 $0xffff, v4  }
0x26a: {  	v5 =	vsel vm4, $0x0, v1;
	[tilespmem:s31], [sflag:$0x2] =	stream.linear.gather [hbm4b:s6+s10], $0x80, $0x38;
	[tilespmem:$0x14300] =	vst v63  }
0x26b: {  	s7 =	sand.u32 $0x1FFFFFF0, s19;
	s14 =	sadd.s32 s30, s11;
	v6 =	vsel vm5, $0x0, v1;
	s19 =	spop (v2sf);
	(xrf0) =	vadd.scan.msk.s32 $0xffff, v5  }
0x26c: {  	s0 =	sand.u32 $0x1FFFFFF0, s24;
	s15 =	sadd.s32 s30, s29;
	v7 =	vsel vm6, $0x0, v1;
	s2 =	sshll.u32 s19, $0x4;
	(xrf0) =	vadd.scan.msk.s32 $0xffff, v6  }
0x26d: {  	s3 =	sand.u32 $0x1FFFFFF0, s2;
	s2 =	smov.u32 s5;
	s5 =	sadd.s32 $0xFFFFFF80, s21;
	v4, _, _ =	vpop (xrf0);
	(xrf0) =	vadd.scan.msk.s32 $0xffff, v7  }
0x26e: {  	v8 =	vsel vm7, $0x0, v1;
	v9 =	vsel vm9, $0x0, v1;
	[tilespmem:s5], [sflag:$0x2] =	stream.linear.gather [hbm4b:s14+s10], $0x80, $0x38;
	[tilespmem:$0x14300] =	vst v63  }
0x26f: {  	v10 =	vsel vm11, $0x0, v1;
	v11 =	vsel vm12, $0x0, v1;
	s23 =	rddreg [dreg:$0x3];
	s24 =	sadd.s32 $0x300, s2;
	v7 =	vsel vm8, $0x0, v1;
	v5, _, _ =	vpop (xrf0);
	(xrf0) =	vadd.scan.msk.s32 $0xffff, v8;
	s22 =	spop (v2sf)  }
0x270: {  	v12 =	vsel vm13, $0x0, v1;
	v0 =	vsel vm15, $0x0, v1;
	(v2sf) =	vpush v4, $0xF;
	v4, _, _ =	vpop (xrf0);
	(xrf0) =	vadd.scan.msk.s32 $0xffff, v7;
	v6 =	vld [tilespmem:s23+$0x0];
	[tilespmem:s24], [sflag:$0x2] =	stream.linear.gather [hbm4b:s15+s10], $0x80, $0x38  }
0x271: {  	s18 =	sshll.u32 s9, $0x4;
	v2 =	vsel vm10, $0x0, v1;
	v3 =	vsel vm14, $0x0, v1;
	(v2sf) =	vpush v4, $0xF;
	v1, _, _ =	vpop (xrf0);
	(xrf0) =	vadd.scan.msk.s32 $0xffff, v9  }
0x272: {  	s1 =	sand.u32 $0x1FFFFFF0, s18;
	s18 =	sadd.s32 s30, s17;
	s24 =	sadd.s32 $0x380, s2;
	(v2sf) =	vpush v1, $0xF;
	v1, _, _ =	vpop (xrf0);
	(xrf0) =	vadd.scan.msk.s32 $0xffff, v2  }
0x273: {  	[tilespmem:s24], [sflag:$0x2] =	stream.linear.gather [hbm4b:s18+s10], $0x80, $0x38;
	[tilespmem:$0x14300] =	vst v63  }
0x274: {  	(v2sf) =	vpush v1, $0xF;
	v1, _, _ =	vpop (xrf0);
	(xrf0) =	vadd.scan.msk.s32 $0xffff, v10  }
0x275: {  	s20 =	sadd.s32 s30, s28;
	s19 =	sadd.s32 $0x400, s2;
	v2, _, _ =	vpop (xrf0);
	(xrf0) =	vadd.scan.msk.s32 $0xffff, v11  }
0x276: {  	[tilespmem:s19], [sflag:$0x2] =	stream.linear.gather [hbm4b:s20+s10], $0x80, $0x38;
	[tilespmem:$0x14300] =	vst v63  }
0x277: {  	(v2sf) =	vpush v1, $0xF;
	v11 =	vnsel vm0, $0x0, v6;
	v1, _, _ =	vpop (xrf0);
	(xrf0) =	vadd.scan.msk.s32 $0xffff, v12  }
0x278: {  	s26 =	sadd.s32 s30, s26;
	s4 =	sadd.s32 $0x480, s2;
	s14 =	sshll.u32 s22, $0x4;
	v7 =	vsel vm1, $0x0, v6;
	(v2sf) =	vpush v2, $0xF;
	v2, _, _ =	vpop (xrf0);
	(xrf0) =	vadd.scan.msk.s32 $0xffff, v11  }
0x279: {  	[tilespmem:s4], [sflag:$0x2] =	stream.linear.gather [hbm4b:s26+s10], $0x80, $0x38;
	[tilespmem:$0x14300] =	vst v63  }
0x27a: {  	s31 =	sand.u32 $0x1FFFFFF0, s14;
	v8 =	vsel vm2, $0x0, v6;
	v4, _, _ =	vpop (xrf0);
	(xrf0) =	vadd.scan.msk.s32 $0xffff, v7  }
0x27b: {  	s9 =	sadd.s32 $0x500, s2;
	s8 =	sadd.s32 s30, s31;
	v7, _, _ =	vpop (xrf0);
	(xrf0) =	vadd.scan.msk.s32 $0xffff, v8  }
0x27c: {  	v9 =	vsel vm3, $0x0, v6;
	[tilespmem:s9], [sflag:$0x2] =	stream.linear.gather [hbm4b:s8+s10], $0x80, $0x38;
	[tilespmem:$0x14300] =	vst v63  }
0x27d: {  	v10 =	vsel vm4, $0x0, v6;
	(v2sf) =	vpush v5, $0xF;
	v5, _, _ =	vpop (xrf0);
	(xrf0) =	vadd.scan.msk.s32 $0xffff, v9  }
0x27e: {  	s13 =	sadd.s32 $0x580, s2;
	s14 =	sadd.s32 s30, s12;
	v19, _, _ =	vpop (xrf0);
	(xrf0) =	vadd.scan.msk.s32 $0xffff, v10  }
0x27f: {  	v11 =	vsel vm5, $0x0, v6;
	(v2sf) =	vpush v2, $0xF;
	[tilespmem:s13], [sflag:$0x2] =	stream.linear.gather [hbm4b:s14+s10], $0x80, $0x38;
	[tilespmem:$0x14300] =	vst v63  }
0x280: {  	v63 =	vsel vm6, $0x0, v6;
	v13 =	vsel vm7, $0x0, v6;
	(v2sf) =	vpush v4, $0xF;
	v4, _, _ =	vpop (xrf0);
	(xrf0) =	vadd.scan.msk.s32 $0xffff, v11  }
0x281: {  	s7 =	sadd.s32 s30, s7;
	s17 =	sadd.s32 $0x600, s2;
	v14 =	vsel vm8, $0x0, v6;
	v15 =	vsel vm9, $0x0, v6;
	(v2sf) =	vpush v4, $0xF;
	v4, _, _ =	vpop (xrf0);
	(xrf0) =	vadd.scan.msk.s32 $0xffff, v13  }
0x282: {  	v16 =	vsel vm10, $0x0, v6;
	v17 =	vsel vm11, $0x0, v6;
	v18 =	vsel vm12, $0x0, v6;
	[tilespmem:s17], [sflag:$0x2] =	stream.linear.gather [hbm4b:s7+s10], $0x80, $0x38;
	[tilespmem:$0x14300] =	vst v63  }
0x283: {  	s25 =	sadd.s32 $0x2, s25;
	s0 =	sadd.s32 s30, s0;
	v20 =	vsel vm13, $0x0, v6;
	v21 =	vsel vm14, $0x0, v6;
	v2 =	vsel vm15, $0x0, v6;
	v6, _, _ =	vpop (xrf0);
	(xrf0) =	vadd.scan.msk.s32 $0xffff, v63  }
0x284: {  	s11 =	sadd.s32 $0x780, s2;
	s15 =	sadd.s32 $0x700, s2;
	s2 =	sadd.s32 $0x680, s2;
	v10, _, _ =	vpop (xrf0);
	(xrf0) =	vadd.scan.msk.s32 $0xffff, v14  }
0x285: {  	[tilespmem:s2], [sflag:$0x2] =	stream.linear.gather [hbm4b:s0+s10], $0x80, $0x38;
	[tilespmem:$0x14300] =	vst v63  }
0x286: {  	p0 =	slt.u32 s25, $0x12;
	s29 =	sadd.s32 $0x200, s21;
	s28 =	sadd.s32 $0x180, s21;
	v9, _, _ =	vpop (xrf0);
	(xrf0) =	vadd.scan.msk.s32 $0xffff, v15  }
0x287: {  	s1 =	sadd.s32 s30, s1;
	s5 =	smov.u32 s21;
	s18 =	smov.u32 s16;
	v8, _, _ =	vpop (xrf0);
	(xrf0) =	vadd.scan.msk.s32 $0xffff, v16  }
0x288: {  	[tilespmem:s15], [sflag:$0x2] =	stream.linear.gather [hbm4b:s1+s10], $0x80, $0x38;
	[tilespmem:$0x14300] =	vst v63  }
0x289: {  	s31 =	sadd.s32 s30, s3;
	s26 =	sadd.s32 $0x280, s21;
	(v2sf) =	vpush v7, $0xF;
	s19 =	spop (v2sf);
	(xrf0) =	vadd.scan.msk.s32 $0xffff, v3  }
0x28a: {  	(v2sf) =	vpush v4, $0xF;
	v7, _, _ =	vpop (xrf0);
	[tilespmem:s11], [sflag:$0x2] =	stream.linear.gather [hbm4b:s31+s10], $0x80, $0x38;
	[tilespmem:$0x14300] =	vst v63  }
.Ltmp1:
0x28b: {  	s0 =	sadd.s32 $0x100, s21;
	(v2sf) =	vpush v5, $0xF;
	s20 =	spop (v2sf);
	v5, _, _ =	vpop (xrf0);
	(xrf0) =	vadd.scan.msk.s32 $0xffff, v17;
	(pc) =	sbr.rel @p0 .LBB2_5-.Ltmp1, $4  }
0x28c: {  	s21 =	sadd.s32 $0x1000, s21;
	s2 =	sshll.u32 s19, $0x4;
	(v2sf) =	vpush v6, $0xF;
	s22 =	spop (v2sf);
	(xrf0) =	vadd.scan.msk.s32 $0xffff, v0;
	v6, _, _ =	vpop (xrf0)  }
0x28d: {  	s2 =	sand.u32 $0x1FFFFFF0, s2;
	s13 =	sshll.u32 s20, $0x4;
	s23 =	spop (v2sf);
	v4, _, _ =	vpop (xrf0);
	(xrf0) =	vadd.scan.msk.s32 $0xffff, v18  }
0x28e: {  	s17 =	sadd.s32 s30, s2;
	s8 =	sshll.u32 s22, $0x4;
	s24 =	spop (v2sf);
	(v2sf) =	vpush v19, $0xF;
	v3, _, _ =	vpop (xrf0);
	(xrf0) =	vadd.scan.msk.s32 $0xffff, v20  }
0x28f: {  	s4 =	sshll.u32 s23, $0x4;
	s12 =	sshll.u32 s24, $0x4;
	s1 =	spop (v2sf);
	(v2sf) =	vpush v10, $0xF;
	v0, _, _ =	vpop (xrf0);
	(xrf0) =	vadd.scan.msk.s32 $0xffff, v21  }
0x290: {  	_ =	sdelay $0x1  }
0x291: {  	s7 =	spop (v2sf);
	s3 =	sadd.s32 $0xFFFFF800, s21  }
0x292: {  	[tilespmem:s3], [sflag:$0x2] =	stream.linear.gather [hbm4b:s17+s10], $0x80, $0x38;
	[tilespmem:$0x14300] =	vst v63  }
0x293: {  	s15 =	spop (v2sf);
	s7 =	sshll.u32 s7, $0x4  }
0x294: {  	s9 =	spop (v2sf);
	s7 =	sand.u32 $0x1FFFFFF0, s7  }
0x295: {  	s31 =	sadd.s32 $0xFFFFF880, s21;
	s2 =	spop (v2sf);
	s7 =	sadd.s32 s30, s7  }
0x296: {  	[tilespmem:s31], [sflag:$0x2] =	stream.linear.gather [hbm4b:s7+s10], $0x80, $0x38;
	[tilespmem:$0x14300] =	vst v63  }
0x297: {  	s6 =	spop (v2sf);
	(v2sf) =	vpush v1, $0xF  }
0x298: {  	s11 =	spop (v2sf);
	(v2sf) =	vpush v9, $0xF  }
0x299: {  	s3 =	spop (v2sf);
	s11 =	sshll.u32 s11, $0x4  }
0x29a: {  	s14 =	spop (v2sf);
	s11 =	sand.u32 $0x1FFFFFF0, s11  }
0x29b: {  	(v2sf) =	vpush v8, $0xF;
	s14 =	sshll.u32 s14, $0x4;
	s11 =	sadd.s32 s30, s11  }
0x29c: {  	[tilespmem:s5], [sflag:$0x2] =	stream.linear.gather [hbm4b:s11+s10], $0x80, $0x38;
	[tilespmem:$0x14300] =	vst v63  }
0x29d: {  	s24 =	sand.u32 $0x1FFFFFF0, s14  }
0x29e: {  	s25 =	sadd.s32 $0x80, s5;
	s11 =	sadd.s32 s30, s24  }
0x29f: {  	(v2sf) =	vpush v7, $0xF;
	[tilespmem:s25], [sflag:$0x2] =	stream.linear.gather [hbm4b:s11+s10], $0x80, $0x38;
	[tilespmem:$0x14300] =	vst v63  }
0x2a0: {  	s11 =	spop (v2sf)  }
0x2a1: {  	s14 =	spop (v2sf)  }
0x2a2: {  	s7 =	sshll.u32 s14, $0x4  }
0x2a3: {  	s7 =	sand.u32 $0x1FFFFFF0, s7  }
0x2a4: {  	s7 =	sadd.s32 s30, s7  }
0x2a5: {  	[tilespmem:s0], [sflag:$0x2] =	stream.linear.gather [hbm4b:s7+s10], $0x80, $0x38;
	[tilespmem:$0x14300] =	vst v63  }
0x2a6: {  	s16 =	spop (v2sf)  }
0x2a7: {  	s17 =	spop (v2sf)  }
0x2a8: {  	s7 =	sshll.u32 s17, $0x4  }
0x2a9: {  	s7 =	sand.u32 $0x1FFFFFF0, s7  }
0x2aa: {  	s19 =	spop (v2sf);
	s7 =	sadd.s32 s30, s7  }
0x2ab: {  	[tilespmem:s28], [sflag:$0x2] =	stream.linear.gather [hbm4b:s7+s10], $0x80, $0x38;
	[tilespmem:$0x14300] =	vst v63  }
0x2ac: {  	s22 =	sand.u32 $0x1FFFFFF0, s13;
	s23 =	sadd.s32 $0xFFFFF900, s21;
	s7 =	sshll.u32 s19, $0x4  }
0x2ad: {  	s4 =	sand.u32 $0x1FFFFFF0, s4;
	s1 =	sshll.u32 s1, $0x4;
	s7 =	sand.u32 $0x1FFFFFF0, s7  }
0x2ae: {  	s13 =	sadd.s32 $0xFFFFFD00, s21;
	s20 =	spop (v2sf);
	s7 =	sadd.s32 s30, s7  }
0x2af: {  	[tilespmem:s29], [sflag:$0x2] =	stream.linear.gather [hbm4b:s7+s10], $0x80, $0x38;
	[tilespmem:$0x14300] =	vst v63  }
0x2b0: {  	s4 =	sadd.s32 s30, s4;
	s1 =	sand.u32 $0x1FFFFFF0, s1;
	s7 =	sshll.u32 s20, $0x4  }
0x2b1: {  	s1 =	sadd.s32 s30, s1;
	s2 =	sshll.u32 s2, $0x4;
	s7 =	sand.u32 $0x1FFFFFF0, s7  }
0x2b2: {  	s31 =	sadd.s32 $0xFFFFFB00, s21;
	s2 =	sand.u32 $0x1FFFFFF0, s2;
	(v2sf) =	vpush v5, $0xF;
	s7 =	sadd.s32 s30, s7  }
0x2b3: {  	[tilespmem:s26], [sflag:$0x2] =	stream.linear.gather [hbm4b:s7+s10], $0x80, $0x38;
	[tilespmem:$0x14300] =	vst v63  }
0x2b4: {  	s6 =	sshll.u32 s6, $0x4;
	(v2sf) =	vpush v6, $0xF;
	s24 =	sand.u32 $0x1FFFFFF0, s8;
	s7 =	sadd.s32 s30, s22  }
0x2b5: {  	[tilespmem:s23], [sflag:$0x2] =	stream.linear.gather [hbm4b:s7+s10], $0x80, $0x38;
	[tilespmem:$0x14300] =	vst v63  }
0x2b6: {  	s6 =	sand.u32 $0x1FFFFFF0, s6;
	s25 =	sadd.s32 $0xFFFFF980, s21;
	(v2sf) =	vpush v4, $0xF;
	s7 =	sadd.s32 s30, s24  }
0x2b7: {  	[tilespmem:s25], [sflag:$0x2] =	stream.linear.gather [hbm4b:s7+s10], $0x80, $0x38;
	[tilespmem:$0x14300] =	vst v63  }
0x2b8: {  	s3 =	sshll.u32 s3, $0x4;
	(v2sf) =	vpush v3, $0xF;
	s28 =	sand.u32 $0x1FFFFFF0, s12;
	s26 =	sadd.s32 $0xFFFFFA00, s21  }
0x2b9: {  	v1, _, _ =	vpop (xrf0);
	[tilespmem:s26], [sflag:$0x2] =	stream.linear.gather [hbm4b:s4+s10], $0x80, $0x38;
	[tilespmem:$0x14300] =	vst v63  }
0x2ba: {  	s0 =	sshll.u32 s16, $0x4;
	(v2sf) =	vpush v1, $0xF;
	s29 =	sadd.s32 $0xFFFFFA80, s21;
	s4 =	sadd.s32 s30, s28  }
0x2bb: {  	v1, _, _ =	vpop (xrf0);
	[tilespmem:s29], [sflag:$0x2] =	stream.linear.gather [hbm4b:s4+s10], $0x80, $0x38;
	[tilespmem:$0x14300] =	vst v63  }
0x2bc: {  	s6 =	sadd.s32 s30, s6;
	s8 =	sshll.u32 s15, $0x4;
	s0 =	sand.u32 $0x1FFFFFF0, s0;
	(v2sf) =	vpush v1, $0xF;
	v1, _, _ =	vpop (xrf0)  }
0x2bd: {  	(v2sf) =	vpush v1, $0xF;
	[tilespmem:s31], [sflag:$0x2] =	stream.linear.gather [hbm4b:s1+s10], $0x80, $0x38;
	[tilespmem:$0x14300] =	vst v63  }
0x2be: {  	s15 =	sadd.s32 $0xFFFFFC80, s21;
	s0 =	sadd.s32 s30, s0;
	s7 =	sadd.s32 $0xFFFFFB80, s21  }
0x2bf: {  	[tilespmem:s7], [sflag:$0x2] =	stream.linear.gather [hbm4b:s0+s10], $0x80, $0x38;
	[tilespmem:$0x14300] =	vst v63  }
0x2c0: {  	s14 =	sshll.u32 s9, $0x4;
	s12 =	sadd.s32 $0xFFFFFC00, s21;
	s0 =	sand.u32 $0x1FFFFFF0, s8  }
0x2c1: {  	s19 =	spop (v2sf);
	s1 =	sand.u32 $0x1FFFFFF0, s14;
	s0 =	sadd.s32 s30, s0  }
0x2c2: {  	[tilespmem:s12], [sflag:$0x2] =	stream.linear.gather [hbm4b:s0+s10], $0x80, $0x38;
	[tilespmem:$0x14300] =	vst v63  }
0x2c3: {  	s17 =	sshll.u32 s11, $0x4;
	s20 =	spop (v2sf);
	s1 =	sadd.s32 s30, s1  }
0x2c4: {  	[tilespmem:s15], [sflag:$0x2] =	stream.linear.gather [hbm4b:s1+s10], $0x80, $0x38;
	[tilespmem:$0x14300] =	vst v63  }
0x2c5: {  	s16 =	sand.u32 $0x1FFFFFF0, s3;
	(xrf0) =	vadd.scan.msk.s32 $0xffff, v2;
	s3 =	sand.u32 $0x1FFFFFF0, s17;
	s22 =	spop (v2sf)  }
0x2c6: {  	v1, _, _ =	vpop (xrf0);
	[tilespmem:s13], [sflag:$0x2] =	stream.linear.gather [hbm4b:s6+s10], $0x80, $0x38;
	[tilespmem:$0x14300] =	vst v63  }
0x2c7: {  	(v2sf) =	vpush v1, $0xF;
	v1, _, _ =	vpop (xrf0);
	s23 =	sadd.s32 $0xFFFFFD80, s21;
	s24 =	spop (v2sf);
	s1 =	sadd.s32 s30, s16  }
0x2c8: {  	(v2sf) =	vpush v1, $0xF;
	[tilespmem:s23], [sflag:$0x2] =	stream.linear.gather [hbm4b:s1+s10], $0x80, $0x38;
	[tilespmem:$0x14300] =	vst v63  }
0x2c9: {  	s3 =	sadd.s32 s30, s3;
	v1, _, _ =	vpop (xrf0);
	s25 =	sadd.s32 $0xFFFFFE00, s21;
	s26 =	spop (v2sf)  }
0x2ca: {  	(v2sf) =	vpush v1, $0xF;
	[tilespmem:s25], [sflag:$0x2] =	stream.linear.gather [hbm4b:s3+s10], $0x80, $0x38;
	[tilespmem:$0x14300] =	vst v63  }
0x2cb: {  	s2 =	sadd.s32 s30, s2;
	v2, _, _ =	vpop (xrf0);
	s29 =	spop (v2sf);
	s3 =	sshll.u32 s26, $0x4  }
0x2cc: {  	s28 =	sadd.s32 $0xFFFFFE80, s21;
	(v2sf) =	vpush v2, $0xF;
	s8 =	spop (v2sf);
	s3 =	sand.u32 $0x1FFFFFF0, s3  }
0x2cd: {  	(v2sf) =	vpush v0, $0xF;
	[tilespmem:s28], [sflag:$0x2] =	stream.linear.gather [hbm4b:s2+s10], $0x80, $0x38;
	[tilespmem:$0x14300] =	vst v63  }
0x2ce: {  	s31 =	sadd.s32 $0xFFFFFF00, s21;
	s3 =	sadd.s32 s30, s3  }
0x2cf: {  	[tilespmem:s31], [sflag:$0x2] =	stream.linear.gather [hbm4b:s3+s10], $0x80, $0x38;
	[tilespmem:$0x14300] =	vst v63  }
0x2d0: {  	s9 =	sadd.s32 $0xFFFFFF80, s21;
	s3 =	sshll.u32 s8, $0x4  }
0x2d1: {  	s17 =	sadd.s32 $0x400, s5;
	s12 =	sshll.u32 s20, $0x4;
	s3 =	sand.u32 $0x1FFFFFF0, s3  }
0x2d2: {  	s11 =	sshll.u32 s19, $0x4;
	s4 =	sand.u32 $0x1FFFFFF0, s12;
	s3 =	sadd.s32 s30, s3  }
0x2d3: {  	[tilespmem:s9], [sflag:$0x2] =	stream.linear.gather [hbm4b:s3+s10], $0x80, $0x38;
	[tilespmem:$0x14300] =	vst v63  }
0x2d4: {  	s0 =	sshll.u32 s22, $0x4;
	s4 =	sadd.s32 s30, s4;
	s13 =	sadd.s32 $0x300, s5  }
0x2d5: {  	[tilespmem:s13], [sflag:$0x2] =	stream.linear.gather [hbm4b:s4+s10], $0x80, $0x38;
	v0 =	vld [tilespmem:s18+$0x0]  }
0x2d6: {  	s14 =	spop (v2sf);
	s0 =	sand.u32 $0x1FFFFFF0, s0;
	s3 =	sand.u32 $0x1FFFFFF0, s11  }
0x2d7: {  	s15 =	sadd.s32 $0x380, s5;
	s16 =	spop (v2sf);
	s3 =	sadd.s32 s30, s3  }
0x2d8: {  	[tilespmem:s15], [sflag:$0x2] =	stream.linear.gather [hbm4b:s3+s10], $0x80, $0x38;
	[tilespmem:$0x14300] =	vst v63  }
0x2d9: {  	s0 =	sadd.s32 s30, s0;
	s1 =	sshll.u32 s24, $0x4;
	s19 =	spop (v2sf)  }
0x2da: {  	[tilespmem:s17], [sflag:$0x2] =	stream.linear.gather [hbm4b:s0+s10], $0x80, $0x38;
	v1 =	vnsel vm0, $0x0, v0;
	[tilespmem:$0x14300] =	vst v63  }
0x2db: {  	s20 =	spop (v2sf);
	s18 =	sand.u32 $0x1FFFFFF0, s1;
	(xrf0) =	vadd.scan.msk.s32 $0xffff, v1  }
0x2dc: {  	s22 =	sadd.s32 $0x480, s5;
	s23 =	spop (v2sf);
	s0 =	sadd.s32 s30, s18  }
0x2dd: {  	[tilespmem:s22], [sflag:$0x2] =	stream.linear.gather [hbm4b:s0+s10], $0x80, $0x38;
	v1 =	vsel vm1, $0x0, v0;
	[tilespmem:$0x14300] =	vst v63  }
0x2de: {  	s0 =	sshll.u32 s23, $0x4;
	(xrf0) =	vadd.scan.msk.s32 $0xffff, v1;
	v1 =	vsel vm2, $0x0, v0  }
0x2df: {  	s0 =	sand.u32 $0x1FFFFFF0, s0  }
0x2e0: {  	s24 =	sadd.s32 $0x500, s5;
	s25 =	sshll.u32 s29, $0x4;
	s0 =	sadd.s32 s30, s0;
	(xrf0) =	vadd.scan.msk.s32 $0xffff, v1  }
0x2e1: {  	[tilespmem:s24], [sflag:$0x2] =	stream.linear.gather [hbm4b:s0+s10], $0x80, $0x38;
	v1, _, _ =	vpop (xrf0);
	[tilespmem:$0x14300] =	vst v63  }
0x2e2: {  	v2 =	vsel vm3, $0x0, v0;
	s0 =	sand.u32 $0x1FFFFFF0, s25;
	(v2sf) =	vpush v1, $0xF;
	v1 =	vsel vm4, $0x0, v0  }
0x2e3: {  	s26 =	sshll.u32 s14, $0x4;
	s28 =	sadd.s32 $0x580, s5;
	(xrf0) =	vadd.scan.msk.s32 $0xffff, v2;
	s0 =	sadd.s32 s30, s0  }
0x2e4: {  	[tilespmem:s28], [sflag:$0x2] =	stream.linear.gather [hbm4b:s0+s10], $0x80, $0x38;
	[tilespmem:$0x14300] =	vst v63  }
0x2e5: {  	s2 =	sand.u32 $0x1FFFFFF0, s26;
	v2 =	vsel vm5, $0x0, v0;
	(xrf0) =	vadd.scan.msk.s32 $0xffff, v1;
	v1, _, _ =	vpop (xrf0)  }
0x2e6: {  	s2 =	sadd.s32 s30, s2;
	s31 =	sadd.s32 $0x600, s5;
	(v2sf) =	vpush v1, $0xF;
	v1 =	vsel vm7, $0x0, v0  }
0x2e7: {  	[tilespmem:s31], [sflag:$0x2] =	stream.linear.gather [hbm4b:s2+s10], $0x80, $0x38;
	[tilespmem:$0x14300] =	vst v63  }
0x2e8: {  	s29 =	sshll.u32 s16, $0x4;
	(xrf0) =	vadd.scan.msk.s32 $0xffff, v2;
	v2, _, _ =	vpop (xrf0)  }
0x2e9: {  	s4 =	sadd.s32 $0x680, s5;
	s1 =	sshll.u32 s19, $0x4;
	s0 =	sand.u32 $0x1FFFFFF0, s29;
	(xrf0) =	vadd.scan.msk.s32 $0xffff, v1;
	(v2sf) =	vpush v2, $0xF;
	v1, _, _ =	vpop (xrf0)  }
0x2ea: {  	s8 =	sshll.u32 s20, $0x4;
	s7 =	sand.u32 $0x1FFFFFF0, s1;
	s0 =	sadd.s32 s30, s0;
	(v2sf) =	vpush v1, $0xF  }
0x2eb: {  	[tilespmem:s4], [sflag:$0x2] =	stream.linear.gather [hbm4b:s0+s10], $0x80, $0x38;
	v2 =	vsel vm6, $0x0, v0;
	v1 =	vsel vm8, $0x0, v0;
	[tilespmem:$0x14300] =	vst v63  }
0x2ec: {  	s9 =	sadd.s32 $0x700, s5;
	s1 =	sand.u32 $0x1FFFFFF0, s8;
	s0 =	sadd.s32 s30, s7;
	(xrf0) =	vadd.scan.msk.s32 $0xffff, v2  }
0x2ed: {  	[tilespmem:s9], [sflag:$0x2] =	stream.linear.gather [hbm4b:s0+s10], $0x80, $0x38;
	[tilespmem:$0x14300] =	vst v63  }
0x2ee: {  	s11 =	sadd.s32 $0x780, s5;
	s1 =	sadd.s32 s30, s1;
	v2 =	vsel vm9, $0x0, v0;
	(xrf0) =	vadd.scan.msk.s32 $0xffff, v1;
	v1, _, _ =	vpop (xrf0)  }
0x2ef: {  	[tilespmem:s11], [sflag:$0x2] =	stream.linear.gather [hbm4b:s1+s10], $0x80, $0x38;
	(v2sf) =	vpush v1, $0xF;
	[tilespmem:$0x14300] =	vst v63  }
0x2f0: {  	(xrf0) =	vadd.scan.msk.s32 $0xffff, v2;
	v3, _, _ =	vpop (xrf0);
	v1 =	vsel vm10, $0x0, v0  }
0x2f1: {  	(v2sf) =	vpush v3, $0xF;
	(xrf0) =	vadd.scan.msk.s32 $0xffff, v1;
	v1 =	vsel vm11, $0x0, v0;
	v2, _, _ =	vpop (xrf0)  }
0x2f2: {  	(xrf0) =	vadd.scan.msk.s32 $0xffff, v1;
	v1 =	vsel vm12, $0x0, v0;
	(v2sf) =	vpush v2, $0xF;
	v2, _, _ =	vpop (xrf0);
	s12 =	spop (v2sf)  }
0x2f3: {  	(xrf0) =	vadd.scan.msk.s32 $0xffff, v1;
	v1 =	vsel vm13, $0x0, v0;
	(v2sf) =	vpush v2, $0xF;
	s0 =	sshll.u32 s12, $0x4  }
0x2f4: {  	v2 =	vsel vm14, $0x0, v0;
	s0 =	sand.u32 $0x1FFFFFF0, s0  }
0x2f5: {  	v3, _, _ =	vpop (xrf0);
	(xrf0) =	vadd.scan.msk.s32 $0xffff, v1;
	s0 =	sadd.s32 s30, s0;
	s15 =	spop (v2sf)  }
0x2f6: {  	v1, _, _ =	vpop (xrf0);
	[tilespmem:s21], [sflag:$0x2] =	stream.linear.gather [hbm4b:s0+s10], $0x80, $0x38;
	[tilespmem:$0x14300] =	vst v63  }
0x2f7: {  	s13 =	sadd.s32 $0x180, s21;
	s14 =	sadd.s32 $0x100, s21;
	v0 =	vsel vm15, $0x0, v0;
	(v2sf) =	vpush v3, $0xF;
	(xrf0) =	vadd.scan.msk.s32 $0xffff, v2;
	v2, _, _ =	vpop (xrf0);
	s3 =	sshll.u32 s15, $0x4  }
0x2f8: {  	s18 =	sadd.s32 $0x80, s21;
	(v2sf) =	vpush v1, $0xF;
	v1, _, _ =	vpop (xrf0);
	s17 =	spop (v2sf);
	s3 =	sand.u32 $0x1FFFFFF0, s3  }
0x2f9: {  	(xrf0) =	vadd.scan.msk.s32 $0xffff, v0;
	(v2sf) =	vpush v1, $0xF;
	s4 =	sshll.u32 s17, $0x4;
	s3 =	sadd.s32 s30, s3;
	s19 =	spop (v2sf)  }
0x2fa: {  	v0, _, _ =	vpop (xrf0);
	[tilespmem:s18], [sflag:$0x2] =	stream.linear.gather [hbm4b:s3+s10], $0x80, $0x38;
	[tilespmem:$0x14300] =	vst v63  }
0x2fb: {  	s16 =	sadd.s32 $0x200, s21;
	(v2sf) =	vpush v0, $0xF;
	s20 =	sand.u32 $0x1FFFFFF0, s4;
	s7 =	sshll.u32 s19, $0x4  }
0x2fc: {  	s11 =	sadd.s32 $0x300, s21;
	v0, _, _ =	vpop (xrf0);
	s3 =	sadd.s32 s30, s20;
	s23 =	sand.u32 $0x1FFFFFF0, s7  }
0x2fd: {  	(v2sf) =	vpush v0, $0xF;
	[tilespmem:s14], [sflag:$0x2] =	stream.linear.gather [hbm4b:s3+s10], $0x80, $0x38;
	[tilespmem:$0x14300] =	vst v63  }
0x2fe: {  	s15 =	sadd.s32 $0x400, s21;
	v0, _, _ =	vpop (xrf0);
	s28 =	sadd.s32 s30, s23;
	s22 =	spop (v2sf)  }
0x2ff: {  	(v2sf) =	vpush v0, $0xF;
	[tilespmem:s13], [sflag:$0x2] =	stream.linear.gather [hbm4b:s28+s10], $0x80, $0x38;
	[tilespmem:$0x14300] =	vst v63  }
0x300: {  	v0, _, _ =	vpop (xrf0);
	s13 =	sadd.s32 $0x380, s21;
	s4 =	sshll.u32 s22, $0x4;
	s24 =	spop (v2sf)  }
0x301: {  	(v2sf) =	vpush v0, $0xF;
	s25 =	sand.u32 $0x1FFFFFF0, s4;
	s26 =	sshll.u32 s24, $0x4;
	s31 =	spop (v2sf)  }
0x302: {  	(v2sf) =	vpush v2, $0xF;
	s29 =	sand.u32 $0x1FFFFFF0, s26;
	s2 =	sadd.s32 s30, s25;
	s4 =	spop (v2sf)  }
0x303: {  	[tilespmem:s16], [sflag:$0x2] =	stream.linear.gather [hbm4b:s2+s10], $0x80, $0x38;
	[tilespmem:$0x14300] =	vst v63  }
0x304: {  	s5 =	sshll.u32 s31, $0x4;
	s2 =	sadd.s32 $0x280, s21;
	s1 =	sadd.s32 s30, s29  }
0x305: {  	[tilespmem:s2], [sflag:$0x2] =	stream.linear.gather [hbm4b:s1+s10], $0x80, $0x38;
	[tilespmem:$0x14300] =	vst v63  }
0x306: {  	s6 =	spop (v2sf);
	s0 =	sand.u32 $0x1FFFFFF0, s5;
	s2 =	sshll.u32 s4, $0x4  }
0x307: {  	s0 =	sadd.s32 s30, s0;
	s7 =	spop (v2sf);
	s2 =	sand.u32 $0x1FFFFFF0, s2  }
0x308: {  	s1 =	sshll.u32 s6, $0x4;
	s2 =	sadd.s32 s30, s2;
	s8 =	spop (v2sf)  }
0x309: {  	[tilespmem:s11], [sflag:$0x2] =	stream.linear.gather [hbm4b:s2+s10], $0x80, $0x38;
	[tilespmem:$0x14300] =	vst v63  }
0x30a: {  	s1 =	sand.u32 $0x1FFFFFF0, s1;
	s3 =	sshll.u32 s7, $0x4;
	s9 =	spop (v2sf)  }
0x30b: {  	[tilespmem:s13], [sflag:$0x2] =	stream.linear.gather [hbm4b:s0+s10], $0x80, $0x38;
	[tilespmem:$0x14300] =	vst v63  }
0x30c: {  	s1 =	sadd.s32 s30, s1;
	s3 =	sand.u32 $0x1FFFFFF0, s3;
	s12 =	spop (v2sf)  }
0x30d: {  	[tilespmem:s15], [sflag:$0x2] =	stream.linear.gather [hbm4b:s1+s10], $0x80, $0x38;
	[tilespmem:$0x14300] =	vst v63  }
0x30e: {  	s17 =	sadd.s32 $0x480, s21;
	s3 =	sadd.s32 s30, s3;
	s14 =	spop (v2sf)  }
0x30f: {  	[tilespmem:s17], [sflag:$0x2] =	stream.linear.gather [hbm4b:s3+s10], $0x80, $0x38;
	[tilespmem:$0x14300] =	vst v63  }
0x310: {  	s16 =	spop (v2sf)  }
0x311: {  	s18 =	spop (v2sf)  }
0x312: {  	s3 =	sshll.u32 s18, $0x4  }
0x313: {  	s3 =	sand.u32 $0x1FFFFFF0, s3  }
0x314: {  	s19 =	sadd.s32 $0x500, s21;
	s20 =	sshll.u32 s8, $0x4;
	s3 =	sadd.s32 s30, s3  }
0x315: {  	[tilespmem:s19], [sflag:$0x2] =	stream.linear.gather [hbm4b:s3+s10], $0x80, $0x38;
	[tilespmem:$0x14300] =	vst v63  }
0x316: {  	s3 =	sand.u32 $0x1FFFFFF0, s20  }
0x317: {  	s22 =	sadd.s32 $0x580, s21;
	s23 =	sshll.u32 s9, $0x4;
	s3 =	sadd.s32 s30, s3  }
0x318: {  	[tilespmem:s22], [sflag:$0x2] =	stream.linear.gather [hbm4b:s3+s10], $0x80, $0x38;
	[tilespmem:$0x14300] =	vst v63  }
0x319: {  	s24 =	sadd.s32 $0x600, s21;
	s2 =	sshll.u32 s12, $0x4;
	s3 =	sand.u32 $0x1FFFFFF0, s23  }
0x31a: {  	s2 =	sand.u32 $0x1FFFFFF0, s2;
	s0 =	sshll.u32 s14, $0x4;
	s3 =	sadd.s32 s30, s3  }
0x31b: {  	[tilespmem:s24], [sflag:$0x2] =	stream.linear.gather [hbm4b:s3+s10], $0x80, $0x38;
	[tilespmem:$0x14300] =	vst v63  }
0x31c: {  	s25 =	sadd.s32 $0x680, s21;
	s2 =	sadd.s32 s30, s2;
	s0 =	sand.u32 $0x1FFFFFF0, s0  }
0x31d: {  	[tilespmem:s25], [sflag:$0x2] =	stream.linear.gather [hbm4b:s2+s10], $0x80, $0x38;
	[tilespmem:$0x14300] =	vst v63  }
0x31e: {  	s26 =	sadd.s32 $0x700, s21;
	s28 =	sshll.u32 s16, $0x4;
	s0 =	sadd.s32 s30, s0  }
0x31f: {  	[tilespmem:s26], [sflag:$0x2] =	stream.linear.gather [hbm4b:s0+s10], $0x80, $0x38;
	[tilespmem:$0x14300] =	vst v63  }
0x320: {  	s0 =	sand.u32 $0x1FFFFFF0, s28  }
0x321: {  	s31 =	simm.s32 $0x1;
	s29 =	sadd.s32 $0x780, s21;
	s0 =	sadd.s32 s30, s0  }
0x322: {  	[tilespmem:s29], [sflag:$0x2] =	stream.linear.gather [hbm4b:s0+s10], $0x80, $0x38;
	[tilespmem:$0x14300] =	vst v63  }
0x323: {  	_ =	swait.ge [sflag:s31], $0xA000  }
0x324: {  	[sflag:s31] =	ssyncset.done $0x0  }
0x325: {  	s0 =	simm.s32 $0x400;
	[sflag:s31] =	ssyncadd.s32 $0xFFFF6000  }
0x326: {  	v0 =	vld [tilespmem:s0+$0xB0]  }
0x327: {  	v1 =	vld [tilespmem:s0+$0xFFFFFF10]  }
0x328: {  	v2 =	vld [tilespmem:s0+$0xFFFFFF20]  }
0x329: {  	v3 =	vld [tilespmem:s0+$0xFFFFFF30]  }
0x32a: {  	v4 =	vld [tilespmem:s0+$0xFFFFFF80]  }
0x32b: {  	v5 =	vld [tilespmem:s0+$0xFFFFFF90];
	v0 =	vmul.f32 $8.000000000e+00, v0  }
0x32c: {  	v6 =	vld [tilespmem:s0+$0xFFFFFFA0];
	v1 =	vmul.f32 $8.000000000e+00, v1  }
0x32d: {  	v7 =	vld [tilespmem:s0+$0xFFFFFFB0];
	v2 =	vmul.f32 $8.000000000e+00, v2;
	[tilespmem:s0+$0xB0] =	vst v0  }
0x32e: {  	[tilespmem:s0+$0xFFFFFF10] =	vst v1;
	v0 =	vmul.f32 $8.000000000e+00, v3;
	v3 =	vld [tilespmem:s0+$0x0]  }
0x32f: {  	[tilespmem:s0+$0xFFFFFF20] =	vst v2;
	v1 =	vmul.f32 $8.000000000e+00, v4;
	v4 =	vld [tilespmem:s0+$0x10]  }
0x330: {  	v8 =	vld [tilespmem:s0+$0x20];
	v2 =	vmul.f32 $8.000000000e+00, v5;
	[tilespmem:s0+$0xFFFFFF30] =	vst v0  }
0x331: {  	v5 =	vmul.f32 $8.000000000e+00, v6;
	[tilespmem:s0+$0xFFFFFF80] =	vst v1;
	v0 =	vld [tilespmem:s0+$0x30]  }
0x332: {  	v6 =	vmul.f32 $8.000000000e+00, v7;
	[tilespmem:s0+$0xFFFFFF90] =	vst v2;
	v1 =	vld [tilespmem:s0+$0x80]  }
0x333: {  	[tilespmem:s0+$0xFFFFFFA0] =	vst v5;
	v2 =	vld [tilespmem:s0+$0x90];
	v7 =	vmul.f32 $8.000000000e+00, v3  }
0x334: {  	[tilespmem:s0+$0xFFFFFFB0] =	vst v6;
	v3 =	vld [tilespmem:s0+$0xA0];
	v5 =	vmul.f32 $8.000000000e+00, v4  }
0x335: {  	s21 =	simm.s32 $0x0;
	s1 =	simm.s32 $0x0;
	s2 =	simm.s32 $0x600;
	v6 =	vmul.f32 $8.000000000e+00, v8;
	v4 =	vld [tilespmem:s0+$0xFFFFFF00];
	[tilespmem:s0+$0x0] =	vst v7  }
.LBB2_7:
0x336: {  	v7 =	vld [tilespmem:s2+$0xB0];
	s1 =	sadd.s32 $0x4, s1;
	[tilespmem:s0+$0x10] =	vst v5;
	v0 =	vmul.f32 $8.000000000e+00, v0  }
0x337: {  	v5 =	vld [tilespmem:s2+$0xFFFFFF10];
	p0 =	slt.u32 s1, $0x13C;
	[tilespmem:s0+$0x20] =	vst v6;
	v1 =	vmul.f32 $8.000000000e+00, v1  }
0x338: {  	v6 =	vld [tilespmem:s2+$0xFFFFFF20];
	[tilespmem:s0+$0x30] =	vst v0;
	v0 =	vmul.f32 $8.000000000e+00, v2  }
0x339: {  	v2 =	vld [tilespmem:s2+$0xFFFFFF30];
	[tilespmem:s0+$0x80] =	vst v1;
	v1 =	vmul.f32 $8.000000000e+00, v3  }
0x33a: {  	v3 =	vld [tilespmem:s2+$0xFFFFFF80];
	v4 =	vmul.f32 $8.000000000e+00, v4;
	[tilespmem:s0+$0x90] =	vst v0  }
0x33b: {  	v0 =	vld [tilespmem:s2+$0xFFFFFF90];
	v7 =	vmul.f32 $8.000000000e+00, v7;
	[tilespmem:s0+$0xA0] =	vst v1  }
0x33c: {  	v1 =	vmul.f32 $8.000000000e+00, v5;
	v5 =	vld [tilespmem:s2+$0xFFFFFFA0];
	[tilespmem:s0+$0xFFFFFF00] =	vst v4;
	s0 =	smov.u32 s2  }
0x33d: {  	v4 =	vmul.f32 $8.000000000e+00, v6;
	v6 =	vld [tilespmem:s2+$0xFFFFFFB0];
	[tilespmem:s2+$0xB0] =	vst v7  }
0x33e: {  	[tilespmem:s2+$0xFFFFFF10] =	vst v1;
	v1 =	vmul.f32 $8.000000000e+00, v2;
	v2 =	vld [tilespmem:s2+$0x0]  }
0x33f: {  	[tilespmem:s2+$0xFFFFFF20] =	vst v4;
	v3 =	vmul.f32 $8.000000000e+00, v3;
	v4 =	vld [tilespmem:s2+$0x10]  }
0x340: {  	[tilespmem:s2+$0xFFFFFF30] =	vst v1;
	v1 =	vmul.f32 $8.000000000e+00, v0;
	v7 =	vld [tilespmem:s2+$0x20]  }
.Ltmp2:
0x341: {  	[tilespmem:s2+$0xFFFFFF80] =	vst v3;
	v3 =	vmul.f32 $8.000000000e+00, v5;
	v0 =	vld [tilespmem:s2+$0x30];
	(pc) =	sbr.rel @p0 .LBB2_7-.Ltmp2, $4  }
0x342: {  	[tilespmem:s2+$0xFFFFFF90] =	vst v1;
	v5 =	vmul.f32 $8.000000000e+00, v6;
	v1 =	vld [tilespmem:s2+$0x80]  }
0x343: {  	[tilespmem:s2+$0xFFFFFFA0] =	vst v3;
	v6 =	vmul.f32 $8.000000000e+00, v2;
	v2 =	vld [tilespmem:s2+$0x90]  }
0x344: {  	[tilespmem:s2+$0xFFFFFFB0] =	vst v5;
	v5 =	vmul.f32 $8.000000000e+00, v4;
	v3 =	vld [tilespmem:s2+$0xA0]  }
0x345: {  	s2 =	sadd.s32 $0x200, s2;
	v4 =	vld [tilespmem:s0+$0xFFFFFF00];
	[tilespmem:s0+$0x0] =	vst v6;
	v6 =	vmul.f32 $8.000000000e+00, v7  }
0x346: {  	[tilespmem:s0+$0x10] =	vst v5;
	v0 =	vmul.f32 $8.000000000e+00, v0  }
0x347: {  	[tilespmem:s0+$0x20] =	vst v6;
	v1 =	vmul.f32 $8.000000000e+00, v1  }
0x348: {  	[tilespmem:s0+$0x30] =	vst v0;
	v61 =	vmul.f32 $8.000000000e+00, v2  }
0x349: {  	[tilespmem:s0+$0x80] =	vst v1  }
0x34a: {  	v62 =	vmul.f32 $8.000000000e+00, v3;
	[tilespmem:s0+$0x90] =	vst v61  }
0x34b: {  	v63 =	vmul.f32 $8.000000000e+00, v4;
	s1 =	rddreg [dreg:$0x11]  }
0x34c: {  	s2 =	rddreg [dreg:$0x1a];
	[tilespmem:s0+$0xA0] =	vst v62  }
0x34d: {  	s1 =	sadd.s32 s1, s2;
	[tilespmem:s0+$0xFFFFFF00] =	vst v63  }
0x34e: {  	s1 =	sshll.u32 s1, $0x4;
	s0 =	rddreg [dreg:$0x12]  }
0x34f: {  	s29 =	simm.s32 $0x300;
	s3 =	simm.s32 $0x3;
	s0 =	sadd.s32 s0, s1  }
0x350: {  	[hbm4b:s0+s21] =	stream.linear.scatter [tilespmem:s29], [sflag:$0x3], $0xA000, $0x38;
	[tilespmem:$0x14300] =	vst v63  }
0x351: {  	_ =	swait.ge [sflag:s3], $0xA000  }
0x352: {  	s31 =	rddreg [dreg:$0x18]  }
0x353: {  	p0 =	seq.s32 s31, $0x9  }
.Ltmp3:
0x354: {  	_ = 	snop;
	(pc) =	sbr.rel @p0 .LBB2_12-.Ltmp3, $3  }
0x355: {  	_ =	sdelay $0x1  }
0x356: {  	[sflag:s3] =	ssyncset.done $0x0  }
0x357: {  	[sflag:s3] =	ssyncadd.s32 $0xFFFF6000  }
0x358: {  	s0 =	rddreg [dreg:$0x15]  }
0x359: {  	s0 =	sadd.s32 s2, s0  }
0x35a: {  	s1 =	rddreg [dreg:$0x0];
	s0 =	sshrl.u32 s0, $0x3  }
0x35b: {  	s0 =	sadd.s32 s1, s0  }
0x35c: {  	[tilespmem:s21], [sflag:$0x3] =	stream.linear.gather [hbm4b:s0+s21], $0x140, $0x38;
	[tilespmem:$0x14300] =	vst v63  }
0x35d: {  	_ =	swait.ge [sflag:s3], $0x140  }
0x35e: {  	[sflag:s3] =	ssyncset.done $0x0  }
0x35f: {  	s0 =	simm.s32 $0x10;
	[sflag:s3] =	ssyncadd.s32 $0xFFFFFEC0  }
0x360: {  	v0 =	vld [tilespmem:s0+$0xFFFFFFF0];
	_ =	sdelay $0x4  }
0x361: {  	v1 =	vnsel vm0, $0x0, v0  }
0x362: {  	v2 =	vsel vm1, $0x0, v0;
	(xrf0) =	vadd.scan.msk.s32 $0xffff, v1  }
0x363: {  	v1 =	vsel vm2, $0x0, v0;
	(xrf0) =	vadd.scan.msk.s32 $0xffff, v2  }
0x364: {  	v2 =	vsel vm3, $0x0, v0;
	(xrf0) =	vadd.scan.msk.s32 $0xffff, v1  }
0x365: {  	v1 =	vsel vm4, $0x0, v0;
	(xrf0) =	vadd.scan.msk.s32 $0xffff, v2  }
0x366: {  	v2 =	vsel vm5, $0x0, v0;
	(xrf0) =	vadd.scan.msk.s32 $0xffff, v1  }
0x367: {  	v1 =	vsel vm6, $0x0, v0;
	(xrf0) =	vadd.scan.msk.s32 $0xffff, v2  }
0x368: {  	(xrf0) =	vadd.scan.msk.s32 $0xffff, v1;
	v1 =	vsel vm7, $0x0, v0  }
0x369: {  	v2, _, _ =	vpop (xrf0)  }
0x36a: {  	v3, _, _ =	vpop (xrf0);
	(v2sf) =	vpush v2, $0xF  }
0x36b: {  	(xrf0) =	vadd.scan.msk.s32 $0xffff, v1;
	v1, _, _ =	vpop (xrf0)  }
0x36c: {  	v4 =	vsel vm8, $0x0, v0;
	(v2sf) =	vpush v1, $0xF;
	v1, _, _ =	vpop (xrf0)  }
0x36d: {  	v2 =	vsel vm9, $0x0, v0;
	(xrf0) =	vadd.scan.msk.s32 $0xffff, v4;
	(v2sf) =	vpush v1, $0xF;
	v1, _, _ =	vpop (xrf0)  }
0x36e: {  	v4 =	vsel vm10, $0x0, v0;
	(xrf0) =	vadd.scan.msk.s32 $0xffff, v2;
	(v2sf) =	vpush v1, $0xF;
	v1, _, _ =	vpop (xrf0)  }
0x36f: {  	v2 =	vsel vm11, $0x0, v0;
	(xrf0) =	vadd.scan.msk.s32 $0xffff, v4;
	(v2sf) =	vpush v1, $0xF;
	v1, _, _ =	vpop (xrf0)  }
0x370: {  	v4 =	vsel vm12, $0x0, v0;
	(xrf0) =	vadd.scan.msk.s32 $0xffff, v2;
	(v2sf) =	vpush v1, $0xF;
	v1 =	vsel vm13, $0x0, v0  }
0x371: {  	(xrf0) =	vadd.scan.msk.s32 $0xffff, v4  }
0x372: {  	v2, _, _ =	vpop (xrf0);
	(v2sf) =	vpush v3, $0xF;
	(xrf0) =	vadd.scan.msk.s32 $0xffff, v1  }
0x373: {  	v1, _, _ =	vpop (xrf0)  }
0x374: {  	(v2sf) =	vpush v1, $0xF;
	v1, _, _ =	vpop (xrf0)  }
0x375: {  	v3, _, _ =	vpop (xrf0)  }
0x376: {  	v4, _, _ =	vpop (xrf0)  }
0x377: {  	(v2sf) =	vpush v1, $0xF;
	v5, _, _ =	vpop (xrf0)  }
0x378: {  	v1, _, _ =	vpop (xrf0)  }
0x379: {  	s19 =	spop (v2sf);
	(v2sf) =	vpush v1, $0xF  }
0x37a: {  	s5 =	simm.s32 $0x30;
	s9 =	simm.s32 $0x700;
	s1 =	sshll.u32 s19, $0x4  }
0x37b: {  	s11 =	simm.s32 $0x780;
	(v2sf) =	vpush v3, $0xF;
	s1 =	sand.u32 $0x1FFFFFF0, s1;
	s20 =	spop (v2sf)  }
0x37c: {  	s14 =	simm.s32 $0x300;
	(v2sf) =	vpush v4, $0xF;
	s4 =	sadd.s32 s30, s1;
	s22 =	spop (v2sf)  }
0x37d: {  	[tilespmem:s14], [sflag:$0x1] =	stream.linear.gather [hbm4b:s4+s21], $0x80, $0x38;
	[tilespmem:$0x14300] =	vst v63  }
0x37e: {  	s12 =	simm.s32 $0x480;
	s26 =	simm.s32 $0x380;
	(v2sf) =	vpush v5, $0xF;
	s23 =	spop (v2sf)  }
0x37f: {  	s31 =	simm.s32 $0x400;
	s18 =	simm.s32 $0x500;
	(v2sf) =	vpush v2, $0xF;
	s24 =	spop (v2sf)  }
0x380: {  	v1 =	vsel vm14, $0x0, v0;
	s1 =	simm.s32 $0x800;
	s2 =	sshll.u32 s20, $0x4;
	s8 =	spop (v2sf)  }
0x381: {  	(xrf0) =	vadd.scan.msk.s32 $0xffff, v1;
	s14 =	simm.s32 $0x580;
	s3 =	sshll.u32 s22, $0x4;
	s10 =	spop (v2sf)  }
0x382: {  	v0 =	vsel vm15, $0x0, v0;
	s2 =	sand.u32 $0x1FFFFFF0, s2;
	s6 =	sshll.u32 s23, $0x4;
	s10 =	sshll.u32 s10, $0x4  }
0x383: {  	(xrf0) =	vadd.scan.msk.s32 $0xffff, v0;
	s2 =	sadd.s32 s30, s2;
	s3 =	sand.u32 $0x1FFFFFF0, s3;
	s10 =	sand.u32 $0x1FFFFFF0, s10  }
0x384: {  	s7 =	sshll.u32 s24, $0x4;
	s13 =	spop (v2sf);
	s25 =	sadd.s32 s30, s10  }
0x385: {  	[tilespmem:s26], [sflag:$0x1] =	stream.linear.gather [hbm4b:s25+s21], $0x80, $0x38;
	[tilespmem:$0x14300] =	vst v63  }
0x386: {  	s3 =	sadd.s32 s30, s3;
	s6 =	sand.u32 $0x1FFFFFF0, s6;
	s29 =	spop (v2sf)  }
0x387: {  	v0, _, _ =	vpop (xrf0);
	[tilespmem:s31], [sflag:$0x1] =	stream.linear.gather [hbm4b:s2+s21], $0x80, $0x38;
	[tilespmem:$0x14300] =	vst v63  }
0x388: {  	s6 =	sadd.s32 s30, s6;
	s8 =	sshll.u32 s8, $0x4;
	(v2sf) =	vpush v0, $0xF;
	s15 =	spop (v2sf)  }
0x389: {  	v0, _, _ =	vpop (xrf0);
	[tilespmem:s12], [sflag:$0x1] =	stream.linear.gather [hbm4b:s3+s21], $0x80, $0x38;
	[tilespmem:$0x14300] =	vst v63  }
0x38a: {  	s7 =	sand.u32 $0x1FFFFFF0, s7;
	s8 =	sand.u32 $0x1FFFFFF0, s8;
	(v2sf) =	vpush v0, $0xF;
	s16 =	spop (v2sf)  }
0x38b: {  	s7 =	sadd.s32 s30, s7;
	s24 =	sadd.s32 s30, s8;
	s17 =	spop (v2sf)  }
0x38c: {  	[tilespmem:s18], [sflag:$0x1] =	stream.linear.gather [hbm4b:s6+s21], $0x80, $0x38;
	[tilespmem:$0x14300] =	vst v63  }
0x38d: {  	s19 =	sshll.u32 s13, $0x4;
	s25 =	simm.s32 $0x600;
	s20 =	spop (v2sf)  }
0x38e: {  	s26 =	simm.s32 $0x680;
	s4 =	sshll.u32 s29, $0x4;
	s22 =	spop (v2sf)  }
0x38f: {  	v0 =	vld [tilespmem:s5+$0xFFFFFFF0];
	[tilespmem:s14], [sflag:$0x1] =	stream.linear.gather [hbm4b:s7+s21], $0x80, $0x38  }
0x390: {  	s29 =	sand.u32 $0x1FFFFFF0, s4;
	s12 =	simm.s32 $0x900;
	s13 =	sshll.u32 s22, $0x4  }
0x391: {  	s6 =	sand.u32 $0x1FFFFFF0, s19;
	s31 =	sshll.u32 s16, $0x4;
	s23 =	sand.u32 $0x1FFFFFF0, s13  }
0x392: {  	[tilespmem:s25], [sflag:$0x1] =	stream.linear.gather [hbm4b:s24+s21], $0x80, $0x38;
	[tilespmem:$0x14300] =	vst v63  }
0x393: {  	s6 =	sadd.s32 s30, s6;
	s4 =	sand.u32 $0x1FFFFFF0, s31;
	s2 =	sadd.s32 s30, s23  }
0x394: {  	v1 =	vnsel vm0, $0x0, v0;
	[tilespmem:s26], [sflag:$0x1] =	stream.linear.gather [hbm4b:s2+s21], $0x80, $0x38;
	[tilespmem:$0x14300] =	vst v63  }
0x395: {  	(xrf0) =	vadd.scan.msk.s32 $0xffff, v1;
	s3 =	sshll.u32 s17, $0x4;
	s7 =	sshll.u32 s20, $0x4;
	s4 =	sadd.s32 s30, s4  }
0x396: {  	v1 =	vsel vm1, $0x0, v0;
	[tilespmem:s9], [sflag:$0x1] =	stream.linear.gather [hbm4b:s6+s21], $0x80, $0x38;
	[tilespmem:$0x14300] =	vst v63  }
0x397: {  	(xrf0) =	vadd.scan.msk.s32 $0xffff, v1;
	s8 =	sand.u32 $0x1FFFFFF0, s7;
	s2 =	sadd.s32 s30, s29;
	s14 =	spop (v2sf)  }
0x398: {  	v2 =	vsel vm2, $0x0, v0;
	[tilespmem:s11], [sflag:$0x1] =	stream.linear.gather [hbm4b:s2+s21], $0x80, $0x38;
	[tilespmem:$0x14300] =	vst v63  }
0x399: {  	(xrf0) =	vadd.scan.msk.s32 $0xffff, v2;
	s17 =	spop (v2sf);
	s6 =	sand.u32 $0x1FFFFFF0, s3;
	s9 =	simm.s32 $0x880  }
0x39a: {  	v1 =	vsel vm3, $0x0, v0;
	[tilespmem:s1], [sflag:$0x1] =	stream.linear.gather [hbm4b:s4+s21], $0x80, $0x38;
	[tilespmem:$0x14300] =	vst v63  }
0x39b: {  	(xrf0) =	vadd.scan.msk.s32 $0xffff, v1;
	s2 =	sadd.s32 s30, s6;
	s11 =	sshll.u32 s15, $0x4;
	s15 =	simm.s32 $0x980  }
0x39c: {  	v2 =	vsel vm4, $0x0, v0;
	[tilespmem:s9], [sflag:$0x1] =	stream.linear.gather [hbm4b:s2+s21], $0x80, $0x38;
	[tilespmem:$0x14300] =	vst v63  }
0x39d: {  	(xrf0) =	vadd.scan.msk.s32 $0xffff, v2;
	s13 =	sand.u32 $0x1FFFFFF0, s11;
	s1 =	sadd.s32 s30, s8;
	s2 =	sshll.u32 s14, $0x4  }
0x39e: {  	v1 =	vsel vm5, $0x0, v0;
	[tilespmem:s12], [sflag:$0x1] =	stream.linear.gather [hbm4b:s1+s21], $0x80, $0x38;
	[tilespmem:$0x14300] =	vst v63  }
0x39f: {  	(xrf0) =	vadd.scan.msk.s32 $0xffff, v1;
	s16 =	sand.u32 $0x1FFFFFF0, s2;
	s2 =	sshll.u32 s17, $0x4;
	s1 =	sadd.s32 s30, s13  }
0x3a0: {  	v2 =	vsel vm6, $0x0, v0;
	[tilespmem:s15], [sflag:$0x1] =	stream.linear.gather [hbm4b:s1+s21], $0x80, $0x38;
	[tilespmem:$0x14300] =	vst v63  }
0x3a1: {  	s18 =	simm.s32 $0xA00;
	(xrf0) =	vadd.scan.msk.s32 $0xffff, v2;
	s19 =	sand.u32 $0x1FFFFFF0, s2;
	s1 =	sadd.s32 s30, s16  }
0x3a2: {  	v1 =	vsel vm7, $0x0, v0;
	[tilespmem:s18], [sflag:$0x1] =	stream.linear.gather [hbm4b:s1+s21], $0x80, $0x38;
	[tilespmem:$0x14300] =	vst v63  }
0x3a3: {  	s20 =	simm.s32 $0xA80;
	v2, _, _ =	vpop (xrf0);
	(xrf0) =	vadd.scan.msk.s32 $0xffff, v1;
	s1 =	sadd.s32 s30, s19  }
0x3a4: {  	v3 =	vsel vm8, $0x0, v0;
	v4, _, _ =	vpop (xrf0);
	[tilespmem:s20], [sflag:$0x1] =	stream.linear.gather [hbm4b:s1+s21], $0x80, $0x38;
	[tilespmem:$0x14300] =	vst v63  }
0x3a5: {  	v1 =	vsel vm9, $0x0, v0;
	(xrf0) =	vadd.scan.msk.s32 $0xffff, v3;
	v5, _, _ =	vpop (xrf0);
	v10 =	vld [tilespmem:s0+$0x0]  }
0x3a6: {  	v3 =	vsel vm10, $0x0, v0;
	(xrf0) =	vadd.scan.msk.s32 $0xffff, v1;
	v6, _, _ =	vpop (xrf0)  }
0x3a7: {  	(v2sf) =	vpush v2, $0xF;
	v1 =	vsel vm11, $0x0, v0;
	(xrf0) =	vadd.scan.msk.s32 $0xffff, v3;
	v2, _, _ =	vpop (xrf0)  }
0x3a8: {  	v3 =	vsel vm12, $0x0, v0;
	(v2sf) =	vpush v5, $0xF;
	(xrf0) =	vadd.scan.msk.s32 $0xffff, v1;
	v5, _, _ =	vpop (xrf0)  }
0x3a9: {  	v7 =	vsel vm13, $0x0, v0;
	(v2sf) =	vpush v6, $0xF;
	v6, _, _ =	vpop (xrf0);
	(xrf0) =	vadd.scan.msk.s32 $0xffff, v3  }
0x3aa: {  	(v2sf) =	vpush v2, $0xF;
	v1, _, _ =	vpop (xrf0);
	(xrf0) =	vadd.scan.msk.s32 $0xffff, v7;
	v2 =	vnsel vm0, $0x0, v10  }
0x3ab: {  	(v2sf) =	vpush v5, $0xF;
	v5, _, _ =	vpop (xrf0);
	v3 =	vsel vm1, $0x0, v10;
	(xrf0) =	vadd.scan.msk.s32 $0xffff, v2  }
0x3ac: {  	(v2sf) =	vpush v6, $0xF;
	v6, _, _ =	vpop (xrf0);
	v2 =	vsel vm2, $0x0, v10;
	(xrf0) =	vadd.scan.msk.s32 $0xffff, v3  }
0x3ad: {  	v7, _, _ =	vpop (xrf0);
	v3 =	vsel vm3, $0x0, v10;
	(xrf0) =	vadd.scan.msk.s32 $0xffff, v2  }
0x3ae: {  	v11, _, _ =	vpop (xrf0);
	v2 =	vsel vm4, $0x0, v10;
	(xrf0) =	vadd.scan.msk.s32 $0xffff, v3  }
0x3af: {  	v12, _, _ =	vpop (xrf0);
	v3 =	vsel vm5, $0x0, v10;
	(xrf0) =	vadd.scan.msk.s32 $0xffff, v2  }
0x3b0: {  	v8, _, _ =	vpop (xrf0);
	v2 =	vsel vm7, $0x0, v10;
	(xrf0) =	vadd.scan.msk.s32 $0xffff, v3  }
0x3b1: {  	v3 =	vsel vm6, $0x0, v10;
	v13, _, _ =	vpop (xrf0);
	(xrf0) =	vadd.scan.msk.s32 $0xffff, v2  }
0x3b2: {  	(v2sf) =	vpush v4, $0xF;
	v2 =	vsel vm8, $0x0, v10;
	v4, _, _ =	vpop (xrf0);
	(xrf0) =	vadd.scan.msk.s32 $0xffff, v3  }
0x3b3: {  	(v2sf) =	vpush v5, $0xF;
	v3 =	vsel vm9, $0x0, v10;
	v14, _, _ =	vpop (xrf0);
	(xrf0) =	vadd.scan.msk.s32 $0xffff, v2  }
0x3b4: {  	(v2sf) =	vpush v6, $0xF;
	v2 =	vsel vm10, $0x0, v10;
	v9, _, _ =	vpop (xrf0);
	(xrf0) =	vadd.scan.msk.s32 $0xffff, v3  }
0x3b5: {  	s28 =	simm.s32 $0xD00;
	s10 =	simm.s32 $0xD80;
	s24 =	simm.s32 $0x2;
	(v2sf) =	vpush v8, $0xF;
	v3 =	vsel vm14, $0x0, v0;
	v8, _, _ =	vpop (xrf0);
	(xrf0) =	vadd.scan.msk.s32 $0xffff, v2  }
0x3b6: {  	s26 =	simm.s32 $0xC80;
	s16 =	simm.s32 $0xB00;
	(v2sf) =	vpush v7, $0xF;
	s22 =	spop (v2sf);
	v2 =	vsel vm11, $0x0, v10;
	(xrf0) =	vadd.scan.msk.s32 $0xffff, v3;
	v7, _, _ =	vpop (xrf0)  }
0x3b7: {  	s18 =	simm.s32 $0x30;
	s1 =	sshll.u32 s22, $0x4;
	s23 =	spop (v2sf);
	(v2sf) =	vpush v13, $0xF;
	v0 =	vsel vm15, $0x0, v0;
	v5, _, _ =	vpop (xrf0);
	(xrf0) =	vadd.scan.msk.s32 $0xffff, v2  }
0x3b8: {  	s20 =	simm.s32 $0x1B00;
	s0 =	simm.s32 $0xC00;
	s25 =	spop (v2sf);
	(v2sf) =	vpush v11, $0xF;
	v2 =	vsel vm12, $0x0, v10;
	(xrf0) =	vadd.scan.msk.s32 $0xffff, v0;
	v6, _, _ =	vpop (xrf0);
	v0 =	vsel vm13, $0x0, v10  }
0x3b9: {  	s1 =	sand.u32 $0x1FFFFFF0, s1;
	s13 =	sshll.u32 s23, $0x4;
	s29 =	spop (v2sf);
	(v2sf) =	vpush v4, $0xF;
	v4, _, _ =	vpop (xrf0);
	(xrf0) =	vadd.scan.msk.s32 $0xffff, v2  }
0x3ba: {  	s17 =	sadd.s32 s30, s1;
	s8 =	sshll.u32 s25, $0x4;
	s31 =	spop (v2sf);
	v11 =	vsel vm14, $0x0, v10;
	(v2sf) =	vpush v12, $0xF;
	v3, _, _ =	vpop (xrf0);
	(xrf0) =	vadd.scan.msk.s32 $0xffff, v0  }
0x3bb: {  	s4 =	sshll.u32 s29, $0x4;
	s12 =	sshll.u32 s31, $0x4;
	s1 =	spop (v2sf);
	(v2sf) =	vpush v14, $0xF;
	v2 =	vsel vm15, $0x0, v10;
	v0, _, _ =	vpop (xrf0);
	(xrf0) =	vadd.scan.msk.s32 $0xffff, v11  }
.LBB2_10:
0x3bc: {  	[dreg:$0x4] =	wrdreg s18;
	s2 =	sadd.s32 $0xFFFFFD00, s20  }
0x3bd: {  	s5 =	sadd.s32 $0x20, s5;
	s18 =	sadd.s32 $0x80, s16;
	s14 =	sadd.s32 $0xFFFFFC00, s20  }
0x3be: {  	s15 =	sadd.s32 $0xFFFFFC80, s20;
	s29 =	sadd.s32 $0xFFFFF980, s20;
	s9 =	smov.u32 s16  }
0x3bf: {  	(v2sf) =	vpush v1, $0xF;
	s25 =	sand.u32 $0x1FFFFFF0, s13;
	s8 =	sand.u32 $0x1FFFFFF0, s8;
	[dreg:$0x8] =	wrdreg s2  }
0x3c0: {  	s4 =	sand.u32 $0x1FFFFFF0, s4;
	s12 =	sand.u32 $0x1FFFFFF0, s12;
	[dreg:$0xc] =	wrdreg s14  }
0x3c1: {  	s1 =	sshll.u32 s1, $0x4;
	[dreg:$0xa] =	wrdreg s15;
	s3 =	spop (v2sf);
	(v2sf) =	vpush v9, $0xF  }
0x3c2: {  	s14 =	sadd.s32 $0xFFFFFA80, s20;
	s15 =	sadd.s32 $0xFFFFF900, s20;
	s6 =	spop (v2sf)  }
0x3c3: {  	s3 =	sshll.u32 s3, $0x4;
	s2 =	sshll.u32 s6, $0x4;
	s19 =	spop (v2sf);
	(v2sf) =	vpush v8, $0xF  }
0x3c4: {  	s3 =	sand.u32 $0x1FFFFFF0, s3;
	s6 =	sshll.u32 s19, $0x4;
	s16 =	spop (v2sf)  }
0x3c5: {  	s31 =	sadd.s32 s30, s3;
	s19 =	sadd.s32 s30, s25;
	s23 =	spop (v2sf)  }
0x3c6: {  	s22 =	sand.u32 $0x1FFFFFF0, s6;
	s6 =	sadd.s32 s30, s4;
	s11 =	spop (v2sf)  }
0x3c7: {  	[dreg:$0xf] =	wrdreg s22;
	s3 =	sshll.u32 s23, $0x4;
	s7 =	spop (v2sf)  }
0x3c8: {  	s23 =	sshll.u32 s11, $0x4;
	s11 =	sadd.s32 s30, s8;
	s13 =	sand.u32 $0x1FFFFFF0, s3  }
0x3c9: {  	(v2sf) =	vpush v7, $0xF;
	s22 =	spop (v2sf);
	s25 =	sshll.u32 s7, $0x4;
	s23 =	sand.u32 $0x1FFFFFF0, s23  }
0x3ca: {  	s22 =	sshll.u32 s22, $0x4;
	s8 =	sand.u32 $0x1FFFFFF0, s25;
	s7 =	sadd.s32 s30, s23  }
0x3cb: {  	s23 =	sadd.s32 $0xFFFFF800, s20;
	s25 =	simm.s32 $0x0;
	s4 =	spop (v2sf)  }
0x3cc: {  	(v2sf) =	vpush v5, $0xF;
	[tilespmem:s9], [sflag:$0x1] =	stream.linear.gather [hbm4b:s7+s21], $0x80, $0x38;
	[tilespmem:$0x14300] =	vst v63  }
0x3cd: {  	(v2sf) =	vpush v6, $0xF;
	s22 =	sand.u32 $0x1FFFFFF0, s22;
	s3 =	sshll.u32 s4, $0x4;
	s21 =	spop (v2sf)  }
0x3ce: {  	s4 =	sand.u32 $0x1FFFFFF0, s3;
	s7 =	spop (v2sf);
	s3 =	sshll.u32 s21, $0x4  }
0x3cf: {  	[tilespmem:s23], [sflag:$0x1] =	stream.linear.gather [hbm4b:s17+s25], $0x80, $0x38;
	[tilespmem:$0x14300] =	vst v63  }
0x3d0: {  	s17 =	sadd.s32 s30, s22;
	s3 =	sand.u32 $0x1FFFFFF0, s3;
	s21 =	spop (v2sf)  }
0x3d1: {  	(v2sf) =	vpush v4, $0xF;
	[tilespmem:s18], [sflag:$0x1] =	stream.linear.gather [hbm4b:s17+s25], $0x80, $0x38;
	[tilespmem:$0x14300] =	vst v63  }
0x3d2: {  	s21 =	sshll.u32 s21, $0x4;
	s18 =	sadd.s32 $0xFFFFF880, s20;
	s23 =	spop (v2sf)  }
0x3d3: {  	(v2sf) =	vpush v3, $0xF;
	[tilespmem:s18], [sflag:$0x1] =	stream.linear.gather [hbm4b:s31+s25], $0x80, $0x38;
	[tilespmem:$0x14300] =	vst v63  }
0x3d4: {  	s1 =	sand.u32 $0x1FFFFFF0, s1;
	s3 =	sadd.s32 s30, s3;
	s21 =	sand.u32 $0x1FFFFFF0, s21  }
0x3d5: {  	[tilespmem:s0], [sflag:$0x1] =	stream.linear.gather [hbm4b:s3+s25], $0x80, $0x38;
	[tilespmem:$0x14300] =	vst v63  }
0x3d6: {  	s22 =	sshll.u32 s23, $0x4;
	s25 =	sadd.s32 s30, s21;
	s21 =	simm.s32 $0x0  }
0x3d7: {  	[tilespmem:s26], [sflag:$0x1] =	stream.linear.gather [hbm4b:s25+s21], $0x80, $0x38;
	[tilespmem:$0x14300] =	vst v63  }
0x3d8: {  	v1, _, _ =	vpop (xrf0);
	s1 =	sadd.s32 s30, s1;
	s17 =	sand.u32 $0x1FFFFFF0, s22;
	s23 =	spop (v2sf)  }
0x3d9: {  	(xrf0) =	vadd.scan.msk.s32 $0xffff, v2;
	v2, _, _ =	vpop (xrf0);
	s7 =	sshll.u32 s7, $0x4;
	s22 =	sadd.s32 s30, s17;
	(v2sf) =	vpush v1, $0xF;
	s23 =	sshll.u32 s23, $0x4  }
0x3da: {  	(v2sf) =	vpush v2, $0xF;
	[tilespmem:s28], [sflag:$0x1] =	stream.linear.gather [hbm4b:s22+s21], $0x80, $0x38;
	[tilespmem:$0x14300] =	vst v63  }
0x3db: {  	s26 =	sand.u32 $0x1FFFFFF0, s7;
	s3 =	sand.u32 $0x1FFFFFF0, s23;
	s31 =	spop (v2sf)  }
0x3dc: {  	v9, _, _ =	vpop (xrf0);
	s23 =	sshll.u32 s31, $0x4;
	s3 =	sadd.s32 s30, s3;
	s25 =	spop (v2sf)  }
0x3dd: {  	(v2sf) =	vpush v9, $0xF;
	[tilespmem:s10], [sflag:$0x1] =	stream.linear.gather [hbm4b:s3+s21], $0x80, $0x38;
	[tilespmem:$0x14300] =	vst v63  }
0x3de: {  	v8, _, _ =	vpop (xrf0);
	s0 =	sadd.s32 s30, s26;
	s17 =	sand.u32 $0x1FFFFFF0, s23;
	s31 =	sshll.u32 s25, $0x4  }
0x3df: {  	(v2sf) =	vpush v8, $0xF;
	[tilespmem:s15], [sflag:$0x1] =	stream.linear.gather [hbm4b:s19+s21], $0x80, $0x38;
	[tilespmem:$0x14300] =	vst v63  }
0x3e0: {  	v10, _, _ =	vpop (xrf0);
	s10 =	sand.u32 $0x1FFFFFF0, s2;
	s28 =	sand.u32 $0x1FFFFFF0, s31;
	s7 =	spop (v2sf)  }
0x3e1: {  	(v2sf) =	vpush v10, $0xF;
	[tilespmem:s29], [sflag:$0x1] =	stream.linear.gather [hbm4b:s11+s21], $0x80, $0x38;
	[tilespmem:$0x14300] =	vst v63  }
0x3e2: {  	s19 =	sadd.s32 $0xFFFFFA00, s20;
	s3 =	sshll.u32 s7, $0x4;
	s18 =	spop (v2sf)  }
0x3e3: {  	[tilespmem:s19], [sflag:$0x1] =	stream.linear.gather [hbm4b:s6+s21], $0x80, $0x38;
	[tilespmem:$0x14300] =	vst v63  }
0x3e4: {  	s29 =	sadd.s32 s30, s12;
	s26 =	sand.u32 $0x1FFFFFF0, s3;
	s3 =	sshll.u32 s18, $0x4  }
0x3e5: {  	[tilespmem:s14], [sflag:$0x1] =	stream.linear.gather [hbm4b:s29+s21], $0x80, $0x38;
	[tilespmem:$0x14300] =	vst v63  }
0x3e6: {  	s31 =	sadd.s32 $0xFFFFFB00, s20;
	s7 =	sadd.s32 s30, s10;
	s25 =	sand.u32 $0x1FFFFFF0, s3  }
0x3e7: {  	[tilespmem:s31], [sflag:$0x1] =	stream.linear.gather [hbm4b:s1+s21], $0x80, $0x38;
	[tilespmem:$0x14300] =	vst v63  }
0x3e8: {  	s14 =	sadd.s32 $0xFFFFFB80, s20;
	s29 =	rddreg [dreg:$0xf];
	s22 =	spop (v2sf)  }
0x3e9: {  	v11, _, _ =	vpop (xrf0);
	s2 =	sadd.s32 s30, s29;
	s15 =	sshll.u32 s22, $0x4;
	s23 =	spop (v2sf)  }
0x3ea: {  	v7, _, _ =	vpop (xrf0);
	(v2sf) =	vpush v11, $0xF;
	[tilespmem:s14], [sflag:$0x1] =	stream.linear.gather [hbm4b:s0+s21], $0x80, $0x38;
	[tilespmem:$0x14300] =	vst v63  }
0x3eb: {  	(v2sf) =	vpush v7, $0xF;
	s14 =	rddreg [dreg:$0x8];
	s6 =	sand.u32 $0x1FFFFFF0, s15;
	s3 =	sshll.u32 s23, $0x4  }
0x3ec: {  	s10 =	spop (v2sf);
	s23 =	rddreg [dreg:$0xc];
	s12 =	sand.u32 $0x1FFFFFF0, s3  }
0x3ed: {  	[tilespmem:s23], [sflag:$0x1] =	stream.linear.gather [hbm4b:s7+s21], $0x80, $0x38;
	[tilespmem:$0x14300] =	vst v63  }
0x3ee: {  	s15 =	sshll.u32 s10, $0x4;
	s3 =	rddreg [dreg:$0xa];
	s18 =	spop (v2sf)  }
0x3ef: {  	[tilespmem:s3], [sflag:$0x1] =	stream.linear.gather [hbm4b:s2+s21], $0x80, $0x38;
	[tilespmem:$0x14300] =	vst v63  }
0x3f0: {  	s7 =	sadd.s32 s30, s13;
	s11 =	sand.u32 $0x1FFFFFF0, s15;
	s22 =	spop (v2sf);
	v1 =	vld [tilespmem:s5+$0xFFFFFFF0]  }
0x3f1: {  	[tilespmem:s14], [sflag:$0x1] =	stream.linear.gather [hbm4b:s7+s21], $0x80, $0x38;
	[tilespmem:$0x14300] =	vst v63  }
0x3f2: {  	s15 =	sadd.s32 $0xFFFFFD80, s20;
	(v2sf) =	vpush v0, $0xF;
	s31 =	sshll.u32 s22, $0x4;
	s22 =	sadd.s32 s30, s8  }
0x3f3: {  	[tilespmem:s15], [sflag:$0x1] =	stream.linear.gather [hbm4b:s22+s21], $0x80, $0x38;
	[tilespmem:$0x14300] =	vst v63  }
0x3f4: {  	s16 =	sshll.u32 s16, $0x4;
	s4 =	sadd.s32 s30, s4;
	s23 =	sadd.s32 $0xFFFFFE00, s20  }
0x3f5: {  	v0 =	vnsel vm0, $0x0, v1;
	[tilespmem:s23], [sflag:$0x1] =	stream.linear.gather [hbm4b:s4+s21], $0x80, $0x38;
	[tilespmem:$0x14300] =	vst v63  }
0x3f6: {  	s16 =	sand.u32 $0x1FFFFFF0, s16;
	v2 =	vsel vm1, $0x0, v1;
	(xrf0) =	vadd.scan.msk.s32 $0xffff, v0  }
0x3f7: {  	s29 =	sadd.s32 s30, s16;
	s0 =	sand.u32 $0x1FFFFFF0, s31;
	s31 =	sadd.s32 $0xFFFFFE80, s20;
	(xrf0) =	vadd.scan.msk.s32 $0xffff, v2  }
0x3f8: {  	v3 =	vsel vm2, $0x0, v1;
	[tilespmem:s31], [sflag:$0x1] =	stream.linear.gather [hbm4b:s29+s21], $0x80, $0x38;
	[tilespmem:$0x14300] =	vst v63  }
0x3f9: {  	s6 =	sadd.s32 s30, s6;
	s19 =	sshll.u32 s18, $0x4;
	s13 =	spop (v2sf);
	v4 =	vsel vm3, $0x0, v1;
	(xrf0) =	vadd.scan.msk.s32 $0xffff, v3  }
0x3fa: {  	s10 =	sand.u32 $0x1FFFFFF0, s19;
	s8 =	sadd.s32 $0xFFFFFF00, s20;
	s19 =	spop (v2sf);
	(xrf0) =	vadd.scan.msk.s32 $0xffff, v4  }
0x3fb: {  	v5 =	vsel vm4, $0x0, v1;
	[tilespmem:s8], [sflag:$0x1] =	stream.linear.gather [hbm4b:s6+s21], $0x80, $0x38;
	[tilespmem:$0x14300] =	vst v63  }
0x3fc: {  	s14 =	sadd.s32 s30, s11;
	s18 =	sshll.u32 s13, $0x4;
	v6 =	vsel vm5, $0x0, v1;
	s2 =	sshll.u32 s19, $0x4;
	(xrf0) =	vadd.scan.msk.s32 $0xffff, v5  }
0x3fd: {  	s13 =	sadd.s32 $0xFFFFFF80, s20;
	s3 =	sand.u32 $0x1FFFFFF0, s2;
	s2 =	smov.u32 s9;
	(xrf0) =	vadd.scan.msk.s32 $0xffff, v6  }
0x3fe: {  	v7 =	vsel vm6, $0x0, v1;
	[tilespmem:s13], [sflag:$0x1] =	stream.linear.gather [hbm4b:s14+s21], $0x80, $0x38;
	[tilespmem:$0x14300] =	vst v63  }
0x3ff: {  	s15 =	sadd.s32 s30, s28;
	v8 =	vsel vm7, $0x0, v1;
	s23 =	rddreg [dreg:$0x4];
	s9 =	sadd.s32 $0x300, s2;
	v4, _, _ =	vpop (xrf0);
	(xrf0) =	vadd.scan.msk.s32 $0xffff, v7  }
0x400: {  	v9 =	vsel vm9, $0x0, v1;
	v10 =	vsel vm11, $0x0, v1;
	v7 =	vsel vm8, $0x0, v1;
	v5, _, _ =	vpop (xrf0);
	(xrf0) =	vadd.scan.msk.s32 $0xffff, v8;
	v6 =	vld [tilespmem:s23+$0x0];
	[tilespmem:s9], [sflag:$0x1] =	stream.linear.gather [hbm4b:s15+s21], $0x80, $0x38  }
0x401: {  	v11 =	vsel vm12, $0x0, v1;
	v12 =	vsel vm13, $0x0, v1;
	s22 =	spop (v2sf);
	(v2sf) =	vpush v4, $0xF;
	v4, _, _ =	vpop (xrf0);
	(xrf0) =	vadd.scan.msk.s32 $0xffff, v7  }
0x402: {  	s16 =	sadd.s32 s30, s17;
	v0 =	vsel vm15, $0x0, v1;
	v2 =	vsel vm10, $0x0, v1;
	v3 =	vsel vm14, $0x0, v1;
	s19 =	sadd.s32 s30, s26;
	s26 =	sadd.s32 $0x380, s2;
	v1, _, _ =	vpop (xrf0);
	(xrf0) =	vadd.scan.msk.s32 $0xffff, v9  }
0x403: {  	(v2sf) =	vpush v4, $0xF;
	[tilespmem:s26], [sflag:$0x1] =	stream.linear.gather [hbm4b:s16+s21], $0x80, $0x38;
	[tilespmem:$0x14300] =	vst v63  }
0x404: {  	(v2sf) =	vpush v1, $0xF;
	v1, _, _ =	vpop (xrf0);
	(xrf0) =	vadd.scan.msk.s32 $0xffff, v2  }
0x405: {  	s17 =	sadd.s32 $0x400, s2;
	(v2sf) =	vpush v1, $0xF;
	v1, _, _ =	vpop (xrf0);
	(xrf0) =	vadd.scan.msk.s32 $0xffff, v10  }
0x406: {  	[tilespmem:s17], [sflag:$0x1] =	stream.linear.gather [hbm4b:s19+s21], $0x80, $0x38;
	[tilespmem:$0x14300] =	vst v63  }
0x407: {  	v2, _, _ =	vpop (xrf0);
	(xrf0) =	vadd.scan.msk.s32 $0xffff, v11  }
0x408: {  	s29 =	sadd.s32 s30, s25;
	s4 =	sadd.s32 $0x480, s2;
	s13 =	sshll.u32 s22, $0x4;
	(v2sf) =	vpush v1, $0xF;
	v1, _, _ =	vpop (xrf0);
	(xrf0) =	vadd.scan.msk.s32 $0xffff, v12  }
0x409: {  	v11 =	vnsel vm0, $0x0, v6;
	[tilespmem:s4], [sflag:$0x1] =	stream.linear.gather [hbm4b:s29+s21], $0x80, $0x38;
	[tilespmem:$0x14300] =	vst v63  }
0x40a: {  	s31 =	sand.u32 $0x1FFFFFF0, s13;
	v7 =	vsel vm1, $0x0, v6;
	(v2sf) =	vpush v2, $0xF;
	v2, _, _ =	vpop (xrf0);
	(xrf0) =	vadd.scan.msk.s32 $0xffff, v11  }
0x40b: {  	s9 =	sadd.s32 $0x500, s2;
	s7 =	sadd.s32 s30, s31;
	v4, _, _ =	vpop (xrf0);
	(xrf0) =	vadd.scan.msk.s32 $0xffff, v7  }
0x40c: {  	v8 =	vsel vm2, $0x0, v6;
	[tilespmem:s9], [sflag:$0x1] =	stream.linear.gather [hbm4b:s7+s21], $0x80, $0x38;
	[tilespmem:$0x14300] =	vst v63  }
0x40d: {  	v9 =	vsel vm3, $0x0, v6;
	v7, _, _ =	vpop (xrf0);
	(xrf0) =	vadd.scan.msk.s32 $0xffff, v8  }
0x40e: {  	s11 =	sadd.s32 $0x580, s2;
	s13 =	sadd.s32 s30, s12;
	(v2sf) =	vpush v5, $0xF;
	v5, _, _ =	vpop (xrf0);
	(xrf0) =	vadd.scan.msk.s32 $0xffff, v9  }
0x40f: {  	v10 =	vsel vm4, $0x0, v6;
	[tilespmem:s11], [sflag:$0x1] =	stream.linear.gather [hbm4b:s13+s21], $0x80, $0x38;
	[tilespmem:$0x14300] =	vst v63  }
0x410: {  	v11 =	vsel vm5, $0x0, v6;
	(v2sf) =	vpush v2, $0xF;
	v19, _, _ =	vpop (xrf0);
	(xrf0) =	vadd.scan.msk.s32 $0xffff, v10  }
0x411: {  	s15 =	sadd.s32 $0x600, s2;
	v63 =	vsel vm6, $0x0, v6;
	v13 =	vsel vm7, $0x0, v6;
	s17 =	sadd.s32 s30, s10;
	(v2sf) =	vpush v4, $0xF;
	v4, _, _ =	vpop (xrf0);
	(xrf0) =	vadd.scan.msk.s32 $0xffff, v11  }
0x412: {  	v14 =	vsel vm8, $0x0, v6;
	v15 =	vsel vm9, $0x0, v6;
	v16 =	vsel vm10, $0x0, v6;
	[tilespmem:s15], [sflag:$0x1] =	stream.linear.gather [hbm4b:s17+s21], $0x80, $0x38;
	[tilespmem:$0x14300] =	vst v63  }
0x413: {  	s0 =	sadd.s32 s30, s0;
	v17 =	vsel vm11, $0x0, v6;
	v18 =	vsel vm12, $0x0, v6;
	(v2sf) =	vpush v4, $0xF;
	v4, _, _ =	vpop (xrf0);
	(xrf0) =	vadd.scan.msk.s32 $0xffff, v13  }
0x414: {  	s6 =	sadd.s32 $0x780, s2;
	s14 =	sadd.s32 $0x700, s2;
	s2 =	sadd.s32 $0x680, s2;
	v20 =	vsel vm13, $0x0, v6;
	v21 =	vsel vm14, $0x0, v6;
	v2 =	vsel vm15, $0x0, v6;
	v6, _, _ =	vpop (xrf0);
	(xrf0) =	vadd.scan.msk.s32 $0xffff, v63  }
0x415: {  	[tilespmem:s2], [sflag:$0x1] =	stream.linear.gather [hbm4b:s0+s21], $0x80, $0x38;
	[tilespmem:$0x14300] =	vst v63  }
0x416: {  	s24 =	sadd.s32 $0x2, s24;
	s1 =	sand.u32 $0x1FFFFFF0, s18;
	v10, _, _ =	vpop (xrf0);
	(xrf0) =	vadd.scan.msk.s32 $0xffff, v14  }
0x417: {  	p0 =	slt.u32 s24, $0x12;
	s28 =	sadd.s32 $0x200, s20;
	s1 =	sadd.s32 s30, s1;
	v9, _, _ =	vpop (xrf0);
	(xrf0) =	vadd.scan.msk.s32 $0xffff, v15  }
0x418: {  	[tilespmem:s14], [sflag:$0x1] =	stream.linear.gather [hbm4b:s1+s21], $0x80, $0x38;
	[tilespmem:$0x14300] =	vst v63  }
0x419: {  	s18 =	smov.u32 s5;
	s16 =	smov.u32 s20;
	s26 =	sadd.s32 $0x180, s20;
	v8, _, _ =	vpop (xrf0);
	(xrf0) =	vadd.scan.msk.s32 $0xffff, v16  }
0x41a: {  	s10 =	sadd.s32 $0x280, s20;
	s31 =	sadd.s32 s30, s3;
	(v2sf) =	vpush v7, $0xF;
	s19 =	spop (v2sf);
	(xrf0) =	vadd.scan.msk.s32 $0xffff, v3  }
0x41b: {  	(v2sf) =	vpush v4, $0xF;
	v7, _, _ =	vpop (xrf0);
	[tilespmem:s6], [sflag:$0x1] =	stream.linear.gather [hbm4b:s31+s21], $0x80, $0x38;
	[tilespmem:$0x14300] =	vst v63  }
.Ltmp4:
0x41c: {  	s0 =	sadd.s32 $0x100, s20;
	(v2sf) =	vpush v5, $0xF;
	s22 =	spop (v2sf);
	v5, _, _ =	vpop (xrf0);
	(xrf0) =	vadd.scan.msk.s32 $0xffff, v17;
	(pc) =	sbr.rel @p0 .LBB2_10-.Ltmp4, $4  }
0x41d: {  	s20 =	sadd.s32 $0x1000, s20;
	s2 =	sshll.u32 s19, $0x4;
	(v2sf) =	vpush v6, $0xF;
	s23 =	spop (v2sf);
	(xrf0) =	vadd.scan.msk.s32 $0xffff, v0;
	v6, _, _ =	vpop (xrf0)  }
0x41e: {  	s2 =	sand.u32 $0x1FFFFFF0, s2;
	s13 =	sshll.u32 s22, $0x4;
	s25 =	spop (v2sf);
	v4, _, _ =	vpop (xrf0);
	(xrf0) =	vadd.scan.msk.s32 $0xffff, v18  }
0x41f: {  	s17 =	sadd.s32 s30, s2;
	s8 =	sshll.u32 s23, $0x4;
	s29 =	spop (v2sf);
	(v2sf) =	vpush v19, $0xF;
	v3, _, _ =	vpop (xrf0);
	(xrf0) =	vadd.scan.msk.s32 $0xffff, v20  }
0x420: {  	s4 =	sshll.u32 s25, $0x4;
	s12 =	sshll.u32 s29, $0x4;
	s1 =	spop (v2sf);
	(v2sf) =	vpush v10, $0xF;
	v0, _, _ =	vpop (xrf0);
	(xrf0) =	vadd.scan.msk.s32 $0xffff, v21  }
0x421: {  	_ =	sdelay $0x1  }
0x422: {  	s7 =	spop (v2sf);
	s3 =	sadd.s32 $0xFFFFF800, s20  }
0x423: {  	[tilespmem:s3], [sflag:$0x1] =	stream.linear.gather [hbm4b:s17+s21], $0x80, $0x38;
	[tilespmem:$0x14300] =	vst v63  }
0x424: {  	s15 =	spop (v2sf);
	s7 =	sshll.u32 s7, $0x4  }
0x425: {  	s9 =	spop (v2sf);
	s7 =	sand.u32 $0x1FFFFFF0, s7  }
0x426: {  	s31 =	sadd.s32 $0xFFFFF880, s20;
	s2 =	spop (v2sf);
	s7 =	sadd.s32 s30, s7  }
0x427: {  	[tilespmem:s31], [sflag:$0x1] =	stream.linear.gather [hbm4b:s7+s21], $0x80, $0x38;
	[tilespmem:$0x14300] =	vst v63  }
0x428: {  	s6 =	spop (v2sf);
	(v2sf) =	vpush v1, $0xF  }
0x429: {  	s11 =	spop (v2sf);
	(v2sf) =	vpush v9, $0xF  }
0x42a: {  	s3 =	spop (v2sf);
	s11 =	sshll.u32 s11, $0x4  }
0x42b: {  	s14 =	spop (v2sf);
	s11 =	sand.u32 $0x1FFFFFF0, s11  }
0x42c: {  	(v2sf) =	vpush v8, $0xF;
	s14 =	sshll.u32 s14, $0x4;
	s11 =	sadd.s32 s30, s11  }
0x42d: {  	[tilespmem:s16], [sflag:$0x1] =	stream.linear.gather [hbm4b:s11+s21], $0x80, $0x38;
	[tilespmem:$0x14300] =	vst v63  }
0x42e: {  	s25 =	sand.u32 $0x1FFFFFF0, s14  }
0x42f: {  	s29 =	sadd.s32 $0x80, s16;
	s11 =	sadd.s32 s30, s25  }
0x430: {  	(v2sf) =	vpush v7, $0xF;
	[tilespmem:s29], [sflag:$0x1] =	stream.linear.gather [hbm4b:s11+s21], $0x80, $0x38;
	[tilespmem:$0x14300] =	vst v63  }
0x431: {  	s11 =	spop (v2sf)  }
0x432: {  	s5 =	spop (v2sf)  }
0x433: {  	s7 =	sshll.u32 s5, $0x4  }
0x434: {  	s7 =	sand.u32 $0x1FFFFFF0, s7  }
0x435: {  	s7 =	sadd.s32 s30, s7  }
0x436: {  	[tilespmem:s0], [sflag:$0x1] =	stream.linear.gather [hbm4b:s7+s21], $0x80, $0x38;
	[tilespmem:$0x14300] =	vst v63  }
0x437: {  	s14 =	spop (v2sf)  }
0x438: {  	s17 =	spop (v2sf)  }
0x439: {  	s7 =	sshll.u32 s17, $0x4  }
0x43a: {  	s7 =	sand.u32 $0x1FFFFFF0, s7  }
0x43b: {  	s19 =	spop (v2sf);
	s7 =	sadd.s32 s30, s7  }
0x43c: {  	[tilespmem:s26], [sflag:$0x1] =	stream.linear.gather [hbm4b:s7+s21], $0x80, $0x38;
	[tilespmem:$0x14300] =	vst v63  }
0x43d: {  	s23 =	sand.u32 $0x1FFFFFF0, s13;
	s24 =	sadd.s32 $0xFFFFF900, s20;
	s7 =	sshll.u32 s19, $0x4  }
0x43e: {  	s4 =	sand.u32 $0x1FFFFFF0, s4;
	s1 =	sshll.u32 s1, $0x4;
	s7 =	sand.u32 $0x1FFFFFF0, s7  }
0x43f: {  	s1 =	sand.u32 $0x1FFFFFF0, s1;
	s22 =	spop (v2sf);
	s7 =	sadd.s32 s30, s7  }
0x440: {  	[tilespmem:s28], [sflag:$0x1] =	stream.linear.gather [hbm4b:s7+s21], $0x80, $0x38;
	[tilespmem:$0x14300] =	vst v63  }
0x441: {  	s4 =	sadd.s32 s30, s4;
	s1 =	sadd.s32 s30, s1;
	s7 =	sshll.u32 s22, $0x4  }
0x442: {  	s13 =	sshll.u32 s9, $0x4;
	s2 =	sshll.u32 s2, $0x4;
	(v2sf) =	vpush v5, $0xF;
	s7 =	sand.u32 $0x1FFFFFF0, s7  }
0x443: {  	s31 =	sadd.s32 $0xFFFFFA80, s20;
	s2 =	sand.u32 $0x1FFFFFF0, s2;
	s7 =	sadd.s32 s30, s7  }
0x444: {  	[tilespmem:s10], [sflag:$0x1] =	stream.linear.gather [hbm4b:s7+s21], $0x80, $0x38;
	[tilespmem:$0x14300] =	vst v63  }
0x445: {  	s6 =	sshll.u32 s6, $0x4;
	(v2sf) =	vpush v6, $0xF;
	s25 =	sand.u32 $0x1FFFFFF0, s8;
	s7 =	sadd.s32 s30, s23  }
0x446: {  	[tilespmem:s24], [sflag:$0x1] =	stream.linear.gather [hbm4b:s7+s21], $0x80, $0x38;
	[tilespmem:$0x14300] =	vst v63  }
0x447: {  	s6 =	sand.u32 $0x1FFFFFF0, s6;
	(v2sf) =	vpush v4, $0xF;
	s26 =	sadd.s32 $0xFFFFF980, s20;
	s7 =	sadd.s32 s30, s25  }
0x448: {  	[tilespmem:s26], [sflag:$0x1] =	stream.linear.gather [hbm4b:s7+s21], $0x80, $0x38;
	[tilespmem:$0x14300] =	vst v63  }
0x449: {  	s3 =	sshll.u32 s3, $0x4;
	s29 =	sand.u32 $0x1FFFFFF0, s12;
	(v2sf) =	vpush v3, $0xF;
	s28 =	sadd.s32 $0xFFFFFA00, s20  }
0x44a: {  	v26, _, _ =	vpop (xrf0);
	[tilespmem:s28], [sflag:$0x1] =	stream.linear.gather [hbm4b:s4+s21], $0x80, $0x38;
	[tilespmem:$0x14300] =	vst v63  }
0x44b: {  	s6 =	sadd.s32 s30, s6;
	s0 =	sshll.u32 s14, $0x4;
	(v2sf) =	vpush v26, $0xF;
	s4 =	sadd.s32 s30, s29  }
0x44c: {  	[tilespmem:s31], [sflag:$0x1] =	stream.linear.gather [hbm4b:s4+s21], $0x80, $0x38;
	[tilespmem:$0x14300] =	vst v63  }
0x44d: {  	v27, _, _ =	vpop (xrf0);
	s8 =	sshll.u32 s15, $0x4;
	s5 =	sadd.s32 $0xFFFFFB00, s20;
	s0 =	sand.u32 $0x1FFFFFF0, s0  }
0x44e: {  	(v2sf) =	vpush v27, $0xF;
	[tilespmem:s5], [sflag:$0x1] =	stream.linear.gather [hbm4b:s1+s21], $0x80, $0x38;
	[tilespmem:$0x14300] =	vst v63  }
0x44f: {  	v28, _, _ =	vpop (xrf0);
	s15 =	sand.u32 $0x1FFFFFF0, s3;
	s0 =	sadd.s32 s30, s0;
	s7 =	sadd.s32 $0xFFFFFB80, s20  }
0x450: {  	(v2sf) =	vpush v28, $0xF;
	[tilespmem:s7], [sflag:$0x1] =	stream.linear.gather [hbm4b:s0+s21], $0x80, $0x38;
	[tilespmem:$0x14300] =	vst v63  }
0x451: {  	s14 =	sadd.s32 $0xFFFFFC80, s20;
	s19 =	spop (v2sf);
	s0 =	sand.u32 $0x1FFFFFF0, s8  }
0x452: {  	s10 =	sadd.s32 $0xFFFFFC00, s20;
	s1 =	sand.u32 $0x1FFFFFF0, s13;
	s0 =	sadd.s32 s30, s0  }
0x453: {  	[tilespmem:s10], [sflag:$0x1] =	stream.linear.gather [hbm4b:s0+s21], $0x80, $0x38;
	[tilespmem:$0x14300] =	vst v63  }
0x454: {  	s17 =	sshll.u32 s11, $0x4;
	s22 =	spop (v2sf);
	s1 =	sadd.s32 s30, s1  }
0x455: {  	[tilespmem:s14], [sflag:$0x1] =	stream.linear.gather [hbm4b:s1+s21], $0x80, $0x38;
	[tilespmem:$0x14300] =	vst v63  }
0x456: {  	s12 =	sadd.s32 $0xFFFFFD00, s20;
	s3 =	sand.u32 $0x1FFFFFF0, s17;
	s23 =	spop (v2sf)  }
0x457: {  	v29, _, _ =	vpop (xrf0);
	[tilespmem:s12], [sflag:$0x1] =	stream.linear.gather [hbm4b:s6+s21], $0x80, $0x38;
	[tilespmem:$0x14300] =	vst v63  }
0x458: {  	(xrf0) =	vadd.scan.msk.s32 $0xffff, v2;
	(v2sf) =	vpush v29, $0xF;
	s24 =	sadd.s32 $0xFFFFFD80, s20;
	s25 =	spop (v2sf);
	s1 =	sadd.s32 s30, s15  }
0x459: {  	[tilespmem:s24], [sflag:$0x1] =	stream.linear.gather [hbm4b:s1+s21], $0x80, $0x38;
	[tilespmem:$0x14300] =	vst v63  }
0x45a: {  	v30, _, _ =	vpop (xrf0);
	s3 =	sadd.s32 s30, s3;
	s26 =	sadd.s32 $0xFFFFFE00, s20;
	s28 =	spop (v2sf)  }
0x45b: {  	(v2sf) =	vpush v30, $0xF;
	[tilespmem:s26], [sflag:$0x1] =	stream.linear.gather [hbm4b:s3+s21], $0x80, $0x38;
	[tilespmem:$0x14300] =	vst v63  }
0x45c: {  	v31, _, _ =	vpop (xrf0);
	s2 =	sadd.s32 s30, s2;
	s3 =	sshll.u32 s28, $0x4  }
0x45d: {  	(v2sf) =	vpush v31, $0xF;
	s29 =	sadd.s32 $0xFFFFFE80, s20;
	s31 =	spop (v2sf);
	s3 =	sand.u32 $0x1FFFFFF0, s3  }
0x45e: {  	v2, _, _ =	vpop (xrf0);
	[tilespmem:s29], [sflag:$0x1] =	stream.linear.gather [hbm4b:s2+s21], $0x80, $0x38;
	[tilespmem:$0x14300] =	vst v63  }
0x45f: {  	(v2sf) =	vpush v2, $0xF;
	s5 =	sadd.s32 $0xFFFFFF00, s20;
	s8 =	spop (v2sf);
	s3 =	sadd.s32 s30, s3  }
0x460: {  	(v2sf) =	vpush v0, $0xF;
	[tilespmem:s5], [sflag:$0x1] =	stream.linear.gather [hbm4b:s3+s21], $0x80, $0x38;
	[tilespmem:$0x14300] =	vst v63  }
0x461: {  	s11 =	sshll.u32 s22, $0x4;
	s3 =	sshll.u32 s8, $0x4  }
0x462: {  	s9 =	sadd.s32 $0xFFFFFF80, s20;
	s4 =	sand.u32 $0x1FFFFFF0, s11;
	s3 =	sand.u32 $0x1FFFFFF0, s3  }
0x463: {  	s17 =	sadd.s32 $0x400, s16;
	s4 =	sadd.s32 s30, s4;
	s3 =	sadd.s32 s30, s3  }
0x464: {  	[tilespmem:s9], [sflag:$0x1] =	stream.linear.gather [hbm4b:s3+s21], $0x80, $0x38;
	[tilespmem:$0x14300] =	vst v63  }
0x465: {  	s10 =	sshll.u32 s19, $0x4;
	s0 =	sshll.u32 s23, $0x4;
	s12 =	sadd.s32 $0x300, s16  }
0x466: {  	[tilespmem:s12], [sflag:$0x1] =	stream.linear.gather [hbm4b:s4+s21], $0x80, $0x38;
	v32 =	vld [tilespmem:s18+$0x0]  }
0x467: {  	s13 =	spop (v2sf);
	s0 =	sand.u32 $0x1FFFFFF0, s0;
	s3 =	sand.u32 $0x1FFFFFF0, s10  }
0x468: {  	s14 =	sadd.s32 $0x380, s16;
	s1 =	sshll.u32 s25, $0x4;
	s3 =	sadd.s32 s30, s3  }
0x469: {  	[tilespmem:s14], [sflag:$0x1] =	stream.linear.gather [hbm4b:s3+s21], $0x80, $0x38;
	[tilespmem:$0x14300] =	vst v63  }
0x46a: {  	s15 =	spop (v2sf);
	s0 =	sadd.s32 s30, s0;
	s18 =	sand.u32 $0x1FFFFFF0, s1  }
0x46b: {  	[tilespmem:s17], [sflag:$0x1] =	stream.linear.gather [hbm4b:s0+s21], $0x80, $0x38;
	v33 =	vnsel vm0, $0x0, v32;
	[tilespmem:$0x14300] =	vst v63  }
0x46c: {  	s23 =	sadd.s32 $0x480, s16;
	s19 =	spop (v2sf);
	s0 =	sadd.s32 s30, s18;
	(xrf0) =	vadd.scan.msk.s32 $0xffff, v33  }
0x46d: {  	v34 =	vsel vm1, $0x0, v32;
	[tilespmem:s23], [sflag:$0x1] =	stream.linear.gather [hbm4b:s0+s21], $0x80, $0x38;
	[tilespmem:$0x14300] =	vst v63  }
0x46e: {  	s22 =	spop (v2sf);
	v35 =	vsel vm2, $0x0, v32;
	(xrf0) =	vadd.scan.msk.s32 $0xffff, v34  }
0x46f: {  	s24 =	spop (v2sf);
	v36 =	vsel vm3, $0x0, v32;
	(xrf0) =	vadd.scan.msk.s32 $0xffff, v35  }
0x470: {  	s0 =	sshll.u32 s24, $0x4;
	(xrf0) =	vadd.scan.msk.s32 $0xffff, v36  }
0x471: {  	v38 =	vsel vm4, $0x0, v32;
	s0 =	sand.u32 $0x1FFFFFF0, s0  }
0x472: {  	s25 =	sadd.s32 $0x500, s16;
	s26 =	sshll.u32 s31, $0x4;
	s0 =	sadd.s32 s30, s0;
	(xrf0) =	vadd.scan.msk.s32 $0xffff, v38;
	v37, _, _ =	vpop (xrf0)  }
0x473: {  	[tilespmem:s25], [sflag:$0x1] =	stream.linear.gather [hbm4b:s0+s21], $0x80, $0x38;
	(v2sf) =	vpush v37, $0xF;
	[tilespmem:$0x14300] =	vst v63  }
0x474: {  	s28 =	sshll.u32 s13, $0x4;
	s31 =	sshll.u32 s15, $0x4;
	v39 =	vsel vm5, $0x0, v32;
	s0 =	sand.u32 $0x1FFFFFF0, s26;
	v40, _, _ =	vpop (xrf0)  }
0x475: {  	s2 =	sand.u32 $0x1FFFFFF0, s28;
	s29 =	sadd.s32 $0x580, s16;
	s0 =	sadd.s32 s30, s0;
	(xrf0) =	vadd.scan.msk.s32 $0xffff, v39;
	(v2sf) =	vpush v40, $0xF;
	v42, _, _ =	vpop (xrf0)  }
0x476: {  	v41 =	vsel vm7, $0x0, v32;
	[tilespmem:s29], [sflag:$0x1] =	stream.linear.gather [hbm4b:s0+s21], $0x80, $0x38;
	v43, _, _ =	vpop (xrf0);
	(v2sf) =	vpush v42, $0xF;
	[tilespmem:$0x14300] =	vst v63  }
0x477: {  	s4 =	sadd.s32 $0x600, s16;
	s2 =	sadd.s32 s30, s2;
	s0 =	sand.u32 $0x1FFFFFF0, s31;
	(xrf0) =	vadd.scan.msk.s32 $0xffff, v41;
	(v2sf) =	vpush v43, $0xF  }
0x478: {  	v44 =	vsel vm6, $0x0, v32;
	[tilespmem:s4], [sflag:$0x1] =	stream.linear.gather [hbm4b:s2+s21], $0x80, $0x38;
	v46, _, _ =	vpop (xrf0);
	[tilespmem:$0x14300] =	vst v63  }
0x479: {  	s5 =	sadd.s32 $0x680, s16;
	s1 =	sshll.u32 s19, $0x4;
	s0 =	sadd.s32 s30, s0;
	(xrf0) =	vadd.scan.msk.s32 $0xffff, v44;
	(v2sf) =	vpush v46, $0xF  }
0x47a: {  	v45 =	vsel vm8, $0x0, v32;
	[tilespmem:s5], [sflag:$0x1] =	stream.linear.gather [hbm4b:s0+s21], $0x80, $0x38;
	[tilespmem:$0x14300] =	vst v63  }
0x47b: {  	s8 =	sshll.u32 s22, $0x4;
	s7 =	sand.u32 $0x1FFFFFF0, s1;
	v47 =	vsel vm9, $0x0, v32;
	(xrf0) =	vadd.scan.msk.s32 $0xffff, v45;
	v48, _, _ =	vpop (xrf0)  }
0x47c: {  	s9 =	sadd.s32 $0x700, s16;
	s1 =	sand.u32 $0x1FFFFFF0, s8;
	s0 =	sadd.s32 s30, s7;
	(xrf0) =	vadd.scan.msk.s32 $0xffff, v47;
	(v2sf) =	vpush v48, $0xF  }
0x47d: {  	v49 =	vsel vm10, $0x0, v32;
	[tilespmem:s9], [sflag:$0x1] =	stream.linear.gather [hbm4b:s0+s21], $0x80, $0x38;
	v51, _, _ =	vpop (xrf0);
	[tilespmem:$0x14300] =	vst v63  }
0x47e: {  	s10 =	sadd.s32 $0x780, s16;
	s1 =	sadd.s32 s30, s1;
	(xrf0) =	vadd.scan.msk.s32 $0xffff, v49;
	(v2sf) =	vpush v51, $0xF  }
0x47f: {  	v50 =	vsel vm11, $0x0, v32;
	[tilespmem:s10], [sflag:$0x1] =	stream.linear.gather [hbm4b:s1+s21], $0x80, $0x38;
	v53, _, _ =	vpop (xrf0);
	[tilespmem:$0x14300] =	vst v63  }
0x480: {  	v52 =	vsel vm12, $0x0, v32;
	(xrf0) =	vadd.scan.msk.s32 $0xffff, v50;
	(v2sf) =	vpush v53, $0xF  }
0x481: {  	(xrf0) =	vadd.scan.msk.s32 $0xffff, v52  }
0x482: {  	s12 =	sadd.s32 $0x180, s20;
	s13 =	sadd.s32 $0x100, s20;
	v54 =	vsel vm13, $0x0, v32;
	s11 =	spop (v2sf)  }
0x483: {  	s15 =	sadd.s32 $0x200, s20;
	s17 =	sadd.s32 $0x80, s20;
	v55 =	vsel vm14, $0x0, v32;
	v56, _, _ =	vpop (xrf0);
	(xrf0) =	vadd.scan.msk.s32 $0xffff, v54;
	s0 =	sshll.u32 s11, $0x4  }
0x484: {  	v57, _, _ =	vpop (xrf0);
	(xrf0) =	vadd.scan.msk.s32 $0xffff, v55;
	(v2sf) =	vpush v56, $0xF;
	s14 =	spop (v2sf);
	s11 =	sadd.s32 $0x300, s20;
	s0 =	sand.u32 $0x1FFFFFF0, s0  }
0x485: {  	v0 =	vsel vm15, $0x0, v32;
	v58, _, _ =	vpop (xrf0);
	(v2sf) =	vpush v57, $0xF;
	s3 =	sshll.u32 s14, $0x4;
	s16 =	spop (v2sf);
	s0 =	sadd.s32 s30, s0  }
0x486: {  	(xrf0) =	vadd.scan.msk.s32 $0xffff, v0;
	v59, _, _ =	vpop (xrf0);
	s18 =	spop (v2sf);
	s3 =	sand.u32 $0x1FFFFFF0, s3;
	s4 =	sshll.u32 s16, $0x4  }
0x487: {  	v60, _, _ =	vpop (xrf0);
	(v2sf) =	vpush v59, $0xF;
	[tilespmem:s20], [sflag:$0x1] =	stream.linear.gather [hbm4b:s0+s21], $0x80, $0x38;
	[tilespmem:$0x14300] =	vst v63  }
0x488: {  	(v2sf) =	vpush v60, $0xF;
	s7 =	sshll.u32 s18, $0x4;
	s3 =	sadd.s32 s30, s3;
	s22 =	spop (v2sf)  }
0x489: {  	v61, _, _ =	vpop (xrf0);
	s19 =	sand.u32 $0x1FFFFFF0, s4;
	s23 =	sand.u32 $0x1FFFFFF0, s7;
	s4 =	sshll.u32 s22, $0x4  }
0x48a: {  	v62, _, _ =	vpop (xrf0);
	(v2sf) =	vpush v61, $0xF;
	[tilespmem:s17], [sflag:$0x1] =	stream.linear.gather [hbm4b:s3+s21], $0x80, $0x38;
	[tilespmem:$0x14300] =	vst v63  }
0x48b: {  	(v2sf) =	vpush v62, $0xF;
	s24 =	spop (v2sf);
	s3 =	sadd.s32 s30, s19;
	s25 =	sand.u32 $0x1FFFFFF0, s4  }
0x48c: {  	v63, _, _ =	vpop (xrf0);
	[tilespmem:s13], [sflag:$0x1] =	stream.linear.gather [hbm4b:s3+s21], $0x80, $0x38;
	[tilespmem:$0x14300] =	vst v63  }
0x48d: {  	s28 =	sadd.s32 s30, s23;
	(v2sf) =	vpush v63, $0xF;
	s26 =	sshll.u32 s24, $0x4;
	s31 =	spop (v2sf)  }
0x48e: {  	[tilespmem:s12], [sflag:$0x1] =	stream.linear.gather [hbm4b:s28+s21], $0x80, $0x38;
	[tilespmem:$0x14300] =	vst v63  }
0x48f: {  	s2 =	sadd.s32 s30, s25;
	(v2sf) =	vpush v58, $0xF;
	s29 =	sand.u32 $0x1FFFFFF0, s26;
	s5 =	spop (v2sf)  }
0x490: {  	[tilespmem:s15], [sflag:$0x1] =	stream.linear.gather [hbm4b:s2+s21], $0x80, $0x38;
	[tilespmem:$0x14300] =	vst v63  }
0x491: {  	s4 =	sadd.s32 $0x280, s20;
	s1 =	sadd.s32 s30, s29;
	s2 =	sshll.u32 s5, $0x4  }
0x492: {  	[tilespmem:s4], [sflag:$0x1] =	stream.linear.gather [hbm4b:s1+s21], $0x80, $0x38;
	[tilespmem:$0x14300] =	vst v63  }
0x493: {  	s6 =	sshll.u32 s31, $0x4;
	s2 =	sand.u32 $0x1FFFFFF0, s2;
	s7 =	spop (v2sf)  }
0x494: {  	s0 =	sand.u32 $0x1FFFFFF0, s6;
	s2 =	sadd.s32 s30, s2;
	s8 =	spop (v2sf)  }
0x495: {  	[tilespmem:s11], [sflag:$0x1] =	stream.linear.gather [hbm4b:s2+s21], $0x80, $0x38;
	[tilespmem:$0x14300] =	vst v63  }
0x496: {  	s13 =	sadd.s32 $0x380, s20;
	s0 =	sadd.s32 s30, s0;
	s9 =	spop (v2sf)  }
0x497: {  	s15 =	sadd.s32 $0x400, s20;
	s1 =	sshll.u32 s7, $0x4;
	s10 =	spop (v2sf)  }
0x498: {  	[tilespmem:s13], [sflag:$0x1] =	stream.linear.gather [hbm4b:s0+s21], $0x80, $0x38;
	[tilespmem:$0x14300] =	vst v63  }
0x499: {  	s3 =	sshll.u32 s8, $0x4;
	s1 =	sand.u32 $0x1FFFFFF0, s1;
	s12 =	spop (v2sf)  }
0x49a: {  	s3 =	sand.u32 $0x1FFFFFF0, s3;
	s1 =	sadd.s32 s30, s1;
	s14 =	spop (v2sf)  }
0x49b: {  	[tilespmem:s15], [sflag:$0x1] =	stream.linear.gather [hbm4b:s1+s21], $0x80, $0x38;
	[tilespmem:$0x14300] =	vst v63  }
0x49c: {  	s17 =	sadd.s32 $0x480, s20;
	s3 =	sadd.s32 s30, s3;
	s16 =	spop (v2sf)  }
0x49d: {  	[tilespmem:s17], [sflag:$0x1] =	stream.linear.gather [hbm4b:s3+s21], $0x80, $0x38;
	[tilespmem:$0x14300] =	vst v63  }
0x49e: {  	s18 =	spop (v2sf)  }
0x49f: {  	s3 =	sshll.u32 s18, $0x4  }
0x4a0: {  	s3 =	sand.u32 $0x1FFFFFF0, s3  }
0x4a1: {  	s19 =	sadd.s32 $0x500, s20;
	s22 =	sshll.u32 s9, $0x4;
	s3 =	sadd.s32 s30, s3  }
0x4a2: {  	[tilespmem:s19], [sflag:$0x1] =	stream.linear.gather [hbm4b:s3+s21], $0x80, $0x38;
	[tilespmem:$0x14300] =	vst v63  }
0x4a3: {  	s3 =	sand.u32 $0x1FFFFFF0, s22  }
0x4a4: {  	s23 =	sadd.s32 $0x580, s20;
	s24 =	sshll.u32 s10, $0x4;
	s3 =	sadd.s32 s30, s3  }
0x4a5: {  	[tilespmem:s23], [sflag:$0x1] =	stream.linear.gather [hbm4b:s3+s21], $0x80, $0x38;
	[tilespmem:$0x14300] =	vst v63  }
0x4a6: {  	s25 =	sadd.s32 $0x600, s20;
	s2 =	sshll.u32 s12, $0x4;
	s3 =	sand.u32 $0x1FFFFFF0, s24  }
0x4a7: {  	s2 =	sand.u32 $0x1FFFFFF0, s2;
	s0 =	sshll.u32 s14, $0x4;
	s3 =	sadd.s32 s30, s3  }
0x4a8: {  	[tilespmem:s25], [sflag:$0x1] =	stream.linear.gather [hbm4b:s3+s21], $0x80, $0x38;
	[tilespmem:$0x14300] =	vst v63  }
0x4a9: {  	s26 =	sadd.s32 $0x680, s20;
	s2 =	sadd.s32 s30, s2;
	s0 =	sand.u32 $0x1FFFFFF0, s0  }
0x4aa: {  	[tilespmem:s26], [sflag:$0x1] =	stream.linear.gather [hbm4b:s2+s21], $0x80, $0x38;
	[tilespmem:$0x14300] =	vst v63  }
0x4ab: {  	s28 =	sadd.s32 $0x700, s20;
	s29 =	sshll.u32 s16, $0x4;
	s0 =	sadd.s32 s30, s0  }
0x4ac: {  	[tilespmem:s28], [sflag:$0x1] =	stream.linear.gather [hbm4b:s0+s21], $0x80, $0x38;
	[tilespmem:$0x14300] =	vst v63  }
0x4ad: {  	s0 =	sand.u32 $0x1FFFFFF0, s29  }
0x4ae: {  	s31 =	sadd.s32 $0x780, s20;
	s3 =	simm.s32 $0x3;
	s0 =	sadd.s32 s30, s0  }
0x4af: {  	[tilespmem:s31], [sflag:$0x1] =	stream.linear.gather [hbm4b:s0+s21], $0x80, $0x38;
	[tilespmem:$0x14300] =	vst v63  }
.LBB2_12:
0x4b0: {  	s0 =	simm.s32 $0x2  }
0x4b1: {  	_ =	swait.ge [sflag:s0], $0xA000  }
0x4b2: {  	[sflag:s0] =	ssyncset.done $0x0  }
0x4b3: {  	[sflag:s0] =	ssyncadd.s32 $0xFFFF6000;
	s0 =	simm.s32 $0xA400  }
0x4b4: {  	v0 =	vld [tilespmem:s0+$0xB0]  }
0x4b5: {  	v1 =	vld [tilespmem:s0+$0xFFFFFF10]  }
0x4b6: {  	v2 =	vld [tilespmem:s0+$0xFFFFFF20]  }
0x4b7: {  	v3 =	vld [tilespmem:s0+$0xFFFFFF30]  }
0x4b8: {  	v4 =	vld [tilespmem:s0+$0xFFFFFF80]  }
0x4b9: {  	v5 =	vld [tilespmem:s0+$0xFFFFFF90];
	v0 =	vmul.f32 $8.000000000e+00, v0  }
0x4ba: {  	v6 =	vld [tilespmem:s0+$0xFFFFFFA0];
	v1 =	vmul.f32 $8.000000000e+00, v1  }
0x4bb: {  	v7 =	vld [tilespmem:s0+$0xFFFFFFB0];
	v2 =	vmul.f32 $8.000000000e+00, v2;
	[tilespmem:s0+$0xB0] =	vst v0  }
0x4bc: {  	[tilespmem:s0+$0xFFFFFF10] =	vst v1;
	v0 =	vmul.f32 $8.000000000e+00, v3;
	v3 =	vld [tilespmem:s0+$0x0]  }
0x4bd: {  	[tilespmem:s0+$0xFFFFFF20] =	vst v2;
	v1 =	vmul.f32 $8.000000000e+00, v4;
	v4 =	vld [tilespmem:s0+$0x10]  }
0x4be: {  	v8 =	vld [tilespmem:s0+$0x20];
	v2 =	vmul.f32 $8.000000000e+00, v5;
	[tilespmem:s0+$0xFFFFFF30] =	vst v0  }
0x4bf: {  	v5 =	vmul.f32 $8.000000000e+00, v6;
	[tilespmem:s0+$0xFFFFFF80] =	vst v1;
	v0 =	vld [tilespmem:s0+$0x30]  }
0x4c0: {  	v6 =	vmul.f32 $8.000000000e+00, v7;
	[tilespmem:s0+$0xFFFFFF90] =	vst v2;
	v1 =	vld [tilespmem:s0+$0x80]  }
0x4c1: {  	[tilespmem:s0+$0xFFFFFFA0] =	vst v5;
	v2 =	vld [tilespmem:s0+$0x90];
	v7 =	vmul.f32 $8.000000000e+00, v3  }
0x4c2: {  	[tilespmem:s0+$0xFFFFFFB0] =	vst v6;
	v3 =	vld [tilespmem:s0+$0xA0];
	v5 =	vmul.f32 $8.000000000e+00, v4  }
0x4c3: {  	s1 =	simm.s32 $0x0;
	s2 =	simm.s32 $0xA600;
	v6 =	vmul.f32 $8.000000000e+00, v8;
	v4 =	vld [tilespmem:s0+$0xFFFFFF00];
	[tilespmem:s0+$0x0] =	vst v7  }
.LBB2_13:
0x4c4: {  	v7 =	vld [tilespmem:s2+$0xB0];
	s1 =	sadd.s32 $0x4, s1;
	[tilespmem:s0+$0x10] =	vst v5;
	v0 =	vmul.f32 $8.000000000e+00, v0  }
0x4c5: {  	v5 =	vld [tilespmem:s2+$0xFFFFFF10];
	p0 =	slt.u32 s1, $0x13C;
	[tilespmem:s0+$0x20] =	vst v6;
	v1 =	vmul.f32 $8.000000000e+00, v1  }
0x4c6: {  	v6 =	vld [tilespmem:s2+$0xFFFFFF20];
	[tilespmem:s0+$0x30] =	vst v0;
	v0 =	vmul.f32 $8.000000000e+00, v2  }
0x4c7: {  	v2 =	vld [tilespmem:s2+$0xFFFFFF30];
	[tilespmem:s0+$0x80] =	vst v1;
	v1 =	vmul.f32 $8.000000000e+00, v3  }
0x4c8: {  	v3 =	vld [tilespmem:s2+$0xFFFFFF80];
	v4 =	vmul.f32 $8.000000000e+00, v4;
	[tilespmem:s0+$0x90] =	vst v0  }
0x4c9: {  	v0 =	vld [tilespmem:s2+$0xFFFFFF90];
	v7 =	vmul.f32 $8.000000000e+00, v7;
	[tilespmem:s0+$0xA0] =	vst v1  }
0x4ca: {  	v1 =	vmul.f32 $8.000000000e+00, v5;
	v5 =	vld [tilespmem:s2+$0xFFFFFFA0];
	[tilespmem:s0+$0xFFFFFF00] =	vst v4;
	s0 =	smov.u32 s2  }
0x4cb: {  	v4 =	vmul.f32 $8.000000000e+00, v6;
	v6 =	vld [tilespmem:s2+$0xFFFFFFB0];
	[tilespmem:s2+$0xB0] =	vst v7  }
0x4cc: {  	[tilespmem:s2+$0xFFFFFF10] =	vst v1;
	v1 =	vmul.f32 $8.000000000e+00, v2;
	v2 =	vld [tilespmem:s2+$0x0]  }
0x4cd: {  	[tilespmem:s2+$0xFFFFFF20] =	vst v4;
	v3 =	vmul.f32 $8.000000000e+00, v3;
	v4 =	vld [tilespmem:s2+$0x10]  }
0x4ce: {  	[tilespmem:s2+$0xFFFFFF30] =	vst v1;
	v1 =	vmul.f32 $8.000000000e+00, v0;
	v7 =	vld [tilespmem:s2+$0x20]  }
.Ltmp5:
0x4cf: {  	[tilespmem:s2+$0xFFFFFF80] =	vst v3;
	v3 =	vmul.f32 $8.000000000e+00, v5;
	v0 =	vld [tilespmem:s2+$0x30];
	(pc) =	sbr.rel @p0 .LBB2_13-.Ltmp5, $4  }
0x4d0: {  	[tilespmem:s2+$0xFFFFFF90] =	vst v1;
	v5 =	vmul.f32 $8.000000000e+00, v6;
	v1 =	vld [tilespmem:s2+$0x80]  }
0x4d1: {  	[tilespmem:s2+$0xFFFFFFA0] =	vst v3;
	v6 =	vmul.f32 $8.000000000e+00, v2;
	v2 =	vld [tilespmem:s2+$0x90]  }
0x4d2: {  	[tilespmem:s2+$0xFFFFFFB0] =	vst v5;
	v5 =	vmul.f32 $8.000000000e+00, v4;
	v3 =	vld [tilespmem:s2+$0xA0]  }
0x4d3: {  	s2 =	sadd.s32 $0x200, s2;
	v4 =	vld [tilespmem:s0+$0xFFFFFF00];
	[tilespmem:s0+$0x0] =	vst v6;
	v6 =	vmul.f32 $8.000000000e+00, v7  }
0x4d4: {  	[tilespmem:s0+$0x10] =	vst v5;
	v0 =	vmul.f32 $8.000000000e+00, v0  }
0x4d5: {  	[tilespmem:s0+$0x20] =	vst v6;
	v1 =	vmul.f32 $8.000000000e+00, v1  }
0x4d6: {  	[tilespmem:s0+$0x30] =	vst v0;
	v61 =	vmul.f32 $8.000000000e+00, v2  }
0x4d7: {  	[tilespmem:s0+$0x80] =	vst v1;
	v62 =	vmul.f32 $8.000000000e+00, v3  }
0x4d8: {  	v63 =	vmul.f32 $8.000000000e+00, v4;
	[tilespmem:s0+$0x90] =	vst v61  }
0x4d9: {  	[tilespmem:s0+$0xA0] =	vst v62  }
0x4da: {  	s1 =	rddreg [dreg:$0x19];
	[tilespmem:s0+$0xFFFFFF00] =	vst v63  }
0x4db: {  	s1 =	sshll.u32 s1, $0x4;
	s0 =	rddreg [dreg:$0x12]  }
0x4dc: {  	s29 =	simm.s32 $0xA300;
	s0 =	sadd.s32 s0, s1  }
0x4dd: {  	[hbm4b:s0+s21] =	stream.linear.scatter [tilespmem:s29], [sflag:$0x3], $0xA000, $0x38;
	[tilespmem:$0x14300] =	vst v63  }
0x4de: {  	_ =	swait.ge [sflag:s3], $0xA000  }
0x4df: {  	s31 =	rddreg [dreg:$0x18]  }
0x4e0: {  	s0 =	sadd.s32 $0x1, s31  }
0x4e1: {  	p0 =	sne.s32 s0, $0xA  }
.Ltmp6:
0x4e2: {  	_ = 	snop;
	(pc) =	sbr.rel @p0 .LBB2_4-.Ltmp6, $3  }
0x4e3: {  	_ =	sdelay $0x1  }
0x4e4: {  	[sflag:s3] =	ssyncset.done $0x0  }
0x4e5: {  	[sflag:s3] =	ssyncadd.s32 $0xFFFF6000  }
0x4e6: {  	s1 =	rddreg [dreg:$0x17]  }
0x4e7: {  	s0 =	rddreg [dreg:$0x16];
	s1 =	sadd.s32 $0x1, s1  }
0x4e8: {  	p0 =	sne.s32 s1, s0  }
.Ltmp7:
0x4e9: {  	_ = 	snop;
	(pc) =	sbr.rel @p0 .LBB2_1-.Ltmp7, $1  }
0x4ea: {  	_ =	sdelay $0x3  }
0x4eb: {  	_ =	sfence.sel $0x180000  }
0x4ec: {  	[bflag:$0x0] =	sbarrier.arrive $0xFFFF  }
0x4ed: {  	_ =	strace $0x90000047  }
0x4ee: {  	s0 =	stileid.u32;
	[bflag:$0x2] =	sbarrier.arrive $0xFFFF  }
0x4ef: {  	p0 =	sne.s32 s0, $0x0;
	s0 =	rddreg [dreg:$0x2]  }
0x4f0: {  	s0 =	sadd.s32 @!p0 $0x100000, s0  }
0x4f1: {  	[sflag:s0] =	ssyncadd.tile.s32 @!p0 $0x1;
	_ =	shalt  }
.Lfunc_end2:
_tile_overlayer_lowered:
.L_overlay_start_2:
0x4f2: {  	(tag) =	ssettag $0x2  }
0x4f3: {  	s0 =	rddreg [dreg:$0x0];
	s2 =	stileid.u32  }
0x4f4: {  	s1 =	rddreg [dreg:$0x1];
	p0 =	sne.s32 s2, $0x0  }
0x4f5: {  	s3 =	rddreg [dreg:$0x2];
	[bflag:$0x3] =	sbarrier.arrive $0xFFFF;
	s2 =	simm.s32 @!p0 $0x1C03  }
0x4f6: {  	[timem:s3], [sflag:s2] =	dma.local @!p0 [hbm:s0], s1  }
0x4f7: {  	s0 =	simm.s32 @!p0 $0x3  }
0x4f8: {  	_ =	swait.ge @!p0 [sflag:s0], s1  }
0x4f9: {  	s1 =	ssub.s32 @!p0 $0x0, s1;
	[sflag:s0] =	ssyncset.done @!p0 $0x0  }
0x4fa: {  	[sflag:s0] =	ssyncadd.s32 @!p0 s1  }
0x4fb: {  	[bflag:$0x3] =	sbarrier.arrive $0xFFFF  }
0x4fc: {  	_ =	shalt  }

// kernel: sparse-core-data-format-call.cloned.1.call-start
scs
called_computation_lowered:
.L_overlay_start_0:
0x0: {  	s2 =	sld [smem:$0x3FD9]  }
0x1: {  	s3 =	sld [smem:$0x3FFE];
	_ =	sdelay $0x1  }
0x2: {  	s1 =	srdreg.scid  }
0x3: {  	s0 =	sand.u32 $0x1, s1  }
0x4: {  	s18 =	sshll.u32 s0, $0xA;
	s2 =	sadd.s32 s3, s2  }
0x5: {  	s2 =	sadd.s32 s2, s18  }
0x6: {  	[smem:$0x3FC6] =	sst s2  }
0x7: {  	_ = 	snop  }
0x8: {  	s2 =	sld [smem:$0x3FD0];
	(tm) =	ssettm $0x1  }
0x9: {  	s19 =	sld [smem:$0x3FFB];
	_ =	sdelay $0x3  }
0xa: {  	_ =	strace s19  }
0xb: {  	s3 =	sld [smem:$0x3FFC];
	_ =	sdelay $0x3  }
0xc: {  	_ =	strace s3  }
0xd: {  	s3 =	sld [smem:$0x3FFD];
	_ =	sdelay $0x3  }
0xe: {  	_ =	strace s3  }
0xf: {  	_ =	strace $0x8FFFFFFF  }
0x10: {  	s20 =	sld [smem:$0x3FDB];
	_ =	sdelay $0x1  }
0x11: {  	s4 =	simm.s32 $_scs_section_size  }
0x12: {  	s5 =	simm.s32 $_size__tile_overlayer_lowered;
	s6 =	simm.s32 $_tile_overlayer_lowered  }
0x13: {  	s23 =	simm.s32 $0x1BFF;
	s22 =	sshll.u32 s6, $0x1;
	s3 =	sadd.s32 s4, s20  }
0x14: {  	s7 =	simm.s32 $0x0;
	s21 =	sshll.u32 s5, $0x1;
	s5 =	sadd.s32 s22, s3  }
0x15: {  	[timem:s7], [sflag:s23] =	dma.local [hbm:s5], s21  }
0x16: {  	_ =	swait.ge [sflag:s23], s21  }
0x17: {  	s4 =	ssub.s32 $0x0, s21;
	[sflag:s23] =	ssyncset.done $0x0  }
0x18: {  	[sflag:s23] =	ssyncadd.s32 s4;
	_ =	sdelay $0x1  }
0x19: {  	s24 =	simm.s32 $0x1B8B  }
0x1a: {  	_ =	swait.ge [sflag:s24], $0x1  }
0x1b: {  	[sflag:s24] =	ssyncset.done $0x0  }
0x1c: {  	s26 =	simm.s32 $0x1B8E;
	s25 =	sld [smem:$0x3FFE];
	[sflag:s24] =	ssyncadd.s32 $0xFFFFFFFF  }
0x1d: {  	s27 =	simm.s32 $execute0_lowered;
	[smem:$0x3FD2] =	sst s26  }
0x1e: {  	s5 =	sshll.u32 s27, $0x1;
	_ =	strace $0x80000049;
	[dreg:$0x1] =	wrdreg $0xFFFFFFFF  }
0x1f: {  	s28 =	simm.s32 $_size_execute0_lowered;
	s3 =	sadd.s32 s3, s5;
	[dreg:$0x0] =	wrdreg $0x0  }
0x20: {  	s5 =	sshll.u32 s28, $0x1;
	[dreg:$0x2] =	wrdreg s3  }
0x21: {  	[dreg:$0x3] =	wrdreg s5  }
0x22: {  	[dreg:$0x4] =	wrdreg $0xC0  }
0x23: {  	_ =	task [dreg:s7], $0x5FFFF  }
0x24: {  	[dreg:$0x1] =	wrdreg $0xFFFFFFFF  }
0x25: {  	[dreg:$0x0] =	wrdreg $0x60  }
0x26: {  	[dreg:$0x2] =	wrdreg s25  }
0x27: {  	[dreg:$0x3] =	wrdreg s2  }
0x28: {  	[dreg:$0x4] =	wrdreg $0x9  }
0x29: {  	_ =	task.clear_ibuf [dreg:s7], $0x5FFFF;
	_ =	strace $0x90000049  }
0x2a: {  	s29 =	simm.s32 $0x9;
	_ =	strace $0x8000004B  }
0x2b: {  	_ =	swait.ge [sflag:s29], $0x1  }
0x2c: {  	[sflag:s29] =	ssyncadd.s32 $0xFFFFFFFF  }
0x2d: {  	_ =	strace $0x9000004B  }
0x2e: {  	_ =	sfence  }
0x2f: {  	s30 =	sld [smem:$0x0];
	_ =	sdelay $0x2  }
0x30: {  	s31 =	sshll.u32 s1, $0xD;
	s1 =	sshrl.u32 s1, $0x2  }
0x31: {  	s3 =	sand.u32 $0x4000, s31;
	s1 =	sadd.s32 s1, s30  }
0x32: {  	s0 =	sor.u32 s3, s0;
	s1 =	sshll.u32 s1, $0x11  }
0x33: {  	s0 =	sor.u32 s1, s0  }
0x34: {  	s0 =	sadd.s32 $0x8F2B, s0  }
0x35: {  	[sflag:s0] =	ssyncadd.remote.s32 $0x1  }
0x36: {  	_ =	sfence.sel $0xFFFF  }
0x37: {  	[dreg:$0x0] =	wrdreg $0xFFFFFFFF;
	(pc) =	sbr.abs _section_cstart, $3  }
0x38: {  	[dreg:$0x1] =	wrdreg $0xFFFFFFFF  }
0x39: {  	_ =	task.clear_ibuf [dreg:s7], $0x2FFFF;
	_ =	strace $0x9FFFFFFF  }
0x3a: {  	(tm) =	ssettm $0x7FFFFFFF  }
0x3b: {  	_ =	shalt  }
tec
execute0_lowered:
.L_overlay_start_1:
0x0: {  	(tag) =	ssettag $0x1  }
0x1: {  	s0 =	stileid.u32;
	s6 =	rddreg [dreg:$0x0]  }
0x2: {  	s2 =	rddreg [dreg:$0x1];
	s5 =	srdreg.scid  }
0x3: {  	s31 =	simm.s32 $0x2;
	s13 =	simm.s32 $0x0;
	s1 =	sshll.u32 s0, $0x7  }
0x4: {  	s14 =	simm.s32 $0x0;
	s12 =	simm.s32 $0x0;
	s3 =	sand.u32 $0x380, s1  }
0x5: {  	s5 =	sshll.u32 s5, $0x4;
	s6 =	sadd.s32 $0xF42C00, s6;
	s4 =	ssub.s32 $0x400, s3  }
0x6: {  	s1 =	rddreg [dreg:$0x2];
	_ =	strace $0x8000004A;
	s7 =	sand.u32 $0x380, s4  }
0x7: {  	s5 =	sand.u32 $0x10, s5;
	p0 =	sne.s32 s7, $0x0;
	s7 =	simm.s32 $0x1  }
.Ltmp0:
0x8: {  	s8 =	sshrl.u32 s4, $0xA;
	s7 =	simm.s32 @!p0 $0x0;
	(pc) =	sbr.rel .LBB1_1-.Ltmp0, $4  }
0x9: {  	s9 =	sor.u32 s0, s5;
	s4 =	simm.s32 $0x1;
	s30 =	sadd.s32 s7, s8  }
0xa: {  	s11 =	smov.u32 s3;
	[sflag:s4] =	ssyncpa.u1 $0x0;
	s5 =	smul.u32 $0x32, s30  }
0xb: {  	[sflag:s31] =	ssyncpa.u1 $0x0;
	p0 =	por $0x0, $0x0;
	s7 =	sshrl.u32 s9, $0x3  }
0xc: {  	s9 =	simm.s32 $0x2000;
	s10 =	smov.u32 s7;
	s8 =	sor.u32 $0x1, s5  }
.LBB1_4:
0xd: {  	s17 =	sand.u32 $0x1F80, s14;
	s13 =	sshll.u32 s13, $0xD  }
0xe: {  	[tilespmem:s16+$0x810 ss:$0x81] =	vst.msk $0xffff, v2;
	s18 =	sshrl.u32 s14, $0x3;
	s31 =	sand.u32 $0x7, s14;
	s17 =	sadd.s32 s2, s17  }
0xf: {  	[tilespmem:s16+$0x1020 ss:$0x81] =	vst.msk $0xffff, v0;
	s18 =	sand.u32 $0xF, s18;
	s14 =	sshll.u32 s31, $0x12;
	s13 =	sadd.s32 s13, s17  }
0x10: {  	[tilespmem:s16+$0x0 ss:$0x81] =	vst.msk $0xffff, v1;
	s14 =	sor.u32 $0x400, s14;
	s13 =	sadd.s32 s18, s13  }
0x11: {  	[hbm4b:s13+s14] =	stream.strided.scatter [tilespmem:s15], [sflag:$0x2], $0x2000, s9, s14, $0x20;
	[tilespmem:$0x8080] =	vst v63  }
.LBB1_5:
0x12: {  	s15 =	sadd.s32 $0x4, s10  }
0x13: {  	s13 =	sadd.s32 $0x400, s11;
	s17 =	smov.u32 s11;
	p2 =	sgt.s32 s15, $0xC7  }
0x14: {  	s17 =	smov.u32 @p2 s13  }
0x15: {  	s15 =	smov.u32 @p2 s7;
	p2 =	sgt.s32 s17, $0x3FF  }
0x16: {  	s17 =	smov.u32 @p2 s3;
	p2 =	sne.s32 s12, s8  }
.Ltmp1:
0x17: {  	p1 =	slt.u32 s12, $0x2;
	(pc) =	sbr.rel @!p2 .LBB1_6-.Ltmp1, $4  }
0x18: {  	s16 =	simm.s32 @!p1 $0x2  }
0x19: {  	s14 =	smov.u32 s11;
	p0 =	por !p0, !p0;
	_ =	swait.ge @!p1 [sflag:s16], $0x2000  }
0x1a: {  	s13 =	smov.u32 s10;
	[sflag:s16] =	ssyncset.done @!p1 $0x0;
	s10 =	smov.u32 s15  }
0x1b: {  	s12 =	sadd.s32 $0x1, s12;
	[sflag:s16] =	ssyncadd.s32 @!p1 $0xFFFFE000;
	s11 =	smov.u32 s17  }
.LBB1_1:
0x1c: {  	p1 =	sge.u32 s12, s5  }
0x1d: {  	s15 =	sand.u32 @!p1 $0x1FFFFFF, s10  }
0x1e: {  	s16 =	smulhi.u32 @!p1 $0x147AE15, s15;
	_ =	sdelay $0x1  }
0x1f: {  	s16 =	smul.u32 @!p1 $0xC8, s16  }
0x20: {  	s17 =	sxor.u32 @!p1 $0xFFFFFFFF, s12;
	s18 =	smul.u32 @!p1 $0xC80, s11  }
0x21: {  	s31 =	sadd.s32 $0xFFFFFFFF, s12;
	s17 =	sshll.u32 @!p1 s17, $0xD;
	s15 =	ssub.s32 @!p1 s15, s16  }
0x22: {  	s16 =	sand.u32 @!p1 $0x2000, s17;
	s17 =	sadd.s32 @!p1 s6, s18;
	s15 =	sshll.u32 @!p1 s15, $0x4  }
0x23: {  	s18 =	simm.s32 @!p1 $0x6400;
	s15 =	sadd.s32 @!p1 s15, s17;
	s17 =	simm.s32 @!p1 $0x40  }
0x24: {  	[tilespmem:s16], [sflag:$0x1] =	stream.strided.gather @!p1 [hbm4b:s15+s17], $0x2000, s18, s17, $0x38;
	[tilespmem:$0x8080] =	vst v63  }
0x25: {  	p1 =	sge.u32 s31, s5  }
.Ltmp2:
0x26: {  	_ = 	snop;
	(pc) =	sbr.rel @p1 .LBB1_5-.Ltmp2, $1  }
0x27: {  	_ =	sdelay $0x3  }
0x28: {  	s15 =	simm.s32 $0x1  }
0x29: {  	_ =	swait.ge [sflag:s4], $0x2000;
	s15 =	simm.s32 @!p0 $0x0  }
0x2a: {  	[sflag:s4] =	ssyncset.done $0x0;
	s16 =	sshll.u32 s15, $0xD  }
0x2b: {  	[sflag:s4] =	ssyncadd.s32 $0xFFFFE000;
	s19 =	sor.u32 $0x20, s16  }
0x2c: {  	s15 =	smul.u32 $0x8100, s15;
	v3 =	vld [tilespmem:s19+$0x10]  }
0x2d: {  	s30 =	sand.u32 $0x1, s12;
	v2 =	vld [tilespmem:s19+$0xFFFFFFF0]  }
0x2e: {  	s16 =	smul.u32 $0x8100, s30;
	s15 =	sshrl.u32 s15, $0x2;
	v0 =	vld [tilespmem:s19+$0x0]  }
0x2f: {  	v1 =	vld [tilespmem:s19+$0xFFFFFFE0];
	s17 =	sor.u32 $0x4000, s15  }
0x30: {  	s31 =	sshrl.u32 s16, $0x2;
	s16 =	sadd.s32 $0x0, s17  }
0x31: {  	s18 =	simm.s32 $0x4;
	s19 =	sadd.s32 $0x40, s19;
	s15 =	sor.u32 $0x4000, s31;
	[tilespmem:s16+$0x1830 ss:$0x81] =	vst.msk $0xffff, v3  }
.LBB1_3:
0x32: {  	v3 =	vld [tilespmem:s19+$0x10];
	p1 =	sne.s32 s18, $0x1FC;
	[tilespmem:s16+$0x810 ss:$0x81] =	vst.msk $0xffff, v2;
	s20 =	smov.u32 s18;
	s18 =	sadd.s32 $0x4, s18  }
.Ltmp3:
0x33: {  	v2 =	vld [tilespmem:s19+$0xFFFFFFF0];
	[tilespmem:s16+$0x1020 ss:$0x81] =	vst.msk $0xffff, v0;
	(pc) =	sbr.rel @p1 .LBB1_3-.Ltmp3, $4  }
0x34: {  	v0 =	vld [tilespmem:s19+$0x0];
	[tilespmem:s16+$0x0 ss:$0x81] =	vst.msk $0xffff, v1  }
0x35: {  	s16 =	sshra.s32 s20, $0x2;
	v1 =	vld [tilespmem:s19+$0xFFFFFFE0]  }
0x36: {  	s16 =	sadd.s32 s16, s17  }
0x37: {  	s19 =	sadd.s32 $0x40, s19;
	[tilespmem:s16+$0x1830 ss:$0x81] =	vst.msk $0xffff, v3  }
.Ltmp4:
0x38: {  	_ = 	snop;
	(pc) =	sbr.rel .LBB1_4-.Ltmp4, $1  }
0x39: {  	_ =	sdelay $0x3  }
.LBB1_6:
0x3a: {  	_ =	sfence.sel $0x180000  }
0x3b: {  	s2 =	simm.s32 $0x1;
	[bflag:$0x0] =	sbarrier.arrive $0xFFFF  }
0x3c: {  	s31 =	simm.s32 $0x2;
	[sflag:s2] =	ssyncpa.u1 $0x1  }
0x3d: {  	[sflag:s31] =	ssyncpa.u1 $0x1  }
0x3e: {  	p0 =	sne.s32 s0, $0x0;
	_ =	strace $0x9000004A  }
0x3f: {  	s0 =	sadd.s32 @!p0 $0x100000, s1;
	[bflag:$0x2] =	sbarrier.arrive $0xFFFF  }
0x40: {  	[sflag:s0] =	ssyncadd.tile.s32 @!p0 $0x1;
	_ =	shalt  }
.Lfunc_end1:
_tile_overlayer_lowered:
.L_overlay_start_2:
0x41: {  	(tag) =	ssettag $0x2  }
0x42: {  	s0 =	rddreg [dreg:$0x0];
	s2 =	stileid.u32  }
0x43: {  	s1 =	rddreg [dreg:$0x1];
	p0 =	sne.s32 s2, $0x0  }
0x44: {  	s3 =	rddreg [dreg:$0x2];
	[bflag:$0x3] =	sbarrier.arrive $0xFFFF;
	s2 =	simm.s32 @!p0 $0x1C01  }
0x45: {  	[timem:s3], [sflag:s2] =	dma.local @!p0 [hbm:s0], s1  }
0x46: {  	s0 =	simm.s32 @!p0 $0x1  }
0x47: {  	_ =	swait.ge @!p0 [sflag:s0], s1  }
0x48: {  	s1 =	ssub.s32 @!p0 $0x0, s1;
	[sflag:s0] =	ssyncset.done @!p0 $0x0  }
0x49: {  	[sflag:s0] =	ssyncadd.s32 @!p0 s1  }
0x4a: {  	[bflag:$0x3] =	sbarrier.arrive $0xFFFF  }
0x4b: {  	_ =	shalt  }

</sc_bundles>
